<compile_context>
chip_gen: v7x
topology: tpu7x:2x2x1
jax: 0.10.2.dev20260603
libtpu: 0.0.44.dev20260713+nightly
codegen_flags: <defaults>
</compile_context>

<pallas_src>
import functools

import jax
import jax.numpy as jnp
from jax import lax
from jax.experimental import pallas as pl
from jax.experimental.pallas import tpu as pltpu
from jax.experimental.pallas import tpu_sc as plsc

_C = 80
_NB = 3


@functools.lru_cache(maxsize=None)
def _make_sc_partial(N, D, E):
    info = plsc.get_sparse_core_info()
    NC, NS, L = info.num_cores, info.num_subcores, info.num_lanes
    NW = NC * NS
    assert E % (NW * _C) == 0 and D % L == 0
    EW = E // NW
    NCH = EW // _C
    KD = D // L
    NCH_BODY = (NCH // _NB) * _NB if (NCH // _NB) * _NB <= NCH - 2 else NCH - 2
    assert NCH - NCH_BODY == 2
    NP = ((N + NS * _C - 1) // (NS * _C)) * (NS * _C)
    RPT = NP // NS
    RB = RPT // _C

    mesh = plsc.VectorSubcoreMesh(core_axis_name="c", subcore_axis_name="s")

    @functools.partial(
        pl.kernel,
        out_type=jax.ShapeDtypeStruct((NC, NP, D), jnp.float32),
        mesh=mesh,
        scratch_types=[
            pltpu.VMEM((EW,), jnp.int32),
            pltpu.VMEM((_NB, _C + 16), jnp.float32),
            pltpu.VMEM((_NB, _C), jnp.int32),
            pltpu.VMEM((_NB, _C, D), jnp.float32),
            pltpu.VMEM_SHARED((NP, D), jnp.float32),
            pltpu.SemaphoreType.DMA,
            pltpu.SemaphoreType.DMA,
            pltpu.SemaphoreType.DMA,
            pltpu.SemaphoreType.DMA,
            pltpu.SemaphoreType.DMA,
            pltpu.SemaphoreType.DMA,
            pltpu.SemaphoreType.DMA,
        ],
    )
    def sc_partial(row_hbm, col_hbm, val_hbm, ego_hbm, out_hbm,
                   cols_a, vbuf, ridx, gbuf, acc,
                   sem_m, sem_g0, sem_g1, sem_g2, sem_s0, sem_s1, sem_s2):
        c = lax.axis_index("c")
        s = lax.axis_index("s")
        wid = c * NS + s
        base_r = s * RPT
        ebase = wid * EW
        sem_g = (sem_g0, sem_g1, sem_g2)
        sem_s = (sem_s0, sem_s1, sem_s2)

        m1 = pltpu.async_copy(col_hbm.at[pl.ds(ebase, EW)], cols_a, sem_m)

        @plsc.parallel_loop(0, _C)
        def _(e):
            for k in range(KD):
                gbuf[0, e, pl.ds(k * L, L)] = jnp.zeros((L,), jnp.float32)
        for i in range(RB):
            pltpu.sync_copy(gbuf.at[0], acc.at[pl.ds(base_r + i * _C, _C)])
        m1.wait()
        plsc.subcore_barrier()

        def start_gather(b, ch):
            pltpu.async_copy(val_hbm.at[pl.ds(ebase + ch * _C, _C)],
                             vbuf.at[b, pl.ds(0, _C)], sem_g[b])
            pltpu.async_copy(row_hbm.at[pl.ds(ebase + ch * _C, _C)],
                             ridx.at[b], sem_g[b])
            pltpu.async_copy(
                ego_hbm.at[cols_a.at[pl.ds(ch * _C, _C)]], gbuf.at[b], sem_g[b])

        def wait_gather(b):
            pltpu.make_async_copy(val_hbm.at[pl.ds(0, _C)],
                                  vbuf.at[b, pl.ds(0, _C)], sem_g[b]).wait()
            pltpu.make_async_copy(row_hbm.at[pl.ds(0, _C)],
                                  ridx.at[b], sem_g[b]).wait()
            pltpu.make_async_copy(
                ego_hbm.at[cols_a.at[pl.ds(0, _C)]], gbuf.at[b], sem_g[b]).wait()

        def scale(b, ch):
            @plsc.parallel_loop(0, _C, unroll=8)
            def _(e):
                bv = jnp.full((L,), vbuf[b, pl.ds(e, L)][0], jnp.float32)
                for k in range(KD):
                    sl = pl.ds(k * L, L)
                    gbuf[b, e, sl] = gbuf[b, e, sl] * bv

        def start_scatter(b):
            pltpu.async_copy(gbuf.at[b], acc.at[ridx.at[b]], sem_s[b],
                             add=True)

        def wait_scatter(b):
            pltpu.make_async_copy(gbuf.at[b], acc.at[ridx.at[b]],
                                  sem_s[b]).wait()

        start_gather(0, 0)
        start_gather(1, 1)

        def body(i, _):
            for k in range(_NB):
                ch = _NB * i + k
                b = k
                bp = (k + 2) % _NB
                wait_gather(b)
                scale(b, ch)
                if k == 0:
                    @pl.when(i > 0)
                    def _():
                        wait_scatter(bp)
                else:
                    wait_scatter(bp)
                start_gather(bp, ch + 2)
                start_scatter(b)
            return 0
        lax.fori_loop(0, NCH_BODY // _NB, body, 0)

        for t in range(2):
            ch = NCH_BODY + t
            b = ch % _NB
            wait_gather(b)
            scale(b, ch)
            wait_scatter((b + 2) % _NB)
            start_scatter(b)
        wait_scatter((NCH - 1) % _NB)
        plsc.subcore_barrier()

        for i in range(RB):
            pltpu.sync_copy(acc.at[pl.ds(base_r + i * _C, _C)],
                            out_hbm.at[c, pl.ds(base_r + i * _C, _C)])

    return sc_partial


@functools.lru_cache(maxsize=None)
def _make_combine(N, NP, D):
    BR = 1000
    assert N % BR == 0

    def body(p0_ref, p1_ref, o_ref):
        o_ref[...] = p0_ref[...] + p1_ref[...]

    return pl.pallas_call(
        body,
        grid=(N // BR,),
        in_specs=[pl.BlockSpec((BR, D), lambda i: (i, 0)),
                  pl.BlockSpec((BR, D), lambda i: (i, 0))],
        out_specs=pl.BlockSpec((BR, D), lambda i: (i, 0)),
        out_shape=jax.ShapeDtypeStruct((N, D), jnp.float32),
    )


def kernel(ego_embeddings, edge_index, edge_vals):
    N, D = ego_embeddings.shape
    E = edge_vals.shape[0]
    p = _make_sc_partial(N, D, E)(
        edge_index[0], edge_index[1], edge_vals, ego_embeddings)
    NP = p.shape[1]
    return _make_combine(N, NP, D)(p[0], p[1])

# --- scband reference (transcript-rebuilt; emitter-appended) ---
"""Pipeline reference for scband-aggregator-hyp-29300266893689 (READ-ONLY COPY).

The authoritative reference and input builder live on the scoring server;
editing this copy changes nothing except your own understanding.
"""

import jax, jax.numpy as jnp
import numpy as np

N = 10000
E = 320000
D = 128
AVG_DEG = 32.0


def setup_inputs(seed: int = 0) -> dict:
    key = jax.random.key(seed)
    k1, k2, k3, k4 = jax.random.split(key, 4)
    ego_embeddings = jax.random.normal(k1, (N, D), dtype=jnp.float32)
    row = jax.random.randint(k2, (E,), 0, N, dtype=jnp.int32)
    col = jax.random.randint(k3, (E,), 0, N, dtype=jnp.int32)
    edge_index = jnp.stack([row, col], axis=0)
    # normalized adjacency values (e.g., D^-1/2 A D^-1/2 entries), ~1/avg_degree scale
    edge_vals = jax.random.uniform(k4, (E,), dtype=jnp.float32) / AVG_DEG
    return {"ego_embeddings": ego_embeddings, "edge_index": edge_index, "edge_vals": edge_vals}


def reference(ego_embeddings, edge_index, edge_vals):
    # torch.sparse.mm(self.graph, ego_embeddings) with graph in COO form:
    # out[row] += edge_vals * ego_embeddings[col]
    row = edge_index[0]
    col = edge_index[1]
    gathered = jnp.take(ego_embeddings, col, axis=0) * edge_vals[:, None]
    out = jax.ops.segment_sum(gathered, row, num_segments=ego_embeddings.shape[0])
    return out

if __name__ == "__main__":
    import jax
    _d = setup_inputs()
    print(jax.jit(kernel)(*tuple(_d.values())))

</pallas_src>

<mosaic_0001>
#map = affine_map<(d0, d1) -> (0)>
#map1 = affine_map<(d0, d1) -> (0, 0)>
#map2 = affine_map<(d0, d1) -> (0, 0, 0)>
module attributes {stable_mosaic.version = 14 : i64} {
  func.func @sc_partial(%arg0: i32, %arg1: i32, %arg2: memref<320000xi32, #tpu.memory_space<hbm>>, %arg3: memref<320000xi32, #tpu.memory_space<hbm>>, %arg4: memref<320000xf32, #tpu.memory_space<hbm>>, %arg5: memref<10000x128xf32, #tpu.memory_space<hbm>>, %arg6: memref<2x10240x128xf32, #tpu.memory_space<hbm>>, %arg7: memref<10000xi32, #tpu.memory_space<vmem>>, %arg8: memref<3x96xf32, #tpu.memory_space<vmem>>, %arg9: memref<3x80xi32, #tpu.memory_space<vmem>>, %arg10: memref<3x80x128xf32, #tpu.memory_space<vmem>>, %arg11: memref<10240x128xf32, #tpu.memory_space<vmem_shared>>, %arg12: memref<!tpu.dma_semaphore, #tpu.memory_space<semaphore_mem>>, %arg13: memref<!tpu.dma_semaphore, #tpu.memory_space<semaphore_mem>>, %arg14: memref<!tpu.dma_semaphore, #tpu.memory_space<semaphore_mem>>, %arg15: memref<!tpu.dma_semaphore, #tpu.memory_space<semaphore_mem>>, %arg16: memref<!tpu.dma_semaphore, #tpu.memory_space<semaphore_mem>>, %arg17: memref<!tpu.dma_semaphore, #tpu.memory_space<semaphore_mem>>, %arg18: memref<!tpu.dma_semaphore, #tpu.memory_space<semaphore_mem>>) attributes {dimension_semantics = [#tpu.dimension_semantics<core_parallel>, #tpu.dimension_semantics<subcore_parallel>], iteration_bounds = array<i64: 2, 16>, scalar_prefetch = 0 : i64, scratch_operands = 12 : i64, tpu.core_type = #tpu.core_type<sc_vector_subcore>, window_params = [{transform_indices = #map}, {transform_indices = #map}, {transform_indices = #map}, {transform_indices = #map1}, {transform_indices = #map2}]} {
    %mul3A = arith.constant 16 : i32
    %mul3A_0 = arith.muli %arg0, %mul3A : i32
    %add3A = arith.addi %mul3A_0, %arg1 : i32
    %mul3A_1 = arith.constant 640 : i32
    %mul3A_2 = arith.muli %arg1, %mul3A_1 : i32
    %mul3A_3 = arith.constant 10000 : i32
    %mul3A_4 = arith.muli %add3A, %mul3A_3 : i32
    %dma_start3A = tpu.memref_slice %arg3[%mul3A_4] : memref<320000xi32, #tpu.memory_space<hbm>> -> memref<10000xi32, #tpu.memory_space<hbm>>
    %dma_start3A_5 = tpu.memref_slice %arg3[%mul3A_4] : memref<320000xi32, #tpu.memory_space<hbm>> -> memref<10000xi32, #tpu.memory_space<hbm>>
    tpu.enqueue_dma source(%dma_start3A_5 : memref<10000xi32, #tpu.memory_space<hbm>>) target(%arg7 : memref<10000xi32, #tpu.memory_space<vmem>>) target_semaphore(%arg12 : memref<!tpu.dma_semaphore, #tpu.memory_space<semaphore_mem>>)
    %parallel_loop3A = arith.constant 0 : i32
    %parallel_loop3A_6 = arith.constant 80 : i32
    %parallel_loop3A_7 = arith.constant 1 : i32
    scf.for %parallel_loop3A_265 = %parallel_loop3A to %parallel_loop3A_6 step %parallel_loop3A_7  : i32 {
      %parallel_loop3A_266 = arith.constant 0.000000e+00 : f32
      %parallel_loop3A_267 = vector.broadcast %parallel_loop3A_266 : f32 to vector<16xf32>
      %parallel_loop3A_268 = arith.constant 0 : i32
      %parallel_loop3A_269 = arith.index_cast %parallel_loop3A_268 : i32 to index
      %parallel_loop3A_270 = arith.index_cast %parallel_loop3A_265 : i32 to index
      %parallel_loop3A_271 = arith.constant 0 : index
      %parallel_loop3A_272 = tpu.vector_load %arg10[%parallel_loop3A_269, %parallel_loop3A_270, %parallel_loop3A_271] {strides = array<i32>} : memref<3x80x128xf32, #tpu.memory_space<vmem>>, vector<1x1x16xf32>,
      %parallel_loop3A_273 = vector.shape_cast %parallel_loop3A_272 : vector<1x1x16xf32> to vector<16xf32>
      %parallel_loop3A_274 = vector.shape_cast %parallel_loop3A_267 : vector<16xf32> to vector<1x1x16xf32>
      tpu.vector_store %arg10[%parallel_loop3A_269, %parallel_loop3A_270, %parallel_loop3A_271], %parallel_loop3A_274 {strides = array<i32>} : memref<3x80x128xf32, #tpu.memory_space<vmem>>, vector<1x1x16xf32>,
      %parallel_loop3A_275 = arith.constant 0.000000e+00 : f32
      %parallel_loop3A_276 = vector.broadcast %parallel_loop3A_275 : f32 to vector<16xf32>
      %parallel_loop3A_277 = arith.constant 0 : i32
      %parallel_loop3A_278 = arith.index_cast %parallel_loop3A_277 : i32 to index
      %parallel_loop3A_279 = arith.index_cast %parallel_loop3A_265 : i32 to index
      %parallel_loop3A_280 = arith.constant 16 : index
      %parallel_loop3A_281 = tpu.vector_load %arg10[%parallel_loop3A_278, %parallel_loop3A_279, %parallel_loop3A_280] {strides = array<i32>} : memref<3x80x128xf32, #tpu.memory_space<vmem>>, vector<1x1x16xf32>,
      %parallel_loop3A_282 = vector.shape_cast %parallel_loop3A_281 : vector<1x1x16xf32> to vector<16xf32>
      %parallel_loop3A_283 = vector.shape_cast %parallel_loop3A_276 : vector<16xf32> to vector<1x1x16xf32>
      tpu.vector_store %arg10[%parallel_loop3A_278, %parallel_loop3A_279, %parallel_loop3A_280], %parallel_loop3A_283 {strides = array<i32>} : memref<3x80x128xf32, #tpu.memory_space<vmem>>, vector<1x1x16xf32>,
      %parallel_loop3A_284 = arith.constant 0.000000e+00 : f32
      %parallel_loop3A_285 = vector.broadcast %parallel_loop3A_284 : f32 to vector<16xf32>
      %parallel_loop3A_286 = arith.constant 0 : i32
      %parallel_loop3A_287 = arith.index_cast %parallel_loop3A_286 : i32 to index
      %parallel_loop3A_288 = arith.index_cast %parallel_loop3A_265 : i32 to index
      %parallel_loop3A_289 = arith.constant 32 : index
      %parallel_loop3A_290 = tpu.vector_load %arg10[%parallel_loop3A_287, %parallel_loop3A_288, %parallel_loop3A_289] {strides = array<i32>} : memref<3x80x128xf32, #tpu.memory_space<vmem>>, vector<1x1x16xf32>,
      %parallel_loop3A_291 = vector.shape_cast %parallel_loop3A_290 : vector<1x1x16xf32> to vector<16xf32>
      %parallel_loop3A_292 = vector.shape_cast %parallel_loop3A_285 : vector<16xf32> to vector<1x1x16xf32>
      tpu.vector_store %arg10[%parallel_loop3A_287, %parallel_loop3A_288, %parallel_loop3A_289], %parallel_loop3A_292 {strides = array<i32>} : memref<3x80x128xf32, #tpu.memory_space<vmem>>, vector<1x1x16xf32>,
      %parallel_loop3A_293 = arith.constant 0.000000e+00 : f32
      %parallel_loop3A_294 = vector.broadcast %parallel_loop3A_293 : f32 to vector<16xf32>
      %parallel_loop3A_295 = arith.constant 0 : i32
      %parallel_loop3A_296 = arith.index_cast %parallel_loop3A_295 : i32 to index
      %parallel_loop3A_297 = arith.index_cast %parallel_loop3A_265 : i32 to index
      %parallel_loop3A_298 = arith.constant 48 : index
      %parallel_loop3A_299 = tpu.vector_load %arg10[%parallel_loop3A_296, %parallel_loop3A_297, %parallel_loop3A_298] {strides = array<i32>} : memref<3x80x128xf32, #tpu.memory_space<vmem>>, vector<1x1x16xf32>,
      %parallel_loop3A_300 = vector.shape_cast %parallel_loop3A_299 : vector<1x1x16xf32> to vector<16xf32>
      %parallel_loop3A_301 = vector.shape_cast %parallel_loop3A_294 : vector<16xf32> to vector<1x1x16xf32>
      tpu.vector_store %arg10[%parallel_loop3A_296, %parallel_loop3A_297, %parallel_loop3A_298], %parallel_loop3A_301 {strides = array<i32>} : memref<3x80x128xf32, #tpu.memory_space<vmem>>, vector<1x1x16xf32>,
      %parallel_loop3A_302 = arith.constant 0.000000e+00 : f32
      %parallel_loop3A_303 = vector.broadcast %parallel_loop3A_302 : f32 to vector<16xf32>
      %parallel_loop3A_304 = arith.constant 0 : i32
      %parallel_loop3A_305 = arith.index_cast %parallel_loop3A_304 : i32 to index
      %parallel_loop3A_306 = arith.index_cast %parallel_loop3A_265 : i32 to index
      %parallel_loop3A_307 = arith.constant 64 : index
      %parallel_loop3A_308 = tpu.vector_load %arg10[%parallel_loop3A_305, %parallel_loop3A_306, %parallel_loop3A_307] {strides = array<i32>} : memref<3x80x128xf32, #tpu.memory_space<vmem>>, vector<1x1x16xf32>,
      %parallel_loop3A_309 = vector.shape_cast %parallel_loop3A_308 : vector<1x1x16xf32> to vector<16xf32>
      %parallel_loop3A_310 = vector.shape_cast %parallel_loop3A_303 : vector<16xf32> to vector<1x1x16xf32>
      tpu.vector_store %arg10[%parallel_loop3A_305, %parallel_loop3A_306, %parallel_loop3A_307], %parallel_loop3A_310 {strides = array<i32>} : memref<3x80x128xf32, #tpu.memory_space<vmem>>, vector<1x1x16xf32>,
      %parallel_loop3A_311 = arith.constant 0.000000e+00 : f32
      %parallel_loop3A_312 = vector.broadcast %parallel_loop3A_311 : f32 to vector<16xf32>
      %parallel_loop3A_313 = arith.constant 0 : i32
      %parallel_loop3A_314 = arith.index_cast %parallel_loop3A_313 : i32 to index
      %parallel_loop3A_315 = arith.index_cast %parallel_loop3A_265 : i32 to index
      %parallel_loop3A_316 = arith.constant 80 : index
      %parallel_loop3A_317 = tpu.vector_load %arg10[%parallel_loop3A_314, %parallel_loop3A_315, %parallel_loop3A_316] {strides = array<i32>} : memref<3x80x128xf32, #tpu.memory_space<vmem>>, vector<1x1x16xf32>,
      %parallel_loop3A_318 = vector.shape_cast %parallel_loop3A_317 : vector<1x1x16xf32> to vector<16xf32>
      %parallel_loop3A_319 = vector.shape_cast %parallel_loop3A_312 : vector<16xf32> to vector<1x1x16xf32>
      tpu.vector_store %arg10[%parallel_loop3A_314, %parallel_loop3A_315, %parallel_loop3A_316], %parallel_loop3A_319 {strides = array<i32>} : memref<3x80x128xf32, #tpu.memory_space<vmem>>, vector<1x1x16xf32>,
      %parallel_loop3A_320 = arith.constant 0.000000e+00 : f32
      %parallel_loop3A_321 = vector.broadcast %parallel_loop3A_320 : f32 to vector<16xf32>
      %parallel_loop3A_322 = arith.constant 0 : i32
      %parallel_loop3A_323 = arith.index_cast %parallel_loop3A_322 : i32 to index
      %parallel_loop3A_324 = arith.index_cast %parallel_loop3A_265 : i32 to index
      %parallel_loop3A_325 = arith.constant 96 : index
      %parallel_loop3A_326 = tpu.vector_load %arg10[%parallel_loop3A_323, %parallel_loop3A_324, %parallel_loop3A_325] {strides = array<i32>} : memref<3x80x128xf32, #tpu.memory_space<vmem>>, vector<1x1x16xf32>,
      %parallel_loop3A_327 = vector.shape_cast %parallel_loop3A_326 : vector<1x1x16xf32> to vector<16xf32>
      %parallel_loop3A_328 = vector.shape_cast %parallel_loop3A_321 : vector<16xf32> to vector<1x1x16xf32>
      tpu.vector_store %arg10[%parallel_loop3A_323, %parallel_loop3A_324, %parallel_loop3A_325], %parallel_loop3A_328 {strides = array<i32>} : memref<3x80x128xf32, #tpu.memory_space<vmem>>, vector<1x1x16xf32>,
      %parallel_loop3A_329 = arith.constant 0.000000e+00 : f32
      %parallel_loop3A_330 = vector.broadcast %parallel_loop3A_329 : f32 to vector<16xf32>
      %parallel_loop3A_331 = arith.constant 0 : i32
      %parallel_loop3A_332 = arith.index_cast %parallel_loop3A_331 : i32 to index
      %parallel_loop3A_333 = arith.index_cast %parallel_loop3A_265 : i32 to index
      %parallel_loop3A_334 = arith.constant 112 : index
      %parallel_loop3A_335 = tpu.vector_load %arg10[%parallel_loop3A_332, %parallel_loop3A_333, %parallel_loop3A_334] {strides = array<i32>} : memref<3x80x128xf32, #tpu.memory_space<vmem>>, vector<1x1x16xf32>,
      %parallel_loop3A_336 = vector.shape_cast %parallel_loop3A_335 : vector<1x1x16xf32> to vector<16xf32>
      %parallel_loop3A_337 = vector.shape_cast %parallel_loop3A_330 : vector<16xf32> to vector<1x1x16xf32>
      tpu.vector_store %arg10[%parallel_loop3A_332, %parallel_loop3A_333, %parallel_loop3A_334], %parallel_loop3A_337 {strides = array<i32>} : memref<3x80x128xf32, #tpu.memory_space<vmem>>, vector<1x1x16xf32>,
    } {sc.loop_unroll_factor = 1 : i64, sc.parallel_access}
    %add3A_8 = arith.constant 0 : i32
    %add3A_9 = arith.addi %mul3A_2, %add3A_8 : i32
    %run_scoped3A = arith.constant 0 : i32
    "tpu.region"() ({
      %run_scoped3A_265 = tpu.sem_alloc : memref<!tpu.dma_semaphore, #tpu.memory_space<semaphore_mem>>
      %dma_start3A_266 = arith.constant 0 : i32
      %dma_start3A_267 = arith.constant 0 : i32
      %dma_start3A_268 = tpu.memref_slice %arg10[%run_scoped3A, %dma_start3A_266, %dma_start3A_267] : memref<3x80x128xf32, #tpu.memory_space<vmem>> -> memref<1x80x128xf32, #tpu.memory_space<vmem>>
      %dma_start3A_269 = tpu.memref_squeeze %dma_start3A_268 : memref<1x80x128xf32, #tpu.memory_space<vmem>> -> memref<80x128xf32, #tpu.memory_space<vmem>>
      %dma_start3A_270 = arith.constant 0 : i32
      %dma_start3A_271 = tpu.memref_slice %arg11[%add3A_9, %dma_start3A_270] : memref<10240x128xf32, #tpu.memory_space<vmem_shared>> -> memref<80x128xf32, #tpu.memory_space<vmem_shared>>
      %dma_start3A_272 = arith.constant 0 : i32
      %dma_start3A_273 = tpu.memref_slice %arg11[%add3A_9, %dma_start3A_272] : memref<10240x128xf32, #tpu.memory_space<vmem_shared>> -> memref<80x128xf32, #tpu.memory_space<vmem_shared>>
      %dma_start3A_274 = arith.constant 0 : i32
      %dma_start3A_275 = arith.constant 0 : i32
      %dma_start3A_276 = tpu.memref_slice %arg10[%run_scoped3A, %dma_start3A_274, %dma_start3A_275] : memref<3x80x128xf32, #tpu.memory_space<vmem>> -> memref<1x80x128xf32, #tpu.memory_space<vmem>>
      %dma_start3A_277 = tpu.memref_squeeze %dma_start3A_276 : memref<1x80x128xf32, #tpu.memory_space<vmem>> -> memref<80x128xf32, #tpu.memory_space<vmem>>
      tpu.enqueue_dma source(%dma_start3A_277 : memref<80x128xf32, #tpu.memory_space<vmem>>) target(%dma_start3A_273 : memref<80x128xf32, #tpu.memory_space<vmem_shared>>) target_semaphore(%run_scoped3A_265 : memref<!tpu.dma_semaphore, #tpu.memory_space<semaphore_mem>>)
      %dma_wait3A_278 = arith.constant 0 : i32
      %dma_wait3A_279 = arith.constant 0 : i32
      %dma_wait3A_280 = tpu.memref_slice %arg10[%run_scoped3A, %dma_wait3A_278, %dma_wait3A_279] : memref<3x80x128xf32, #tpu.memory_space<vmem>> -> memref<1x80x128xf32, #tpu.memory_space<vmem>>
      %dma_wait3A_281 = tpu.memref_squeeze %dma_wait3A_280 : memref<1x80x128xf32, #tpu.memory_space<vmem>> -> memref<80x128xf32, #tpu.memory_space<vmem>>
      %dma_wait3A_282 = arith.constant 0 : i32
      %dma_wait3A_283 = tpu.memref_slice %arg11[%add3A_9, %dma_wait3A_282] : memref<10240x128xf32, #tpu.memory_space<vmem_shared>> -> memref<80x128xf32, #tpu.memory_space<vmem_shared>>
      %dma_wait3A_284 = arith.constant 0 : i32
      %dma_wait3A_285 = tpu.memref_slice %arg11[%add3A_9, %dma_wait3A_284] : memref<10240x128xf32, #tpu.memory_space<vmem_shared>> -> memref<80x128xf32, #tpu.memory_space<vmem_shared>>
      %dma_wait3A_286 = arith.constant 0 : i32
      %dma_wait3A_287 = arith.constant 0 : i32
      %dma_wait3A_288 = tpu.memref_slice %arg10[%run_scoped3A, %dma_wait3A_286, %dma_wait3A_287] : memref<3x80x128xf32, #tpu.memory_space<vmem>> -> memref<1x80x128xf32, #tpu.memory_space<vmem>>
      %dma_wait3A_289 = tpu.memref_squeeze %dma_wait3A_288 : memref<1x80x128xf32, #tpu.memory_space<vmem>> -> memref<80x128xf32, #tpu.memory_space<vmem>>
      tpu.wait_dma2 semaphore(%run_scoped3A_265 : memref<!tpu.dma_semaphore, #tpu.memory_space<semaphore_mem>>) src(%dma_wait3A_289 : memref<80x128xf32, #tpu.memory_space<vmem>>) dst(%dma_wait3A_285 : memref<80x128xf32, #tpu.memory_space<vmem_shared>>)
      tpu.yield
    }) : () -> ()
    %add3A_10 = arith.constant 80 : i32
    %add3A_11 = arith.addi %mul3A_2, %add3A_10 : i32
    %run_scoped3A_12 = arith.constant 0 : i32
    "tpu.region"() ({
      %run_scoped3A_265 = tpu.sem_alloc : memref<!tpu.dma_semaphore, #tpu.memory_space<semaphore_mem>>
      %dma_start3A_266 = arith.constant 0 : i32
      %dma_start3A_267 = arith.constant 0 : i32
      %dma_start3A_268 = tpu.memref_slice %arg10[%run_scoped3A_12, %dma_start3A_266, %dma_start3A_267] : memref<3x80x128xf32, #tpu.memory_space<vmem>> -> memref<1x80x128xf32, #tpu.memory_space<vmem>>
      %dma_start3A_269 = tpu.memref_squeeze %dma_start3A_268 : memref<1x80x128xf32, #tpu.memory_space<vmem>> -> memref<80x128xf32, #tpu.memory_space<vmem>>
      %dma_start3A_270 = arith.constant 0 : i32
      %dma_start3A_271 = tpu.memref_slice %arg11[%add3A_11, %dma_start3A_270] : memref<10240x128xf32, #tpu.memory_space<vmem_shared>> -> memref<80x128xf32, #tpu.memory_space<vmem_shared>>
      %dma_start3A_272 = arith.constant 0 : i32
      %dma_start3A_273 = tpu.memref_slice %arg11[%add3A_11, %dma_start3A_272] : memref<10240x128xf32, #tpu.memory_space<vmem_shared>> -> memref<80x128xf32, #tpu.memory_space<vmem_shared>>
      %dma_start3A_274 = arith.constant 0 : i32
      %dma_start3A_275 = arith.constant 0 : i32
      %dma_start3A_276 = tpu.memref_slice %arg10[%run_scoped3A_12, %dma_start3A_274, %dma_start3A_275] : memref<3x80x128xf32, #tpu.memory_space<vmem>> -> memref<1x80x128xf32, #tpu.memory_space<vmem>>
      %dma_start3A_277 = tpu.memref_squeeze %dma_start3A_276 : memref<1x80x128xf32, #tpu.memory_space<vmem>> -> memref<80x128xf32, #tpu.memory_space<vmem>>
      tpu.enqueue_dma source(%dma_start3A_277 : memref<80x128xf32, #tpu.memory_space<vmem>>) target(%dma_start3A_273 : memref<80x128xf32, #tpu.memory_space<vmem_shared>>) target_semaphore(%run_scoped3A_265 : memref<!tpu.dma_semaphore, #tpu.memory_space<semaphore_mem>>)
      %dma_wait3A_278 = arith.constant 0 : i32
      %dma_wait3A_279 = arith.constant 0 : i32
      %dma_wait3A_280 = tpu.memref_slice %arg10[%run_scoped3A_12, %dma_wait3A_278, %dma_wait3A_279] : memref<3x80x128xf32, #tpu.memory_space<vmem>> -> memref<1x80x128xf32, #tpu.memory_space<vmem>>
      %dma_wait3A_281 = tpu.memref_squeeze %dma_wait3A_280 : memref<1x80x128xf32, #tpu.memory_space<vmem>> -> memref<80x128xf32, #tpu.memory_space<vmem>>
      %dma_wait3A_282 = arith.constant 0 : i32
      %dma_wait3A_283 = tpu.memref_slice %arg11[%add3A_11, %dma_wait3A_282] : memref<10240x128xf32, #tpu.memory_space<vmem_shared>> -> memref<80x128xf32, #tpu.memory_space<vmem_shared>>
      %dma_wait3A_284 = arith.constant 0 : i32
      %dma_wait3A_285 = tpu.memref_slice %arg11[%add3A_11, %dma_wait3A_284] : memref<10240x128xf32, #tpu.memory_space<vmem_shared>> -> memref<80x128xf32, #tpu.memory_space<vmem_shared>>
      %dma_wait3A_286 = arith.constant 0 : i32
      %dma_wait3A_287 = arith.constant 0 : i32
      %dma_wait3A_288 = tpu.memref_slice %arg10[%run_scoped3A_12, %dma_wait3A_286, %dma_wait3A_287] : memref<3x80x128xf32, #tpu.memory_space<vmem>> -> memref<1x80x128xf32, #tpu.memory_space<vmem>>
      %dma_wait3A_289 = tpu.memref_squeeze %dma_wait3A_288 : memref<1x80x128xf32, #tpu.memory_space<vmem>> -> memref<80x128xf32, #tpu.memory_space<vmem>>
      tpu.wait_dma2 semaphore(%run_scoped3A_265 : memref<!tpu.dma_semaphore, #tpu.memory_space<semaphore_mem>>) src(%dma_wait3A_289 : memref<80x128xf32, #tpu.memory_space<vmem>>) dst(%dma_wait3A_285 : memref<80x128xf32, #tpu.memory_space<vmem_shared>>)
      tpu.yield
    }) : () -> ()
    %add3A_13 = arith.constant 160 : i32
    %add3A_14 = arith.addi %mul3A_2, %add3A_13 : i32
    %run_scoped3A_15 = arith.constant 0 : i32
    "tpu.region"() ({
      %run_scoped3A_265 = tpu.sem_alloc : memref<!tpu.dma_semaphore, #tpu.memory_space<semaphore_mem>>
      %dma_start3A_266 = arith.constant 0 : i32
      %dma_start3A_267 = arith.constant 0 : i32
      %dma_start3A_268 = tpu.memref_slice %arg10[%run_scoped3A_15, %dma_start3A_266, %dma_start3A_267] : memref<3x80x128xf32, #tpu.memory_space<vmem>> -> memref<1x80x128xf32, #tpu.memory_space<vmem>>
      %dma_start3A_269 = tpu.memref_squeeze %dma_start3A_268 : memref<1x80x128xf32, #tpu.memory_space<vmem>> -> memref<80x128xf32, #tpu.memory_space<vmem>>
      %dma_start3A_270 = arith.constant 0 : i32
      %dma_start3A_271 = tpu.memref_slice %arg11[%add3A_14, %dma_start3A_270] : memref<10240x128xf32, #tpu.memory_space<vmem_shared>> -> memref<80x128xf32, #tpu.memory_space<vmem_shared>>
      %dma_start3A_272 = arith.constant 0 : i32
      %dma_start3A_273 = tpu.memref_slice %arg11[%add3A_14, %dma_start3A_272] : memref<10240x128xf32, #tpu.memory_space<vmem_shared>> -> memref<80x128xf32, #tpu.memory_space<vmem_shared>>
      %dma_start3A_274 = arith.constant 0 : i32
      %dma_start3A_275 = arith.constant 0 : i32
      %dma_start3A_276 = tpu.memref_slice %arg10[%run_scoped3A_15, %dma_start3A_274, %dma_start3A_275] : memref<3x80x128xf32, #tpu.memory_space<vmem>> -> memref<1x80x128xf32, #tpu.memory_space<vmem>>
      %dma_start3A_277 = tpu.memref_squeeze %dma_start3A_276 : memref<1x80x128xf32, #tpu.memory_space<vmem>> -> memref<80x128xf32, #tpu.memory_space<vmem>>
      tpu.enqueue_dma source(%dma_start3A_277 : memref<80x128xf32, #tpu.memory_space<vmem>>) target(%dma_start3A_273 : memref<80x128xf32, #tpu.memory_space<vmem_shared>>) target_semaphore(%run_scoped3A_265 : memref<!tpu.dma_semaphore, #tpu.memory_space<semaphore_mem>>)
      %dma_wait3A_278 = arith.constant 0 : i32
      %dma_wait3A_279 = arith.constant 0 : i32
      %dma_wait3A_280 = tpu.memref_slice %arg10[%run_scoped3A_15, %dma_wait3A_278, %dma_wait3A_279] : memref<3x80x128xf32, #tpu.memory_space<vmem>> -> memref<1x80x128xf32, #tpu.memory_space<vmem>>
      %dma_wait3A_281 = tpu.memref_squeeze %dma_wait3A_280 : memref<1x80x128xf32, #tpu.memory_space<vmem>> -> memref<80x128xf32, #tpu.memory_space<vmem>>
      %dma_wait3A_282 = arith.constant 0 : i32
      %dma_wait3A_283 = tpu.memref_slice %arg11[%add3A_14, %dma_wait3A_282] : memref<10240x128xf32, #tpu.memory_space<vmem_shared>> -> memref<80x128xf32, #tpu.memory_space<vmem_shared>>
      %dma_wait3A_284 = arith.constant 0 : i32
      %dma_wait3A_285 = tpu.memref_slice %arg11[%add3A_14, %dma_wait3A_284] : memref<10240x128xf32, #tpu.memory_space<vmem_shared>> -> memref<80x128xf32, #tpu.memory_space<vmem_shared>>
      %dma_wait3A_286 = arith.constant 0 : i32
      %dma_wait3A_287 = arith.constant 0 : i32
      %dma_wait3A_288 = tpu.memref_slice %arg10[%run_scoped3A_15, %dma_wait3A_286, %dma_wait3A_287] : memref<3x80x128xf32, #tpu.memory_space<vmem>> -> memref<1x80x128xf32, #tpu.memory_space<vmem>>
      %dma_wait3A_289 = tpu.memref_squeeze %dma_wait3A_288 : memref<1x80x128xf32, #tpu.memory_space<vmem>> -> memref<80x128xf32, #tpu.memory_space<vmem>>
      tpu.wait_dma2 semaphore(%run_scoped3A_265 : memref<!tpu.dma_semaphore, #tpu.memory_space<semaphore_mem>>) src(%dma_wait3A_289 : memref<80x128xf32, #tpu.memory_space<vmem>>) dst(%dma_wait3A_285 : memref<80x128xf32, #tpu.memory_space<vmem_shared>>)
      tpu.yield
    }) : () -> ()
    %add3A_16 = arith.constant 240 : i32
    %add3A_17 = arith.addi %mul3A_2, %add3A_16 : i32
    %run_scoped3A_18 = arith.constant 0 : i32
    "tpu.region"() ({
      %run_scoped3A_265 = tpu.sem_alloc : memref<!tpu.dma_semaphore, #tpu.memory_space<semaphore_mem>>
      %dma_start3A_266 = arith.constant 0 : i32
      %dma_start3A_267 = arith.constant 0 : i32
      %dma_start3A_268 = tpu.memref_slice %arg10[%run_scoped3A_18, %dma_start3A_266, %dma_start3A_267] : memref<3x80x128xf32, #tpu.memory_space<vmem>> -> memref<1x80x128xf32, #tpu.memory_space<vmem>>
      %dma_start3A_269 = tpu.memref_squeeze %dma_start3A_268 : memref<1x80x128xf32, #tpu.memory_space<vmem>> -> memref<80x128xf32, #tpu.memory_space<vmem>>
      %dma_start3A_270 = arith.constant 0 : i32
      %dma_start3A_271 = tpu.memref_slice %arg11[%add3A_17, %dma_start3A_270] : memref<10240x128xf32, #tpu.memory_space<vmem_shared>> -> memref<80x128xf32, #tpu.memory_space<vmem_shared>>
      %dma_start3A_272 = arith.constant 0 : i32
      %dma_start3A_273 = tpu.memref_slice %arg11[%add3A_17, %dma_start3A_272] : memref<10240x128xf32, #tpu.memory_space<vmem_shared>> -> memref<80x128xf32, #tpu.memory_space<vmem_shared>>
      %dma_start3A_274 = arith.constant 0 : i32
      %dma_start3A_275 = arith.constant 0 : i32
      %dma_start3A_276 = tpu.memref_slice %arg10[%run_scoped3A_18, %dma_start3A_274, %dma_start3A_275] : memref<3x80x128xf32, #tpu.memory_space<vmem>> -> memref<1x80x128xf32, #tpu.memory_space<vmem>>
      %dma_start3A_277 = tpu.memref_squeeze %dma_start3A_276 : memref<1x80x128xf32, #tpu.memory_space<vmem>> -> memref<80x128xf32, #tpu.memory_space<vmem>>
      tpu.enqueue_dma source(%dma_start3A_277 : memref<80x128xf32, #tpu.memory_space<vmem>>) target(%dma_start3A_273 : memref<80x128xf32, #tpu.memory_space<vmem_shared>>) target_semaphore(%run_scoped3A_265 : memref<!tpu.dma_semaphore, #tpu.memory_space<semaphore_mem>>)
      %dma_wait3A_278 = arith.constant 0 : i32
      %dma_wait3A_279 = arith.constant 0 : i32
      %dma_wait3A_280 = tpu.memref_slice %arg10[%run_scoped3A_18, %dma_wait3A_278, %dma_wait3A_279] : memref<3x80x128xf32, #tpu.memory_space<vmem>> -> memref<1x80x128xf32, #tpu.memory_space<vmem>>
      %dma_wait3A_281 = tpu.memref_squeeze %dma_wait3A_280 : memref<1x80x128xf32, #tpu.memory_space<vmem>> -> memref<80x128xf32, #tpu.memory_space<vmem>>
      %dma_wait3A_282 = arith.constant 0 : i32
      %dma_wait3A_283 = tpu.memref_slice %arg11[%add3A_17, %dma_wait3A_282] : memref<10240x128xf32, #tpu.memory_space<vmem_shared>> -> memref<80x128xf32, #tpu.memory_space<vmem_shared>>
      %dma_wait3A_284 = arith.constant 0 : i32
      %dma_wait3A_285 = tpu.memref_slice %arg11[%add3A_17, %dma_wait3A_284] : memref<10240x128xf32, #tpu.memory_space<vmem_shared>> -> memref<80x128xf32, #tpu.memory_space<vmem_shared>>
      %dma_wait3A_286 = arith.constant 0 : i32
      %dma_wait3A_287 = arith.constant 0 : i32
      %dma_wait3A_288 = tpu.memref_slice %arg10[%run_scoped3A_18, %dma_wait3A_286, %dma_wait3A_287] : memref<3x80x128xf32, #tpu.memory_space<vmem>> -> memref<1x80x128xf32, #tpu.memory_space<vmem>>
      %dma_wait3A_289 = tpu.memref_squeeze %dma_wait3A_288 : memref<1x80x128xf32, #tpu.memory_space<vmem>> -> memref<80x128xf32, #tpu.memory_space<vmem>>
      tpu.wait_dma2 semaphore(%run_scoped3A_265 : memref<!tpu.dma_semaphore, #tpu.memory_space<semaphore_mem>>) src(%dma_wait3A_289 : memref<80x128xf32, #tpu.memory_space<vmem>>) dst(%dma_wait3A_285 : memref<80x128xf32, #tpu.memory_space<vmem_shared>>)
      tpu.yield
    }) : () -> ()
    %add3A_19 = arith.constant 320 : i32
    %add3A_20 = arith.addi %mul3A_2, %add3A_19 : i32
    %run_scoped3A_21 = arith.constant 0 : i32
    "tpu.region"() ({
      %run_scoped3A_265 = tpu.sem_alloc : memref<!tpu.dma_semaphore, #tpu.memory_space<semaphore_mem>>
      %dma_start3A_266 = arith.constant 0 : i32
      %dma_start3A_267 = arith.constant 0 : i32
      %dma_start3A_268 = tpu.memref_slice %arg10[%run_scoped3A_21, %dma_start3A_266, %dma_start3A_267] : memref<3x80x128xf32, #tpu.memory_space<vmem>> -> memref<1x80x128xf32, #tpu.memory_space<vmem>>
      %dma_start3A_269 = tpu.memref_squeeze %dma_start3A_268 : memref<1x80x128xf32, #tpu.memory_space<vmem>> -> memref<80x128xf32, #tpu.memory_space<vmem>>
      %dma_start3A_270 = arith.constant 0 : i32
      %dma_start3A_271 = tpu.memref_slice %arg11[%add3A_20, %dma_start3A_270] : memref<10240x128xf32, #tpu.memory_space<vmem_shared>> -> memref<80x128xf32, #tpu.memory_space<vmem_shared>>
      %dma_start3A_272 = arith.constant 0 : i32
      %dma_start3A_273 = tpu.memref_slice %arg11[%add3A_20, %dma_start3A_272] : memref<10240x128xf32, #tpu.memory_space<vmem_shared>> -> memref<80x128xf32, #tpu.memory_space<vmem_shared>>
      %dma_start3A_274 = arith.constant 0 : i32
      %dma_start3A_275 = arith.constant 0 : i32
      %dma_start3A_276 = tpu.memref_slice %arg10[%run_scoped3A_21, %dma_start3A_274, %dma_start3A_275] : memref<3x80x128xf32, #tpu.memory_space<vmem>> -> memref<1x80x128xf32, #tpu.memory_space<vmem>>
      %dma_start3A_277 = tpu.memref_squeeze %dma_start3A_276 : memref<1x80x128xf32, #tpu.memory_space<vmem>> -> memref<80x128xf32, #tpu.memory_space<vmem>>
      tpu.enqueue_dma source(%dma_start3A_277 : memref<80x128xf32, #tpu.memory_space<vmem>>) target(%dma_start3A_273 : memref<80x128xf32, #tpu.memory_space<vmem_shared>>) target_semaphore(%run_scoped3A_265 : memref<!tpu.dma_semaphore, #tpu.memory_space<semaphore_mem>>)
      %dma_wait3A_278 = arith.constant 0 : i32
      %dma_wait3A_279 = arith.constant 0 : i32
      %dma_wait3A_280 = tpu.memref_slice %arg10[%run_scoped3A_21, %dma_wait3A_278, %dma_wait3A_279] : memref<3x80x128xf32, #tpu.memory_space<vmem>> -> memref<1x80x128xf32, #tpu.memory_space<vmem>>
      %dma_wait3A_281 = tpu.memref_squeeze %dma_wait3A_280 : memref<1x80x128xf32, #tpu.memory_space<vmem>> -> memref<80x128xf32, #tpu.memory_space<vmem>>
      %dma_wait3A_282 = arith.constant 0 : i32
      %dma_wait3A_283 = tpu.memref_slice %arg11[%add3A_20, %dma_wait3A_282] : memref<10240x128xf32, #tpu.memory_space<vmem_shared>> -> memref<80x128xf32, #tpu.memory_space<vmem_shared>>
      %dma_wait3A_284 = arith.constant 0 : i32
      %dma_wait3A_285 = tpu.memref_slice %arg11[%add3A_20, %dma_wait3A_284] : memref<10240x128xf32, #tpu.memory_space<vmem_shared>> -> memref<80x128xf32, #tpu.memory_space<vmem_shared>>
      %dma_wait3A_286 = arith.constant 0 : i32
      %dma_wait3A_287 = arith.constant 0 : i32
      %dma_wait3A_288 = tpu.memref_slice %arg10[%run_scoped3A_21, %dma_wait3A_286, %dma_wait3A_287] : memref<3x80x128xf32, #tpu.memory_space<vmem>> -> memref<1x80x128xf32, #tpu.memory_space<vmem>>
      %dma_wait3A_289 = tpu.memref_squeeze %dma_wait3A_288 : memref<1x80x128xf32, #tpu.memory_space<vmem>> -> memref<80x128xf32, #tpu.memory_space<vmem>>
      tpu.wait_dma2 semaphore(%run_scoped3A_265 : memref<!tpu.dma_semaphore, #tpu.memory_space<semaphore_mem>>) src(%dma_wait3A_289 : memref<80x128xf32, #tpu.memory_space<vmem>>) dst(%dma_wait3A_285 : memref<80x128xf32, #tpu.memory_space<vmem_shared>>)
      tpu.yield
    }) : () -> ()
    %add3A_22 = arith.constant 400 : i32
    %add3A_23 = arith.addi %mul3A_2, %add3A_22 : i32
    %run_scoped3A_24 = arith.constant 0 : i32
    "tpu.region"() ({
      %run_scoped3A_265 = tpu.sem_alloc : memref<!tpu.dma_semaphore, #tpu.memory_space<semaphore_mem>>
      %dma_start3A_266 = arith.constant 0 : i32
      %dma_start3A_267 = arith.constant 0 : i32
      %dma_start3A_268 = tpu.memref_slice %arg10[%run_scoped3A_24, %dma_start3A_266, %dma_start3A_267] : memref<3x80x128xf32, #tpu.memory_space<vmem>> -> memref<1x80x128xf32, #tpu.memory_space<vmem>>
      %dma_start3A_269 = tpu.memref_squeeze %dma_start3A_268 : memref<1x80x128xf32, #tpu.memory_space<vmem>> -> memref<80x128xf32, #tpu.memory_space<vmem>>
      %dma_start3A_270 = arith.constant 0 : i32
      %dma_start3A_271 = tpu.memref_slice %arg11[%add3A_23, %dma_start3A_270] : memref<10240x128xf32, #tpu.memory_space<vmem_shared>> -> memref<80x128xf32, #tpu.memory_space<vmem_shared>>
      %dma_start3A_272 = arith.constant 0 : i32
      %dma_start3A_273 = tpu.memref_slice %arg11[%add3A_23, %dma_start3A_272] : memref<10240x128xf32, #tpu.memory_space<vmem_shared>> -> memref<80x128xf32, #tpu.memory_space<vmem_shared>>
      %dma_start3A_274 = arith.constant 0 : i32
      %dma_start3A_275 = arith.constant 0 : i32
      %dma_start3A_276 = tpu.memref_slice %arg10[%run_scoped3A_24, %dma_start3A_274, %dma_start3A_275] : memref<3x80x128xf32, #tpu.memory_space<vmem>> -> memref<1x80x128xf32, #tpu.memory_space<vmem>>
      %dma_start3A_277 = tpu.memref_squeeze %dma_start3A_276 : memref<1x80x128xf32, #tpu.memory_space<vmem>> -> memref<80x128xf32, #tpu.memory_space<vmem>>
      tpu.enqueue_dma source(%dma_start3A_277 : memref<80x128xf32, #tpu.memory_space<vmem>>) target(%dma_start3A_273 : memref<80x128xf32, #tpu.memory_space<vmem_shared>>) target_semaphore(%run_scoped3A_265 : memref<!tpu.dma_semaphore, #tpu.memory_space<semaphore_mem>>)
      %dma_wait3A_278 = arith.constant 0 : i32
      %dma_wait3A_279 = arith.constant 0 : i32
      %dma_wait3A_280 = tpu.memref_slice %arg10[%run_scoped3A_24, %dma_wait3A_278, %dma_wait3A_279] : memref<3x80x128xf32, #tpu.memory_space<vmem>> -> memref<1x80x128xf32, #tpu.memory_space<vmem>>
      %dma_wait3A_281 = tpu.memref_squeeze %dma_wait3A_280 : memref<1x80x128xf32, #tpu.memory_space<vmem>> -> memref<80x128xf32, #tpu.memory_space<vmem>>
      %dma_wait3A_282 = arith.constant 0 : i32
      %dma_wait3A_283 = tpu.memref_slice %arg11[%add3A_23, %dma_wait3A_282] : memref<10240x128xf32, #tpu.memory_space<vmem_shared>> -> memref<80x128xf32, #tpu.memory_space<vmem_shared>>
      %dma_wait3A_284 = arith.constant 0 : i32
      %dma_wait3A_285 = tpu.memref_slice %arg11[%add3A_23, %dma_wait3A_284] : memref<10240x128xf32, #tpu.memory_space<vmem_shared>> -> memref<80x128xf32, #tpu.memory_space<vmem_shared>>
      %dma_wait3A_286 = arith.constant 0 : i32
      %dma_wait3A_287 = arith.constant 0 : i32
      %dma_wait3A_288 = tpu.memref_slice %arg10[%run_scoped3A_24, %dma_wait3A_286, %dma_wait3A_287] : memref<3x80x128xf32, #tpu.memory_space<vmem>> -> memref<1x80x128xf32, #tpu.memory_space<vmem>>
      %dma_wait3A_289 = tpu.memref_squeeze %dma_wait3A_288 : memref<1x80x128xf32, #tpu.memory_space<vmem>> -> memref<80x128xf32, #tpu.memory_space<vmem>>
      tpu.wait_dma2 semaphore(%run_scoped3A_265 : memref<!tpu.dma_semaphore, #tpu.memory_space<semaphore_mem>>) src(%dma_wait3A_289 : memref<80x128xf32, #tpu.memory_space<vmem>>) dst(%dma_wait3A_285 : memref<80x128xf32, #tpu.memory_space<vmem_shared>>)
      tpu.yield
    }) : () -> ()
    %add3A_25 = arith.constant 480 : i32
    %add3A_26 = arith.addi %mul3A_2, %add3A_25 : i32
    %run_scoped3A_27 = arith.constant 0 : i32
    "tpu.region"() ({
      %run_scoped3A_265 = tpu.sem_alloc : memref<!tpu.dma_semaphore, #tpu.memory_space<semaphore_mem>>
      %dma_start3A_266 = arith.constant 0 : i32
      %dma_start3A_267 = arith.constant 0 : i32
      %dma_start3A_268 = tpu.memref_slice %arg10[%run_scoped3A_27, %dma_start3A_266, %dma_start3A_267] : memref<3x80x128xf32, #tpu.memory_space<vmem>> -> memref<1x80x128xf32, #tpu.memory_space<vmem>>
      %dma_start3A_269 = tpu.memref_squeeze %dma_start3A_268 : memref<1x80x128xf32, #tpu.memory_space<vmem>> -> memref<80x128xf32, #tpu.memory_space<vmem>>
      %dma_start3A_270 = arith.constant 0 : i32
      %dma_start3A_271 = tpu.memref_slice %arg11[%add3A_26, %dma_start3A_270] : memref<10240x128xf32, #tpu.memory_space<vmem_shared>> -> memref<80x128xf32, #tpu.memory_space<vmem_shared>>
      %dma_start3A_272 = arith.constant 0 : i32
      %dma_start3A_273 = tpu.memref_slice %arg11[%add3A_26, %dma_start3A_272] : memref<10240x128xf32, #tpu.memory_space<vmem_shared>> -> memref<80x128xf32, #tpu.memory_space<vmem_shared>>
      %dma_start3A_274 = arith.constant 0 : i32
      %dma_start3A_275 = arith.constant 0 : i32
      %dma_start3A_276 = tpu.memref_slice %arg10[%run_scoped3A_27, %dma_start3A_274, %dma_start3A_275] : memref<3x80x128xf32, #tpu.memory_space<vmem>> -> memref<1x80x128xf32, #tpu.memory_space<vmem>>
      %dma_start3A_277 = tpu.memref_squeeze %dma_start3A_276 : memref<1x80x128xf32, #tpu.memory_space<vmem>> -> memref<80x128xf32, #tpu.memory_space<vmem>>
      tpu.enqueue_dma source(%dma_start3A_277 : memref<80x128xf32, #tpu.memory_space<vmem>>) target(%dma_start3A_273 : memref<80x128xf32, #tpu.memory_space<vmem_shared>>) target_semaphore(%run_scoped3A_265 : memref<!tpu.dma_semaphore, #tpu.memory_space<semaphore_mem>>)
      %dma_wait3A_278 = arith.constant 0 : i32
      %dma_wait3A_279 = arith.constant 0 : i32
      %dma_wait3A_280 = tpu.memref_slice %arg10[%run_scoped3A_27, %dma_wait3A_278, %dma_wait3A_279] : memref<3x80x128xf32, #tpu.memory_space<vmem>> -> memref<1x80x128xf32, #tpu.memory_space<vmem>>
      %dma_wait3A_281 = tpu.memref_squeeze %dma_wait3A_280 : memref<1x80x128xf32, #tpu.memory_space<vmem>> -> memref<80x128xf32, #tpu.memory_space<vmem>>
      %dma_wait3A_282 = arith.constant 0 : i32
      %dma_wait3A_283 = tpu.memref_slice %arg11[%add3A_26, %dma_wait3A_282] : memref<10240x128xf32, #tpu.memory_space<vmem_shared>> -> memref<80x128xf32, #tpu.memory_space<vmem_shared>>
      %dma_wait3A_284 = arith.constant 0 : i32
      %dma_wait3A_285 = tpu.memref_slice %arg11[%add3A_26, %dma_wait3A_284] : memref<10240x128xf32, #tpu.memory_space<vmem_shared>> -> memref<80x128xf32, #tpu.memory_space<vmem_shared>>
      %dma_wait3A_286 = arith.constant 0 : i32
      %dma_wait3A_287 = arith.constant 0 : i32
      %dma_wait3A_288 = tpu.memref_slice %arg10[%run_scoped3A_27, %dma_wait3A_286, %dma_wait3A_287] : memref<3x80x128xf32, #tpu.memory_space<vmem>> -> memref<1x80x128xf32, #tpu.memory_space<vmem>>
      %dma_wait3A_289 = tpu.memref_squeeze %dma_wait3A_288 : memref<1x80x128xf32, #tpu.memory_space<vmem>> -> memref<80x128xf32, #tpu.memory_space<vmem>>
      tpu.wait_dma2 semaphore(%run_scoped3A_265 : memref<!tpu.dma_semaphore, #tpu.memory_space<semaphore_mem>>) src(%dma_wait3A_289 : memref<80x128xf32, #tpu.memory_space<vmem>>) dst(%dma_wait3A_285 : memref<80x128xf32, #tpu.memory_space<vmem_shared>>)
      tpu.yield
    }) : () -> ()
    %add3A_28 = arith.constant 560 : i32
    %add3A_29 = arith.addi %mul3A_2, %add3A_28 : i32
    %run_scoped3A_30 = arith.constant 0 : i32
    "tpu.region"() ({
      %run_scoped3A_265 = tpu.sem_alloc : memref<!tpu.dma_semaphore, #tpu.memory_space<semaphore_mem>>
      %dma_start3A_266 = arith.constant 0 : i32
      %dma_start3A_267 = arith.constant 0 : i32
      %dma_start3A_268 = tpu.memref_slice %arg10[%run_scoped3A_30, %dma_start3A_266, %dma_start3A_267] : memref<3x80x128xf32, #tpu.memory_space<vmem>> -> memref<1x80x128xf32, #tpu.memory_space<vmem>>
      %dma_start3A_269 = tpu.memref_squeeze %dma_start3A_268 : memref<1x80x128xf32, #tpu.memory_space<vmem>> -> memref<80x128xf32, #tpu.memory_space<vmem>>
      %dma_start3A_270 = arith.constant 0 : i32
      %dma_start3A_271 = tpu.memref_slice %arg11[%add3A_29, %dma_start3A_270] : memref<10240x128xf32, #tpu.memory_space<vmem_shared>> -> memref<80x128xf32, #tpu.memory_space<vmem_shared>>
      %dma_start3A_272 = arith.constant 0 : i32
      %dma_start3A_273 = tpu.memref_slice %arg11[%add3A_29, %dma_start3A_272] : memref<10240x128xf32, #tpu.memory_space<vmem_shared>> -> memref<80x128xf32, #tpu.memory_space<vmem_shared>>
      %dma_start3A_274 = arith.constant 0 : i32
      %dma_start3A_275 = arith.constant 0 : i32
      %dma_start3A_276 = tpu.memref_slice %arg10[%run_scoped3A_30, %dma_start3A_274, %dma_start3A_275] : memref<3x80x128xf32, #tpu.memory_space<vmem>> -> memref<1x80x128xf32, #tpu.memory_space<vmem>>
      %dma_start3A_277 = tpu.memref_squeeze %dma_start3A_276 : memref<1x80x128xf32, #tpu.memory_space<vmem>> -> memref<80x128xf32, #tpu.memory_space<vmem>>
      tpu.enqueue_dma source(%dma_start3A_277 : memref<80x128xf32, #tpu.memory_space<vmem>>) target(%dma_start3A_273 : memref<80x128xf32, #tpu.memory_space<vmem_shared>>) target_semaphore(%run_scoped3A_265 : memref<!tpu.dma_semaphore, #tpu.memory_space<semaphore_mem>>)
      %dma_wait3A_278 = arith.constant 0 : i32
      %dma_wait3A_279 = arith.constant 0 : i32
      %dma_wait3A_280 = tpu.memref_slice %arg10[%run_scoped3A_30, %dma_wait3A_278, %dma_wait3A_279] : memref<3x80x128xf32, #tpu.memory_space<vmem>> -> memref<1x80x128xf32, #tpu.memory_space<vmem>>
      %dma_wait3A_281 = tpu.memref_squeeze %dma_wait3A_280 : memref<1x80x128xf32, #tpu.memory_space<vmem>> -> memref<80x128xf32, #tpu.memory_space<vmem>>
      %dma_wait3A_282 = arith.constant 0 : i32
      %dma_wait3A_283 = tpu.memref_slice %arg11[%add3A_29, %dma_wait3A_282] : memref<10240x128xf32, #tpu.memory_space<vmem_shared>> -> memref<80x128xf32, #tpu.memory_space<vmem_shared>>
      %dma_wait3A_284 = arith.constant 0 : i32
      %dma_wait3A_285 = tpu.memref_slice %arg11[%add3A_29, %dma_wait3A_284] : memref<10240x128xf32, #tpu.memory_space<vmem_shared>> -> memref<80x128xf32, #tpu.memory_space<vmem_shared>>
      %dma_wait3A_286 = arith.constant 0 : i32
      %dma_wait3A_287 = arith.constant 0 : i32
      %dma_wait3A_288 = tpu.memref_slice %arg10[%run_scoped3A_30, %dma_wait3A_286, %dma_wait3A_287] : memref<3x80x128xf32, #tpu.memory_space<vmem>> -> memref<1x80x128xf32, #tpu.memory_space<vmem>>
      %dma_wait3A_289 = tpu.memref_squeeze %dma_wait3A_288 : memref<1x80x128xf32, #tpu.memory_space<vmem>> -> memref<80x128xf32, #tpu.memory_space<vmem>>
      tpu.wait_dma2 semaphore(%run_scoped3A_265 : memref<!tpu.dma_semaphore, #tpu.memory_space<semaphore_mem>>) src(%dma_wait3A_289 : memref<80x128xf32, #tpu.memory_space<vmem>>) dst(%dma_wait3A_285 : memref<80x128xf32, #tpu.memory_space<vmem_shared>>)
      tpu.yield
    }) : () -> ()
    %dma_wait3A = tpu.memref_slice %arg3[%mul3A_4] : memref<320000xi32, #tpu.memory_space<hbm>> -> memref<10000xi32, #tpu.memory_space<hbm>>
    %dma_wait3A_31 = tpu.memref_slice %arg3[%mul3A_4] : memref<320000xi32, #tpu.memory_space<hbm>> -> memref<10000xi32, #tpu.memory_space<hbm>>
    tpu.wait_dma2 semaphore(%arg12 : memref<!tpu.dma_semaphore, #tpu.memory_space<semaphore_mem>>) src(%dma_wait3A_31 : memref<10000xi32, #tpu.memory_space<hbm>>) dst(%arg7 : memref<10000xi32, #tpu.memory_space<vmem>>)
    %barrier3A = arith.constant 0 : index
    tpu.barrier barrier_id(%barrier3A)
    %add3A_32 = arith.constant 0 : i32
    %add3A_33 = arith.addi %mul3A_4, %add3A_32 : i32
    %dma_start3A_34 = arith.constant 0 : i32
    %dma_start3A_35 = arith.constant 0 : i32
    %dma_start3A_36 = tpu.memref_slice %arg8[%dma_start3A_34, %dma_start3A_35] : memref<3x96xf32, #tpu.memory_space<vmem>> -> memref<1x80xf32, #tpu.memory_space<vmem>>
    %dma_start3A_37 = tpu.memref_squeeze %dma_start3A_36 : memref<1x80xf32, #tpu.memory_space<vmem>> -> memref<80xf32, #tpu.memory_space<vmem>>
    %dma_start3A_38 = tpu.memref_slice %arg4[%add3A_33] : memref<320000xf32, #tpu.memory_space<hbm>> -> memref<80xf32, #tpu.memory_space<hbm>>
    %dma_start3A_39 = arith.constant 0 : i32
    %dma_start3A_40 = tpu.memref_slice %arg8[%dma_start3A_34, %dma_start3A_39] : memref<3x96xf32, #tpu.memory_space<vmem>> -> memref<1x80xf32, #tpu.memory_space<vmem>>
    %dma_start3A_41 = tpu.memref_squeeze %dma_start3A_40 : memref<1x80xf32, #tpu.memory_space<vmem>> -> memref<80xf32, #tpu.memory_space<vmem>>
    %dma_start3A_42 = tpu.memref_slice %arg4[%add3A_33] : memref<320000xf32, #tpu.memory_space<hbm>> -> memref<80xf32, #tpu.memory_space<hbm>>
    tpu.enqueue_dma source(%dma_start3A_42 : memref<80xf32, #tpu.memory_space<hbm>>) target(%dma_start3A_41 : memref<80xf32, #tpu.memory_space<vmem>>) target_semaphore(%arg13 : memref<!tpu.dma_semaphore, #tpu.memory_space<semaphore_mem>>)
    %add3A_43 = arith.constant 0 : i32
    %add3A_44 = arith.addi %mul3A_4, %add3A_43 : i32
    %dma_start3A_45 = arith.constant 0 : i32
    %dma_start3A_46 = arith.constant 0 : i32
    %dma_start3A_47 = tpu.memref_slice %arg9[%dma_start3A_45, %dma_start3A_46] : memref<3x80xi32, #tpu.memory_space<vmem>> -> memref<1x80xi32, #tpu.memory_space<vmem>>
    %dma_start3A_48 = tpu.memref_squeeze %dma_start3A_47 : memref<1x80xi32, #tpu.memory_space<vmem>> -> memref<80xi32, #tpu.memory_space<vmem>>
    %dma_start3A_49 = tpu.memref_slice %arg2[%add3A_44] : memref<320000xi32, #tpu.memory_space<hbm>> -> memref<80xi32, #tpu.memory_space<hbm>>
    %dma_start3A_50 = arith.constant 0 : i32
    %dma_start3A_51 = tpu.memref_slice %arg9[%dma_start3A_45, %dma_start3A_50] : memref<3x80xi32, #tpu.memory_space<vmem>> -> memref<1x80xi32, #tpu.memory_space<vmem>>
    %dma_start3A_52 = tpu.memref_squeeze %dma_start3A_51 : memref<1x80xi32, #tpu.memory_space<vmem>> -> memref<80xi32, #tpu.memory_space<vmem>>
    %dma_start3A_53 = tpu.memref_slice %arg2[%add3A_44] : memref<320000xi32, #tpu.memory_space<hbm>> -> memref<80xi32, #tpu.memory_space<hbm>>
    tpu.enqueue_dma source(%dma_start3A_53 : memref<80xi32, #tpu.memory_space<hbm>>) target(%dma_start3A_52 : memref<80xi32, #tpu.memory_space<vmem>>) target_semaphore(%arg13 : memref<!tpu.dma_semaphore, #tpu.memory_space<semaphore_mem>>)
    %dma_start3A_54 = arith.constant 0 : i32
    %dma_start3A_55 = arith.constant 0 : i32
    %dma_start3A_56 = arith.constant 0 : i32
    %dma_start3A_57 = tpu.memref_slice %arg10[%dma_start3A_54, %dma_start3A_55, %dma_start3A_56] : memref<3x80x128xf32, #tpu.memory_space<vmem>> -> memref<1x80x128xf32, #tpu.memory_space<vmem>>
    %dma_start3A_58 = tpu.memref_squeeze %dma_start3A_57 : memref<1x80x128xf32, #tpu.memory_space<vmem>> -> memref<80x128xf32, #tpu.memory_space<vmem>>
    %dma_start3A_59 = arith.constant 0 : i32
    %dma_start3A_60 = tpu.memref_slice %arg7[%dma_start3A_59] : memref<10000xi32, #tpu.memory_space<vmem>> -> memref<80xi32, #tpu.memory_space<vmem>>
    %dma_start3A_61 = arith.constant 0 : i32
    %dma_start3A_62 = arith.constant 0 : i32
    %dma_start3A_63 = tpu.memref_slice %arg5[%dma_start3A_61, %dma_start3A_62] : memref<10000x128xf32, #tpu.memory_space<hbm>> -> memref<10000x128xf32, #tpu.memory_space<hbm>>
    tpu.enqueue_indirect_dma source(%dma_start3A_63 : memref<10000x128xf32, #tpu.memory_space<hbm>>) target(%dma_start3A_58 : memref<80x128xf32, #tpu.memory_space<vmem>>) offsets(%dma_start3A_60 : memref<80xi32, #tpu.memory_space<vmem>>) semaphore(%arg13 : memref<!tpu.dma_semaphore, #tpu.memory_space<semaphore_mem>>)
    %add3A_64 = arith.constant 80 : i32
    %add3A_65 = arith.addi %mul3A_4, %add3A_64 : i32
    %dma_start3A_66 = arith.constant 1 : i32
    %dma_start3A_67 = arith.constant 0 : i32
    %dma_start3A_68 = tpu.memref_slice %arg8[%dma_start3A_66, %dma_start3A_67] : memref<3x96xf32, #tpu.memory_space<vmem>> -> memref<1x80xf32, #tpu.memory_space<vmem>>
    %dma_start3A_69 = tpu.memref_squeeze %dma_start3A_68 : memref<1x80xf32, #tpu.memory_space<vmem>> -> memref<80xf32, #tpu.memory_space<vmem>>
    %dma_start3A_70 = tpu.memref_slice %arg4[%add3A_65] : memref<320000xf32, #tpu.memory_space<hbm>> -> memref<80xf32, #tpu.memory_space<hbm>>
    %dma_start3A_71 = arith.constant 0 : i32
    %dma_start3A_72 = tpu.memref_slice %arg8[%dma_start3A_66, %dma_start3A_71] : memref<3x96xf32, #tpu.memory_space<vmem>> -> memref<1x80xf32, #tpu.memory_space<vmem>>
    %dma_start3A_73 = tpu.memref_squeeze %dma_start3A_72 : memref<1x80xf32, #tpu.memory_space<vmem>> -> memref<80xf32, #tpu.memory_space<vmem>>
    %dma_start3A_74 = tpu.memref_slice %arg4[%add3A_65] : memref<320000xf32, #tpu.memory_space<hbm>> -> memref<80xf32, #tpu.memory_space<hbm>>
    tpu.enqueue_dma source(%dma_start3A_74 : memref<80xf32, #tpu.memory_space<hbm>>) target(%dma_start3A_73 : memref<80xf32, #tpu.memory_space<vmem>>) target_semaphore(%arg14 : memref<!tpu.dma_semaphore, #tpu.memory_space<semaphore_mem>>)
    %add3A_75 = arith.constant 80 : i32
    %add3A_76 = arith.addi %mul3A_4, %add3A_75 : i32
    %dma_start3A_77 = arith.constant 1 : i32
    %dma_start3A_78 = arith.constant 0 : i32
    %dma_start3A_79 = tpu.memref_slice %arg9[%dma_start3A_77, %dma_start3A_78] : memref<3x80xi32, #tpu.memory_space<vmem>> -> memref<1x80xi32, #tpu.memory_space<vmem>>
    %dma_start3A_80 = tpu.memref_squeeze %dma_start3A_79 : memref<1x80xi32, #tpu.memory_space<vmem>> -> memref<80xi32, #tpu.memory_space<vmem>>
    %dma_start3A_81 = tpu.memref_slice %arg2[%add3A_76] : memref<320000xi32, #tpu.memory_space<hbm>> -> memref<80xi32, #tpu.memory_space<hbm>>
    %dma_start3A_82 = arith.constant 0 : i32
    %dma_start3A_83 = tpu.memref_slice %arg9[%dma_start3A_77, %dma_start3A_82] : memref<3x80xi32, #tpu.memory_space<vmem>> -> memref<1x80xi32, #tpu.memory_space<vmem>>
    %dma_start3A_84 = tpu.memref_squeeze %dma_start3A_83 : memref<1x80xi32, #tpu.memory_space<vmem>> -> memref<80xi32, #tpu.memory_space<vmem>>
    %dma_start3A_85 = tpu.memref_slice %arg2[%add3A_76] : memref<320000xi32, #tpu.memory_space<hbm>> -> memref<80xi32, #tpu.memory_space<hbm>>
    tpu.enqueue_dma source(%dma_start3A_85 : memref<80xi32, #tpu.memory_space<hbm>>) target(%dma_start3A_84 : memref<80xi32, #tpu.memory_space<vmem>>) target_semaphore(%arg14 : memref<!tpu.dma_semaphore, #tpu.memory_space<semaphore_mem>>)
    %dma_start3A_86 = arith.constant 1 : i32
    %dma_start3A_87 = arith.constant 0 : i32
    %dma_start3A_88 = arith.constant 0 : i32
    %dma_start3A_89 = tpu.memref_slice %arg10[%dma_start3A_86, %dma_start3A_87, %dma_start3A_88] : memref<3x80x128xf32, #tpu.memory_space<vmem>> -> memref<1x80x128xf32, #tpu.memory_space<vmem>>
    %dma_start3A_90 = tpu.memref_squeeze %dma_start3A_89 : memref<1x80x128xf32, #tpu.memory_space<vmem>> -> memref<80x128xf32, #tpu.memory_space<vmem>>
    %dma_start3A_91 = arith.constant 80 : i32
    %dma_start3A_92 = tpu.memref_slice %arg7[%dma_start3A_91] : memref<10000xi32, #tpu.memory_space<vmem>> -> memref<80xi32, #tpu.memory_space<vmem>>
    %dma_start3A_93 = arith.constant 0 : i32
    %dma_start3A_94 = arith.constant 0 : i32
    %dma_start3A_95 = tpu.memref_slice %arg5[%dma_start3A_93, %dma_start3A_94] : memref<10000x128xf32, #tpu.memory_space<hbm>> -> memref<10000x128xf32, #tpu.memory_space<hbm>>
    tpu.enqueue_indirect_dma source(%dma_start3A_95 : memref<10000x128xf32, #tpu.memory_space<hbm>>) target(%dma_start3A_90 : memref<80x128xf32, #tpu.memory_space<vmem>>) offsets(%dma_start3A_92 : memref<80xi32, #tpu.memory_space<vmem>>) semaphore(%arg14 : memref<!tpu.dma_semaphore, #tpu.memory_space<semaphore_mem>>)
    %scan3A = arith.constant 0 : i32
    %scan3A_96 = arith.constant 0 : i32
    %scan3A_97 = arith.constant 41 : i32
    %scan3A_98 = arith.addi %scan3A_96, %scan3A_97 : i32
    %scan3A_99 = arith.constant 1 : i32
    %scan3A_100 = scf.for %scan3A_265 = %scan3A_96 to %scan3A_98 step %scan3A_99 iter_args(%scan3A_266 = %scan3A) -> (i32)  : i32 {
      %mul3A_267 = arith.constant 3 : i32
      %mul3A_268 = arith.muli %mul3A_267, %scan3A_265 : i32
      %add3A_269 = arith.constant 0 : i32
      %add3A_270 = arith.addi %mul3A_268, %add3A_269 : i32
      %dma_wait3A_271 = arith.constant 0 : i32
      %dma_wait3A_272 = arith.constant 0 : i32
      %dma_wait3A_273 = tpu.memref_slice %arg8[%dma_wait3A_271, %dma_wait3A_272] : memref<3x96xf32, #tpu.memory_space<vmem>> -> memref<1x80xf32, #tpu.memory_space<vmem>>
      %dma_wait3A_274 = tpu.memref_squeeze %dma_wait3A_273 : memref<1x80xf32, #tpu.memory_space<vmem>> -> memref<80xf32, #tpu.memory_space<vmem>>
      %dma_wait3A_275 = arith.constant 0 : i32
      %dma_wait3A_276 = tpu.memref_slice %arg4[%dma_wait3A_275] : memref<320000xf32, #tpu.memory_space<hbm>> -> memref<80xf32, #tpu.memory_space<hbm>>
      %dma_wait3A_277 = arith.constant 0 : i32
      %dma_wait3A_278 = tpu.memref_slice %arg8[%dma_wait3A_271, %dma_wait3A_277] : memref<3x96xf32, #tpu.memory_space<vmem>> -> memref<1x80xf32, #tpu.memory_space<vmem>>
      %dma_wait3A_279 = tpu.memref_squeeze %dma_wait3A_278 : memref<1x80xf32, #tpu.memory_space<vmem>> -> memref<80xf32, #tpu.memory_space<vmem>>
      %dma_wait3A_280 = arith.constant 0 : i32
      %dma_wait3A_281 = tpu.memref_slice %arg4[%dma_wait3A_280] : memref<320000xf32, #tpu.memory_space<hbm>> -> memref<80xf32, #tpu.memory_space<hbm>>
      tpu.wait_dma2 semaphore(%arg13 : memref<!tpu.dma_semaphore, #tpu.memory_space<semaphore_mem>>) src(%dma_wait3A_281 : memref<80xf32, #tpu.memory_space<hbm>>) dst(%dma_wait3A_279 : memref<80xf32, #tpu.memory_space<vmem>>)
      %dma_wait3A_282 = arith.constant 0 : i32
      %dma_wait3A_283 = arith.constant 0 : i32
      %dma_wait3A_284 = tpu.memref_slice %arg9[%dma_wait3A_282, %dma_wait3A_283] : memref<3x80xi32, #tpu.memory_space<vmem>> -> memref<1x80xi32, #tpu.memory_space<vmem>>
      %dma_wait3A_285 = tpu.memref_squeeze %dma_wait3A_284 : memref<1x80xi32, #tpu.memory_space<vmem>> -> memref<80xi32, #tpu.memory_space<vmem>>
      %dma_wait3A_286 = arith.constant 0 : i32
      %dma_wait3A_287 = tpu.memref_slice %arg2[%dma_wait3A_286] : memref<320000xi32, #tpu.memory_space<hbm>> -> memref<80xi32, #tpu.memory_space<hbm>>
      %dma_wait3A_288 = arith.constant 0 : i32
      %dma_wait3A_289 = tpu.memref_slice %arg9[%dma_wait3A_282, %dma_wait3A_288] : memref<3x80xi32, #tpu.memory_space<vmem>> -> memref<1x80xi32, #tpu.memory_space<vmem>>
      %dma_wait3A_290 = tpu.memref_squeeze %dma_wait3A_289 : memref<1x80xi32, #tpu.memory_space<vmem>> -> memref<80xi32, #tpu.memory_space<vmem>>
      %dma_wait3A_291 = arith.constant 0 : i32
      %dma_wait3A_292 = tpu.memref_slice %arg2[%dma_wait3A_291] : memref<320000xi32, #tpu.memory_space<hbm>> -> memref<80xi32, #tpu.memory_space<hbm>>
      tpu.wait_dma2 semaphore(%arg13 : memref<!tpu.dma_semaphore, #tpu.memory_space<semaphore_mem>>) src(%dma_wait3A_292 : memref<80xi32, #tpu.memory_space<hbm>>) dst(%dma_wait3A_290 : memref<80xi32, #tpu.memory_space<vmem>>)
      %dma_wait3A_293 = arith.constant 0 : i32
      %dma_wait3A_294 = arith.constant 0 : i32
      %dma_wait3A_295 = arith.constant 0 : i32
      %dma_wait3A_296 = tpu.memref_slice %arg10[%dma_wait3A_293, %dma_wait3A_294, %dma_wait3A_295] : memref<3x80x128xf32, #tpu.memory_space<vmem>> -> memref<1x80x128xf32, #tpu.memory_space<vmem>>
      %dma_wait3A_297 = tpu.memref_squeeze %dma_wait3A_296 : memref<1x80x128xf32, #tpu.memory_space<vmem>> -> memref<80x128xf32, #tpu.memory_space<vmem>>
      %dma_wait3A_298 = arith.constant 0 : i32
      %dma_wait3A_299 = tpu.memref_slice %arg7[%dma_wait3A_298] : memref<10000xi32, #tpu.memory_space<vmem>> -> memref<80xi32, #tpu.memory_space<vmem>>
      %dma_wait3A_300 = arith.constant 0 : i32
      %dma_wait3A_301 = arith.constant 0 : i32
      %dma_wait3A_302 = tpu.memref_slice %arg5[%dma_wait3A_300, %dma_wait3A_301] : memref<10000x128xf32, #tpu.memory_space<hbm>> -> memref<10000x128xf32, #tpu.memory_space<hbm>>
      tpu.wait_indirect_dma semaphore(%arg13 : memref<!tpu.dma_semaphore, #tpu.memory_space<semaphore_mem>>) src(%dma_wait3A_302 : memref<10000x128xf32, #tpu.memory_space<hbm>>) dst(%dma_wait3A_297 : memref<80x128xf32, #tpu.memory_space<vmem>>)
      %parallel_loop3A_303 = arith.constant 0 : i32
      %parallel_loop3A_304 = arith.constant 80 : i32
      %parallel_loop3A_305 = arith.constant 1 : i32
      scf.for %parallel_loop3A_558 = %parallel_loop3A_303 to %parallel_loop3A_304 step %parallel_loop3A_305  : i32 {
        %parallel_loop3A_559 = arith.constant 0 : i32
        %parallel_loop3A_560 = arith.index_cast %parallel_loop3A_559 : i32 to index
        %parallel_loop3A_561 = arith.index_cast %parallel_loop3A_558 : i32 to index
        %parallel_loop3A_562 = tpu.vector_load %arg8[%parallel_loop3A_560, %parallel_loop3A_561] {strides = array<i32>} : memref<3x96xf32, #tpu.memory_space<vmem>>, vector<1x16xf32>,
        %parallel_loop3A_563 = vector.shape_cast %parallel_loop3A_562 : vector<1x16xf32> to vector<16xf32>
        %parallel_loop3A_564 = vector.extract_strided_slice %parallel_loop3A_563 {offsets = [0], sizes = [1], strides = [1]} : vector<16xf32> to vector<1xf32>
        %parallel_loop3A_565 = vector.extract %parallel_loop3A_564[0] : f32 from vector<1xf32>
        %parallel_loop3A_566 = vector.broadcast %parallel_loop3A_565 : f32 to vector<16xf32>
        %parallel_loop3A_567 = arith.constant 0 : i32
        %parallel_loop3A_568 = arith.index_cast %parallel_loop3A_567 : i32 to index
        %parallel_loop3A_569 = arith.index_cast %parallel_loop3A_558 : i32 to index
        %parallel_loop3A_570 = arith.constant 0 : index
        %parallel_loop3A_571 = tpu.vector_load %arg10[%parallel_loop3A_568, %parallel_loop3A_569, %parallel_loop3A_570] {strides = array<i32>} : memref<3x80x128xf32, #tpu.memory_space<vmem>>, vector<1x1x16xf32>,
        %parallel_loop3A_572 = vector.shape_cast %parallel_loop3A_571 : vector<1x1x16xf32> to vector<16xf32>
        %parallel_loop3A_573 = arith.mulf %parallel_loop3A_572, %parallel_loop3A_566 : vector<16xf32>
        %parallel_loop3A_574 = arith.constant 0 : i32
        %parallel_loop3A_575 = arith.index_cast %parallel_loop3A_574 : i32 to index
        %parallel_loop3A_576 = arith.index_cast %parallel_loop3A_558 : i32 to index
        %parallel_loop3A_577 = arith.constant 0 : index
        %parallel_loop3A_578 = tpu.vector_load %arg10[%parallel_loop3A_575, %parallel_loop3A_576, %parallel_loop3A_577] {strides = array<i32>} : memref<3x80x128xf32, #tpu.memory_space<vmem>>, vector<1x1x16xf32>,
        %parallel_loop3A_579 = vector.shape_cast %parallel_loop3A_578 : vector<1x1x16xf32> to vector<16xf32>
        %parallel_loop3A_580 = vector.shape_cast %parallel_loop3A_573 : vector<16xf32> to vector<1x1x16xf32>
        tpu.vector_store %arg10[%parallel_loop3A_575, %parallel_loop3A_576, %parallel_loop3A_577], %parallel_loop3A_580 {strides = array<i32>} : memref<3x80x128xf32, #tpu.memory_space<vmem>>, vector<1x1x16xf32>,
        %parallel_loop3A_581 = arith.constant 0 : i32
        %parallel_loop3A_582 = arith.index_cast %parallel_loop3A_581 : i32 to index
        %parallel_loop3A_583 = arith.index_cast %parallel_loop3A_558 : i32 to index
        %parallel_loop3A_584 = arith.constant 16 : index
        %parallel_loop3A_585 = tpu.vector_load %arg10[%parallel_loop3A_582, %parallel_loop3A_583, %parallel_loop3A_584] {strides = array<i32>} : memref<3x80x128xf32, #tpu.memory_space<vmem>>, vector<1x1x16xf32>,
        %parallel_loop3A_586 = vector.shape_cast %parallel_loop3A_585 : vector<1x1x16xf32> to vector<16xf32>
        %parallel_loop3A_587 = arith.mulf %parallel_loop3A_586, %parallel_loop3A_566 : vector<16xf32>
        %parallel_loop3A_588 = arith.constant 0 : i32
        %parallel_loop3A_589 = arith.index_cast %parallel_loop3A_588 : i32 to index
        %parallel_loop3A_590 = arith.index_cast %parallel_loop3A_558 : i32 to index
        %parallel_loop3A_591 = arith.constant 16 : index
        %parallel_loop3A_592 = tpu.vector_load %arg10[%parallel_loop3A_589, %parallel_loop3A_590, %parallel_loop3A_591] {strides = array<i32>} : memref<3x80x128xf32, #tpu.memory_space<vmem>>, vector<1x1x16xf32>,
        %parallel_loop3A_593 = vector.shape_cast %parallel_loop3A_592 : vector<1x1x16xf32> to vector<16xf32>
        %parallel_loop3A_594 = vector.shape_cast %parallel_loop3A_587 : vector<16xf32> to vector<1x1x16xf32>
        tpu.vector_store %arg10[%parallel_loop3A_589, %parallel_loop3A_590, %parallel_loop3A_591], %parallel_loop3A_594 {strides = array<i32>} : memref<3x80x128xf32, #tpu.memory_space<vmem>>, vector<1x1x16xf32>,
        %parallel_loop3A_595 = arith.constant 0 : i32
        %parallel_loop3A_596 = arith.index_cast %parallel_loop3A_595 : i32 to index
        %parallel_loop3A_597 = arith.index_cast %parallel_loop3A_558 : i32 to index
        %parallel_loop3A_598 = arith.constant 32 : index
        %parallel_loop3A_599 = tpu.vector_load %arg10[%parallel_loop3A_596, %parallel_loop3A_597, %parallel_loop3A_598] {strides = array<i32>} : memref<3x80x128xf32, #tpu.memory_space<vmem>>, vector<1x1x16xf32>,
        %parallel_loop3A_600 = vector.shape_cast %parallel_loop3A_599 : vector<1x1x16xf32> to vector<16xf32>
        %parallel_loop3A_601 = arith.mulf %parallel_loop3A_600, %parallel_loop3A_566 : vector<16xf32>
        %parallel_loop3A_602 = arith.constant 0 : i32
        %parallel_loop3A_603 = arith.index_cast %parallel_loop3A_602 : i32 to index
        %parallel_loop3A_604 = arith.index_cast %parallel_loop3A_558 : i32 to index
        %parallel_loop3A_605 = arith.constant 32 : index
        %parallel_loop3A_606 = tpu.vector_load %arg10[%parallel_loop3A_603, %parallel_loop3A_604, %parallel_loop3A_605] {strides = array<i32>} : memref<3x80x128xf32, #tpu.memory_space<vmem>>, vector<1x1x16xf32>,
        %parallel_loop3A_607 = vector.shape_cast %parallel_loop3A_606 : vector<1x1x16xf32> to vector<16xf32>
        %parallel_loop3A_608 = vector.shape_cast %parallel_loop3A_601 : vector<16xf32> to vector<1x1x16xf32>
        tpu.vector_store %arg10[%parallel_loop3A_603, %parallel_loop3A_604, %parallel_loop3A_605], %parallel_loop3A_608 {strides = array<i32>} : memref<3x80x128xf32, #tpu.memory_space<vmem>>, vector<1x1x16xf32>,
        %parallel_loop3A_609 = arith.constant 0 : i32
        %parallel_loop3A_610 = arith.index_cast %parallel_loop3A_609 : i32 to index
        %parallel_loop3A_611 = arith.index_cast %parallel_loop3A_558 : i32 to index
        %parallel_loop3A_612 = arith.constant 48 : index
        %parallel_loop3A_613 = tpu.vector_load %arg10[%parallel_loop3A_610, %parallel_loop3A_611, %parallel_loop3A_612] {strides = array<i32>} : memref<3x80x128xf32, #tpu.memory_space<vmem>>, vector<1x1x16xf32>,
        %parallel_loop3A_614 = vector.shape_cast %parallel_loop3A_613 : vector<1x1x16xf32> to vector<16xf32>
        %parallel_loop3A_615 = arith.mulf %parallel_loop3A_614, %parallel_loop3A_566 : vector<16xf32>
        %parallel_loop3A_616 = arith.constant 0 : i32
        %parallel_loop3A_617 = arith.index_cast %parallel_loop3A_616 : i32 to index
        %parallel_loop3A_618 = arith.index_cast %parallel_loop3A_558 : i32 to index
        %parallel_loop3A_619 = arith.constant 48 : index
        %parallel_loop3A_620 = tpu.vector_load %arg10[%parallel_loop3A_617, %parallel_loop3A_618, %parallel_loop3A_619] {strides = array<i32>} : memref<3x80x128xf32, #tpu.memory_space<vmem>>, vector<1x1x16xf32>,
        %parallel_loop3A_621 = vector.shape_cast %parallel_loop3A_620 : vector<1x1x16xf32> to vector<16xf32>
        %parallel_loop3A_622 = vector.shape_cast %parallel_loop3A_615 : vector<16xf32> to vector<1x1x16xf32>
        tpu.vector_store %arg10[%parallel_loop3A_617, %parallel_loop3A_618, %parallel_loop3A_619], %parallel_loop3A_622 {strides = array<i32>} : memref<3x80x128xf32, #tpu.memory_space<vmem>>, vector<1x1x16xf32>,
        %parallel_loop3A_623 = arith.constant 0 : i32
        %parallel_loop3A_624 = arith.index_cast %parallel_loop3A_623 : i32 to index
        %parallel_loop3A_625 = arith.index_cast %parallel_loop3A_558 : i32 to index
        %parallel_loop3A_626 = arith.constant 64 : index
        %parallel_loop3A_627 = tpu.vector_load %arg10[%parallel_loop3A_624, %parallel_loop3A_625, %parallel_loop3A_626] {strides = array<i32>} : memref<3x80x128xf32, #tpu.memory_space<vmem>>, vector<1x1x16xf32>,
        %parallel_loop3A_628 = vector.shape_cast %parallel_loop3A_627 : vector<1x1x16xf32> to vector<16xf32>
        %parallel_loop3A_629 = arith.mulf %parallel_loop3A_628, %parallel_loop3A_566 : vector<16xf32>
        %parallel_loop3A_630 = arith.constant 0 : i32
        %parallel_loop3A_631 = arith.index_cast %parallel_loop3A_630 : i32 to index
        %parallel_loop3A_632 = arith.index_cast %parallel_loop3A_558 : i32 to index
        %parallel_loop3A_633 = arith.constant 64 : index
        %parallel_loop3A_634 = tpu.vector_load %arg10[%parallel_loop3A_631, %parallel_loop3A_632, %parallel_loop3A_633] {strides = array<i32>} : memref<3x80x128xf32, #tpu.memory_space<vmem>>, vector<1x1x16xf32>,
        %parallel_loop3A_635 = vector.shape_cast %parallel_loop3A_634 : vector<1x1x16xf32> to vector<16xf32>
        %parallel_loop3A_636 = vector.shape_cast %parallel_loop3A_629 : vector<16xf32> to vector<1x1x16xf32>
        tpu.vector_store %arg10[%parallel_loop3A_631, %parallel_loop3A_632, %parallel_loop3A_633], %parallel_loop3A_636 {strides = array<i32>} : memref<3x80x128xf32, #tpu.memory_space<vmem>>, vector<1x1x16xf32>,
        %parallel_loop3A_637 = arith.constant 0 : i32
        %parallel_loop3A_638 = arith.index_cast %parallel_loop3A_637 : i32 to index
        %parallel_loop3A_639 = arith.index_cast %parallel_loop3A_558 : i32 to index
        %parallel_loop3A_640 = arith.constant 80 : index
        %parallel_loop3A_641 = tpu.vector_load %arg10[%parallel_loop3A_638, %parallel_loop3A_639, %parallel_loop3A_640] {strides = array<i32>} : memref<3x80x128xf32, #tpu.memory_space<vmem>>, vector<1x1x16xf32>,
        %parallel_loop3A_642 = vector.shape_cast %parallel_loop3A_641 : vector<1x1x16xf32> to vector<16xf32>
        %parallel_loop3A_643 = arith.mulf %parallel_loop3A_642, %parallel_loop3A_566 : vector<16xf32>
        %parallel_loop3A_644 = arith.constant 0 : i32
        %parallel_loop3A_645 = arith.index_cast %parallel_loop3A_644 : i32 to index
        %parallel_loop3A_646 = arith.index_cast %parallel_loop3A_558 : i32 to index
        %parallel_loop3A_647 = arith.constant 80 : index
        %parallel_loop3A_648 = tpu.vector_load %arg10[%parallel_loop3A_645, %parallel_loop3A_646, %parallel_loop3A_647] {strides = array<i32>} : memref<3x80x128xf32, #tpu.memory_space<vmem>>, vector<1x1x16xf32>,
        %parallel_loop3A_649 = vector.shape_cast %parallel_loop3A_648 : vector<1x1x16xf32> to vector<16xf32>
        %parallel_loop3A_650 = vector.shape_cast %parallel_loop3A_643 : vector<16xf32> to vector<1x1x16xf32>
        tpu.vector_store %arg10[%parallel_loop3A_645, %parallel_loop3A_646, %parallel_loop3A_647], %parallel_loop3A_650 {strides = array<i32>} : memref<3x80x128xf32, #tpu.memory_space<vmem>>, vector<1x1x16xf32>,
        %parallel_loop3A_651 = arith.constant 0 : i32
        %parallel_loop3A_652 = arith.index_cast %parallel_loop3A_651 : i32 to index
        %parallel_loop3A_653 = arith.index_cast %parallel_loop3A_558 : i32 to index
        %parallel_loop3A_654 = arith.constant 96 : index
        %parallel_loop3A_655 = tpu.vector_load %arg10[%parallel_loop3A_652, %parallel_loop3A_653, %parallel_loop3A_654] {strides = array<i32>} : memref<3x80x128xf32, #tpu.memory_space<vmem>>, vector<1x1x16xf32>,
        %parallel_loop3A_656 = vector.shape_cast %parallel_loop3A_655 : vector<1x1x16xf32> to vector<16xf32>
        %parallel_loop3A_657 = arith.mulf %parallel_loop3A_656, %parallel_loop3A_566 : vector<16xf32>
        %parallel_loop3A_658 = arith.constant 0 : i32
        %parallel_loop3A_659 = arith.index_cast %parallel_loop3A_658 : i32 to index
        %parallel_loop3A_660 = arith.index_cast %parallel_loop3A_558 : i32 to index
        %parallel_loop3A_661 = arith.constant 96 : index
        %parallel_loop3A_662 = tpu.vector_load %arg10[%parallel_loop3A_659, %parallel_loop3A_660, %parallel_loop3A_661] {strides = array<i32>} : memref<3x80x128xf32, #tpu.memory_space<vmem>>, vector<1x1x16xf32>,
        %parallel_loop3A_663 = vector.shape_cast %parallel_loop3A_662 : vector<1x1x16xf32> to vector<16xf32>
        %parallel_loop3A_664 = vector.shape_cast %parallel_loop3A_657 : vector<16xf32> to vector<1x1x16xf32>
        tpu.vector_store %arg10[%parallel_loop3A_659, %parallel_loop3A_660, %parallel_loop3A_661], %parallel_loop3A_664 {strides = array<i32>} : memref<3x80x128xf32, #tpu.memory_space<vmem>>, vector<1x1x16xf32>,
        %parallel_loop3A_665 = arith.constant 0 : i32
        %parallel_loop3A_666 = arith.index_cast %parallel_loop3A_665 : i32 to index
        %parallel_loop3A_667 = arith.index_cast %parallel_loop3A_558 : i32 to index
        %parallel_loop3A_668 = arith.constant 112 : index
        %parallel_loop3A_669 = tpu.vector_load %arg10[%parallel_loop3A_666, %parallel_loop3A_667, %parallel_loop3A_668] {strides = array<i32>} : memref<3x80x128xf32, #tpu.memory_space<vmem>>, vector<1x1x16xf32>,
        %parallel_loop3A_670 = vector.shape_cast %parallel_loop3A_669 : vector<1x1x16xf32> to vector<16xf32>
        %parallel_loop3A_671 = arith.mulf %parallel_loop3A_670, %parallel_loop3A_566 : vector<16xf32>
        %parallel_loop3A_672 = arith.constant 0 : i32
        %parallel_loop3A_673 = arith.index_cast %parallel_loop3A_672 : i32 to index
        %parallel_loop3A_674 = arith.index_cast %parallel_loop3A_558 : i32 to index
        %parallel_loop3A_675 = arith.constant 112 : index
        %parallel_loop3A_676 = tpu.vector_load %arg10[%parallel_loop3A_673, %parallel_loop3A_674, %parallel_loop3A_675] {strides = array<i32>} : memref<3x80x128xf32, #tpu.memory_space<vmem>>, vector<1x1x16xf32>,
        %parallel_loop3A_677 = vector.shape_cast %parallel_loop3A_676 : vector<1x1x16xf32> to vector<16xf32>
        %parallel_loop3A_678 = vector.shape_cast %parallel_loop3A_671 : vector<16xf32> to vector<1x1x16xf32>
        tpu.vector_store %arg10[%parallel_loop3A_673, %parallel_loop3A_674, %parallel_loop3A_675], %parallel_loop3A_678 {strides = array<i32>} : memref<3x80x128xf32, #tpu.memory_space<vmem>>, vector<1x1x16xf32>,
      } {sc.loop_unroll_factor = 8 : i64, sc.parallel_access}
      %gt3A = arith.constant 0 : i32
      %gt3A_306 = arith.cmpi sgt, %scan3A_265, %gt3A : i32
      %convert_element_type3A = arith.extui %gt3A_306 : i1 to i32
      %cond3A = arith.constant 0 : i32
      %cond3A_307 = arith.cmpi ne, %convert_element_type3A, %cond3A : i32
      scf.if %cond3A_307 {
        %dma_wait3A_558 = arith.constant 2 : i32
        %dma_wait3A_559 = arith.constant 2 : i32
        %dma_wait3A_560 = arith.constant 0 : i32
        %dma_wait3A_561 = arith.constant 0 : i32
        %dma_wait3A_562 = tpu.memref_slice %arg10[%dma_wait3A_558, %dma_wait3A_560, %dma_wait3A_561] : memref<3x80x128xf32, #tpu.memory_space<vmem>> -> memref<1x80x128xf32, #tpu.memory_space<vmem>>
        %dma_wait3A_563 = tpu.memref_squeeze %dma_wait3A_562 : memref<1x80x128xf32, #tpu.memory_space<vmem>> -> memref<80x128xf32, #tpu.memory_space<vmem>>
        %dma_wait3A_564 = arith.constant 0 : i32
        %dma_wait3A_565 = tpu.memref_slice %arg9[%dma_wait3A_559, %dma_wait3A_564] : memref<3x80xi32, #tpu.memory_space<vmem>> -> memref<1x80xi32, #tpu.memory_space<vmem>>
        %dma_wait3A_566 = tpu.memref_squeeze %dma_wait3A_565 : memref<1x80xi32, #tpu.memory_space<vmem>> -> memref<80xi32, #tpu.memory_space<vmem>>
        %dma_wait3A_567 = arith.constant 0 : i32
        %dma_wait3A_568 = arith.constant 0 : i32
        %dma_wait3A_569 = tpu.memref_slice %arg11[%dma_wait3A_567, %dma_wait3A_568] : memref<10240x128xf32, #tpu.memory_space<vmem_shared>> -> memref<10240x128xf32, #tpu.memory_space<vmem_shared>>
        tpu.wait_indirect_dma semaphore(%arg18 : memref<!tpu.dma_semaphore, #tpu.memory_space<semaphore_mem>>) src(%dma_wait3A_563 : memref<80x128xf32, #tpu.memory_space<vmem>>) dst(%dma_wait3A_569 : memref<10240x128xf32, #tpu.memory_space<vmem_shared>>)
      } else {
      }
      %add3A_308 = arith.constant 2 : i32
      %add3A_309 = arith.addi %add3A_270, %add3A_308 : i32
      %mul3A_310 = arith.constant 80 : i32
      %mul3A_311 = arith.muli %add3A_309, %mul3A_310 : i32
      %add3A_312 = arith.addi %mul3A_4, %mul3A_311 : i32
      %dma_start3A_313 = arith.constant 2 : i32
      %dma_start3A_314 = arith.constant 0 : i32
      %dma_start3A_315 = tpu.memref_slice %arg8[%dma_start3A_313, %dma_start3A_314] : memref<3x96xf32, #tpu.memory_space<vmem>> -> memref<1x80xf32, #tpu.memory_space<vmem>>
      %dma_start3A_316 = tpu.memref_squeeze %dma_start3A_315 : memref<1x80xf32, #tpu.memory_space<vmem>> -> memref<80xf32, #tpu.memory_space<vmem>>
      %dma_start3A_317 = tpu.memref_slice %arg4[%add3A_312] : memref<320000xf32, #tpu.memory_space<hbm>> -> memref<80xf32, #tpu.memory_space<hbm>>
      %dma_start3A_318 = arith.constant 0 : i32
      %dma_start3A_319 = tpu.memref_slice %arg8[%dma_start3A_313, %dma_start3A_318] : memref<3x96xf32, #tpu.memory_space<vmem>> -> memref<1x80xf32, #tpu.memory_space<vmem>>
      %dma_start3A_320 = tpu.memref_squeeze %dma_start3A_319 : memref<1x80xf32, #tpu.memory_space<vmem>> -> memref<80xf32, #tpu.memory_space<vmem>>
      %dma_start3A_321 = tpu.memref_slice %arg4[%add3A_312] : memref<320000xf32, #tpu.memory_space<hbm>> -> memref<80xf32, #tpu.memory_space<hbm>>
      tpu.enqueue_dma source(%dma_start3A_321 : memref<80xf32, #tpu.memory_space<hbm>>) target(%dma_start3A_320 : memref<80xf32, #tpu.memory_space<vmem>>) target_semaphore(%arg15 : memref<!tpu.dma_semaphore, #tpu.memory_space<semaphore_mem>>)
      %mul3A_322 = arith.constant 80 : i32
      %mul3A_323 = arith.muli %add3A_309, %mul3A_322 : i32
      %add3A_324 = arith.addi %mul3A_4, %mul3A_323 : i32
      %dma_start3A_325 = arith.constant 2 : i32
      %dma_start3A_326 = arith.constant 0 : i32
      %dma_start3A_327 = tpu.memref_slice %arg9[%dma_start3A_325, %dma_start3A_326] : memref<3x80xi32, #tpu.memory_space<vmem>> -> memref<1x80xi32, #tpu.memory_space<vmem>>
      %dma_start3A_328 = tpu.memref_squeeze %dma_start3A_327 : memref<1x80xi32, #tpu.memory_space<vmem>> -> memref<80xi32, #tpu.memory_space<vmem>>
      %dma_start3A_329 = tpu.memref_slice %arg2[%add3A_324] : memref<320000xi32, #tpu.memory_space<hbm>> -> memref<80xi32, #tpu.memory_space<hbm>>
      %dma_start3A_330 = arith.constant 0 : i32
      %dma_start3A_331 = tpu.memref_slice %arg9[%dma_start3A_325, %dma_start3A_330] : memref<3x80xi32, #tpu.memory_space<vmem>> -> memref<1x80xi32, #tpu.memory_space<vmem>>
      %dma_start3A_332 = tpu.memref_squeeze %dma_start3A_331 : memref<1x80xi32, #tpu.memory_space<vmem>> -> memref<80xi32, #tpu.memory_space<vmem>>
      %dma_start3A_333 = tpu.memref_slice %arg2[%add3A_324] : memref<320000xi32, #tpu.memory_space<hbm>> -> memref<80xi32, #tpu.memory_space<hbm>>
      tpu.enqueue_dma source(%dma_start3A_333 : memref<80xi32, #tpu.memory_space<hbm>>) target(%dma_start3A_332 : memref<80xi32, #tpu.memory_space<vmem>>) target_semaphore(%arg15 : memref<!tpu.dma_semaphore, #tpu.memory_space<semaphore_mem>>)
      %mul3A_334 = arith.constant 80 : i32
      %mul3A_335 = arith.muli %add3A_309, %mul3A_334 : i32
      %dma_start3A_336 = arith.constant 2 : i32
      %dma_start3A_337 = arith.constant 0 : i32
      %dma_start3A_338 = arith.constant 0 : i32
      %dma_start3A_339 = tpu.memref_slice %arg10[%dma_start3A_336, %dma_start3A_337, %dma_start3A_338] : memref<3x80x128xf32, #tpu.memory_space<vmem>> -> memref<1x80x128xf32, #tpu.memory_space<vmem>>
      %dma_start3A_340 = tpu.memref_squeeze %dma_start3A_339 : memref<1x80x128xf32, #tpu.memory_space<vmem>> -> memref<80x128xf32, #tpu.memory_space<vmem>>
      %dma_start3A_341 = tpu.memref_slice %arg7[%mul3A_335] : memref<10000xi32, #tpu.memory_space<vmem>> -> memref<80xi32, #tpu.memory_space<vmem>>
      %dma_start3A_342 = arith.constant 0 : i32
      %dma_start3A_343 = arith.constant 0 : i32
      %dma_start3A_344 = tpu.memref_slice %arg5[%dma_start3A_342, %dma_start3A_343] : memref<10000x128xf32, #tpu.memory_space<hbm>> -> memref<10000x128xf32, #tpu.memory_space<hbm>>
      tpu.enqueue_indirect_dma source(%dma_start3A_344 : memref<10000x128xf32, #tpu.memory_space<hbm>>) target(%dma_start3A_340 : memref<80x128xf32, #tpu.memory_space<vmem>>) offsets(%dma_start3A_341 : memref<80xi32, #tpu.memory_space<vmem>>) semaphore(%arg15 : memref<!tpu.dma_semaphore, #tpu.memory_space<semaphore_mem>>)
      %dma_start3A_345 = arith.constant 0 : i32
      %dma_start3A_346 = arith.constant 0 : i32
      %dma_start3A_347 = arith.constant 0 : i32
      %dma_start3A_348 = arith.constant 0 : i32
      %dma_start3A_349 = tpu.memref_slice %arg10[%dma_start3A_345, %dma_start3A_347, %dma_start3A_348] : memref<3x80x128xf32, #tpu.memory_space<vmem>> -> memref<1x80x128xf32, #tpu.memory_space<vmem>>
      %dma_start3A_350 = tpu.memref_squeeze %dma_start3A_349 : memref<1x80x128xf32, #tpu.memory_space<vmem>> -> memref<80x128xf32, #tpu.memory_space<vmem>>
      %dma_start3A_351 = arith.constant 0 : i32
      %dma_start3A_352 = tpu.memref_slice %arg9[%dma_start3A_346, %dma_start3A_351] : memref<3x80xi32, #tpu.memory_space<vmem>> -> memref<1x80xi32, #tpu.memory_space<vmem>>
      %dma_start3A_353 = tpu.memref_squeeze %dma_start3A_352 : memref<1x80xi32, #tpu.memory_space<vmem>> -> memref<80xi32, #tpu.memory_space<vmem>>
      %dma_start3A_354 = arith.constant 0 : i32
      %dma_start3A_355 = arith.constant 0 : i32
      %dma_start3A_356 = tpu.memref_slice %arg11[%dma_start3A_354, %dma_start3A_355] : memref<10240x128xf32, #tpu.memory_space<vmem_shared>> -> memref<10240x128xf32, #tpu.memory_space<vmem_shared>>
      tpu.enqueue_indirect_dma source(%dma_start3A_350 : memref<80x128xf32, #tpu.memory_space<vmem>>) target(%dma_start3A_356 : memref<10240x128xf32, #tpu.memory_space<vmem_shared>>) offsets(%dma_start3A_353 : memref<80xi32, #tpu.memory_space<vmem>>) semaphore(%arg16 : memref<!tpu.dma_semaphore, #tpu.memory_space<semaphore_mem>>) {add = true}
      %mul3A_357 = arith.constant 3 : i32
      %mul3A_358 = arith.muli %mul3A_357, %scan3A_265 : i32
      %add3A_359 = arith.constant 1 : i32
      %add3A_360 = arith.addi %mul3A_358, %add3A_359 : i32
      %dma_wait3A_361 = arith.constant 1 : i32
      %dma_wait3A_362 = arith.constant 0 : i32
      %dma_wait3A_363 = tpu.memref_slice %arg8[%dma_wait3A_361, %dma_wait3A_362] : memref<3x96xf32, #tpu.memory_space<vmem>> -> memref<1x80xf32, #tpu.memory_space<vmem>>
      %dma_wait3A_364 = tpu.memref_squeeze %dma_wait3A_363 : memref<1x80xf32, #tpu.memory_space<vmem>> -> memref<80xf32, #tpu.memory_space<vmem>>
      %dma_wait3A_365 = arith.constant 0 : i32
      %dma_wait3A_366 = tpu.memref_slice %arg4[%dma_wait3A_365] : memref<320000xf32, #tpu.memory_space<hbm>> -> memref<80xf32, #tpu.memory_space<hbm>>
      %dma_wait3A_367 = arith.constant 0 : i32
      %dma_wait3A_368 = tpu.memref_slice %arg8[%dma_wait3A_361, %dma_wait3A_367] : memref<3x96xf32, #tpu.memory_space<vmem>> -> memref<1x80xf32, #tpu.memory_space<vmem>>
      %dma_wait3A_369 = tpu.memref_squeeze %dma_wait3A_368 : memref<1x80xf32, #tpu.memory_space<vmem>> -> memref<80xf32, #tpu.memory_space<vmem>>
      %dma_wait3A_370 = arith.constant 0 : i32
      %dma_wait3A_371 = tpu.memref_slice %arg4[%dma_wait3A_370] : memref<320000xf32, #tpu.memory_space<hbm>> -> memref<80xf32, #tpu.memory_space<hbm>>
      tpu.wait_dma2 semaphore(%arg14 : memref<!tpu.dma_semaphore, #tpu.memory_space<semaphore_mem>>) src(%dma_wait3A_371 : memref<80xf32, #tpu.memory_space<hbm>>) dst(%dma_wait3A_369 : memref<80xf32, #tpu.memory_space<vmem>>)
      %dma_wait3A_372 = arith.constant 1 : i32
      %dma_wait3A_373 = arith.constant 0 : i32
      %dma_wait3A_374 = tpu.memref_slice %arg9[%dma_wait3A_372, %dma_wait3A_373] : memref<3x80xi32, #tpu.memory_space<vmem>> -> memref<1x80xi32, #tpu.memory_space<vmem>>
      %dma_wait3A_375 = tpu.memref_squeeze %dma_wait3A_374 : memref<1x80xi32, #tpu.memory_space<vmem>> -> memref<80xi32, #tpu.memory_space<vmem>>
      %dma_wait3A_376 = arith.constant 0 : i32
      %dma_wait3A_377 = tpu.memref_slice %arg2[%dma_wait3A_376] : memref<320000xi32, #tpu.memory_space<hbm>> -> memref<80xi32, #tpu.memory_space<hbm>>
      %dma_wait3A_378 = arith.constant 0 : i32
      %dma_wait3A_379 = tpu.memref_slice %arg9[%dma_wait3A_372, %dma_wait3A_378] : memref<3x80xi32, #tpu.memory_space<vmem>> -> memref<1x80xi32, #tpu.memory_space<vmem>>
      %dma_wait3A_380 = tpu.memref_squeeze %dma_wait3A_379 : memref<1x80xi32, #tpu.memory_space<vmem>> -> memref<80xi32, #tpu.memory_space<vmem>>
      %dma_wait3A_381 = arith.constant 0 : i32
      %dma_wait3A_382 = tpu.memref_slice %arg2[%dma_wait3A_381] : memref<320000xi32, #tpu.memory_space<hbm>> -> memref<80xi32, #tpu.memory_space<hbm>>
      tpu.wait_dma2 semaphore(%arg14 : memref<!tpu.dma_semaphore, #tpu.memory_space<semaphore_mem>>) src(%dma_wait3A_382 : memref<80xi32, #tpu.memory_space<hbm>>) dst(%dma_wait3A_380 : memref<80xi32, #tpu.memory_space<vmem>>)
      %dma_wait3A_383 = arith.constant 1 : i32
      %dma_wait3A_384 = arith.constant 0 : i32
      %dma_wait3A_385 = arith.constant 0 : i32
      %dma_wait3A_386 = tpu.memref_slice %arg10[%dma_wait3A_383, %dma_wait3A_384, %dma_wait3A_385] : memref<3x80x128xf32, #tpu.memory_space<vmem>> -> memref<1x80x128xf32, #tpu.memory_space<vmem>>
      %dma_wait3A_387 = tpu.memref_squeeze %dma_wait3A_386 : memref<1x80x128xf32, #tpu.memory_space<vmem>> -> memref<80x128xf32, #tpu.memory_space<vmem>>
      %dma_wait3A_388 = arith.constant 0 : i32
      %dma_wait3A_389 = tpu.memref_slice %arg7[%dma_wait3A_388] : memref<10000xi32, #tpu.memory_space<vmem>> -> memref<80xi32, #tpu.memory_space<vmem>>
      %dma_wait3A_390 = arith.constant 0 : i32
      %dma_wait3A_391 = arith.constant 0 : i32
      %dma_wait3A_392 = tpu.memref_slice %arg5[%dma_wait3A_390, %dma_wait3A_391] : memref<10000x128xf32, #tpu.memory_space<hbm>> -> memref<10000x128xf32, #tpu.memory_space<hbm>>
      tpu.wait_indirect_dma semaphore(%arg14 : memref<!tpu.dma_semaphore, #tpu.memory_space<semaphore_mem>>) src(%dma_wait3A_392 : memref<10000x128xf32, #tpu.memory_space<hbm>>) dst(%dma_wait3A_387 : memref<80x128xf32, #tpu.memory_space<vmem>>)
      %parallel_loop3A_393 = arith.constant 0 : i32
      %parallel_loop3A_394 = arith.constant 80 : i32
      %parallel_loop3A_395 = arith.constant 1 : i32
      scf.for %parallel_loop3A_558 = %parallel_loop3A_393 to %parallel_loop3A_394 step %parallel_loop3A_395  : i32 {
        %parallel_loop3A_559 = arith.constant 1 : i32
        %parallel_loop3A_560 = arith.index_cast %parallel_loop3A_559 : i32 to index
        %parallel_loop3A_561 = arith.index_cast %parallel_loop3A_558 : i32 to index
        %parallel_loop3A_562 = tpu.vector_load %arg8[%parallel_loop3A_560, %parallel_loop3A_561] {strides = array<i32>} : memref<3x96xf32, #tpu.memory_space<vmem>>, vector<1x16xf32>,
        %parallel_loop3A_563 = vector.shape_cast %parallel_loop3A_562 : vector<1x16xf32> to vector<16xf32>
        %parallel_loop3A_564 = vector.extract_strided_slice %parallel_loop3A_563 {offsets = [0], sizes = [1], strides = [1]} : vector<16xf32> to vector<1xf32>
        %parallel_loop3A_565 = vector.extract %parallel_loop3A_564[0] : f32 from vector<1xf32>
        %parallel_loop3A_566 = vector.broadcast %parallel_loop3A_565 : f32 to vector<16xf32>
        %parallel_loop3A_567 = arith.constant 1 : i32
        %parallel_loop3A_568 = arith.index_cast %parallel_loop3A_567 : i32 to index
        %parallel_loop3A_569 = arith.index_cast %parallel_loop3A_558 : i32 to index
        %parallel_loop3A_570 = arith.constant 0 : index
        %parallel_loop3A_571 = tpu.vector_load %arg10[%parallel_loop3A_568, %parallel_loop3A_569, %parallel_loop3A_570] {strides = array<i32>} : memref<3x80x128xf32, #tpu.memory_space<vmem>>, vector<1x1x16xf32>,
        %parallel_loop3A_572 = vector.shape_cast %parallel_loop3A_571 : vector<1x1x16xf32> to vector<16xf32>
        %parallel_loop3A_573 = arith.mulf %parallel_loop3A_572, %parallel_loop3A_566 : vector<16xf32>
        %parallel_loop3A_574 = arith.constant 1 : i32
        %parallel_loop3A_575 = arith.index_cast %parallel_loop3A_574 : i32 to index
        %parallel_loop3A_576 = arith.index_cast %parallel_loop3A_558 : i32 to index
        %parallel_loop3A_577 = arith.constant 0 : index
        %parallel_loop3A_578 = tpu.vector_load %arg10[%parallel_loop3A_575, %parallel_loop3A_576, %parallel_loop3A_577] {strides = array<i32>} : memref<3x80x128xf32, #tpu.memory_space<vmem>>, vector<1x1x16xf32>,
        %parallel_loop3A_579 = vector.shape_cast %parallel_loop3A_578 : vector<1x1x16xf32> to vector<16xf32>
        %parallel_loop3A_580 = vector.shape_cast %parallel_loop3A_573 : vector<16xf32> to vector<1x1x16xf32>
        tpu.vector_store %arg10[%parallel_loop3A_575, %parallel_loop3A_576, %parallel_loop3A_577], %parallel_loop3A_580 {strides = array<i32>} : memref<3x80x128xf32, #tpu.memory_space<vmem>>, vector<1x1x16xf32>,
        %parallel_loop3A_581 = arith.constant 1 : i32
        %parallel_loop3A_582 = arith.index_cast %parallel_loop3A_581 : i32 to index
        %parallel_loop3A_583 = arith.index_cast %parallel_loop3A_558 : i32 to index
        %parallel_loop3A_584 = arith.constant 16 : index
        %parallel_loop3A_585 = tpu.vector_load %arg10[%parallel_loop3A_582, %parallel_loop3A_583, %parallel_loop3A_584] {strides = array<i32>} : memref<3x80x128xf32, #tpu.memory_space<vmem>>, vector<1x1x16xf32>,
        %parallel_loop3A_586 = vector.shape_cast %parallel_loop3A_585 : vector<1x1x16xf32> to vector<16xf32>
        %parallel_loop3A_587 = arith.mulf %parallel_loop3A_586, %parallel_loop3A_566 : vector<16xf32>
        %parallel_loop3A_588 = arith.constant 1 : i32
        %parallel_loop3A_589 = arith.index_cast %parallel_loop3A_588 : i32 to index
        %parallel_loop3A_590 = arith.index_cast %parallel_loop3A_558 : i32 to index
        %parallel_loop3A_591 = arith.constant 16 : index
        %parallel_loop3A_592 = tpu.vector_load %arg10[%parallel_loop3A_589, %parallel_loop3A_590, %parallel_loop3A_591] {strides = array<i32>} : memref<3x80x128xf32, #tpu.memory_space<vmem>>, vector<1x1x16xf32>,
        %parallel_loop3A_593 = vector.shape_cast %parallel_loop3A_592 : vector<1x1x16xf32> to vector<16xf32>
        %parallel_loop3A_594 = vector.shape_cast %parallel_loop3A_587 : vector<16xf32> to vector<1x1x16xf32>
        tpu.vector_store %arg10[%parallel_loop3A_589, %parallel_loop3A_590, %parallel_loop3A_591], %parallel_loop3A_594 {strides = array<i32>} : memref<3x80x128xf32, #tpu.memory_space<vmem>>, vector<1x1x16xf32>,
        %parallel_loop3A_595 = arith.constant 1 : i32
        %parallel_loop3A_596 = arith.index_cast %parallel_loop3A_595 : i32 to index
        %parallel_loop3A_597 = arith.index_cast %parallel_loop3A_558 : i32 to index
        %parallel_loop3A_598 = arith.constant 32 : index
        %parallel_loop3A_599 = tpu.vector_load %arg10[%parallel_loop3A_596, %parallel_loop3A_597, %parallel_loop3A_598] {strides = array<i32>} : memref<3x80x128xf32, #tpu.memory_space<vmem>>, vector<1x1x16xf32>,
        %parallel_loop3A_600 = vector.shape_cast %parallel_loop3A_599 : vector<1x1x16xf32> to vector<16xf32>
        %parallel_loop3A_601 = arith.mulf %parallel_loop3A_600, %parallel_loop3A_566 : vector<16xf32>
        %parallel_loop3A_602 = arith.constant 1 : i32
        %parallel_loop3A_603 = arith.index_cast %parallel_loop3A_602 : i32 to index
        %parallel_loop3A_604 = arith.index_cast %parallel_loop3A_558 : i32 to index
        %parallel_loop3A_605 = arith.constant 32 : index
        %parallel_loop3A_606 = tpu.vector_load %arg10[%parallel_loop3A_603, %parallel_loop3A_604, %parallel_loop3A_605] {strides = array<i32>} : memref<3x80x128xf32, #tpu.memory_space<vmem>>, vector<1x1x16xf32>,
        %parallel_loop3A_607 = vector.shape_cast %parallel_loop3A_606 : vector<1x1x16xf32> to vector<16xf32>
        %parallel_loop3A_608 = vector.shape_cast %parallel_loop3A_601 : vector<16xf32> to vector<1x1x16xf32>
        tpu.vector_store %arg10[%parallel_loop3A_603, %parallel_loop3A_604, %parallel_loop3A_605], %parallel_loop3A_608 {strides = array<i32>} : memref<3x80x128xf32, #tpu.memory_space<vmem>>, vector<1x1x16xf32>,
        %parallel_loop3A_609 = arith.constant 1 : i32
        %parallel_loop3A_610 = arith.index_cast %parallel_loop3A_609 : i32 to index
        %parallel_loop3A_611 = arith.index_cast %parallel_loop3A_558 : i32 to index
        %parallel_loop3A_612 = arith.constant 48 : index
        %parallel_loop3A_613 = tpu.vector_load %arg10[%parallel_loop3A_610, %parallel_loop3A_611, %parallel_loop3A_612] {strides = array<i32>} : memref<3x80x128xf32, #tpu.memory_space<vmem>>, vector<1x1x16xf32>,
        %parallel_loop3A_614 = vector.shape_cast %parallel_loop3A_613 : vector<1x1x16xf32> to vector<16xf32>
        %parallel_loop3A_615 = arith.mulf %parallel_loop3A_614, %parallel_loop3A_566 : vector<16xf32>
        %parallel_loop3A_616 = arith.constant 1 : i32
        %parallel_loop3A_617 = arith.index_cast %parallel_loop3A_616 : i32 to index
        %parallel_loop3A_618 = arith.index_cast %parallel_loop3A_558 : i32 to index
        %parallel_loop3A_619 = arith.constant 48 : index
        %parallel_loop3A_620 = tpu.vector_load %arg10[%parallel_loop3A_617, %parallel_loop3A_618, %parallel_loop3A_619] {strides = array<i32>} : memref<3x80x128xf32, #tpu.memory_space<vmem>>, vector<1x1x16xf32>,
        %parallel_loop3A_621 = vector.shape_cast %parallel_loop3A_620 : vector<1x1x16xf32> to vector<16xf32>
        %parallel_loop3A_622 = vector.shape_cast %parallel_loop3A_615 : vector<16xf32> to vector<1x1x16xf32>
        tpu.vector_store %arg10[%parallel_loop3A_617, %parallel_loop3A_618, %parallel_loop3A_619], %parallel_loop3A_622 {strides = array<i32>} : memref<3x80x128xf32, #tpu.memory_space<vmem>>, vector<1x1x16xf32>,
        %parallel_loop3A_623 = arith.constant 1 : i32
        %parallel_loop3A_624 = arith.index_cast %parallel_loop3A_623 : i32 to index
        %parallel_loop3A_625 = arith.index_cast %parallel_loop3A_558 : i32 to index
        %parallel_loop3A_626 = arith.constant 64 : index
        %parallel_loop3A_627 = tpu.vector_load %arg10[%parallel_loop3A_624, %parallel_loop3A_625, %parallel_loop3A_626] {strides = array<i32>} : memref<3x80x128xf32, #tpu.memory_space<vmem>>, vector<1x1x16xf32>,
        %parallel_loop3A_628 = vector.shape_cast %parallel_loop3A_627 : vector<1x1x16xf32> to vector<16xf32>
        %parallel_loop3A_629 = arith.mulf %parallel_loop3A_628, %parallel_loop3A_566 : vector<16xf32>
        %parallel_loop3A_630 = arith.constant 1 : i32
        %parallel_loop3A_631 = arith.index_cast %parallel_loop3A_630 : i32 to index
        %parallel_loop3A_632 = arith.index_cast %parallel_loop3A_558 : i32 to index
        %parallel_loop3A_633 = arith.constant 64 : index
        %parallel_loop3A_634 = tpu.vector_load %arg10[%parallel_loop3A_631, %parallel_loop3A_632, %parallel_loop3A_633] {strides = array<i32>} : memref<3x80x128xf32, #tpu.memory_space<vmem>>, vector<1x1x16xf32>,
        %parallel_loop3A_635 = vector.shape_cast %parallel_loop3A_634 : vector<1x1x16xf32> to vector<16xf32>
        %parallel_loop3A_636 = vector.shape_cast %parallel_loop3A_629 : vector<16xf32> to vector<1x1x16xf32>
        tpu.vector_store %arg10[%parallel_loop3A_631, %parallel_loop3A_632, %parallel_loop3A_633], %parallel_loop3A_636 {strides = array<i32>} : memref<3x80x128xf32, #tpu.memory_space<vmem>>, vector<1x1x16xf32>,
        %parallel_loop3A_637 = arith.constant 1 : i32
        %parallel_loop3A_638 = arith.index_cast %parallel_loop3A_637 : i32 to index
        %parallel_loop3A_639 = arith.index_cast %parallel_loop3A_558 : i32 to index
        %parallel_loop3A_640 = arith.constant 80 : index
        %parallel_loop3A_641 = tpu.vector_load %arg10[%parallel_loop3A_638, %parallel_loop3A_639, %parallel_loop3A_640] {strides = array<i32>} : memref<3x80x128xf32, #tpu.memory_space<vmem>>, vector<1x1x16xf32>,
        %parallel_loop3A_642 = vector.shape_cast %parallel_loop3A_641 : vector<1x1x16xf32> to vector<16xf32>
        %parallel_loop3A_643 = arith.mulf %parallel_loop3A_642, %parallel_loop3A_566 : vector<16xf32>
        %parallel_loop3A_644 = arith.constant 1 : i32
        %parallel_loop3A_645 = arith.index_cast %parallel_loop3A_644 : i32 to index
        %parallel_loop3A_646 = arith.index_cast %parallel_loop3A_558 : i32 to index
        %parallel_loop3A_647 = arith.constant 80 : index
        %parallel_loop3A_648 = tpu.vector_load %arg10[%parallel_loop3A_645, %parallel_loop3A_646, %parallel_loop3A_647] {strides = array<i32>} : memref<3x80x128xf32, #tpu.memory_space<vmem>>, vector<1x1x16xf32>,
        %parallel_loop3A_649 = vector.shape_cast %parallel_loop3A_648 : vector<1x1x16xf32> to vector<16xf32>
        %parallel_loop3A_650 = vector.shape_cast %parallel_loop3A_643 : vector<16xf32> to vector<1x1x16xf32>
        tpu.vector_store %arg10[%parallel_loop3A_645, %parallel_loop3A_646, %parallel_loop3A_647], %parallel_loop3A_650 {strides = array<i32>} : memref<3x80x128xf32, #tpu.memory_space<vmem>>, vector<1x1x16xf32>,
        %parallel_loop3A_651 = arith.constant 1 : i32
        %parallel_loop3A_652 = arith.index_cast %parallel_loop3A_651 : i32 to index
        %parallel_loop3A_653 = arith.index_cast %parallel_loop3A_558 : i32 to index
        %parallel_loop3A_654 = arith.constant 96 : index
        %parallel_loop3A_655 = tpu.vector_load %arg10[%parallel_loop3A_652, %parallel_loop3A_653, %parallel_loop3A_654] {strides = array<i32>} : memref<3x80x128xf32, #tpu.memory_space<vmem>>, vector<1x1x16xf32>,
        %parallel_loop3A_656 = vector.shape_cast %parallel_loop3A_655 : vector<1x1x16xf32> to vector<16xf32>
        %parallel_loop3A_657 = arith.mulf %parallel_loop3A_656, %parallel_loop3A_566 : vector<16xf32>
        %parallel_loop3A_658 = arith.constant 1 : i32
        %parallel_loop3A_659 = arith.index_cast %parallel_loop3A_658 : i32 to index
        %parallel_loop3A_660 = arith.index_cast %parallel_loop3A_558 : i32 to index
        %parallel_loop3A_661 = arith.constant 96 : index
        %parallel_loop3A_662 = tpu.vector_load %arg10[%parallel_loop3A_659, %parallel_loop3A_660, %parallel_loop3A_661] {strides = array<i32>} : memref<3x80x128xf32, #tpu.memory_space<vmem>>, vector<1x1x16xf32>,
        %parallel_loop3A_663 = vector.shape_cast %parallel_loop3A_662 : vector<1x1x16xf32> to vector<16xf32>
        %parallel_loop3A_664 = vector.shape_cast %parallel_loop3A_657 : vector<16xf32> to vector<1x1x16xf32>
        tpu.vector_store %arg10[%parallel_loop3A_659, %parallel_loop3A_660, %parallel_loop3A_661], %parallel_loop3A_664 {strides = array<i32>} : memref<3x80x128xf32, #tpu.memory_space<vmem>>, vector<1x1x16xf32>,
        %parallel_loop3A_665 = arith.constant 1 : i32
        %parallel_loop3A_666 = arith.index_cast %parallel_loop3A_665 : i32 to index
        %parallel_loop3A_667 = arith.index_cast %parallel_loop3A_558 : i32 to index
        %parallel_loop3A_668 = arith.constant 112 : index
        %parallel_loop3A_669 = tpu.vector_load %arg10[%parallel_loop3A_666, %parallel_loop3A_667, %parallel_loop3A_668] {strides = array<i32>} : memref<3x80x128xf32, #tpu.memory_space<vmem>>, vector<1x1x16xf32>,
        %parallel_loop3A_670 = vector.shape_cast %parallel_loop3A_669 : vector<1x1x16xf32> to vector<16xf32>
        %parallel_loop3A_671 = arith.mulf %parallel_loop3A_670, %parallel_loop3A_566 : vector<16xf32>
        %parallel_loop3A_672 = arith.constant 1 : i32
        %parallel_loop3A_673 = arith.index_cast %parallel_loop3A_672 : i32 to index
        %parallel_loop3A_674 = arith.index_cast %parallel_loop3A_558 : i32 to index
        %parallel_loop3A_675 = arith.constant 112 : index
        %parallel_loop3A_676 = tpu.vector_load %arg10[%parallel_loop3A_673, %parallel_loop3A_674, %parallel_loop3A_675] {strides = array<i32>} : memref<3x80x128xf32, #tpu.memory_space<vmem>>, vector<1x1x16xf32>,
        %parallel_loop3A_677 = vector.shape_cast %parallel_loop3A_676 : vector<1x1x16xf32> to vector<16xf32>
        %parallel_loop3A_678 = vector.shape_cast %parallel_loop3A_671 : vector<16xf32> to vector<1x1x16xf32>
        tpu.vector_store %arg10[%parallel_loop3A_673, %parallel_loop3A_674, %parallel_loop3A_675], %parallel_loop3A_678 {strides = array<i32>} : memref<3x80x128xf32, #tpu.memory_space<vmem>>, vector<1x1x16xf32>,
      } {sc.loop_unroll_factor = 8 : i64, sc.parallel_access}
      %dma_wait3A_396 = arith.constant 0 : i32
      %dma_wait3A_397 = arith.constant 0 : i32
      %dma_wait3A_398 = arith.constant 0 : i32
      %dma_wait3A_399 = arith.constant 0 : i32
      %dma_wait3A_400 = tpu.memref_slice %arg10[%dma_wait3A_396, %dma_wait3A_398, %dma_wait3A_399] : memref<3x80x128xf32, #tpu.memory_space<vmem>> -> memref<1x80x128xf32, #tpu.memory_space<vmem>>
      %dma_wait3A_401 = tpu.memref_squeeze %dma_wait3A_400 : memref<1x80x128xf32, #tpu.memory_space<vmem>> -> memref<80x128xf32, #tpu.memory_space<vmem>>
      %dma_wait3A_402 = arith.constant 0 : i32
      %dma_wait3A_403 = tpu.memref_slice %arg9[%dma_wait3A_397, %dma_wait3A_402] : memref<3x80xi32, #tpu.memory_space<vmem>> -> memref<1x80xi32, #tpu.memory_space<vmem>>
      %dma_wait3A_404 = tpu.memref_squeeze %dma_wait3A_403 : memref<1x80xi32, #tpu.memory_space<vmem>> -> memref<80xi32, #tpu.memory_space<vmem>>
      %dma_wait3A_405 = arith.constant 0 : i32
      %dma_wait3A_406 = arith.constant 0 : i32
      %dma_wait3A_407 = tpu.memref_slice %arg11[%dma_wait3A_405, %dma_wait3A_406] : memref<10240x128xf32, #tpu.memory_space<vmem_shared>> -> memref<10240x128xf32, #tpu.memory_space<vmem_shared>>
      tpu.wait_indirect_dma semaphore(%arg16 : memref<!tpu.dma_semaphore, #tpu.memory_space<semaphore_mem>>) src(%dma_wait3A_401 : memref<80x128xf32, #tpu.memory_space<vmem>>) dst(%dma_wait3A_407 : memref<10240x128xf32, #tpu.memory_space<vmem_shared>>)
      %add3A_408 = arith.constant 2 : i32
      %add3A_409 = arith.addi %add3A_360, %add3A_408 : i32
      %mul3A_410 = arith.constant 80 : i32
      %mul3A_411 = arith.muli %add3A_409, %mul3A_410 : i32
      %add3A_412 = arith.addi %mul3A_4, %mul3A_411 : i32
      %dma_start3A_413 = arith.constant 0 : i32
      %dma_start3A_414 = arith.constant 0 : i32
      %dma_start3A_415 = tpu.memref_slice %arg8[%dma_start3A_413, %dma_start3A_414] : memref<3x96xf32, #tpu.memory_space<vmem>> -> memref<1x80xf32, #tpu.memory_space<vmem>>
      %dma_start3A_416 = tpu.memref_squeeze %dma_start3A_415 : memref<1x80xf32, #tpu.memory_space<vmem>> -> memref<80xf32, #tpu.memory_space<vmem>>
      %dma_start3A_417 = tpu.memref_slice %arg4[%add3A_412] : memref<320000xf32, #tpu.memory_space<hbm>> -> memref<80xf32, #tpu.memory_space<hbm>>
      %dma_start3A_418 = arith.constant 0 : i32
      %dma_start3A_419 = tpu.memref_slice %arg8[%dma_start3A_413, %dma_start3A_418] : memref<3x96xf32, #tpu.memory_space<vmem>> -> memref<1x80xf32, #tpu.memory_space<vmem>>
      %dma_start3A_420 = tpu.memref_squeeze %dma_start3A_419 : memref<1x80xf32, #tpu.memory_space<vmem>> -> memref<80xf32, #tpu.memory_space<vmem>>
      %dma_start3A_421 = tpu.memref_slice %arg4[%add3A_412] : memref<320000xf32, #tpu.memory_space<hbm>> -> memref<80xf32, #tpu.memory_space<hbm>>
      tpu.enqueue_dma source(%dma_start3A_421 : memref<80xf32, #tpu.memory_space<hbm>>) target(%dma_start3A_420 : memref<80xf32, #tpu.memory_space<vmem>>) target_semaphore(%arg13 : memref<!tpu.dma_semaphore, #tpu.memory_space<semaphore_mem>>)
      %mul3A_422 = arith.constant 80 : i32
      %mul3A_423 = arith.muli %add3A_409, %mul3A_422 : i32
      %add3A_424 = arith.addi %mul3A_4, %mul3A_423 : i32
      %dma_start3A_425 = arith.constant 0 : i32
      %dma_start3A_426 = arith.constant 0 : i32
      %dma_start3A_427 = tpu.memref_slice %arg9[%dma_start3A_425, %dma_start3A_426] : memref<3x80xi32, #tpu.memory_space<vmem>> -> memref<1x80xi32, #tpu.memory_space<vmem>>
      %dma_start3A_428 = tpu.memref_squeeze %dma_start3A_427 : memref<1x80xi32, #tpu.memory_space<vmem>> -> memref<80xi32, #tpu.memory_space<vmem>>
      %dma_start3A_429 = tpu.memref_slice %arg2[%add3A_424] : memref<320000xi32, #tpu.memory_space<hbm>> -> memref<80xi32, #tpu.memory_space<hbm>>
      %dma_start3A_430 = arith.constant 0 : i32
      %dma_start3A_431 = tpu.memref_slice %arg9[%dma_start3A_425, %dma_start3A_430] : memref<3x80xi32, #tpu.memory_space<vmem>> -> memref<1x80xi32, #tpu.memory_space<vmem>>
      %dma_start3A_432 = tpu.memref_squeeze %dma_start3A_431 : memref<1x80xi32, #tpu.memory_space<vmem>> -> memref<80xi32, #tpu.memory_space<vmem>>
      %dma_start3A_433 = tpu.memref_slice %arg2[%add3A_424] : memref<320000xi32, #tpu.memory_space<hbm>> -> memref<80xi32, #tpu.memory_space<hbm>>
      tpu.enqueue_dma source(%dma_start3A_433 : memref<80xi32, #tpu.memory_space<hbm>>) target(%dma_start3A_432 : memref<80xi32, #tpu.memory_space<vmem>>) target_semaphore(%arg13 : memref<!tpu.dma_semaphore, #tpu.memory_space<semaphore_mem>>)
      %mul3A_434 = arith.constant 80 : i32
      %mul3A_435 = arith.muli %add3A_409, %mul3A_434 : i32
      %dma_start3A_436 = arith.constant 0 : i32
      %dma_start3A_437 = arith.constant 0 : i32
      %dma_start3A_438 = arith.constant 0 : i32
      %dma_start3A_439 = tpu.memref_slice %arg10[%dma_start3A_436, %dma_start3A_437, %dma_start3A_438] : memref<3x80x128xf32, #tpu.memory_space<vmem>> -> memref<1x80x128xf32, #tpu.memory_space<vmem>>
      %dma_start3A_440 = tpu.memref_squeeze %dma_start3A_439 : memref<1x80x128xf32, #tpu.memory_space<vmem>> -> memref<80x128xf32, #tpu.memory_space<vmem>>
      %dma_start3A_441 = tpu.memref_slice %arg7[%mul3A_435] : memref<10000xi32, #tpu.memory_space<vmem>> -> memref<80xi32, #tpu.memory_space<vmem>>
      %dma_start3A_442 = arith.constant 0 : i32
      %dma_start3A_443 = arith.constant 0 : i32
      %dma_start3A_444 = tpu.memref_slice %arg5[%dma_start3A_442, %dma_start3A_443] : memref<10000x128xf32, #tpu.memory_space<hbm>> -> memref<10000x128xf32, #tpu.memory_space<hbm>>
      tpu.enqueue_indirect_dma source(%dma_start3A_444 : memref<10000x128xf32, #tpu.memory_space<hbm>>) target(%dma_start3A_440 : memref<80x128xf32, #tpu.memory_space<vmem>>) offsets(%dma_start3A_441 : memref<80xi32, #tpu.memory_space<vmem>>) semaphore(%arg13 : memref<!tpu.dma_semaphore, #tpu.memory_space<semaphore_mem>>)
      %dma_start3A_445 = arith.constant 1 : i32
      %dma_start3A_446 = arith.constant 1 : i32
      %dma_start3A_447 = arith.constant 0 : i32
      %dma_start3A_448 = arith.constant 0 : i32
      %dma_start3A_449 = tpu.memref_slice %arg10[%dma_start3A_445, %dma_start3A_447, %dma_start3A_448] : memref<3x80x128xf32, #tpu.memory_space<vmem>> -> memref<1x80x128xf32, #tpu.memory_space<vmem>>
      %dma_start3A_450 = tpu.memref_squeeze %dma_start3A_449 : memref<1x80x128xf32, #tpu.memory_space<vmem>> -> memref<80x128xf32, #tpu.memory_space<vmem>>
      %dma_start3A_451 = arith.constant 0 : i32
      %dma_start3A_452 = tpu.memref_slice %arg9[%dma_start3A_446, %dma_start3A_451] : memref<3x80xi32, #tpu.memory_space<vmem>> -> memref<1x80xi32, #tpu.memory_space<vmem>>
      %dma_start3A_453 = tpu.memref_squeeze %dma_start3A_452 : memref<1x80xi32, #tpu.memory_space<vmem>> -> memref<80xi32, #tpu.memory_space<vmem>>
      %dma_start3A_454 = arith.constant 0 : i32
      %dma_start3A_455 = arith.constant 0 : i32
      %dma_start3A_456 = tpu.memref_slice %arg11[%dma_start3A_454, %dma_start3A_455] : memref<10240x128xf32, #tpu.memory_space<vmem_shared>> -> memref<10240x128xf32, #tpu.memory_space<vmem_shared>>
      tpu.enqueue_indirect_dma source(%dma_start3A_450 : memref<80x128xf32, #tpu.memory_space<vmem>>) target(%dma_start3A_456 : memref<10240x128xf32, #tpu.memory_space<vmem_shared>>) offsets(%dma_start3A_453 : memref<80xi32, #tpu.memory_space<vmem>>) semaphore(%arg17 : memref<!tpu.dma_semaphore, #tpu.memory_space<semaphore_mem>>) {add = true}
      %mul3A_457 = arith.constant 3 : i32
      %mul3A_458 = arith.muli %mul3A_457, %scan3A_265 : i32
      %add3A_459 = arith.constant 2 : i32
      %add3A_460 = arith.addi %mul3A_458, %add3A_459 : i32
      %dma_wait3A_461 = arith.constant 2 : i32
      %dma_wait3A_462 = arith.constant 0 : i32
      %dma_wait3A_463 = tpu.memref_slice %arg8[%dma_wait3A_461, %dma_wait3A_462] : memref<3x96xf32, #tpu.memory_space<vmem>> -> memref<1x80xf32, #tpu.memory_space<vmem>>
      %dma_wait3A_464 = tpu.memref_squeeze %dma_wait3A_463 : memref<1x80xf32, #tpu.memory_space<vmem>> -> memref<80xf32, #tpu.memory_space<vmem>>
      %dma_wait3A_465 = arith.constant 0 : i32
      %dma_wait3A_466 = tpu.memref_slice %arg4[%dma_wait3A_465] : memref<320000xf32, #tpu.memory_space<hbm>> -> memref<80xf32, #tpu.memory_space<hbm>>
      %dma_wait3A_467 = arith.constant 0 : i32
      %dma_wait3A_468 = tpu.memref_slice %arg8[%dma_wait3A_461, %dma_wait3A_467] : memref<3x96xf32, #tpu.memory_space<vmem>> -> memref<1x80xf32, #tpu.memory_space<vmem>>
      %dma_wait3A_469 = tpu.memref_squeeze %dma_wait3A_468 : memref<1x80xf32, #tpu.memory_space<vmem>> -> memref<80xf32, #tpu.memory_space<vmem>>
      %dma_wait3A_470 = arith.constant 0 : i32
      %dma_wait3A_471 = tpu.memref_slice %arg4[%dma_wait3A_470] : memref<320000xf32, #tpu.memory_space<hbm>> -> memref<80xf32, #tpu.memory_space<hbm>>
      tpu.wait_dma2 semaphore(%arg15 : memref<!tpu.dma_semaphore, #tpu.memory_space<semaphore_mem>>) src(%dma_wait3A_471 : memref<80xf32, #tpu.memory_space<hbm>>) dst(%dma_wait3A_469 : memref<80xf32, #tpu.memory_space<vmem>>)
      %dma_wait3A_472 = arith.constant 2 : i32
      %dma_wait3A_473 = arith.constant 0 : i32
      %dma_wait3A_474 = tpu.memref_slice %arg9[%dma_wait3A_472, %dma_wait3A_473] : memref<3x80xi32, #tpu.memory_space<vmem>> -> memref<1x80xi32, #tpu.memory_space<vmem>>
      %dma_wait3A_475 = tpu.memref_squeeze %dma_wait3A_474 : memref<1x80xi32, #tpu.memory_space<vmem>> -> memref<80xi32, #tpu.memory_space<vmem>>
      %dma_wait3A_476 = arith.constant 0 : i32
      %dma_wait3A_477 = tpu.memref_slice %arg2[%dma_wait3A_476] : memref<320000xi32, #tpu.memory_space<hbm>> -> memref<80xi32, #tpu.memory_space<hbm>>
      %dma_wait3A_478 = arith.constant 0 : i32
      %dma_wait3A_479 = tpu.memref_slice %arg9[%dma_wait3A_472, %dma_wait3A_478] : memref<3x80xi32, #tpu.memory_space<vmem>> -> memref<1x80xi32, #tpu.memory_space<vmem>>
      %dma_wait3A_480 = tpu.memref_squeeze %dma_wait3A_479 : memref<1x80xi32, #tpu.memory_space<vmem>> -> memref<80xi32, #tpu.memory_space<vmem>>
      %dma_wait3A_481 = arith.constant 0 : i32
      %dma_wait3A_482 = tpu.memref_slice %arg2[%dma_wait3A_481] : memref<320000xi32, #tpu.memory_space<hbm>> -> memref<80xi32, #tpu.memory_space<hbm>>
      tpu.wait_dma2 semaphore(%arg15 : memref<!tpu.dma_semaphore, #tpu.memory_space<semaphore_mem>>) src(%dma_wait3A_482 : memref<80xi32, #tpu.memory_space<hbm>>) dst(%dma_wait3A_480 : memref<80xi32, #tpu.memory_space<vmem>>)
      %dma_wait3A_483 = arith.constant 2 : i32
      %dma_wait3A_484 = arith.constant 0 : i32
      %dma_wait3A_485 = arith.constant 0 : i32
      %dma_wait3A_486 = tpu.memref_slice %arg10[%dma_wait3A_483, %dma_wait3A_484, %dma_wait3A_485] : memref<3x80x128xf32, #tpu.memory_space<vmem>> -> memref<1x80x128xf32, #tpu.memory_space<vmem>>
      %dma_wait3A_487 = tpu.memref_squeeze %dma_wait3A_486 : memref<1x80x128xf32, #tpu.memory_space<vmem>> -> memref<80x128xf32, #tpu.memory_space<vmem>>
      %dma_wait3A_488 = arith.constant 0 : i32
      %dma_wait3A_489 = tpu.memref_slice %arg7[%dma_wait3A_488] : memref<10000xi32, #tpu.memory_space<vmem>> -> memref<80xi32, #tpu.memory_space<vmem>>
      %dma_wait3A_490 = arith.constant 0 : i32
      %dma_wait3A_491 = arith.constant 0 : i32
      %dma_wait3A_492 = tpu.memref_slice %arg5[%dma_wait3A_490, %dma_wait3A_491] : memref<10000x128xf32, #tpu.memory_space<hbm>> -> memref<10000x128xf32, #tpu.memory_space<hbm>>
      tpu.wait_indirect_dma semaphore(%arg15 : memref<!tpu.dma_semaphore, #tpu.memory_space<semaphore_mem>>) src(%dma_wait3A_492 : memref<10000x128xf32, #tpu.memory_space<hbm>>) dst(%dma_wait3A_487 : memref<80x128xf32, #tpu.memory_space<vmem>>)
      %parallel_loop3A_493 = arith.constant 0 : i32
      %parallel_loop3A_494 = arith.constant 80 : i32
      %parallel_loop3A_495 = arith.constant 1 : i32
      scf.for %parallel_loop3A_558 = %parallel_loop3A_493 to %parallel_loop3A_494 step %parallel_loop3A_495  : i32 {
        %parallel_loop3A_559 = arith.constant 2 : i32
        %parallel_loop3A_560 = arith.index_cast %parallel_loop3A_559 : i32 to index
        %parallel_loop3A_561 = arith.index_cast %parallel_loop3A_558 : i32 to index
        %parallel_loop3A_562 = tpu.vector_load %arg8[%parallel_loop3A_560, %parallel_loop3A_561] {strides = array<i32>} : memref<3x96xf32, #tpu.memory_space<vmem>>, vector<1x16xf32>,
        %parallel_loop3A_563 = vector.shape_cast %parallel_loop3A_562 : vector<1x16xf32> to vector<16xf32>
        %parallel_loop3A_564 = vector.extract_strided_slice %parallel_loop3A_563 {offsets = [0], sizes = [1], strides = [1]} : vector<16xf32> to vector<1xf32>
        %parallel_loop3A_565 = vector.extract %parallel_loop3A_564[0] : f32 from vector<1xf32>
        %parallel_loop3A_566 = vector.broadcast %parallel_loop3A_565 : f32 to vector<16xf32>
        %parallel_loop3A_567 = arith.constant 2 : i32
        %parallel_loop3A_568 = arith.index_cast %parallel_loop3A_567 : i32 to index
        %parallel_loop3A_569 = arith.index_cast %parallel_loop3A_558 : i32 to index
        %parallel_loop3A_570 = arith.constant 0 : index
        %parallel_loop3A_571 = tpu.vector_load %arg10[%parallel_loop3A_568, %parallel_loop3A_569, %parallel_loop3A_570] {strides = array<i32>} : memref<3x80x128xf32, #tpu.memory_space<vmem>>, vector<1x1x16xf32>,
        %parallel_loop3A_572 = vector.shape_cast %parallel_loop3A_571 : vector<1x1x16xf32> to vector<16xf32>
        %parallel_loop3A_573 = arith.mulf %parallel_loop3A_572, %parallel_loop3A_566 : vector<16xf32>
        %parallel_loop3A_574 = arith.constant 2 : i32
        %parallel_loop3A_575 = arith.index_cast %parallel_loop3A_574 : i32 to index
        %parallel_loop3A_576 = arith.index_cast %parallel_loop3A_558 : i32 to index
        %parallel_loop3A_577 = arith.constant 0 : index
        %parallel_loop3A_578 = tpu.vector_load %arg10[%parallel_loop3A_575, %parallel_loop3A_576, %parallel_loop3A_577] {strides = array<i32>} : memref<3x80x128xf32, #tpu.memory_space<vmem>>, vector<1x1x16xf32>,
        %parallel_loop3A_579 = vector.shape_cast %parallel_loop3A_578 : vector<1x1x16xf32> to vector<16xf32>
        %parallel_loop3A_580 = vector.shape_cast %parallel_loop3A_573 : vector<16xf32> to vector<1x1x16xf32>
        tpu.vector_store %arg10[%parallel_loop3A_575, %parallel_loop3A_576, %parallel_loop3A_577], %parallel_loop3A_580 {strides = array<i32>} : memref<3x80x128xf32, #tpu.memory_space<vmem>>, vector<1x1x16xf32>,
        %parallel_loop3A_581 = arith.constant 2 : i32
        %parallel_loop3A_582 = arith.index_cast %parallel_loop3A_581 : i32 to index
        %parallel_loop3A_583 = arith.index_cast %parallel_loop3A_558 : i32 to index
        %parallel_loop3A_584 = arith.constant 16 : index
        %parallel_loop3A_585 = tpu.vector_load %arg10[%parallel_loop3A_582, %parallel_loop3A_583, %parallel_loop3A_584] {strides = array<i32>} : memref<3x80x128xf32, #tpu.memory_space<vmem>>, vector<1x1x16xf32>,
        %parallel_loop3A_586 = vector.shape_cast %parallel_loop3A_585 : vector<1x1x16xf32> to vector<16xf32>
        %parallel_loop3A_587 = arith.mulf %parallel_loop3A_586, %parallel_loop3A_566 : vector<16xf32>
        %parallel_loop3A_588 = arith.constant 2 : i32
        %parallel_loop3A_589 = arith.index_cast %parallel_loop3A_588 : i32 to index
        %parallel_loop3A_590 = arith.index_cast %parallel_loop3A_558 : i32 to index
        %parallel_loop3A_591 = arith.constant 16 : index
        %parallel_loop3A_592 = tpu.vector_load %arg10[%parallel_loop3A_589, %parallel_loop3A_590, %parallel_loop3A_591] {strides = array<i32>} : memref<3x80x128xf32, #tpu.memory_space<vmem>>, vector<1x1x16xf32>,
        %parallel_loop3A_593 = vector.shape_cast %parallel_loop3A_592 : vector<1x1x16xf32> to vector<16xf32>
        %parallel_loop3A_594 = vector.shape_cast %parallel_loop3A_587 : vector<16xf32> to vector<1x1x16xf32>
        tpu.vector_store %arg10[%parallel_loop3A_589, %parallel_loop3A_590, %parallel_loop3A_591], %parallel_loop3A_594 {strides = array<i32>} : memref<3x80x128xf32, #tpu.memory_space<vmem>>, vector<1x1x16xf32>,
        %parallel_loop3A_595 = arith.constant 2 : i32
        %parallel_loop3A_596 = arith.index_cast %parallel_loop3A_595 : i32 to index
        %parallel_loop3A_597 = arith.index_cast %parallel_loop3A_558 : i32 to index
        %parallel_loop3A_598 = arith.constant 32 : index
        %parallel_loop3A_599 = tpu.vector_load %arg10[%parallel_loop3A_596, %parallel_loop3A_597, %parallel_loop3A_598] {strides = array<i32>} : memref<3x80x128xf32, #tpu.memory_space<vmem>>, vector<1x1x16xf32>,
        %parallel_loop3A_600 = vector.shape_cast %parallel_loop3A_599 : vector<1x1x16xf32> to vector<16xf32>
        %parallel_loop3A_601 = arith.mulf %parallel_loop3A_600, %parallel_loop3A_566 : vector<16xf32>
        %parallel_loop3A_602 = arith.constant 2 : i32
        %parallel_loop3A_603 = arith.index_cast %parallel_loop3A_602 : i32 to index
        %parallel_loop3A_604 = arith.index_cast %parallel_loop3A_558 : i32 to index
        %parallel_loop3A_605 = arith.constant 32 : index
        %parallel_loop3A_606 = tpu.vector_load %arg10[%parallel_loop3A_603, %parallel_loop3A_604, %parallel_loop3A_605] {strides = array<i32>} : memref<3x80x128xf32, #tpu.memory_space<vmem>>, vector<1x1x16xf32>,
        %parallel_loop3A_607 = vector.shape_cast %parallel_loop3A_606 : vector<1x1x16xf32> to vector<16xf32>
        %parallel_loop3A_608 = vector.shape_cast %parallel_loop3A_601 : vector<16xf32> to vector<1x1x16xf32>
        tpu.vector_store %arg10[%parallel_loop3A_603, %parallel_loop3A_604, %parallel_loop3A_605], %parallel_loop3A_608 {strides = array<i32>} : memref<3x80x128xf32, #tpu.memory_space<vmem>>, vector<1x1x16xf32>,
        %parallel_loop3A_609 = arith.constant 2 : i32
        %parallel_loop3A_610 = arith.index_cast %parallel_loop3A_609 : i32 to index
        %parallel_loop3A_611 = arith.index_cast %parallel_loop3A_558 : i32 to index
        %parallel_loop3A_612 = arith.constant 48 : index
        %parallel_loop3A_613 = tpu.vector_load %arg10[%parallel_loop3A_610, %parallel_loop3A_611, %parallel_loop3A_612] {strides = array<i32>} : memref<3x80x128xf32, #tpu.memory_space<vmem>>, vector<1x1x16xf32>,
        %parallel_loop3A_614 = vector.shape_cast %parallel_loop3A_613 : vector<1x1x16xf32> to vector<16xf32>
        %parallel_loop3A_615 = arith.mulf %parallel_loop3A_614, %parallel_loop3A_566 : vector<16xf32>
        %parallel_loop3A_616 = arith.constant 2 : i32
        %parallel_loop3A_617 = arith.index_cast %parallel_loop3A_616 : i32 to index
        %parallel_loop3A_618 = arith.index_cast %parallel_loop3A_558 : i32 to index
        %parallel_loop3A_619 = arith.constant 48 : index
        %parallel_loop3A_620 = tpu.vector_load %arg10[%parallel_loop3A_617, %parallel_loop3A_618, %parallel_loop3A_619] {strides = array<i32>} : memref<3x80x128xf32, #tpu.memory_space<vmem>>, vector<1x1x16xf32>,
        %parallel_loop3A_621 = vector.shape_cast %parallel_loop3A_620 : vector<1x1x16xf32> to vector<16xf32>
        %parallel_loop3A_622 = vector.shape_cast %parallel_loop3A_615 : vector<16xf32> to vector<1x1x16xf32>
        tpu.vector_store %arg10[%parallel_loop3A_617, %parallel_loop3A_618, %parallel_loop3A_619], %parallel_loop3A_622 {strides = array<i32>} : memref<3x80x128xf32, #tpu.memory_space<vmem>>, vector<1x1x16xf32>,
        %parallel_loop3A_623 = arith.constant 2 : i32
        %parallel_loop3A_624 = arith.index_cast %parallel_loop3A_623 : i32 to index
        %parallel_loop3A_625 = arith.index_cast %parallel_loop3A_558 : i32 to index
        %parallel_loop3A_626 = arith.constant 64 : index
        %parallel_loop3A_627 = tpu.vector_load %arg10[%parallel_loop3A_624, %parallel_loop3A_625, %parallel_loop3A_626] {strides = array<i32>} : memref<3x80x128xf32, #tpu.memory_space<vmem>>, vector<1x1x16xf32>,
        %parallel_loop3A_628 = vector.shape_cast %parallel_loop3A_627 : vector<1x1x16xf32> to vector<16xf32>
        %parallel_loop3A_629 = arith.mulf %parallel_loop3A_628, %parallel_loop3A_566 : vector<16xf32>
        %parallel_loop3A_630 = arith.constant 2 : i32
        %parallel_loop3A_631 = arith.index_cast %parallel_loop3A_630 : i32 to index
        %parallel_loop3A_632 = arith.index_cast %parallel_loop3A_558 : i32 to index
        %parallel_loop3A_633 = arith.constant 64 : index
        %parallel_loop3A_634 = tpu.vector_load %arg10[%parallel_loop3A_631, %parallel_loop3A_632, %parallel_loop3A_633] {strides = array<i32>} : memref<3x80x128xf32, #tpu.memory_space<vmem>>, vector<1x1x16xf32>,
        %parallel_loop3A_635 = vector.shape_cast %parallel_loop3A_634 : vector<1x1x16xf32> to vector<16xf32>
        %parallel_loop3A_636 = vector.shape_cast %parallel_loop3A_629 : vector<16xf32> to vector<1x1x16xf32>
        tpu.vector_store %arg10[%parallel_loop3A_631, %parallel_loop3A_632, %parallel_loop3A_633], %parallel_loop3A_636 {strides = array<i32>} : memref<3x80x128xf32, #tpu.memory_space<vmem>>, vector<1x1x16xf32>,
        %parallel_loop3A_637 = arith.constant 2 : i32
        %parallel_loop3A_638 = arith.index_cast %parallel_loop3A_637 : i32 to index
        %parallel_loop3A_639 = arith.index_cast %parallel_loop3A_558 : i32 to index
        %parallel_loop3A_640 = arith.constant 80 : index
        %parallel_loop3A_641 = tpu.vector_load %arg10[%parallel_loop3A_638, %parallel_loop3A_639, %parallel_loop3A_640] {strides = array<i32>} : memref<3x80x128xf32, #tpu.memory_space<vmem>>, vector<1x1x16xf32>,
        %parallel_loop3A_642 = vector.shape_cast %parallel_loop3A_641 : vector<1x1x16xf32> to vector<16xf32>
        %parallel_loop3A_643 = arith.mulf %parallel_loop3A_642, %parallel_loop3A_566 : vector<16xf32>
        %parallel_loop3A_644 = arith.constant 2 : i32
        %parallel_loop3A_645 = arith.index_cast %parallel_loop3A_644 : i32 to index
        %parallel_loop3A_646 = arith.index_cast %parallel_loop3A_558 : i32 to index
        %parallel_loop3A_647 = arith.constant 80 : index
        %parallel_loop3A_648 = tpu.vector_load %arg10[%parallel_loop3A_645, %parallel_loop3A_646, %parallel_loop3A_647] {strides = array<i32>} : memref<3x80x128xf32, #tpu.memory_space<vmem>>, vector<1x1x16xf32>,
        %parallel_loop3A_649 = vector.shape_cast %parallel_loop3A_648 : vector<1x1x16xf32> to vector<16xf32>
        %parallel_loop3A_650 = vector.shape_cast %parallel_loop3A_643 : vector<16xf32> to vector<1x1x16xf32>
        tpu.vector_store %arg10[%parallel_loop3A_645, %parallel_loop3A_646, %parallel_loop3A_647], %parallel_loop3A_650 {strides = array<i32>} : memref<3x80x128xf32, #tpu.memory_space<vmem>>, vector<1x1x16xf32>,
        %parallel_loop3A_651 = arith.constant 2 : i32
        %parallel_loop3A_652 = arith.index_cast %parallel_loop3A_651 : i32 to index
        %parallel_loop3A_653 = arith.index_cast %parallel_loop3A_558 : i32 to index
        %parallel_loop3A_654 = arith.constant 96 : index
        %parallel_loop3A_655 = tpu.vector_load %arg10[%parallel_loop3A_652, %parallel_loop3A_653, %parallel_loop3A_654] {strides = array<i32>} : memref<3x80x128xf32, #tpu.memory_space<vmem>>, vector<1x1x16xf32>,
        %parallel_loop3A_656 = vector.shape_cast %parallel_loop3A_655 : vector<1x1x16xf32> to vector<16xf32>
        %parallel_loop3A_657 = arith.mulf %parallel_loop3A_656, %parallel_loop3A_566 : vector<16xf32>
        %parallel_loop3A_658 = arith.constant 2 : i32
        %parallel_loop3A_659 = arith.index_cast %parallel_loop3A_658 : i32 to index
        %parallel_loop3A_660 = arith.index_cast %parallel_loop3A_558 : i32 to index
        %parallel_loop3A_661 = arith.constant 96 : index
        %parallel_loop3A_662 = tpu.vector_load %arg10[%parallel_loop3A_659, %parallel_loop3A_660, %parallel_loop3A_661] {strides = array<i32>} : memref<3x80x128xf32, #tpu.memory_space<vmem>>, vector<1x1x16xf32>,
        %parallel_loop3A_663 = vector.shape_cast %parallel_loop3A_662 : vector<1x1x16xf32> to vector<16xf32>
        %parallel_loop3A_664 = vector.shape_cast %parallel_loop3A_657 : vector<16xf32> to vector<1x1x16xf32>
        tpu.vector_store %arg10[%parallel_loop3A_659, %parallel_loop3A_660, %parallel_loop3A_661], %parallel_loop3A_664 {strides = array<i32>} : memref<3x80x128xf32, #tpu.memory_space<vmem>>, vector<1x1x16xf32>,
        %parallel_loop3A_665 = arith.constant 2 : i32
        %parallel_loop3A_666 = arith.index_cast %parallel_loop3A_665 : i32 to index
        %parallel_loop3A_667 = arith.index_cast %parallel_loop3A_558 : i32 to index
        %parallel_loop3A_668 = arith.constant 112 : index
        %parallel_loop3A_669 = tpu.vector_load %arg10[%parallel_loop3A_666, %parallel_loop3A_667, %parallel_loop3A_668] {strides = array<i32>} : memref<3x80x128xf32, #tpu.memory_space<vmem>>, vector<1x1x16xf32>,
        %parallel_loop3A_670 = vector.shape_cast %parallel_loop3A_669 : vector<1x1x16xf32> to vector<16xf32>
        %parallel_loop3A_671 = arith.mulf %parallel_loop3A_670, %parallel_loop3A_566 : vector<16xf32>
        %parallel_loop3A_672 = arith.constant 2 : i32
        %parallel_loop3A_673 = arith.index_cast %parallel_loop3A_672 : i32 to index
        %parallel_loop3A_674 = arith.index_cast %parallel_loop3A_558 : i32 to index
        %parallel_loop3A_675 = arith.constant 112 : index
        %parallel_loop3A_676 = tpu.vector_load %arg10[%parallel_loop3A_673, %parallel_loop3A_674, %parallel_loop3A_675] {strides = array<i32>} : memref<3x80x128xf32, #tpu.memory_space<vmem>>, vector<1x1x16xf32>,
        %parallel_loop3A_677 = vector.shape_cast %parallel_loop3A_676 : vector<1x1x16xf32> to vector<16xf32>
        %parallel_loop3A_678 = vector.shape_cast %parallel_loop3A_671 : vector<16xf32> to vector<1x1x16xf32>
        tpu.vector_store %arg10[%parallel_loop3A_673, %parallel_loop3A_674, %parallel_loop3A_675], %parallel_loop3A_678 {strides = array<i32>} : memref<3x80x128xf32, #tpu.memory_space<vmem>>, vector<1x1x16xf32>,
      } {sc.loop_unroll_factor = 8 : i64, sc.parallel_access}
      %dma_wait3A_496 = arith.constant 1 : i32
      %dma_wait3A_497 = arith.constant 1 : i32
      %dma_wait3A_498 = arith.constant 0 : i32
      %dma_wait3A_499 = arith.constant 0 : i32
      %dma_wait3A_500 = tpu.memref_slice %arg10[%dma_wait3A_496, %dma_wait3A_498, %dma_wait3A_499] : memref<3x80x128xf32, #tpu.memory_space<vmem>> -> memref<1x80x128xf32, #tpu.memory_space<vmem>>
      %dma_wait3A_501 = tpu.memref_squeeze %dma_wait3A_500 : memref<1x80x128xf32, #tpu.memory_space<vmem>> -> memref<80x128xf32, #tpu.memory_space<vmem>>
      %dma_wait3A_502 = arith.constant 0 : i32
      %dma_wait3A_503 = tpu.memref_slice %arg9[%dma_wait3A_497, %dma_wait3A_502] : memref<3x80xi32, #tpu.memory_space<vmem>> -> memref<1x80xi32, #tpu.memory_space<vmem>>
      %dma_wait3A_504 = tpu.memref_squeeze %dma_wait3A_503 : memref<1x80xi32, #tpu.memory_space<vmem>> -> memref<80xi32, #tpu.memory_space<vmem>>
      %dma_wait3A_505 = arith.constant 0 : i32
      %dma_wait3A_506 = arith.constant 0 : i32
      %dma_wait3A_507 = tpu.memref_slice %arg11[%dma_wait3A_505, %dma_wait3A_506] : memref<10240x128xf32, #tpu.memory_space<vmem_shared>> -> memref<10240x128xf32, #tpu.memory_space<vmem_shared>>
      tpu.wait_indirect_dma semaphore(%arg17 : memref<!tpu.dma_semaphore, #tpu.memory_space<semaphore_mem>>) src(%dma_wait3A_501 : memref<80x128xf32, #tpu.memory_space<vmem>>) dst(%dma_wait3A_507 : memref<10240x128xf32, #tpu.memory_space<vmem_shared>>)
      %add3A_508 = arith.constant 2 : i32
      %add3A_509 = arith.addi %add3A_460, %add3A_508 : i32
      %mul3A_510 = arith.constant 80 : i32
      %mul3A_511 = arith.muli %add3A_509, %mul3A_510 : i32
      %add3A_512 = arith.addi %mul3A_4, %mul3A_511 : i32
      %dma_start3A_513 = arith.constant 1 : i32
      %dma_start3A_514 = arith.constant 0 : i32
      %dma_start3A_515 = tpu.memref_slice %arg8[%dma_start3A_513, %dma_start3A_514] : memref<3x96xf32, #tpu.memory_space<vmem>> -> memref<1x80xf32, #tpu.memory_space<vmem>>
      %dma_start3A_516 = tpu.memref_squeeze %dma_start3A_515 : memref<1x80xf32, #tpu.memory_space<vmem>> -> memref<80xf32, #tpu.memory_space<vmem>>
      %dma_start3A_517 = tpu.memref_slice %arg4[%add3A_512] : memref<320000xf32, #tpu.memory_space<hbm>> -> memref<80xf32, #tpu.memory_space<hbm>>
      %dma_start3A_518 = arith.constant 0 : i32
      %dma_start3A_519 = tpu.memref_slice %arg8[%dma_start3A_513, %dma_start3A_518] : memref<3x96xf32, #tpu.memory_space<vmem>> -> memref<1x80xf32, #tpu.memory_space<vmem>>
      %dma_start3A_520 = tpu.memref_squeeze %dma_start3A_519 : memref<1x80xf32, #tpu.memory_space<vmem>> -> memref<80xf32, #tpu.memory_space<vmem>>
      %dma_start3A_521 = tpu.memref_slice %arg4[%add3A_512] : memref<320000xf32, #tpu.memory_space<hbm>> -> memref<80xf32, #tpu.memory_space<hbm>>
      tpu.enqueue_dma source(%dma_start3A_521 : memref<80xf32, #tpu.memory_space<hbm>>) target(%dma_start3A_520 : memref<80xf32, #tpu.memory_space<vmem>>) target_semaphore(%arg14 : memref<!tpu.dma_semaphore, #tpu.memory_space<semaphore_mem>>)
      %mul3A_522 = arith.constant 80 : i32
      %mul3A_523 = arith.muli %add3A_509, %mul3A_522 : i32
      %add3A_524 = arith.addi %mul3A_4, %mul3A_523 : i32
      %dma_start3A_525 = arith.constant 1 : i32
      %dma_start3A_526 = arith.constant 0 : i32
      %dma_start3A_527 = tpu.memref_slice %arg9[%dma_start3A_525, %dma_start3A_526] : memref<3x80xi32, #tpu.memory_space<vmem>> -> memref<1x80xi32, #tpu.memory_space<vmem>>
      %dma_start3A_528 = tpu.memref_squeeze %dma_start3A_527 : memref<1x80xi32, #tpu.memory_space<vmem>> -> memref<80xi32, #tpu.memory_space<vmem>>
      %dma_start3A_529 = tpu.memref_slice %arg2[%add3A_524] : memref<320000xi32, #tpu.memory_space<hbm>> -> memref<80xi32, #tpu.memory_space<hbm>>
      %dma_start3A_530 = arith.constant 0 : i32
      %dma_start3A_531 = tpu.memref_slice %arg9[%dma_start3A_525, %dma_start3A_530] : memref<3x80xi32, #tpu.memory_space<vmem>> -> memref<1x80xi32, #tpu.memory_space<vmem>>
      %dma_start3A_532 = tpu.memref_squeeze %dma_start3A_531 : memref<1x80xi32, #tpu.memory_space<vmem>> -> memref<80xi32, #tpu.memory_space<vmem>>
      %dma_start3A_533 = tpu.memref_slice %arg2[%add3A_524] : memref<320000xi32, #tpu.memory_space<hbm>> -> memref<80xi32, #tpu.memory_space<hbm>>
      tpu.enqueue_dma source(%dma_start3A_533 : memref<80xi32, #tpu.memory_space<hbm>>) target(%dma_start3A_532 : memref<80xi32, #tpu.memory_space<vmem>>) target_semaphore(%arg14 : memref<!tpu.dma_semaphore, #tpu.memory_space<semaphore_mem>>)
      %mul3A_534 = arith.constant 80 : i32
      %mul3A_535 = arith.muli %add3A_509, %mul3A_534 : i32
      %dma_start3A_536 = arith.constant 1 : i32
      %dma_start3A_537 = arith.constant 0 : i32
      %dma_start3A_538 = arith.constant 0 : i32
      %dma_start3A_539 = tpu.memref_slice %arg10[%dma_start3A_536, %dma_start3A_537, %dma_start3A_538] : memref<3x80x128xf32, #tpu.memory_space<vmem>> -> memref<1x80x128xf32, #tpu.memory_space<vmem>>
      %dma_start3A_540 = tpu.memref_squeeze %dma_start3A_539 : memref<1x80x128xf32, #tpu.memory_space<vmem>> -> memref<80x128xf32, #tpu.memory_space<vmem>>
      %dma_start3A_541 = tpu.memref_slice %arg7[%mul3A_535] : memref<10000xi32, #tpu.memory_space<vmem>> -> memref<80xi32, #tpu.memory_space<vmem>>
      %dma_start3A_542 = arith.constant 0 : i32
      %dma_start3A_543 = arith.constant 0 : i32
      %dma_start3A_544 = tpu.memref_slice %arg5[%dma_start3A_542, %dma_start3A_543] : memref<10000x128xf32, #tpu.memory_space<hbm>> -> memref<10000x128xf32, #tpu.memory_space<hbm>>
      tpu.enqueue_indirect_dma source(%dma_start3A_544 : memref<10000x128xf32, #tpu.memory_space<hbm>>) target(%dma_start3A_540 : memref<80x128xf32, #tpu.memory_space<vmem>>) offsets(%dma_start3A_541 : memref<80xi32, #tpu.memory_space<vmem>>) semaphore(%arg14 : memref<!tpu.dma_semaphore, #tpu.memory_space<semaphore_mem>>)
      %dma_start3A_545 = arith.constant 2 : i32
      %dma_start3A_546 = arith.constant 2 : i32
      %dma_start3A_547 = arith.constant 0 : i32
      %dma_start3A_548 = arith.constant 0 : i32
      %dma_start3A_549 = tpu.memref_slice %arg10[%dma_start3A_545, %dma_start3A_547, %dma_start3A_548] : memref<3x80x128xf32, #tpu.memory_space<vmem>> -> memref<1x80x128xf32, #tpu.memory_space<vmem>>
      %dma_start3A_550 = tpu.memref_squeeze %dma_start3A_549 : memref<1x80x128xf32, #tpu.memory_space<vmem>> -> memref<80x128xf32, #tpu.memory_space<vmem>>
      %dma_start3A_551 = arith.constant 0 : i32
      %dma_start3A_552 = tpu.memref_slice %arg9[%dma_start3A_546, %dma_start3A_551] : memref<3x80xi32, #tpu.memory_space<vmem>> -> memref<1x80xi32, #tpu.memory_space<vmem>>
      %dma_start3A_553 = tpu.memref_squeeze %dma_start3A_552 : memref<1x80xi32, #tpu.memory_space<vmem>> -> memref<80xi32, #tpu.memory_space<vmem>>
      %dma_start3A_554 = arith.constant 0 : i32
      %dma_start3A_555 = arith.constant 0 : i32
      %dma_start3A_556 = tpu.memref_slice %arg11[%dma_start3A_554, %dma_start3A_555] : memref<10240x128xf32, #tpu.memory_space<vmem_shared>> -> memref<10240x128xf32, #tpu.memory_space<vmem_shared>>
      tpu.enqueue_indirect_dma source(%dma_start3A_550 : memref<80x128xf32, #tpu.memory_space<vmem>>) target(%dma_start3A_556 : memref<10240x128xf32, #tpu.memory_space<vmem_shared>>) offsets(%dma_start3A_553 : memref<80xi32, #tpu.memory_space<vmem>>) semaphore(%arg18 : memref<!tpu.dma_semaphore, #tpu.memory_space<semaphore_mem>>) {add = true}
      %scan3A_557 = arith.constant 0 : i32
      scf.yield %scan3A_557 : i32
    }
    %scan3A_101 = arith.constant 41 : i32
    %dma_wait3A_102 = arith.constant 0 : i32
    %dma_wait3A_103 = arith.constant 0 : i32
    %dma_wait3A_104 = tpu.memref_slice %arg8[%dma_wait3A_102, %dma_wait3A_103] : memref<3x96xf32, #tpu.memory_space<vmem>> -> memref<1x80xf32, #tpu.memory_space<vmem>>
    %dma_wait3A_105 = tpu.memref_squeeze %dma_wait3A_104 : memref<1x80xf32, #tpu.memory_space<vmem>> -> memref<80xf32, #tpu.memory_space<vmem>>
    %dma_wait3A_106 = arith.constant 0 : i32
    %dma_wait3A_107 = tpu.memref_slice %arg4[%dma_wait3A_106] : memref<320000xf32, #tpu.memory_space<hbm>> -> memref<80xf32, #tpu.memory_space<hbm>>
    %dma_wait3A_108 = arith.constant 0 : i32
    %dma_wait3A_109 = tpu.memref_slice %arg8[%dma_wait3A_102, %dma_wait3A_108] : memref<3x96xf32, #tpu.memory_space<vmem>> -> memref<1x80xf32, #tpu.memory_space<vmem>>
    %dma_wait3A_110 = tpu.memref_squeeze %dma_wait3A_109 : memref<1x80xf32, #tpu.memory_space<vmem>> -> memref<80xf32, #tpu.memory_space<vmem>>
    %dma_wait3A_111 = arith.constant 0 : i32
    %dma_wait3A_112 = tpu.memref_slice %arg4[%dma_wait3A_111] : memref<320000xf32, #tpu.memory_space<hbm>> -> memref<80xf32, #tpu.memory_space<hbm>>
    tpu.wait_dma2 semaphore(%arg13 : memref<!tpu.dma_semaphore, #tpu.memory_space<semaphore_mem>>) src(%dma_wait3A_112 : memref<80xf32, #tpu.memory_space<hbm>>) dst(%dma_wait3A_110 : memref<80xf32, #tpu.memory_space<vmem>>)
    %dma_wait3A_113 = arith.constant 0 : i32
    %dma_wait3A_114 = arith.constant 0 : i32
    %dma_wait3A_115 = tpu.memref_slice %arg9[%dma_wait3A_113, %dma_wait3A_114] : memref<3x80xi32, #tpu.memory_space<vmem>> -> memref<1x80xi32, #tpu.memory_space<vmem>>
    %dma_wait3A_116 = tpu.memref_squeeze %dma_wait3A_115 : memref<1x80xi32, #tpu.memory_space<vmem>> -> memref<80xi32, #tpu.memory_space<vmem>>
    %dma_wait3A_117 = arith.constant 0 : i32
    %dma_wait3A_118 = tpu.memref_slice %arg2[%dma_wait3A_117] : memref<320000xi32, #tpu.memory_space<hbm>> -> memref<80xi32, #tpu.memory_space<hbm>>
    %dma_wait3A_119 = arith.constant 0 : i32
    %dma_wait3A_120 = tpu.memref_slice %arg9[%dma_wait3A_113, %dma_wait3A_119] : memref<3x80xi32, #tpu.memory_space<vmem>> -> memref<1x80xi32, #tpu.memory_space<vmem>>
    %dma_wait3A_121 = tpu.memref_squeeze %dma_wait3A_120 : memref<1x80xi32, #tpu.memory_space<vmem>> -> memref<80xi32, #tpu.memory_space<vmem>>
    %dma_wait3A_122 = arith.constant 0 : i32
    %dma_wait3A_123 = tpu.memref_slice %arg2[%dma_wait3A_122] : memref<320000xi32, #tpu.memory_space<hbm>> -> memref<80xi32, #tpu.memory_space<hbm>>
    tpu.wait_dma2 semaphore(%arg13 : memref<!tpu.dma_semaphore, #tpu.memory_space<semaphore_mem>>) src(%dma_wait3A_123 : memref<80xi32, #tpu.memory_space<hbm>>) dst(%dma_wait3A_121 : memref<80xi32, #tpu.memory_space<vmem>>)
    %dma_wait3A_124 = arith.constant 0 : i32
    %dma_wait3A_125 = arith.constant 0 : i32
    %dma_wait3A_126 = arith.constant 0 : i32
    %dma_wait3A_127 = tpu.memref_slice %arg10[%dma_wait3A_124, %dma_wait3A_125, %dma_wait3A_126] : memref<3x80x128xf32, #tpu.memory_space<vmem>> -> memref<1x80x128xf32, #tpu.memory_space<vmem>>
    %dma_wait3A_128 = tpu.memref_squeeze %dma_wait3A_127 : memref<1x80x128xf32, #tpu.memory_space<vmem>> -> memref<80x128xf32, #tpu.memory_space<vmem>>
    %dma_wait3A_129 = arith.constant 0 : i32
    %dma_wait3A_130 = tpu.memref_slice %arg7[%dma_wait3A_129] : memref<10000xi32, #tpu.memory_space<vmem>> -> memref<80xi32, #tpu.memory_space<vmem>>
    %dma_wait3A_131 = arith.constant 0 : i32
    %dma_wait3A_132 = arith.constant 0 : i32
    %dma_wait3A_133 = tpu.memref_slice %arg5[%dma_wait3A_131, %dma_wait3A_132] : memref<10000x128xf32, #tpu.memory_space<hbm>> -> memref<10000x128xf32, #tpu.memory_space<hbm>>
    tpu.wait_indirect_dma semaphore(%arg13 : memref<!tpu.dma_semaphore, #tpu.memory_space<semaphore_mem>>) src(%dma_wait3A_133 : memref<10000x128xf32, #tpu.memory_space<hbm>>) dst(%dma_wait3A_128 : memref<80x128xf32, #tpu.memory_space<vmem>>)
    %parallel_loop3A_134 = arith.constant 0 : i32
    %parallel_loop3A_135 = arith.constant 80 : i32
    %parallel_loop3A_136 = arith.constant 1 : i32
    scf.for %parallel_loop3A_265 = %parallel_loop3A_134 to %parallel_loop3A_135 step %parallel_loop3A_136  : i32 {
      %parallel_loop3A_266 = arith.constant 0 : i32
      %parallel_loop3A_267 = arith.index_cast %parallel_loop3A_266 : i32 to index
      %parallel_loop3A_268 = arith.index_cast %parallel_loop3A_265 : i32 to index
      %parallel_loop3A_269 = tpu.vector_load %arg8[%parallel_loop3A_267, %parallel_loop3A_268] {strides = array<i32>} : memref<3x96xf32, #tpu.memory_space<vmem>>, vector<1x16xf32>,
      %parallel_loop3A_270 = vector.shape_cast %parallel_loop3A_269 : vector<1x16xf32> to vector<16xf32>
      %parallel_loop3A_271 = vector.extract_strided_slice %parallel_loop3A_270 {offsets = [0], sizes = [1], strides = [1]} : vector<16xf32> to vector<1xf32>
      %parallel_loop3A_272 = vector.extract %parallel_loop3A_271[0] : f32 from vector<1xf32>
      %parallel_loop3A_273 = vector.broadcast %parallel_loop3A_272 : f32 to vector<16xf32>
      %parallel_loop3A_274 = arith.constant 0 : i32
      %parallel_loop3A_275 = arith.index_cast %parallel_loop3A_274 : i32 to index
      %parallel_loop3A_276 = arith.index_cast %parallel_loop3A_265 : i32 to index
      %parallel_loop3A_277 = arith.constant 0 : index
      %parallel_loop3A_278 = tpu.vector_load %arg10[%parallel_loop3A_275, %parallel_loop3A_276, %parallel_loop3A_277] {strides = array<i32>} : memref<3x80x128xf32, #tpu.memory_space<vmem>>, vector<1x1x16xf32>,
      %parallel_loop3A_279 = vector.shape_cast %parallel_loop3A_278 : vector<1x1x16xf32> to vector<16xf32>
      %parallel_loop3A_280 = arith.mulf %parallel_loop3A_279, %parallel_loop3A_273 : vector<16xf32>
      %parallel_loop3A_281 = arith.constant 0 : i32
      %parallel_loop3A_282 = arith.index_cast %parallel_loop3A_281 : i32 to index
      %parallel_loop3A_283 = arith.index_cast %parallel_loop3A_265 : i32 to index
      %parallel_loop3A_284 = arith.constant 0 : index
      %parallel_loop3A_285 = tpu.vector_load %arg10[%parallel_loop3A_282, %parallel_loop3A_283, %parallel_loop3A_284] {strides = array<i32>} : memref<3x80x128xf32, #tpu.memory_space<vmem>>, vector<1x1x16xf32>,
      %parallel_loop3A_286 = vector.shape_cast %parallel_loop3A_285 : vector<1x1x16xf32> to vector<16xf32>
      %parallel_loop3A_287 = vector.shape_cast %parallel_loop3A_280 : vector<16xf32> to vector<1x1x16xf32>
      tpu.vector_store %arg10[%parallel_loop3A_282, %parallel_loop3A_283, %parallel_loop3A_284], %parallel_loop3A_287 {strides = array<i32>} : memref<3x80x128xf32, #tpu.memory_space<vmem>>, vector<1x1x16xf32>,
      %parallel_loop3A_288 = arith.constant 0 : i32
      %parallel_loop3A_289 = arith.index_cast %parallel_loop3A_288 : i32 to index
      %parallel_loop3A_290 = arith.index_cast %parallel_loop3A_265 : i32 to index
      %parallel_loop3A_291 = arith.constant 16 : index
      %parallel_loop3A_292 = tpu.vector_load %arg10[%parallel_loop3A_289, %parallel_loop3A_290, %parallel_loop3A_291] {strides = array<i32>} : memref<3x80x128xf32, #tpu.memory_space<vmem>>, vector<1x1x16xf32>,
      %parallel_loop3A_293 = vector.shape_cast %parallel_loop3A_292 : vector<1x1x16xf32> to vector<16xf32>
      %parallel_loop3A_294 = arith.mulf %parallel_loop3A_293, %parallel_loop3A_273 : vector<16xf32>
      %parallel_loop3A_295 = arith.constant 0 : i32
      %parallel_loop3A_296 = arith.index_cast %parallel_loop3A_295 : i32 to index
      %parallel_loop3A_297 = arith.index_cast %parallel_loop3A_265 : i32 to index
      %parallel_loop3A_298 = arith.constant 16 : index
      %parallel_loop3A_299 = tpu.vector_load %arg10[%parallel_loop3A_296, %parallel_loop3A_297, %parallel_loop3A_298] {strides = array<i32>} : memref<3x80x128xf32, #tpu.memory_space<vmem>>, vector<1x1x16xf32>,
      %parallel_loop3A_300 = vector.shape_cast %parallel_loop3A_299 : vector<1x1x16xf32> to vector<16xf32>
      %parallel_loop3A_301 = vector.shape_cast %parallel_loop3A_294 : vector<16xf32> to vector<1x1x16xf32>
      tpu.vector_store %arg10[%parallel_loop3A_296, %parallel_loop3A_297, %parallel_loop3A_298], %parallel_loop3A_301 {strides = array<i32>} : memref<3x80x128xf32, #tpu.memory_space<vmem>>, vector<1x1x16xf32>,
      %parallel_loop3A_302 = arith.constant 0 : i32
      %parallel_loop3A_303 = arith.index_cast %parallel_loop3A_302 : i32 to index
      %parallel_loop3A_304 = arith.index_cast %parallel_loop3A_265 : i32 to index
      %parallel_loop3A_305 = arith.constant 32 : index
      %parallel_loop3A_306 = tpu.vector_load %arg10[%parallel_loop3A_303, %parallel_loop3A_304, %parallel_loop3A_305] {strides = array<i32>} : memref<3x80x128xf32, #tpu.memory_space<vmem>>, vector<1x1x16xf32>,
      %parallel_loop3A_307 = vector.shape_cast %parallel_loop3A_306 : vector<1x1x16xf32> to vector<16xf32>
      %parallel_loop3A_308 = arith.mulf %parallel_loop3A_307, %parallel_loop3A_273 : vector<16xf32>
      %parallel_loop3A_309 = arith.constant 0 : i32
      %parallel_loop3A_310 = arith.index_cast %parallel_loop3A_309 : i32 to index
      %parallel_loop3A_311 = arith.index_cast %parallel_loop3A_265 : i32 to index
      %parallel_loop3A_312 = arith.constant 32 : index
      %parallel_loop3A_313 = tpu.vector_load %arg10[%parallel_loop3A_310, %parallel_loop3A_311, %parallel_loop3A_312] {strides = array<i32>} : memref<3x80x128xf32, #tpu.memory_space<vmem>>, vector<1x1x16xf32>,
      %parallel_loop3A_314 = vector.shape_cast %parallel_loop3A_313 : vector<1x1x16xf32> to vector<16xf32>
      %parallel_loop3A_315 = vector.shape_cast %parallel_loop3A_308 : vector<16xf32> to vector<1x1x16xf32>
      tpu.vector_store %arg10[%parallel_loop3A_310, %parallel_loop3A_311, %parallel_loop3A_312], %parallel_loop3A_315 {strides = array<i32>} : memref<3x80x128xf32, #tpu.memory_space<vmem>>, vector<1x1x16xf32>,
      %parallel_loop3A_316 = arith.constant 0 : i32
      %parallel_loop3A_317 = arith.index_cast %parallel_loop3A_316 : i32 to index
      %parallel_loop3A_318 = arith.index_cast %parallel_loop3A_265 : i32 to index
      %parallel_loop3A_319 = arith.constant 48 : index
      %parallel_loop3A_320 = tpu.vector_load %arg10[%parallel_loop3A_317, %parallel_loop3A_318, %parallel_loop3A_319] {strides = array<i32>} : memref<3x80x128xf32, #tpu.memory_space<vmem>>, vector<1x1x16xf32>,
      %parallel_loop3A_321 = vector.shape_cast %parallel_loop3A_320 : vector<1x1x16xf32> to vector<16xf32>
      %parallel_loop3A_322 = arith.mulf %parallel_loop3A_321, %parallel_loop3A_273 : vector<16xf32>
      %parallel_loop3A_323 = arith.constant 0 : i32
      %parallel_loop3A_324 = arith.index_cast %parallel_loop3A_323 : i32 to index
      %parallel_loop3A_325 = arith.index_cast %parallel_loop3A_265 : i32 to index
      %parallel_loop3A_326 = arith.constant 48 : index
      %parallel_loop3A_327 = tpu.vector_load %arg10[%parallel_loop3A_324, %parallel_loop3A_325, %parallel_loop3A_326] {strides = array<i32>} : memref<3x80x128xf32, #tpu.memory_space<vmem>>, vector<1x1x16xf32>,
      %parallel_loop3A_328 = vector.shape_cast %parallel_loop3A_327 : vector<1x1x16xf32> to vector<16xf32>
      %parallel_loop3A_329 = vector.shape_cast %parallel_loop3A_322 : vector<16xf32> to vector<1x1x16xf32>
      tpu.vector_store %arg10[%parallel_loop3A_324, %parallel_loop3A_325, %parallel_loop3A_326], %parallel_loop3A_329 {strides = array<i32>} : memref<3x80x128xf32, #tpu.memory_space<vmem>>, vector<1x1x16xf32>,
      %parallel_loop3A_330 = arith.constant 0 : i32
      %parallel_loop3A_331 = arith.index_cast %parallel_loop3A_330 : i32 to index
      %parallel_loop3A_332 = arith.index_cast %parallel_loop3A_265 : i32 to index
      %parallel_loop3A_333 = arith.constant 64 : index
      %parallel_loop3A_334 = tpu.vector_load %arg10[%parallel_loop3A_331, %parallel_loop3A_332, %parallel_loop3A_333] {strides = array<i32>} : memref<3x80x128xf32, #tpu.memory_space<vmem>>, vector<1x1x16xf32>,
      %parallel_loop3A_335 = vector.shape_cast %parallel_loop3A_334 : vector<1x1x16xf32> to vector<16xf32>
      %parallel_loop3A_336 = arith.mulf %parallel_loop3A_335, %parallel_loop3A_273 : vector<16xf32>
      %parallel_loop3A_337 = arith.constant 0 : i32
      %parallel_loop3A_338 = arith.index_cast %parallel_loop3A_337 : i32 to index
      %parallel_loop3A_339 = arith.index_cast %parallel_loop3A_265 : i32 to index
      %parallel_loop3A_340 = arith.constant 64 : index
      %parallel_loop3A_341 = tpu.vector_load %arg10[%parallel_loop3A_338, %parallel_loop3A_339, %parallel_loop3A_340] {strides = array<i32>} : memref<3x80x128xf32, #tpu.memory_space<vmem>>, vector<1x1x16xf32>,
      %parallel_loop3A_342 = vector.shape_cast %parallel_loop3A_341 : vector<1x1x16xf32> to vector<16xf32>
      %parallel_loop3A_343 = vector.shape_cast %parallel_loop3A_336 : vector<16xf32> to vector<1x1x16xf32>
      tpu.vector_store %arg10[%parallel_loop3A_338, %parallel_loop3A_339, %parallel_loop3A_340], %parallel_loop3A_343 {strides = array<i32>} : memref<3x80x128xf32, #tpu.memory_space<vmem>>, vector<1x1x16xf32>,
      %parallel_loop3A_344 = arith.constant 0 : i32
      %parallel_loop3A_345 = arith.index_cast %parallel_loop3A_344 : i32 to index
      %parallel_loop3A_346 = arith.index_cast %parallel_loop3A_265 : i32 to index
      %parallel_loop3A_347 = arith.constant 80 : index
      %parallel_loop3A_348 = tpu.vector_load %arg10[%parallel_loop3A_345, %parallel_loop3A_346, %parallel_loop3A_347] {strides = array<i32>} : memref<3x80x128xf32, #tpu.memory_space<vmem>>, vector<1x1x16xf32>,
      %parallel_loop3A_349 = vector.shape_cast %parallel_loop3A_348 : vector<1x1x16xf32> to vector<16xf32>
      %parallel_loop3A_350 = arith.mulf %parallel_loop3A_349, %parallel_loop3A_273 : vector<16xf32>
      %parallel_loop3A_351 = arith.constant 0 : i32
      %parallel_loop3A_352 = arith.index_cast %parallel_loop3A_351 : i32 to index
      %parallel_loop3A_353 = arith.index_cast %parallel_loop3A_265 : i32 to index
      %parallel_loop3A_354 = arith.constant 80 : index
      %parallel_loop3A_355 = tpu.vector_load %arg10[%parallel_loop3A_352, %parallel_loop3A_353, %parallel_loop3A_354] {strides = array<i32>} : memref<3x80x128xf32, #tpu.memory_space<vmem>>, vector<1x1x16xf32>,
      %parallel_loop3A_356 = vector.shape_cast %parallel_loop3A_355 : vector<1x1x16xf32> to vector<16xf32>
      %parallel_loop3A_357 = vector.shape_cast %parallel_loop3A_350 : vector<16xf32> to vector<1x1x16xf32>
      tpu.vector_store %arg10[%parallel_loop3A_352, %parallel_loop3A_353, %parallel_loop3A_354], %parallel_loop3A_357 {strides = array<i32>} : memref<3x80x128xf32, #tpu.memory_space<vmem>>, vector<1x1x16xf32>,
      %parallel_loop3A_358 = arith.constant 0 : i32
      %parallel_loop3A_359 = arith.index_cast %parallel_loop3A_358 : i32 to index
      %parallel_loop3A_360 = arith.index_cast %parallel_loop3A_265 : i32 to index
      %parallel_loop3A_361 = arith.constant 96 : index
      %parallel_loop3A_362 = tpu.vector_load %arg10[%parallel_loop3A_359, %parallel_loop3A_360, %parallel_loop3A_361] {strides = array<i32>} : memref<3x80x128xf32, #tpu.memory_space<vmem>>, vector<1x1x16xf32>,
      %parallel_loop3A_363 = vector.shape_cast %parallel_loop3A_362 : vector<1x1x16xf32> to vector<16xf32>
      %parallel_loop3A_364 = arith.mulf %parallel_loop3A_363, %parallel_loop3A_273 : vector<16xf32>
      %parallel_loop3A_365 = arith.constant 0 : i32
      %parallel_loop3A_366 = arith.index_cast %parallel_loop3A_365 : i32 to index
      %parallel_loop3A_367 = arith.index_cast %parallel_loop3A_265 : i32 to index
      %parallel_loop3A_368 = arith.constant 96 : index
      %parallel_loop3A_369 = tpu.vector_load %arg10[%parallel_loop3A_366, %parallel_loop3A_367, %parallel_loop3A_368] {strides = array<i32>} : memref<3x80x128xf32, #tpu.memory_space<vmem>>, vector<1x1x16xf32>,
      %parallel_loop3A_370 = vector.shape_cast %parallel_loop3A_369 : vector<1x1x16xf32> to vector<16xf32>
      %parallel_loop3A_371 = vector.shape_cast %parallel_loop3A_364 : vector<16xf32> to vector<1x1x16xf32>
      tpu.vector_store %arg10[%parallel_loop3A_366, %parallel_loop3A_367, %parallel_loop3A_368], %parallel_loop3A_371 {strides = array<i32>} : memref<3x80x128xf32, #tpu.memory_space<vmem>>, vector<1x1x16xf32>,
      %parallel_loop3A_372 = arith.constant 0 : i32
      %parallel_loop3A_373 = arith.index_cast %parallel_loop3A_372 : i32 to index
      %parallel_loop3A_374 = arith.index_cast %parallel_loop3A_265 : i32 to index
      %parallel_loop3A_375 = arith.constant 112 : index
      %parallel_loop3A_376 = tpu.vector_load %arg10[%parallel_loop3A_373, %parallel_loop3A_374, %parallel_loop3A_375] {strides = array<i32>} : memref<3x80x128xf32, #tpu.memory_space<vmem>>, vector<1x1x16xf32>,
      %parallel_loop3A_377 = vector.shape_cast %parallel_loop3A_376 : vector<1x1x16xf32> to vector<16xf32>
      %parallel_loop3A_378 = arith.mulf %parallel_loop3A_377, %parallel_loop3A_273 : vector<16xf32>
      %parallel_loop3A_379 = arith.constant 0 : i32
      %parallel_loop3A_380 = arith.index_cast %parallel_loop3A_379 : i32 to index
      %parallel_loop3A_381 = arith.index_cast %parallel_loop3A_265 : i32 to index
      %parallel_loop3A_382 = arith.constant 112 : index
      %parallel_loop3A_383 = tpu.vector_load %arg10[%parallel_loop3A_380, %parallel_loop3A_381, %parallel_loop3A_382] {strides = array<i32>} : memref<3x80x128xf32, #tpu.memory_space<vmem>>, vector<1x1x16xf32>,
      %parallel_loop3A_384 = vector.shape_cast %parallel_loop3A_383 : vector<1x1x16xf32> to vector<16xf32>
      %parallel_loop3A_385 = vector.shape_cast %parallel_loop3A_378 : vector<16xf32> to vector<1x1x16xf32>
      tpu.vector_store %arg10[%parallel_loop3A_380, %parallel_loop3A_381, %parallel_loop3A_382], %parallel_loop3A_385 {strides = array<i32>} : memref<3x80x128xf32, #tpu.memory_space<vmem>>, vector<1x1x16xf32>,
    } {sc.loop_unroll_factor = 8 : i64, sc.parallel_access}
    %dma_wait3A_137 = arith.constant 2 : i32
    %dma_wait3A_138 = arith.constant 2 : i32
    %dma_wait3A_139 = arith.constant 0 : i32
    %dma_wait3A_140 = arith.constant 0 : i32
    %dma_wait3A_141 = tpu.memref_slice %arg10[%dma_wait3A_137, %dma_wait3A_139, %dma_wait3A_140] : memref<3x80x128xf32, #tpu.memory_space<vmem>> -> memref<1x80x128xf32, #tpu.memory_space<vmem>>
    %dma_wait3A_142 = tpu.memref_squeeze %dma_wait3A_141 : memref<1x80x128xf32, #tpu.memory_space<vmem>> -> memref<80x128xf32, #tpu.memory_space<vmem>>
    %dma_wait3A_143 = arith.constant 0 : i32
    %dma_wait3A_144 = tpu.memref_slice %arg9[%dma_wait3A_138, %dma_wait3A_143] : memref<3x80xi32, #tpu.memory_space<vmem>> -> memref<1x80xi32, #tpu.memory_space<vmem>>
    %dma_wait3A_145 = tpu.memref_squeeze %dma_wait3A_144 : memref<1x80xi32, #tpu.memory_space<vmem>> -> memref<80xi32, #tpu.memory_space<vmem>>
    %dma_wait3A_146 = arith.constant 0 : i32
    %dma_wait3A_147 = arith.constant 0 : i32
    %dma_wait3A_148 = tpu.memref_slice %arg11[%dma_wait3A_146, %dma_wait3A_147] : memref<10240x128xf32, #tpu.memory_space<vmem_shared>> -> memref<10240x128xf32, #tpu.memory_space<vmem_shared>>
    tpu.wait_indirect_dma semaphore(%arg18 : memref<!tpu.dma_semaphore, #tpu.memory_space<semaphore_mem>>) src(%dma_wait3A_142 : memref<80x128xf32, #tpu.memory_space<vmem>>) dst(%dma_wait3A_148 : memref<10240x128xf32, #tpu.memory_space<vmem_shared>>)
    %dma_start3A_149 = arith.constant 0 : i32
    %dma_start3A_150 = arith.constant 0 : i32
    %dma_start3A_151 = arith.constant 0 : i32
    %dma_start3A_152 = arith.constant 0 : i32
    %dma_start3A_153 = tpu.memref_slice %arg10[%dma_start3A_149, %dma_start3A_151, %dma_start3A_152] : memref<3x80x128xf32, #tpu.memory_space<vmem>> -> memref<1x80x128xf32, #tpu.memory_space<vmem>>
    %dma_start3A_154 = tpu.memref_squeeze %dma_start3A_153 : memref<1x80x128xf32, #tpu.memory_space<vmem>> -> memref<80x128xf32, #tpu.memory_space<vmem>>
    %dma_start3A_155 = arith.constant 0 : i32
    %dma_start3A_156 = tpu.memref_slice %arg9[%dma_start3A_150, %dma_start3A_155] : memref<3x80xi32, #tpu.memory_space<vmem>> -> memref<1x80xi32, #tpu.memory_space<vmem>>
    %dma_start3A_157 = tpu.memref_squeeze %dma_start3A_156 : memref<1x80xi32, #tpu.memory_space<vmem>> -> memref<80xi32, #tpu.memory_space<vmem>>
    %dma_start3A_158 = arith.constant 0 : i32
    %dma_start3A_159 = arith.constant 0 : i32
    %dma_start3A_160 = tpu.memref_slice %arg11[%dma_start3A_158, %dma_start3A_159] : memref<10240x128xf32, #tpu.memory_space<vmem_shared>> -> memref<10240x128xf32, #tpu.memory_space<vmem_shared>>
    tpu.enqueue_indirect_dma source(%dma_start3A_154 : memref<80x128xf32, #tpu.memory_space<vmem>>) target(%dma_start3A_160 : memref<10240x128xf32, #tpu.memory_space<vmem_shared>>) offsets(%dma_start3A_157 : memref<80xi32, #tpu.memory_space<vmem>>) semaphore(%arg16 : memref<!tpu.dma_semaphore, #tpu.memory_space<semaphore_mem>>) {add = true}
    %dma_wait3A_161 = arith.constant 1 : i32
    %dma_wait3A_162 = arith.constant 0 : i32
    %dma_wait3A_163 = tpu.memref_slice %arg8[%dma_wait3A_161, %dma_wait3A_162] : memref<3x96xf32, #tpu.memory_space<vmem>> -> memref<1x80xf32, #tpu.memory_space<vmem>>
    %dma_wait3A_164 = tpu.memref_squeeze %dma_wait3A_163 : memref<1x80xf32, #tpu.memory_space<vmem>> -> memref<80xf32, #tpu.memory_space<vmem>>
    %dma_wait3A_165 = arith.constant 0 : i32
    %dma_wait3A_166 = tpu.memref_slice %arg4[%dma_wait3A_165] : memref<320000xf32, #tpu.memory_space<hbm>> -> memref<80xf32, #tpu.memory_space<hbm>>
    %dma_wait3A_167 = arith.constant 0 : i32
    %dma_wait3A_168 = tpu.memref_slice %arg8[%dma_wait3A_161, %dma_wait3A_167] : memref<3x96xf32, #tpu.memory_space<vmem>> -> memref<1x80xf32, #tpu.memory_space<vmem>>
    %dma_wait3A_169 = tpu.memref_squeeze %dma_wait3A_168 : memref<1x80xf32, #tpu.memory_space<vmem>> -> memref<80xf32, #tpu.memory_space<vmem>>
    %dma_wait3A_170 = arith.constant 0 : i32
    %dma_wait3A_171 = tpu.memref_slice %arg4[%dma_wait3A_170] : memref<320000xf32, #tpu.memory_space<hbm>> -> memref<80xf32, #tpu.memory_space<hbm>>
    tpu.wait_dma2 semaphore(%arg14 : memref<!tpu.dma_semaphore, #tpu.memory_space<semaphore_mem>>) src(%dma_wait3A_171 : memref<80xf32, #tpu.memory_space<hbm>>) dst(%dma_wait3A_169 : memref<80xf32, #tpu.memory_space<vmem>>)
    %dma_wait3A_172 = arith.constant 1 : i32
    %dma_wait3A_173 = arith.constant 0 : i32
    %dma_wait3A_174 = tpu.memref_slice %arg9[%dma_wait3A_172, %dma_wait3A_173] : memref<3x80xi32, #tpu.memory_space<vmem>> -> memref<1x80xi32, #tpu.memory_space<vmem>>
    %dma_wait3A_175 = tpu.memref_squeeze %dma_wait3A_174 : memref<1x80xi32, #tpu.memory_space<vmem>> -> memref<80xi32, #tpu.memory_space<vmem>>
    %dma_wait3A_176 = arith.constant 0 : i32
    %dma_wait3A_177 = tpu.memref_slice %arg2[%dma_wait3A_176] : memref<320000xi32, #tpu.memory_space<hbm>> -> memref<80xi32, #tpu.memory_space<hbm>>
    %dma_wait3A_178 = arith.constant 0 : i32
    %dma_wait3A_179 = tpu.memref_slice %arg9[%dma_wait3A_172, %dma_wait3A_178] : memref<3x80xi32, #tpu.memory_space<vmem>> -> memref<1x80xi32, #tpu.memory_space<vmem>>
    %dma_wait3A_180 = tpu.memref_squeeze %dma_wait3A_179 : memref<1x80xi32, #tpu.memory_space<vmem>> -> memref<80xi32, #tpu.memory_space<vmem>>
    %dma_wait3A_181 = arith.constant 0 : i32
    %dma_wait3A_182 = tpu.memref_slice %arg2[%dma_wait3A_181] : memref<320000xi32, #tpu.memory_space<hbm>> -> memref<80xi32, #tpu.memory_space<hbm>>
    tpu.wait_dma2 semaphore(%arg14 : memref<!tpu.dma_semaphore, #tpu.memory_space<semaphore_mem>>) src(%dma_wait3A_182 : memref<80xi32, #tpu.memory_space<hbm>>) dst(%dma_wait3A_180 : memref<80xi32, #tpu.memory_space<vmem>>)
    %dma_wait3A_183 = arith.constant 1 : i32
    %dma_wait3A_184 = arith.constant 0 : i32
    %dma_wait3A_185 = arith.constant 0 : i32
    %dma_wait3A_186 = tpu.memref_slice %arg10[%dma_wait3A_183, %dma_wait3A_184, %dma_wait3A_185] : memref<3x80x128xf32, #tpu.memory_space<vmem>> -> memref<1x80x128xf32, #tpu.memory_space<vmem>>
    %dma_wait3A_187 = tpu.memref_squeeze %dma_wait3A_186 : memref<1x80x128xf32, #tpu.memory_space<vmem>> -> memref<80x128xf32, #tpu.memory_space<vmem>>
    %dma_wait3A_188 = arith.constant 0 : i32
    %dma_wait3A_189 = tpu.memref_slice %arg7[%dma_wait3A_188] : memref<10000xi32, #tpu.memory_space<vmem>> -> memref<80xi32, #tpu.memory_space<vmem>>
    %dma_wait3A_190 = arith.constant 0 : i32
    %dma_wait3A_191 = arith.constant 0 : i32
    %dma_wait3A_192 = tpu.memref_slice %arg5[%dma_wait3A_190, %dma_wait3A_191] : memref<10000x128xf32, #tpu.memory_space<hbm>> -> memref<10000x128xf32, #tpu.memory_space<hbm>>
    tpu.wait_indirect_dma semaphore(%arg14 : memref<!tpu.dma_semaphore, #tpu.memory_space<semaphore_mem>>) src(%dma_wait3A_192 : memref<10000x128xf32, #tpu.memory_space<hbm>>) dst(%dma_wait3A_187 : memref<80x128xf32, #tpu.memory_space<vmem>>)
    %parallel_loop3A_193 = arith.constant 0 : i32
    %parallel_loop3A_194 = arith.constant 80 : i32
    %parallel_loop3A_195 = arith.constant 1 : i32
    scf.for %parallel_loop3A_265 = %parallel_loop3A_193 to %parallel_loop3A_194 step %parallel_loop3A_195  : i32 {
      %parallel_loop3A_266 = arith.constant 1 : i32
      %parallel_loop3A_267 = arith.index_cast %parallel_loop3A_266 : i32 to index
      %parallel_loop3A_268 = arith.index_cast %parallel_loop3A_265 : i32 to index
      %parallel_loop3A_269 = tpu.vector_load %arg8[%parallel_loop3A_267, %parallel_loop3A_268] {strides = array<i32>} : memref<3x96xf32, #tpu.memory_space<vmem>>, vector<1x16xf32>,
      %parallel_loop3A_270 = vector.shape_cast %parallel_loop3A_269 : vector<1x16xf32> to vector<16xf32>
      %parallel_loop3A_271 = vector.extract_strided_slice %parallel_loop3A_270 {offsets = [0], sizes = [1], strides = [1]} : vector<16xf32> to vector<1xf32>
      %parallel_loop3A_272 = vector.extract %parallel_loop3A_271[0] : f32 from vector<1xf32>
      %parallel_loop3A_273 = vector.broadcast %parallel_loop3A_272 : f32 to vector<16xf32>
      %parallel_loop3A_274 = arith.constant 1 : i32
      %parallel_loop3A_275 = arith.index_cast %parallel_loop3A_274 : i32 to index
      %parallel_loop3A_276 = arith.index_cast %parallel_loop3A_265 : i32 to index
      %parallel_loop3A_277 = arith.constant 0 : index
      %parallel_loop3A_278 = tpu.vector_load %arg10[%parallel_loop3A_275, %parallel_loop3A_276, %parallel_loop3A_277] {strides = array<i32>} : memref<3x80x128xf32, #tpu.memory_space<vmem>>, vector<1x1x16xf32>,
      %parallel_loop3A_279 = vector.shape_cast %parallel_loop3A_278 : vector<1x1x16xf32> to vector<16xf32>
      %parallel_loop3A_280 = arith.mulf %parallel_loop3A_279, %parallel_loop3A_273 : vector<16xf32>
      %parallel_loop3A_281 = arith.constant 1 : i32
      %parallel_loop3A_282 = arith.index_cast %parallel_loop3A_281 : i32 to index
      %parallel_loop3A_283 = arith.index_cast %parallel_loop3A_265 : i32 to index
      %parallel_loop3A_284 = arith.constant 0 : index
      %parallel_loop3A_285 = tpu.vector_load %arg10[%parallel_loop3A_282, %parallel_loop3A_283, %parallel_loop3A_284] {strides = array<i32>} : memref<3x80x128xf32, #tpu.memory_space<vmem>>, vector<1x1x16xf32>,
      %parallel_loop3A_286 = vector.shape_cast %parallel_loop3A_285 : vector<1x1x16xf32> to vector<16xf32>
      %parallel_loop3A_287 = vector.shape_cast %parallel_loop3A_280 : vector<16xf32> to vector<1x1x16xf32>
      tpu.vector_store %arg10[%parallel_loop3A_282, %parallel_loop3A_283, %parallel_loop3A_284], %parallel_loop3A_287 {strides = array<i32>} : memref<3x80x128xf32, #tpu.memory_space<vmem>>, vector<1x1x16xf32>,
      %parallel_loop3A_288 = arith.constant 1 : i32
      %parallel_loop3A_289 = arith.index_cast %parallel_loop3A_288 : i32 to index
      %parallel_loop3A_290 = arith.index_cast %parallel_loop3A_265 : i32 to index
      %parallel_loop3A_291 = arith.constant 16 : index
      %parallel_loop3A_292 = tpu.vector_load %arg10[%parallel_loop3A_289, %parallel_loop3A_290, %parallel_loop3A_291] {strides = array<i32>} : memref<3x80x128xf32, #tpu.memory_space<vmem>>, vector<1x1x16xf32>,
      %parallel_loop3A_293 = vector.shape_cast %parallel_loop3A_292 : vector<1x1x16xf32> to vector<16xf32>
      %parallel_loop3A_294 = arith.mulf %parallel_loop3A_293, %parallel_loop3A_273 : vector<16xf32>
      %parallel_loop3A_295 = arith.constant 1 : i32
      %parallel_loop3A_296 = arith.index_cast %parallel_loop3A_295 : i32 to index
      %parallel_loop3A_297 = arith.index_cast %parallel_loop3A_265 : i32 to index
      %parallel_loop3A_298 = arith.constant 16 : index
      %parallel_loop3A_299 = tpu.vector_load %arg10[%parallel_loop3A_296, %parallel_loop3A_297, %parallel_loop3A_298] {strides = array<i32>} : memref<3x80x128xf32, #tpu.memory_space<vmem>>, vector<1x1x16xf32>,
      %parallel_loop3A_300 = vector.shape_cast %parallel_loop3A_299 : vector<1x1x16xf32> to vector<16xf32>
      %parallel_loop3A_301 = vector.shape_cast %parallel_loop3A_294 : vector<16xf32> to vector<1x1x16xf32>
      tpu.vector_store %arg10[%parallel_loop3A_296, %parallel_loop3A_297, %parallel_loop3A_298], %parallel_loop3A_301 {strides = array<i32>} : memref<3x80x128xf32, #tpu.memory_space<vmem>>, vector<1x1x16xf32>,
      %parallel_loop3A_302 = arith.constant 1 : i32
      %parallel_loop3A_303 = arith.index_cast %parallel_loop3A_302 : i32 to index
      %parallel_loop3A_304 = arith.index_cast %parallel_loop3A_265 : i32 to index
      %parallel_loop3A_305 = arith.constant 32 : index
      %parallel_loop3A_306 = tpu.vector_load %arg10[%parallel_loop3A_303, %parallel_loop3A_304, %parallel_loop3A_305] {strides = array<i32>} : memref<3x80x128xf32, #tpu.memory_space<vmem>>, vector<1x1x16xf32>,
      %parallel_loop3A_307 = vector.shape_cast %parallel_loop3A_306 : vector<1x1x16xf32> to vector<16xf32>
      %parallel_loop3A_308 = arith.mulf %parallel_loop3A_307, %parallel_loop3A_273 : vector<16xf32>
      %parallel_loop3A_309 = arith.constant 1 : i32
      %parallel_loop3A_310 = arith.index_cast %parallel_loop3A_309 : i32 to index
      %parallel_loop3A_311 = arith.index_cast %parallel_loop3A_265 : i32 to index
      %parallel_loop3A_312 = arith.constant 32 : index
      %parallel_loop3A_313 = tpu.vector_load %arg10[%parallel_loop3A_310, %parallel_loop3A_311, %parallel_loop3A_312] {strides = array<i32>} : memref<3x80x128xf32, #tpu.memory_space<vmem>>, vector<1x1x16xf32>,
      %parallel_loop3A_314 = vector.shape_cast %parallel_loop3A_313 : vector<1x1x16xf32> to vector<16xf32>
      %parallel_loop3A_315 = vector.shape_cast %parallel_loop3A_308 : vector<16xf32> to vector<1x1x16xf32>
      tpu.vector_store %arg10[%parallel_loop3A_310, %parallel_loop3A_311, %parallel_loop3A_312], %parallel_loop3A_315 {strides = array<i32>} : memref<3x80x128xf32, #tpu.memory_space<vmem>>, vector<1x1x16xf32>,
      %parallel_loop3A_316 = arith.constant 1 : i32
      %parallel_loop3A_317 = arith.index_cast %parallel_loop3A_316 : i32 to index
      %parallel_loop3A_318 = arith.index_cast %parallel_loop3A_265 : i32 to index
      %parallel_loop3A_319 = arith.constant 48 : index
      %parallel_loop3A_320 = tpu.vector_load %arg10[%parallel_loop3A_317, %parallel_loop3A_318, %parallel_loop3A_319] {strides = array<i32>} : memref<3x80x128xf32, #tpu.memory_space<vmem>>, vector<1x1x16xf32>,
      %parallel_loop3A_321 = vector.shape_cast %parallel_loop3A_320 : vector<1x1x16xf32> to vector<16xf32>
      %parallel_loop3A_322 = arith.mulf %parallel_loop3A_321, %parallel_loop3A_273 : vector<16xf32>
      %parallel_loop3A_323 = arith.constant 1 : i32
      %parallel_loop3A_324 = arith.index_cast %parallel_loop3A_323 : i32 to index
      %parallel_loop3A_325 = arith.index_cast %parallel_loop3A_265 : i32 to index
      %parallel_loop3A_326 = arith.constant 48 : index
      %parallel_loop3A_327 = tpu.vector_load %arg10[%parallel_loop3A_324, %parallel_loop3A_325, %parallel_loop3A_326] {strides = array<i32>} : memref<3x80x128xf32, #tpu.memory_space<vmem>>, vector<1x1x16xf32>,
      %parallel_loop3A_328 = vector.shape_cast %parallel_loop3A_327 : vector<1x1x16xf32> to vector<16xf32>
      %parallel_loop3A_329 = vector.shape_cast %parallel_loop3A_322 : vector<16xf32> to vector<1x1x16xf32>
      tpu.vector_store %arg10[%parallel_loop3A_324, %parallel_loop3A_325, %parallel_loop3A_326], %parallel_loop3A_329 {strides = array<i32>} : memref<3x80x128xf32, #tpu.memory_space<vmem>>, vector<1x1x16xf32>,
      %parallel_loop3A_330 = arith.constant 1 : i32
      %parallel_loop3A_331 = arith.index_cast %parallel_loop3A_330 : i32 to index
      %parallel_loop3A_332 = arith.index_cast %parallel_loop3A_265 : i32 to index
      %parallel_loop3A_333 = arith.constant 64 : index
      %parallel_loop3A_334 = tpu.vector_load %arg10[%parallel_loop3A_331, %parallel_loop3A_332, %parallel_loop3A_333] {strides = array<i32>} : memref<3x80x128xf32, #tpu.memory_space<vmem>>, vector<1x1x16xf32>,
      %parallel_loop3A_335 = vector.shape_cast %parallel_loop3A_334 : vector<1x1x16xf32> to vector<16xf32>
      %parallel_loop3A_336 = arith.mulf %parallel_loop3A_335, %parallel_loop3A_273 : vector<16xf32>
      %parallel_loop3A_337 = arith.constant 1 : i32
      %parallel_loop3A_338 = arith.index_cast %parallel_loop3A_337 : i32 to index
      %parallel_loop3A_339 = arith.index_cast %parallel_loop3A_265 : i32 to index
      %parallel_loop3A_340 = arith.constant 64 : index
      %parallel_loop3A_341 = tpu.vector_load %arg10[%parallel_loop3A_338, %parallel_loop3A_339, %parallel_loop3A_340] {strides = array<i32>} : memref<3x80x128xf32, #tpu.memory_space<vmem>>, vector<1x1x16xf32>,
      %parallel_loop3A_342 = vector.shape_cast %parallel_loop3A_341 : vector<1x1x16xf32> to vector<16xf32>
      %parallel_loop3A_343 = vector.shape_cast %parallel_loop3A_336 : vector<16xf32> to vector<1x1x16xf32>
      tpu.vector_store %arg10[%parallel_loop3A_338, %parallel_loop3A_339, %parallel_loop3A_340], %parallel_loop3A_343 {strides = array<i32>} : memref<3x80x128xf32, #tpu.memory_space<vmem>>, vector<1x1x16xf32>,
      %parallel_loop3A_344 = arith.constant 1 : i32
      %parallel_loop3A_345 = arith.index_cast %parallel_loop3A_344 : i32 to index
      %parallel_loop3A_346 = arith.index_cast %parallel_loop3A_265 : i32 to index
      %parallel_loop3A_347 = arith.constant 80 : index
      %parallel_loop3A_348 = tpu.vector_load %arg10[%parallel_loop3A_345, %parallel_loop3A_346, %parallel_loop3A_347] {strides = array<i32>} : memref<3x80x128xf32, #tpu.memory_space<vmem>>, vector<1x1x16xf32>,
      %parallel_loop3A_349 = vector.shape_cast %parallel_loop3A_348 : vector<1x1x16xf32> to vector<16xf32>
      %parallel_loop3A_350 = arith.mulf %parallel_loop3A_349, %parallel_loop3A_273 : vector<16xf32>
      %parallel_loop3A_351 = arith.constant 1 : i32
      %parallel_loop3A_352 = arith.index_cast %parallel_loop3A_351 : i32 to index
      %parallel_loop3A_353 = arith.index_cast %parallel_loop3A_265 : i32 to index
      %parallel_loop3A_354 = arith.constant 80 : index
      %parallel_loop3A_355 = tpu.vector_load %arg10[%parallel_loop3A_352, %parallel_loop3A_353, %parallel_loop3A_354] {strides = array<i32>} : memref<3x80x128xf32, #tpu.memory_space<vmem>>, vector<1x1x16xf32>,
      %parallel_loop3A_356 = vector.shape_cast %parallel_loop3A_355 : vector<1x1x16xf32> to vector<16xf32>
      %parallel_loop3A_357 = vector.shape_cast %parallel_loop3A_350 : vector<16xf32> to vector<1x1x16xf32>
      tpu.vector_store %arg10[%parallel_loop3A_352, %parallel_loop3A_353, %parallel_loop3A_354], %parallel_loop3A_357 {strides = array<i32>} : memref<3x80x128xf32, #tpu.memory_space<vmem>>, vector<1x1x16xf32>,
      %parallel_loop3A_358 = arith.constant 1 : i32
      %parallel_loop3A_359 = arith.index_cast %parallel_loop3A_358 : i32 to index
      %parallel_loop3A_360 = arith.index_cast %parallel_loop3A_265 : i32 to index
      %parallel_loop3A_361 = arith.constant 96 : index
      %parallel_loop3A_362 = tpu.vector_load %arg10[%parallel_loop3A_359, %parallel_loop3A_360, %parallel_loop3A_361] {strides = array<i32>} : memref<3x80x128xf32, #tpu.memory_space<vmem>>, vector<1x1x16xf32>,
      %parallel_loop3A_363 = vector.shape_cast %parallel_loop3A_362 : vector<1x1x16xf32> to vector<16xf32>
      %parallel_loop3A_364 = arith.mulf %parallel_loop3A_363, %parallel_loop3A_273 : vector<16xf32>
      %parallel_loop3A_365 = arith.constant 1 : i32
      %parallel_loop3A_366 = arith.index_cast %parallel_loop3A_365 : i32 to index
      %parallel_loop3A_367 = arith.index_cast %parallel_loop3A_265 : i32 to index
      %parallel_loop3A_368 = arith.constant 96 : index
      %parallel_loop3A_369 = tpu.vector_load %arg10[%parallel_loop3A_366, %parallel_loop3A_367, %parallel_loop3A_368] {strides = array<i32>} : memref<3x80x128xf32, #tpu.memory_space<vmem>>, vector<1x1x16xf32>,
      %parallel_loop3A_370 = vector.shape_cast %parallel_loop3A_369 : vector<1x1x16xf32> to vector<16xf32>
      %parallel_loop3A_371 = vector.shape_cast %parallel_loop3A_364 : vector<16xf32> to vector<1x1x16xf32>
      tpu.vector_store %arg10[%parallel_loop3A_366, %parallel_loop3A_367, %parallel_loop3A_368], %parallel_loop3A_371 {strides = array<i32>} : memref<3x80x128xf32, #tpu.memory_space<vmem>>, vector<1x1x16xf32>,
      %parallel_loop3A_372 = arith.constant 1 : i32
      %parallel_loop3A_373 = arith.index_cast %parallel_loop3A_372 : i32 to index
      %parallel_loop3A_374 = arith.index_cast %parallel_loop3A_265 : i32 to index
      %parallel_loop3A_375 = arith.constant 112 : index
      %parallel_loop3A_376 = tpu.vector_load %arg10[%parallel_loop3A_373, %parallel_loop3A_374, %parallel_loop3A_375] {strides = array<i32>} : memref<3x80x128xf32, #tpu.memory_space<vmem>>, vector<1x1x16xf32>,
      %parallel_loop3A_377 = vector.shape_cast %parallel_loop3A_376 : vector<1x1x16xf32> to vector<16xf32>
      %parallel_loop3A_378 = arith.mulf %parallel_loop3A_377, %parallel_loop3A_273 : vector<16xf32>
      %parallel_loop3A_379 = arith.constant 1 : i32
      %parallel_loop3A_380 = arith.index_cast %parallel_loop3A_379 : i32 to index
      %parallel_loop3A_381 = arith.index_cast %parallel_loop3A_265 : i32 to index
      %parallel_loop3A_382 = arith.constant 112 : index
      %parallel_loop3A_383 = tpu.vector_load %arg10[%parallel_loop3A_380, %parallel_loop3A_381, %parallel_loop3A_382] {strides = array<i32>} : memref<3x80x128xf32, #tpu.memory_space<vmem>>, vector<1x1x16xf32>,
      %parallel_loop3A_384 = vector.shape_cast %parallel_loop3A_383 : vector<1x1x16xf32> to vector<16xf32>
      %parallel_loop3A_385 = vector.shape_cast %parallel_loop3A_378 : vector<16xf32> to vector<1x1x16xf32>
      tpu.vector_store %arg10[%parallel_loop3A_380, %parallel_loop3A_381, %parallel_loop3A_382], %parallel_loop3A_385 {strides = array<i32>} : memref<3x80x128xf32, #tpu.memory_space<vmem>>, vector<1x1x16xf32>,
    } {sc.loop_unroll_factor = 8 : i64, sc.parallel_access}
    %dma_wait3A_196 = arith.constant 0 : i32
    %dma_wait3A_197 = arith.constant 0 : i32
    %dma_wait3A_198 = arith.constant 0 : i32
    %dma_wait3A_199 = arith.constant 0 : i32
    %dma_wait3A_200 = tpu.memref_slice %arg10[%dma_wait3A_196, %dma_wait3A_198, %dma_wait3A_199] : memref<3x80x128xf32, #tpu.memory_space<vmem>> -> memref<1x80x128xf32, #tpu.memory_space<vmem>>
    %dma_wait3A_201 = tpu.memref_squeeze %dma_wait3A_200 : memref<1x80x128xf32, #tpu.memory_space<vmem>> -> memref<80x128xf32, #tpu.memory_space<vmem>>
    %dma_wait3A_202 = arith.constant 0 : i32
    %dma_wait3A_203 = tpu.memref_slice %arg9[%dma_wait3A_197, %dma_wait3A_202] : memref<3x80xi32, #tpu.memory_space<vmem>> -> memref<1x80xi32, #tpu.memory_space<vmem>>
    %dma_wait3A_204 = tpu.memref_squeeze %dma_wait3A_203 : memref<1x80xi32, #tpu.memory_space<vmem>> -> memref<80xi32, #tpu.memory_space<vmem>>
    %dma_wait3A_205 = arith.constant 0 : i32
    %dma_wait3A_206 = arith.constant 0 : i32
    %dma_wait3A_207 = tpu.memref_slice %arg11[%dma_wait3A_205, %dma_wait3A_206] : memref<10240x128xf32, #tpu.memory_space<vmem_shared>> -> memref<10240x128xf32, #tpu.memory_space<vmem_shared>>
    tpu.wait_indirect_dma semaphore(%arg16 : memref<!tpu.dma_semaphore, #tpu.memory_space<semaphore_mem>>) src(%dma_wait3A_201 : memref<80x128xf32, #tpu.memory_space<vmem>>) dst(%dma_wait3A_207 : memref<10240x128xf32, #tpu.memory_space<vmem_shared>>)
    %dma_start3A_208 = arith.constant 1 : i32
    %dma_start3A_209 = arith.constant 1 : i32
    %dma_start3A_210 = arith.constant 0 : i32
    %dma_start3A_211 = arith.constant 0 : i32
    %dma_start3A_212 = tpu.memref_slice %arg10[%dma_start3A_208, %dma_start3A_210, %dma_start3A_211] : memref<3x80x128xf32, #tpu.memory_space<vmem>> -> memref<1x80x128xf32, #tpu.memory_space<vmem>>
    %dma_start3A_213 = tpu.memref_squeeze %dma_start3A_212 : memref<1x80x128xf32, #tpu.memory_space<vmem>> -> memref<80x128xf32, #tpu.memory_space<vmem>>
    %dma_start3A_214 = arith.constant 0 : i32
    %dma_start3A_215 = tpu.memref_slice %arg9[%dma_start3A_209, %dma_start3A_214] : memref<3x80xi32, #tpu.memory_space<vmem>> -> memref<1x80xi32, #tpu.memory_space<vmem>>
    %dma_start3A_216 = tpu.memref_squeeze %dma_start3A_215 : memref<1x80xi32, #tpu.memory_space<vmem>> -> memref<80xi32, #tpu.memory_space<vmem>>
    %dma_start3A_217 = arith.constant 0 : i32
    %dma_start3A_218 = arith.constant 0 : i32
    %dma_start3A_219 = tpu.memref_slice %arg11[%dma_start3A_217, %dma_start3A_218] : memref<10240x128xf32, #tpu.memory_space<vmem_shared>> -> memref<10240x128xf32, #tpu.memory_space<vmem_shared>>
    tpu.enqueue_indirect_dma source(%dma_start3A_213 : memref<80x128xf32, #tpu.memory_space<vmem>>) target(%dma_start3A_219 : memref<10240x128xf32, #tpu.memory_space<vmem_shared>>) offsets(%dma_start3A_216 : memref<80xi32, #tpu.memory_space<vmem>>) semaphore(%arg17 : memref<!tpu.dma_semaphore, #tpu.memory_space<semaphore_mem>>) {add = true}
    %dma_wait3A_220 = arith.constant 1 : i32
    %dma_wait3A_221 = arith.constant 1 : i32
    %dma_wait3A_222 = arith.constant 0 : i32
    %dma_wait3A_223 = arith.constant 0 : i32
    %dma_wait3A_224 = tpu.memref_slice %arg10[%dma_wait3A_220, %dma_wait3A_222, %dma_wait3A_223] : memref<3x80x128xf32, #tpu.memory_space<vmem>> -> memref<1x80x128xf32, #tpu.memory_space<vmem>>
    %dma_wait3A_225 = tpu.memref_squeeze %dma_wait3A_224 : memref<1x80x128xf32, #tpu.memory_space<vmem>> -> memref<80x128xf32, #tpu.memory_space<vmem>>
    %dma_wait3A_226 = arith.constant 0 : i32
    %dma_wait3A_227 = tpu.memref_slice %arg9[%dma_wait3A_221, %dma_wait3A_226] : memref<3x80xi32, #tpu.memory_space<vmem>> -> memref<1x80xi32, #tpu.memory_space<vmem>>
    %dma_wait3A_228 = tpu.memref_squeeze %dma_wait3A_227 : memref<1x80xi32, #tpu.memory_space<vmem>> -> memref<80xi32, #tpu.memory_space<vmem>>
    %dma_wait3A_229 = arith.constant 0 : i32
    %dma_wait3A_230 = arith.constant 0 : i32
    %dma_wait3A_231 = tpu.memref_slice %arg11[%dma_wait3A_229, %dma_wait3A_230] : memref<10240x128xf32, #tpu.memory_space<vmem_shared>> -> memref<10240x128xf32, #tpu.memory_space<vmem_shared>>
    tpu.wait_indirect_dma semaphore(%arg17 : memref<!tpu.dma_semaphore, #tpu.memory_space<semaphore_mem>>) src(%dma_wait3A_225 : memref<80x128xf32, #tpu.memory_space<vmem>>) dst(%dma_wait3A_231 : memref<10240x128xf32, #tpu.memory_space<vmem_shared>>)
    %barrier3A_232 = arith.constant 0 : index
    tpu.barrier barrier_id(%barrier3A_232)
    %add3A_233 = arith.constant 0 : i32
    %add3A_234 = arith.addi %mul3A_2, %add3A_233 : i32
    %add3A_235 = arith.constant 0 : i32
    %add3A_236 = arith.addi %mul3A_2, %add3A_235 : i32
    "tpu.region"() ({
      %run_scoped3A_265 = tpu.sem_alloc : memref<!tpu.dma_semaphore, #tpu.memory_space<semaphore_mem>>
      %dma_start3A_266 = arith.constant 0 : i32
      %dma_start3A_267 = tpu.memref_slice %arg6[%arg0, %add3A_236, %dma_start3A_266] : memref<2x10240x128xf32, #tpu.memory_space<hbm>> -> memref<1x80x128xf32, #tpu.memory_space<hbm>>
      %dma_start3A_268 = tpu.memref_squeeze %dma_start3A_267 : memref<1x80x128xf32, #tpu.memory_space<hbm>> -> memref<80x128xf32, #tpu.memory_space<hbm>>
      %dma_start3A_269 = arith.constant 0 : i32
      %dma_start3A_270 = tpu.memref_slice %arg11[%add3A_234, %dma_start3A_269] : memref<10240x128xf32, #tpu.memory_space<vmem_shared>> -> memref<80x128xf32, #tpu.memory_space<vmem_shared>>
      tpu.enqueue_dma source(%dma_start3A_270 : memref<80x128xf32, #tpu.memory_space<vmem_shared>>) target(%dma_start3A_268 : memref<80x128xf32, #tpu.memory_space<hbm>>) target_semaphore(%run_scoped3A_265 : memref<!tpu.dma_semaphore, #tpu.memory_space<semaphore_mem>>)
      %dma_wait3A_271 = arith.constant 0 : i32
      %dma_wait3A_272 = tpu.memref_slice %arg6[%arg0, %add3A_236, %dma_wait3A_271] : memref<2x10240x128xf32, #tpu.memory_space<hbm>> -> memref<1x80x128xf32, #tpu.memory_space<hbm>>
      %dma_wait3A_273 = tpu.memref_squeeze %dma_wait3A_272 : memref<1x80x128xf32, #tpu.memory_space<hbm>> -> memref<80x128xf32, #tpu.memory_space<hbm>>
      %dma_wait3A_274 = arith.constant 0 : i32
      %dma_wait3A_275 = tpu.memref_slice %arg11[%add3A_234, %dma_wait3A_274] : memref<10240x128xf32, #tpu.memory_space<vmem_shared>> -> memref<80x128xf32, #tpu.memory_space<vmem_shared>>
      tpu.wait_dma2 semaphore(%run_scoped3A_265 : memref<!tpu.dma_semaphore, #tpu.memory_space<semaphore_mem>>) src(%dma_wait3A_275 : memref<80x128xf32, #tpu.memory_space<vmem_shared>>) dst(%dma_wait3A_273 : memref<80x128xf32, #tpu.memory_space<hbm>>)
      tpu.yield
    }) : () -> ()
    %add3A_237 = arith.constant 80 : i32
    %add3A_238 = arith.addi %mul3A_2, %add3A_237 : i32
    %add3A_239 = arith.constant 80 : i32
    %add3A_240 = arith.addi %mul3A_2, %add3A_239 : i32
    "tpu.region"() ({
      %run_scoped3A_265 = tpu.sem_alloc : memref<!tpu.dma_semaphore, #tpu.memory_space<semaphore_mem>>
      %dma_start3A_266 = arith.constant 0 : i32
      %dma_start3A_267 = tpu.memref_slice %arg6[%arg0, %add3A_240, %dma_start3A_266] : memref<2x10240x128xf32, #tpu.memory_space<hbm>> -> memref<1x80x128xf32, #tpu.memory_space<hbm>>
      %dma_start3A_268 = tpu.memref_squeeze %dma_start3A_267 : memref<1x80x128xf32, #tpu.memory_space<hbm>> -> memref<80x128xf32, #tpu.memory_space<hbm>>
      %dma_start3A_269 = arith.constant 0 : i32
      %dma_start3A_270 = tpu.memref_slice %arg11[%add3A_238, %dma_start3A_269] : memref<10240x128xf32, #tpu.memory_space<vmem_shared>> -> memref<80x128xf32, #tpu.memory_space<vmem_shared>>
      tpu.enqueue_dma source(%dma_start3A_270 : memref<80x128xf32, #tpu.memory_space<vmem_shared>>) target(%dma_start3A_268 : memref<80x128xf32, #tpu.memory_space<hbm>>) target_semaphore(%run_scoped3A_265 : memref<!tpu.dma_semaphore, #tpu.memory_space<semaphore_mem>>)
      %dma_wait3A_271 = arith.constant 0 : i32
      %dma_wait3A_272 = tpu.memref_slice %arg6[%arg0, %add3A_240, %dma_wait3A_271] : memref<2x10240x128xf32, #tpu.memory_space<hbm>> -> memref<1x80x128xf32, #tpu.memory_space<hbm>>
      %dma_wait3A_273 = tpu.memref_squeeze %dma_wait3A_272 : memref<1x80x128xf32, #tpu.memory_space<hbm>> -> memref<80x128xf32, #tpu.memory_space<hbm>>
      %dma_wait3A_274 = arith.constant 0 : i32
      %dma_wait3A_275 = tpu.memref_slice %arg11[%add3A_238, %dma_wait3A_274] : memref<10240x128xf32, #tpu.memory_space<vmem_shared>> -> memref<80x128xf32, #tpu.memory_space<vmem_shared>>
      tpu.wait_dma2 semaphore(%run_scoped3A_265 : memref<!tpu.dma_semaphore, #tpu.memory_space<semaphore_mem>>) src(%dma_wait3A_275 : memref<80x128xf32, #tpu.memory_space<vmem_shared>>) dst(%dma_wait3A_273 : memref<80x128xf32, #tpu.memory_space<hbm>>)
      tpu.yield
    }) : () -> ()
    %add3A_241 = arith.constant 160 : i32
    %add3A_242 = arith.addi %mul3A_2, %add3A_241 : i32
    %add3A_243 = arith.constant 160 : i32
    %add3A_244 = arith.addi %mul3A_2, %add3A_243 : i32
    "tpu.region"() ({
      %run_scoped3A_265 = tpu.sem_alloc : memref<!tpu.dma_semaphore, #tpu.memory_space<semaphore_mem>>
      %dma_start3A_266 = arith.constant 0 : i32
      %dma_start3A_267 = tpu.memref_slice %arg6[%arg0, %add3A_244, %dma_start3A_266] : memref<2x10240x128xf32, #tpu.memory_space<hbm>> -> memref<1x80x128xf32, #tpu.memory_space<hbm>>
      %dma_start3A_268 = tpu.memref_squeeze %dma_start3A_267 : memref<1x80x128xf32, #tpu.memory_space<hbm>> -> memref<80x128xf32, #tpu.memory_space<hbm>>
      %dma_start3A_269 = arith.constant 0 : i32
      %dma_start3A_270 = tpu.memref_slice %arg11[%add3A_242, %dma_start3A_269] : memref<10240x128xf32, #tpu.memory_space<vmem_shared>> -> memref<80x128xf32, #tpu.memory_space<vmem_shared>>
      tpu.enqueue_dma source(%dma_start3A_270 : memref<80x128xf32, #tpu.memory_space<vmem_shared>>) target(%dma_start3A_268 : memref<80x128xf32, #tpu.memory_space<hbm>>) target_semaphore(%run_scoped3A_265 : memref<!tpu.dma_semaphore, #tpu.memory_space<semaphore_mem>>)
      %dma_wait3A_271 = arith.constant 0 : i32
      %dma_wait3A_272 = tpu.memref_slice %arg6[%arg0, %add3A_244, %dma_wait3A_271] : memref<2x10240x128xf32, #tpu.memory_space<hbm>> -> memref<1x80x128xf32, #tpu.memory_space<hbm>>
      %dma_wait3A_273 = tpu.memref_squeeze %dma_wait3A_272 : memref<1x80x128xf32, #tpu.memory_space<hbm>> -> memref<80x128xf32, #tpu.memory_space<hbm>>
      %dma_wait3A_274 = arith.constant 0 : i32
      %dma_wait3A_275 = tpu.memref_slice %arg11[%add3A_242, %dma_wait3A_274] : memref<10240x128xf32, #tpu.memory_space<vmem_shared>> -> memref<80x128xf32, #tpu.memory_space<vmem_shared>>
      tpu.wait_dma2 semaphore(%run_scoped3A_265 : memref<!tpu.dma_semaphore, #tpu.memory_space<semaphore_mem>>) src(%dma_wait3A_275 : memref<80x128xf32, #tpu.memory_space<vmem_shared>>) dst(%dma_wait3A_273 : memref<80x128xf32, #tpu.memory_space<hbm>>)
      tpu.yield
    }) : () -> ()
    %add3A_245 = arith.constant 240 : i32
    %add3A_246 = arith.addi %mul3A_2, %add3A_245 : i32
    %add3A_247 = arith.constant 240 : i32
    %add3A_248 = arith.addi %mul3A_2, %add3A_247 : i32
    "tpu.region"() ({
      %run_scoped3A_265 = tpu.sem_alloc : memref<!tpu.dma_semaphore, #tpu.memory_space<semaphore_mem>>
      %dma_start3A_266 = arith.constant 0 : i32
      %dma_start3A_267 = tpu.memref_slice %arg6[%arg0, %add3A_248, %dma_start3A_266] : memref<2x10240x128xf32, #tpu.memory_space<hbm>> -> memref<1x80x128xf32, #tpu.memory_space<hbm>>
      %dma_start3A_268 = tpu.memref_squeeze %dma_start3A_267 : memref<1x80x128xf32, #tpu.memory_space<hbm>> -> memref<80x128xf32, #tpu.memory_space<hbm>>
      %dma_start3A_269 = arith.constant 0 : i32
      %dma_start3A_270 = tpu.memref_slice %arg11[%add3A_246, %dma_start3A_269] : memref<10240x128xf32, #tpu.memory_space<vmem_shared>> -> memref<80x128xf32, #tpu.memory_space<vmem_shared>>
      tpu.enqueue_dma source(%dma_start3A_270 : memref<80x128xf32, #tpu.memory_space<vmem_shared>>) target(%dma_start3A_268 : memref<80x128xf32, #tpu.memory_space<hbm>>) target_semaphore(%run_scoped3A_265 : memref<!tpu.dma_semaphore, #tpu.memory_space<semaphore_mem>>)
      %dma_wait3A_271 = arith.constant 0 : i32
      %dma_wait3A_272 = tpu.memref_slice %arg6[%arg0, %add3A_248, %dma_wait3A_271] : memref<2x10240x128xf32, #tpu.memory_space<hbm>> -> memref<1x80x128xf32, #tpu.memory_space<hbm>>
      %dma_wait3A_273 = tpu.memref_squeeze %dma_wait3A_272 : memref<1x80x128xf32, #tpu.memory_space<hbm>> -> memref<80x128xf32, #tpu.memory_space<hbm>>
      %dma_wait3A_274 = arith.constant 0 : i32
      %dma_wait3A_275 = tpu.memref_slice %arg11[%add3A_246, %dma_wait3A_274] : memref<10240x128xf32, #tpu.memory_space<vmem_shared>> -> memref<80x128xf32, #tpu.memory_space<vmem_shared>>
      tpu.wait_dma2 semaphore(%run_scoped3A_265 : memref<!tpu.dma_semaphore, #tpu.memory_space<semaphore_mem>>) src(%dma_wait3A_275 : memref<80x128xf32, #tpu.memory_space<vmem_shared>>) dst(%dma_wait3A_273 : memref<80x128xf32, #tpu.memory_space<hbm>>)
      tpu.yield
    }) : () -> ()
    %add3A_249 = arith.constant 320 : i32
    %add3A_250 = arith.addi %mul3A_2, %add3A_249 : i32
    %add3A_251 = arith.constant 320 : i32
    %add3A_252 = arith.addi %mul3A_2, %add3A_251 : i32
    "tpu.region"() ({
      %run_scoped3A_265 = tpu.sem_alloc : memref<!tpu.dma_semaphore, #tpu.memory_space<semaphore_mem>>
      %dma_start3A_266 = arith.constant 0 : i32
      %dma_start3A_267 = tpu.memref_slice %arg6[%arg0, %add3A_252, %dma_start3A_266] : memref<2x10240x128xf32, #tpu.memory_space<hbm>> -> memref<1x80x128xf32, #tpu.memory_space<hbm>>
      %dma_start3A_268 = tpu.memref_squeeze %dma_start3A_267 : memref<1x80x128xf32, #tpu.memory_space<hbm>> -> memref<80x128xf32, #tpu.memory_space<hbm>>
      %dma_start3A_269 = arith.constant 0 : i32
      %dma_start3A_270 = tpu.memref_slice %arg11[%add3A_250, %dma_start3A_269] : memref<10240x128xf32, #tpu.memory_space<vmem_shared>> -> memref<80x128xf32, #tpu.memory_space<vmem_shared>>
      tpu.enqueue_dma source(%dma_start3A_270 : memref<80x128xf32, #tpu.memory_space<vmem_shared>>) target(%dma_start3A_268 : memref<80x128xf32, #tpu.memory_space<hbm>>) target_semaphore(%run_scoped3A_265 : memref<!tpu.dma_semaphore, #tpu.memory_space<semaphore_mem>>)
      %dma_wait3A_271 = arith.constant 0 : i32
      %dma_wait3A_272 = tpu.memref_slice %arg6[%arg0, %add3A_252, %dma_wait3A_271] : memref<2x10240x128xf32, #tpu.memory_space<hbm>> -> memref<1x80x128xf32, #tpu.memory_space<hbm>>
      %dma_wait3A_273 = tpu.memref_squeeze %dma_wait3A_272 : memref<1x80x128xf32, #tpu.memory_space<hbm>> -> memref<80x128xf32, #tpu.memory_space<hbm>>
      %dma_wait3A_274 = arith.constant 0 : i32
      %dma_wait3A_275 = tpu.memref_slice %arg11[%add3A_250, %dma_wait3A_274] : memref<10240x128xf32, #tpu.memory_space<vmem_shared>> -> memref<80x128xf32, #tpu.memory_space<vmem_shared>>
      tpu.wait_dma2 semaphore(%run_scoped3A_265 : memref<!tpu.dma_semaphore, #tpu.memory_space<semaphore_mem>>) src(%dma_wait3A_275 : memref<80x128xf32, #tpu.memory_space<vmem_shared>>) dst(%dma_wait3A_273 : memref<80x128xf32, #tpu.memory_space<hbm>>)
      tpu.yield
    }) : () -> ()
    %add3A_253 = arith.constant 400 : i32
    %add3A_254 = arith.addi %mul3A_2, %add3A_253 : i32
    %add3A_255 = arith.constant 400 : i32
    %add3A_256 = arith.addi %mul3A_2, %add3A_255 : i32
    "tpu.region"() ({
      %run_scoped3A_265 = tpu.sem_alloc : memref<!tpu.dma_semaphore, #tpu.memory_space<semaphore_mem>>
      %dma_start3A_266 = arith.constant 0 : i32
      %dma_start3A_267 = tpu.memref_slice %arg6[%arg0, %add3A_256, %dma_start3A_266] : memref<2x10240x128xf32, #tpu.memory_space<hbm>> -> memref<1x80x128xf32, #tpu.memory_space<hbm>>
      %dma_start3A_268 = tpu.memref_squeeze %dma_start3A_267 : memref<1x80x128xf32, #tpu.memory_space<hbm>> -> memref<80x128xf32, #tpu.memory_space<hbm>>
      %dma_start3A_269 = arith.constant 0 : i32
      %dma_start3A_270 = tpu.memref_slice %arg11[%add3A_254, %dma_start3A_269] : memref<10240x128xf32, #tpu.memory_space<vmem_shared>> -> memref<80x128xf32, #tpu.memory_space<vmem_shared>>
      tpu.enqueue_dma source(%dma_start3A_270 : memref<80x128xf32, #tpu.memory_space<vmem_shared>>) target(%dma_start3A_268 : memref<80x128xf32, #tpu.memory_space<hbm>>) target_semaphore(%run_scoped3A_265 : memref<!tpu.dma_semaphore, #tpu.memory_space<semaphore_mem>>)
      %dma_wait3A_271 = arith.constant 0 : i32
      %dma_wait3A_272 = tpu.memref_slice %arg6[%arg0, %add3A_256, %dma_wait3A_271] : memref<2x10240x128xf32, #tpu.memory_space<hbm>> -> memref<1x80x128xf32, #tpu.memory_space<hbm>>
      %dma_wait3A_273 = tpu.memref_squeeze %dma_wait3A_272 : memref<1x80x128xf32, #tpu.memory_space<hbm>> -> memref<80x128xf32, #tpu.memory_space<hbm>>
      %dma_wait3A_274 = arith.constant 0 : i32
      %dma_wait3A_275 = tpu.memref_slice %arg11[%add3A_254, %dma_wait3A_274] : memref<10240x128xf32, #tpu.memory_space<vmem_shared>> -> memref<80x128xf32, #tpu.memory_space<vmem_shared>>
      tpu.wait_dma2 semaphore(%run_scoped3A_265 : memref<!tpu.dma_semaphore, #tpu.memory_space<semaphore_mem>>) src(%dma_wait3A_275 : memref<80x128xf32, #tpu.memory_space<vmem_shared>>) dst(%dma_wait3A_273 : memref<80x128xf32, #tpu.memory_space<hbm>>)
      tpu.yield
    }) : () -> ()
    %add3A_257 = arith.constant 480 : i32
    %add3A_258 = arith.addi %mul3A_2, %add3A_257 : i32
    %add3A_259 = arith.constant 480 : i32
    %add3A_260 = arith.addi %mul3A_2, %add3A_259 : i32
    "tpu.region"() ({
      %run_scoped3A_265 = tpu.sem_alloc : memref<!tpu.dma_semaphore, #tpu.memory_space<semaphore_mem>>
      %dma_start3A_266 = arith.constant 0 : i32
      %dma_start3A_267 = tpu.memref_slice %arg6[%arg0, %add3A_260, %dma_start3A_266] : memref<2x10240x128xf32, #tpu.memory_space<hbm>> -> memref<1x80x128xf32, #tpu.memory_space<hbm>>
      %dma_start3A_268 = tpu.memref_squeeze %dma_start3A_267 : memref<1x80x128xf32, #tpu.memory_space<hbm>> -> memref<80x128xf32, #tpu.memory_space<hbm>>
      %dma_start3A_269 = arith.constant 0 : i32
      %dma_start3A_270 = tpu.memref_slice %arg11[%add3A_258, %dma_start3A_269] : memref<10240x128xf32, #tpu.memory_space<vmem_shared>> -> memref<80x128xf32, #tpu.memory_space<vmem_shared>>
      tpu.enqueue_dma source(%dma_start3A_270 : memref<80x128xf32, #tpu.memory_space<vmem_shared>>) target(%dma_start3A_268 : memref<80x128xf32, #tpu.memory_space<hbm>>) target_semaphore(%run_scoped3A_265 : memref<!tpu.dma_semaphore, #tpu.memory_space<semaphore_mem>>)
      %dma_wait3A_271 = arith.constant 0 : i32
      %dma_wait3A_272 = tpu.memref_slice %arg6[%arg0, %add3A_260, %dma_wait3A_271] : memref<2x10240x128xf32, #tpu.memory_space<hbm>> -> memref<1x80x128xf32, #tpu.memory_space<hbm>>
      %dma_wait3A_273 = tpu.memref_squeeze %dma_wait3A_272 : memref<1x80x128xf32, #tpu.memory_space<hbm>> -> memref<80x128xf32, #tpu.memory_space<hbm>>
      %dma_wait3A_274 = arith.constant 0 : i32
      %dma_wait3A_275 = tpu.memref_slice %arg11[%add3A_258, %dma_wait3A_274] : memref<10240x128xf32, #tpu.memory_space<vmem_shared>> -> memref<80x128xf32, #tpu.memory_space<vmem_shared>>
      tpu.wait_dma2 semaphore(%run_scoped3A_265 : memref<!tpu.dma_semaphore, #tpu.memory_space<semaphore_mem>>) src(%dma_wait3A_275 : memref<80x128xf32, #tpu.memory_space<vmem_shared>>) dst(%dma_wait3A_273 : memref<80x128xf32, #tpu.memory_space<hbm>>)
      tpu.yield
    }) : () -> ()
    %add3A_261 = arith.constant 560 : i32
    %add3A_262 = arith.addi %mul3A_2, %add3A_261 : i32
    %add3A_263 = arith.constant 560 : i32
    %add3A_264 = arith.addi %mul3A_2, %add3A_263 : i32
    "tpu.region"() ({
      %run_scoped3A_265 = tpu.sem_alloc : memref<!tpu.dma_semaphore, #tpu.memory_space<semaphore_mem>>
      %dma_start3A_266 = arith.constant 0 : i32
      %dma_start3A_267 = tpu.memref_slice %arg6[%arg0, %add3A_264, %dma_start3A_266] : memref<2x10240x128xf32, #tpu.memory_space<hbm>> -> memref<1x80x128xf32, #tpu.memory_space<hbm>>
      %dma_start3A_268 = tpu.memref_squeeze %dma_start3A_267 : memref<1x80x128xf32, #tpu.memory_space<hbm>> -> memref<80x128xf32, #tpu.memory_space<hbm>>
      %dma_start3A_269 = arith.constant 0 : i32
      %dma_start3A_270 = tpu.memref_slice %arg11[%add3A_262, %dma_start3A_269] : memref<10240x128xf32, #tpu.memory_space<vmem_shared>> -> memref<80x128xf32, #tpu.memory_space<vmem_shared>>
      tpu.enqueue_dma source(%dma_start3A_270 : memref<80x128xf32, #tpu.memory_space<vmem_shared>>) target(%dma_start3A_268 : memref<80x128xf32, #tpu.memory_space<hbm>>) target_semaphore(%run_scoped3A_265 : memref<!tpu.dma_semaphore, #tpu.memory_space<semaphore_mem>>)
      %dma_wait3A_271 = arith.constant 0 : i32
      %dma_wait3A_272 = tpu.memref_slice %arg6[%arg0, %add3A_264, %dma_wait3A_271] : memref<2x10240x128xf32, #tpu.memory_space<hbm>> -> memref<1x80x128xf32, #tpu.memory_space<hbm>>
      %dma_wait3A_273 = tpu.memref_squeeze %dma_wait3A_272 : memref<1x80x128xf32, #tpu.memory_space<hbm>> -> memref<80x128xf32, #tpu.memory_space<hbm>>
      %dma_wait3A_274 = arith.constant 0 : i32
      %dma_wait3A_275 = tpu.memref_slice %arg11[%add3A_262, %dma_wait3A_274] : memref<10240x128xf32, #tpu.memory_space<vmem_shared>> -> memref<80x128xf32, #tpu.memory_space<vmem_shared>>
      tpu.wait_dma2 semaphore(%run_scoped3A_265 : memref<!tpu.dma_semaphore, #tpu.memory_space<semaphore_mem>>) src(%dma_wait3A_275 : memref<80x128xf32, #tpu.memory_space<vmem_shared>>) dst(%dma_wait3A_273 : memref<80x128xf32, #tpu.memory_space<hbm>>)
      tpu.yield
    }) : () -> ()
    return
  }
}

module attributes {stable_mosaic.version = 14 : i64} {
  func.func @body(%arg0: i32, %arg1: memref<1000x128xf32, #tpu.memory_space<vmem>>, %arg2: memref<1000x128xf32, #tpu.memory_space<vmem>>, %arg3: memref<1000x128xf32, #tpu.memory_space<vmem>>) attributes {dimension_semantics = [#tpu.dimension_semantics<arbitrary>], iteration_bounds = array<i64: 10>, scalar_prefetch = 0 : i64, scratch_operands = 0 : i64, tpu.core_type = #tpu.core_type<tc>, window_params = [{transform_indices = @transform_0, window_bounds = array<i64: 1000, 128>}, {transform_indices = @transform_1, window_bounds = array<i64: 1000, 128>}, {transform_indices = @transform_2, window_bounds = array<i64: 1000, 128>}]} {
    %get3A = arith.constant 0 : index
    %get3A_0 = arith.constant 0 : index
    %get3A_1 = vector.load %arg1[%get3A, %get3A_0] : memref<1000x128xf32, #tpu.memory_space<vmem>>, vector<1000x128xf32>
    %get3A_2 = arith.constant 0 : index
    %get3A_3 = arith.constant 0 : index
    %get3A_4 = vector.load %arg2[%get3A_2, %get3A_3] : memref<1000x128xf32, #tpu.memory_space<vmem>>, vector<1000x128xf32>
    %add3A = arith.addf %get3A_1, %get3A_4 : vector<1000x128xf32>
    %swap3A = arith.constant 0 : index
    %swap3A_5 = arith.constant 0 : index
    %swap3A_6 = vector.load %arg3[%swap3A, %swap3A_5] : memref<1000x128xf32, #tpu.memory_space<vmem>>, vector<1000x128xf32>
    tpu.vector_store %arg3[%swap3A, %swap3A_5], %add3A {strides = array<i32>} : memref<1000x128xf32, #tpu.memory_space<vmem>>, vector<1000x128xf32>,
    return
  }
  func.func @transform_0(%arg0: i32) -> (i32, i32) {
    %c0_i32 = arith.constant 0 : i32
    %c0_i32_0 = arith.constant 0 : i32
    return %arg0, %c0_i32 : i32, i32
  }
  func.func @transform_1(%arg0: i32) -> (i32, i32) {
    %c0_i32 = arith.constant 0 : i32
    %c0_i32_0 = arith.constant 0 : i32
    return %arg0, %c0_i32 : i32, i32
  }
  func.func @transform_2(%arg0: i32) -> (i32, i32) {
    %c0_i32 = arith.constant 0 : i32
    %c0_i32_0 = arith.constant 0 : i32
    return %arg0, %c0_i32 : i32, i32
  }
}

</mosaic_0001>

<sc_bundles>
// kernel: kernel.4.cloned.1.call-start
scs
__scs_entry_jumppad:
0x0: {  	(pc) =	sbr.rel $0x88, $3  }
0x1: {  	(tag) =	ssettag $0x0;
	lr =	simm.s32 $0x1  }
0x2: {  	[smem:$0x3F9E] =	sst lr;
	_ =	strace $0xD0000000  }
0x3: {  	_ = 	snop  }
0x4: {  	_ = 	snop  }
0x5: {  	_ = 	snop  }
0x6: {  	_ = 	snop  }
0x7: {  	_ = 	snop  }
__scs_overlays_trampoline_lowered:
0x8: {  	[smem:$0x3FAD] =	sst s0  }
0x9: {  	[smem:$0x3FAE] =	sst s1  }
0xa: {  	[smem:$0x3FAF] =	sst s2  }
0xb: {  	[smem:$0x3FB0] =	sst s3  }
0xc: {  	[smem:$0x3FB1] =	sst s4  }
0xd: {  	[smem:$0x3FB2] =	sst s5  }
0xe: {  	[smem:$0x3FB3] =	sst s6  }
0xf: {  	[smem:$0x3FB4] =	sst s7  }
0x10: {  	[smem:$0x3FB5] =	sst s8  }
0x11: {  	[smem:$0x3FB6] =	sst s9;
	s0 =	simm.s32 @!p0 $0x0  }
0x12: {  	s1 =	sld [smem:$0x3F9C];
	s0 =	simm.s32 @p0 $0x1  }
0x13: {  	[smem:$0x3FB7] =	sst s0;
	s0 =	simm.s32 @!p1 $0x0  }
0x14: {  	s2 =	sld [smem:$0x3F9B];
	s0 =	simm.s32 @p1 $0x1  }
0x15: {  	[smem:$0x3FB8] =	sst s0;
	s0 =	simm.s32 @!p2 $0x0  }
0x16: {  	s3 =	sld [smem:$0x3FDB];
	s0 =	simm.s32 @p2 $0x1  }
0x17: {  	s4 =	simm.s32 $0x1BF5;
	[smem:$0x3FBA] =	sst s0  }
0x18: {  	s0 =	sld [smem:$0x3F9D];
	_ =	swait.ge [sflag:s4], $0x0  }
0x19: {  	s7 =	sld [smem:$0x3F9E]  }
0x1a: {  	s8 =	sadd.s32 $0xFFFFE003, lr  }
0x1b: {  	s9 =	sadd.s32 $0xFFFFFEF7, lr;
	s5 =	simm.s32 $0xFFFFFFFF;
	p2 =	slt.u32 s8, $0xFFFFF086  }
0x1c: {  	p1 =	slt.u32 s9, $0xF7A;
	s5 =	simm.s32 @!p2 $0x0  }
0x1d: {  	s5 =	simm.s32 @p1 $0x1;
	p0 =	seq.s32 s7, s2  }
0x1e: {  	s7 =	smul.u32 @!p0 $0xF7A, s2;
	p2 =	seq.s32 @!p0 s5, $0x0  }
0x1f: {  	s9 =	smul.u32 $0xF7A, s1;
	s8 =	simm.s32 @!p0 $0x1BF5;
	p2 =	por !p2, p0  }
0x20: {  	[sflag:s8] =	ssyncset.s32 @!p0 $0xFFFFF086;
	s6 =	sadd.s32 @!p0 s3, s7;
	s7 =	simm.s32 @!p0 $0x108  }
0x21: {  	s3 =	sadd.s32 s3, s9;
	s6 =	sadd.s32 @!p0 $0x88, s6;
	s7 =	simm.s32 @p2 $0x1082  }
0x22: {  	[simem:s7], [sflag:s8] =	dma.local @!p0 [hbm:s6], $0xF7A  }
0x23: {  	s9 =	sor.u32 $0xD0000000, s2;
	s6 =	simm.s32 $0x108;
	_ =	swait.ge @!p0 [sflag:s8], $0x0  }
0x24: {  	s3 =	sadd.s32 $0x88, s3;
	s6 =	simm.s32 @!p1 $0x1082;
	[sflag:s4] =	ssyncset.s32 $0xFFFFF086  }
0x25: {  	[simem:s6], [sflag:s4] =	dma.local [hbm:s3], $0xF7A  }
0x26: {  	[smem:$0x3F9E] =	sst s1;
	(tag) =	ssettag s2;
	_ =	strace s9  }
0x27: {  	s1 =	sld [smem:$0x3FAE]  }
0x28: {  	s2 =	sld [smem:$0x3FAF]  }
0x29: {  	s4 =	sld [smem:$0x3FB1]  }
0x2a: {  	p0 =	seq.s32 s5, $0x0;
	s5 =	sld [smem:$0x3FB2]  }
0x2b: {  	s6 =	sld [smem:$0x3FB3]  }
0x2c: {  	s7 =	sld [smem:$0x3FB4]  }
0x2d: {  	s3 =	simm.s32 $0x108;
	s8 =	sld [smem:$0x3FB5]  }
0x2e: {  	s3 =	simm.s32 @!p0 $0x1082;
	s9 =	sld [smem:$0x3FB6]  }
0x2f: {  	lr =	sadd.s32 s0, s3;
	s0 =	sld [smem:$0x3FAD]  }
0x30: {  	s3 =	sld [smem:$0x3FB0]  }
0x31: {  	[smem:$0x3FB9] =	sst s10  }
0x32: {  	s10 =	sld [smem:$0x3FB7];
	_ =	sdelay $0x3  }
0x33: {  	p0 =	seq.s32 s10, $0x1;
	s10 =	sld [smem:$0x3FB9];
	_ =	sdelay $0x3  }
0x34: {  	[smem:$0x3FB9] =	sst s10  }
0x35: {  	s10 =	sld [smem:$0x3FB8];
	_ =	sdelay $0x3  }
0x36: {  	p1 =	seq.s32 s10, $0x1;
	s10 =	sld [smem:$0x3FB9];
	_ =	sdelay $0x3  }
0x37: {  	[smem:$0x3FB9] =	sst s10  }
0x38: {  	s10 =	sld [smem:$0x3FBA]  }
0x39: {  	_ = 	snop;
	(pc) =	sbr.ind lr, $3  }
0x3a: {  	_ = 	snop  }
0x3b: {  	_ = 	snop  }
0x3c: {  	p2 =	seq.s32 s10, $0x1;
	s10 =	sld [smem:$0x3FB9]  }
0x3d: {  	_ =	shalt  }
0x3e: {  	_ =	shalt  }
0x3f: {  	_ =	shalt  }
0x40: {  	_ =	shalt  }
0x41: {  	_ =	shalt  }
0x42: {  	_ =	shalt  }
0x43: {  	_ =	shalt  }
0x44: {  	_ =	shalt  }
0x45: {  	_ =	shalt  }
0x46: {  	_ =	shalt  }
0x47: {  	_ =	shalt  }
0x48: {  	_ =	shalt  }
0x49: {  	_ =	shalt  }
0x4a: {  	_ =	shalt  }
0x4b: {  	_ =	shalt  }
0x4c: {  	_ =	shalt  }
0x4d: {  	_ =	shalt  }
0x4e: {  	_ =	shalt  }
0x4f: {  	_ =	shalt  }
0x50: {  	_ =	shalt  }
0x51: {  	_ =	shalt  }
0x52: {  	_ =	shalt  }
0x53: {  	_ =	shalt  }
0x54: {  	_ =	shalt  }
0x55: {  	_ =	shalt  }
0x56: {  	_ =	shalt  }
0x57: {  	_ =	shalt  }
0x58: {  	_ =	shalt  }
0x59: {  	_ =	shalt  }
0x5a: {  	_ =	shalt  }
0x5b: {  	_ =	shalt  }
0x5c: {  	_ =	shalt  }
0x5d: {  	_ =	shalt  }
0x5e: {  	_ =	shalt  }
0x5f: {  	_ =	shalt  }
0x60: {  	_ =	shalt  }
0x61: {  	_ =	shalt  }
0x62: {  	_ =	shalt  }
0x63: {  	_ =	shalt  }
0x64: {  	_ =	shalt  }
0x65: {  	_ =	shalt  }
0x66: {  	_ =	shalt  }
0x67: {  	_ =	shalt  }
0x68: {  	_ =	shalt  }
0x69: {  	_ =	shalt  }
0x6a: {  	_ =	shalt  }
0x6b: {  	_ =	shalt  }
0x6c: {  	_ =	shalt  }
0x6d: {  	_ =	shalt  }
0x6e: {  	_ =	shalt  }
0x6f: {  	_ =	shalt  }
0x70: {  	_ =	shalt  }
0x71: {  	_ =	shalt  }
0x72: {  	_ =	shalt  }
0x73: {  	_ =	shalt  }
0x74: {  	_ =	shalt  }
0x75: {  	_ =	shalt  }
0x76: {  	_ =	shalt  }
0x77: {  	_ =	shalt  }
0x78: {  	_ =	shalt  }
0x79: {  	_ =	shalt  }
0x7a: {  	_ =	shalt  }
0x7b: {  	_ =	shalt  }
0x7c: {  	_ =	shalt  }
0x7d: {  	_ =	shalt  }
0x7e: {  	_ =	shalt  }
0x7f: {  	_ =	shalt  }
0x80: {  	_ =	shalt  }
0x81: {  	_ =	shalt  }
0x82: {  	_ =	shalt  }
0x83: {  	_ =	shalt  }
0x84: {  	_ =	shalt  }
0x85: {  	_ =	shalt  }
0x86: {  	_ =	shalt  }
0x87: {  	_ =	shalt  }
.Lfunc_end0:
.L_simem_size_0:
called_computation_lowered:
.L_overlay_start_0:
0x88: {  	s2 =	sld [smem:$0x3FD9]  }
0x89: {  	s3 =	sld [smem:$0x3FFE];
	_ =	sdelay $0x1  }
0x8a: {  	s1 =	srdreg.scid  }
0x8b: {  	s0 =	sand.u32 $0x1, s1  }
0x8c: {  	s17 =	sshll.u32 s0, $0xA;
	s2 =	sadd.s32 s3, s2  }
0x8d: {  	s2 =	sadd.s32 s2, s17  }
0x8e: {  	[smem:$0x3FC5] =	sst s2  }
0x8f: {  	_ = 	snop  }
0x90: {  	s2 =	sld [smem:$0x3FC9]  }
0x91: {  	s18 =	sld [smem:$0x3FC7]  }
0x92: {  	s4 =	sld [smem:$0x3FD0];
	(tm) =	ssettm $0x1  }
0x93: {  	s5 =	sld [smem:$0x3FFB];
	_ =	sdelay $0x3  }
0x94: {  	_ =	strace s5  }
0x95: {  	s5 =	sld [smem:$0x3FFC];
	_ =	sdelay $0x3  }
0x96: {  	_ =	strace s5  }
0x97: {  	s5 =	sld [smem:$0x3FFD];
	_ =	sdelay $0x3  }
0x98: {  	_ =	strace s5  }
0x99: {  	_ =	strace $0x8FFFFFFF  }
0x9a: {  	s19 =	sld [smem:$0x3FDB];
	_ =	sdelay $0x1  }
0x9b: {  	s6 =	simm.s32 $_scs_section_size  }
0x9c: {  	s7 =	simm.s32 $_size__tile_overlayer_lowered;
	s8 =	simm.s32 $_tile_overlayer_lowered  }
0x9d: {  	s22 =	simm.s32 $0x1BFF;
	s21 =	sshll.u32 s8, $0x1;
	s5 =	sadd.s32 s6, s19  }
0x9e: {  	s9 =	simm.s32 $0x0;
	s20 =	sshll.u32 s7, $0x1;
	s7 =	sadd.s32 s21, s5  }
0x9f: {  	[timem:s9], [sflag:s22] =	dma.local [hbm:s7], s20  }
0xa0: {  	_ =	swait.ge [sflag:s22], s20  }
0xa1: {  	s6 =	ssub.s32 $0x0, s20;
	[sflag:s22] =	ssyncset.done $0x0  }
0xa2: {  	[sflag:s22] =	ssyncadd.s32 s6;
	_ =	sdelay $0x1  }
0xa3: {  	s23 =	simm.s32 $0x1B8B  }
0xa4: {  	_ =	swait.ge [sflag:s23], $0x1  }
0xa5: {  	[sflag:s23] =	ssyncset.done $0x0  }
0xa6: {  	s25 =	simm.s32 $0x1B8E;
	s24 =	sld [smem:$0x3FFE];
	[sflag:s23] =	ssyncadd.s32 $0xFFFFFFFF  }
0xa7: {  	s26 =	simm.s32 $execute0_lowered;
	[smem:$0x3FD2] =	sst s25  }
0xa8: {  	s7 =	sshll.u32 s26, $0x1;
	_ =	strace $0x80000046;
	[dreg:$0x1] =	wrdreg $0xFFFFFFFF  }
0xa9: {  	s28 =	simm.s32 $_size_execute0_lowered;
	s5 =	sadd.s32 s5, s7;
	[dreg:$0x0] =	wrdreg $0x0  }
0xaa: {  	s7 =	sshll.u32 s28, $0x1;
	[dreg:$0x2] =	wrdreg s5  }
0xab: {  	[dreg:$0x3] =	wrdreg s7  }
0xac: {  	[dreg:$0x4] =	wrdreg $0xC0  }
0xad: {  	_ =	task [dreg:s9], $0x5FFFF  }
0xae: {  	[dreg:$0x1] =	wrdreg $0xFFFFFFFF  }
0xaf: {  	[dreg:$0x0] =	wrdreg $0x60  }
0xb0: {  	[dreg:$0x2] =	wrdreg s24  }
0xb1: {  	[dreg:$0x3] =	wrdreg s4  }
0xb2: {  	[dreg:$0x4] =	wrdreg s18  }
0xb3: {  	[dreg:$0x5] =	wrdreg s2  }
0xb4: {  	[dreg:$0x6] =	wrdreg $0xA3800  }
0xb5: {  	[dreg:$0x7] =	wrdreg $0x9  }
0xb6: {  	_ =	task.clear_ibuf [dreg:s9], $0x8FFFF;
	_ =	strace $0x90000046  }
0xb7: {  	s29 =	simm.s32 $0x9;
	_ =	strace $0x80000048  }
0xb8: {  	_ =	swait.ge [sflag:s29], $0x1  }
0xb9: {  	[sflag:s29] =	ssyncadd.s32 $0xFFFFFFFF  }
0xba: {  	_ =	strace $0x90000048  }
0xbb: {  	_ =	sfence  }
0xbc: {  	s30 =	sld [smem:$0x0];
	_ =	sdelay $0x2  }
0xbd: {  	s31 =	sshll.u32 s1, $0xD;
	s1 =	sshrl.u32 s1, $0x2  }
0xbe: {  	s3 =	sand.u32 $0x4000, s31;
	s1 =	sadd.s32 s1, s30  }
0xbf: {  	s0 =	sor.u32 s3, s0;
	s1 =	sshll.u32 s1, $0x11  }
0xc0: {  	s0 =	sor.u32 s1, s0  }
0xc1: {  	s0 =	sadd.s32 $0x8F2B, s0  }
0xc2: {  	[sflag:s0] =	ssyncadd.remote.s32 $0x1  }
0xc3: {  	_ =	sfence.sel $0xFFFF  }
0xc4: {  	[dreg:$0x0] =	wrdreg $0xFFFFFFFF;
	(pc) =	sbr.abs _section_cstart, $3  }
0xc5: {  	[dreg:$0x1] =	wrdreg $0xFFFFFFFF  }
0xc6: {  	_ =	task.clear_ibuf [dreg:s9], $0x2FFFF;
	_ =	strace $0x9FFFFFFF  }
0xc7: {  	(tm) =	ssettm $0x7FFFFFFF  }
tec
execute0_lowered:
.L_overlay_start_1:
0x0: {  	(tag) =	ssettag $0x1  }
0x1: {  	s1 =	rddreg [dreg:$0x0]  }
0x2: {  	s0 =	rddreg [dreg:$0x1]  }
0x3: {  	s2 =	rddreg [dreg:$0x2]  }
0x4: {  	s3 =	rddreg [dreg:$0x3]  }
0x5: {  	s4 =	rddreg [dreg:$0x4];
	s5 =	srdreg.scid;
	s6 =	simm.s32 $0x0  }
0x6: {  	s19 =	stileid.u32;
	s31 =	simm.s32 $0x2B80;
	s28 =	simm.s32 $0x5  }
0x7: {  	s29 =	simm.s32 $0x4;
	s30 =	simm.s32 $0x6;
	s5 =	sand.u32 $0x1, s5  }
0x8: {  	s9 =	smul.u32 $0x14000, s19;
	s10 =	sadd.s32 $0x9E00, s1;
	[smem:$0x7FF] =	sst s6  }
0x9: {  	s7 =	sshll.u32 s5, $0x4;
	s8 =	ssub.s32 $0x2, s5;
	s5 =	smul.u32 $0x140000, s5  }
0xa: {  	s7 =	sor.u32 s19, s7;
	s11 =	sshrl.u32 s8, $0x1;
	s12 =	sadd.s32 $0x5000, s9  }
0xb: {  	s13 =	sadd.s32 $0x7800, s9;
	s14 =	sadd.s32 $0xA000, s9;
	s15 =	sadd.s32 $0xC800, s9  }
0xc: {  	s16 =	sadd.s32 $0xF000, s9;
	s7 =	smul.u32 $0x2710, s7;
	s8 =	ssub.s32 s8, s11  }
0xd: {  	s11 =	sor.u32 $0x2800, s9;
	s17 =	sadd.s32 s9, s5;
	s9 =	sadd.s32 $0x11800, s9  }
0xe: {  	s22 =	sadd.s32 s5, s12;
	s24 =	sadd.s32 s5, s13;
	s26 =	sadd.s32 s5, s14  }
0xf: {  	s13 =	sadd.s32 s13, s4;
	s14 =	sadd.s32 s14, s4;
	s17 =	sshrl.u32 s17, $0x3  }
0x10: {  	s18 =	sadd.s32 s5, s11;
	s23 =	sshrl.u32 s22, $0x3;
	s25 =	sshrl.u32 s24, $0x3  }
0x11: {  	s20 =	sshrl.u32 s26, $0x3;
	s17 =	sadd.s32 s10, s17;
	s21 =	sshrl.u32 s18, $0x3  }
0x12: {  	s26 =	sshrl.u32 s7, $0x3;
	s18 =	sadd.s32 s16, s4;
	[dreg:$0x6] =	wrdreg s17  }
0x13: {  	s17 =	sadd.s32 s10, s21;
	s21 =	sadd.s32 s5, s15;
	s0 =	sadd.s32 s0, s26  }
0x14: {  	[dreg:$0x7] =	wrdreg s17;
	s17 =	sadd.s32 s10, s23;
	s23 =	sadd.s32 s5, s16  }
0x15: {  	s5 =	sadd.s32 s5, s9;
	[dreg:$0x8] =	wrdreg s17;
	s17 =	sadd.s32 s10, s25  }
0x16: {  	s5 =	sshrl.u32 s5, $0x3;
	[dreg:$0x9] =	wrdreg s17;
	s17 =	sadd.s32 s10, s20  }
0x17: {  	s22 =	sshrl.u32 s21, $0x3;
	s5 =	sadd.s32 s10, s5;
	[dreg:$0xa] =	wrdreg s17  }
0x18: {  	s24 =	sshrl.u32 s23, $0x3;
	s17 =	sadd.s32 s10, s22;
	[dreg:$0xd] =	wrdreg s5  }
0x19: {  	s21 =	sadd.s32 s11, s4;
	[dreg:$0xb] =	wrdreg s17;
	s17 =	sadd.s32 s10, s24  }
0x1a: {  	s11 =	simm.s32 $0x2800;
	s16 =	simm.s32 $0x2A80;
	[dreg:$0xc] =	wrdreg s17  }
0x1b: {  	s25 =	smul.u32 $0x50000, s19;
	_ =	strace $0x80000047;
	[dreg:$0xe] =	wrdreg s0  }
0x1c: {  	s19 =	sadd.s32 s9, s4;
	s23 =	sadd.s32 $0xA, s26;
	[dreg:$0x10] =	wrdreg s13  }
0x1d: {  	s9 =	simm.s32 $0x2980;
	s17 =	sadd.s32 s15, s4;
	[dreg:$0x11] =	wrdreg s14  }
0x1e: {  	s22 =	sadd.s32 s12, s4;
	s5 =	sadd.s32 s1, s26;
	[dreg:$0x12] =	wrdreg s17  }
0x1f: {  	s12 =	simm.s32 $0x2A00;
	s10 =	sshrl.u32 s25, $0x2;
	[dreg:$0x13] =	wrdreg s18  }
0x20: {  	s24 =	sadd.s32 s2, s26;
	s25 =	sadd.s32 s2, s23;
	[dreg:$0x14] =	wrdreg s19  }
0x21: {  	s26 =	smax.u32 s8, $0x1;
	s8 =	simm.s32 $0x2780;
	[dreg:$0x15] =	wrdreg s24  }
0x22: {  	s20 =	sadd.s32 s10, s4;
	s10 =	simm.s32 $0x50;
	[dreg:$0x16] =	wrdreg s5  }
0x23: {  	s15 =	simm.s32 $0x2880;
	[dreg:$0x17] =	wrdreg s25;
	s0 =	sadd.s32 s1, s23  }
0x24: {  	[dreg:$0x19] =	wrdreg s26;
	s13 =	simm.s32 $0x5380;
	s14 =	simm.s32 $0x2  }
0x25: {  	s25 =	simm.s32 $0x7B80;
	s26 =	simm.s32 $0x3;
	[dreg:$0xf] =	wrdreg s20  }
0x26: {  	v0 =	vimm.f32 $0.0e+00;
	s5 =	simm.s32 $0x0;
	[dreg:$0x18] =	wrdreg s0;
	s0 =	simm.s32 $0x8  }
.LBB2_1:
0x27: {  	s17 =	rddreg [dreg:$0xe]  }
0x28: {  	[tilespmem:s6], [sflag:$0x1] =	stream.linear.gather [hbm4b:s17+s6], $0x2710, $0x38;
	[tilespmem:$0x1E380] =	vst v63  }
0x29: {  	s18 =	simm.s32 $0x200;
	s17 =	simm.s32 $0x0  }
.LBB2_2:
0x2a: {  	p0 =	sne.s32 s18, $0x9E00;
	[tilespmem:s17+$0x2BF0] =	vst v0  }
0x2b: {  	[tilespmem:s17+$0x2B80] =	vst v0  }
0x2c: {  	[tilespmem:s17+$0x2B90] =	vst v0  }
.Ltmp0:
0x2d: {  	[tilespmem:s17+$0x2BA0] =	vst v0;
	(pc) =	sbr.rel @p0 .LBB2_2-.Ltmp0, $4  }
0x2e: {  	[tilespmem:s17+$0x2BB0] =	vst v0  }
0x2f: {  	[tilespmem:s17+$0x2BC0] =	vst v0  }
0x30: {  	[tilespmem:s17+$0x2BD0] =	vst v0  }
0x31: {  	[tilespmem:s17+$0x2BE0] =	vst v0;
	s17 =	sshra.s32 s18, $0x2;
	s18 =	sadd.s32 $0x200, s18  }
0x32: {  	[tilespmem:s17+$0x2BF0] =	vst v0  }
0x33: {  	[tilespmem:s17+$0x2B80] =	vst v0  }
0x34: {  	[tilespmem:s17+$0x2B90] =	vst v0  }
0x35: {  	[tilespmem:s17+$0x2BA0] =	vst v0  }
0x36: {  	[tilespmem:s17+$0x2BB0] =	vst v0  }
0x37: {  	[tilespmem:s17+$0x2BC0] =	vst v0  }
0x38: {  	[tilespmem:s17+$0x2BD0] =	vst v0  }
0x39: {  	[tilespmem:s17+$0x2BE0] =	vst v0  }
0x3a: {  	[spmem:s20] =	stream.linear.scatter [tilespmem:s31], [sflag:$0x8], $0x2800, $0x38;
	[tilespmem:$0x1E380] =	vst v63  }
0x3b: {  	_ =	swait.ge [sflag:s0], $0x2800  }
0x3c: {  	[sflag:s0] =	ssyncset.done $0x0  }
0x3d: {  	[sflag:s0] =	ssyncadd.s32 $0xFFFFD800  }
0x3e: {  	[spmem:s21] =	stream.linear.scatter [tilespmem:s31], [sflag:$0x8], $0x2800, $0x38;
	[tilespmem:$0x1E380] =	vst v63  }
0x3f: {  	_ =	swait.ge [sflag:s0], $0x2800  }
0x40: {  	[sflag:s0] =	ssyncset.done $0x0  }
0x41: {  	[sflag:s0] =	ssyncadd.s32 $0xFFFFD800  }
0x42: {  	[spmem:s22] =	stream.linear.scatter [tilespmem:s31], [sflag:$0x8], $0x2800, $0x38;
	[tilespmem:$0x1E380] =	vst v63  }
0x43: {  	_ =	swait.ge [sflag:s0], $0x2800  }
0x44: {  	[sflag:s0] =	ssyncset.done $0x0  }
0x45: {  	s19 =	rddreg [dreg:$0x10];
	[sflag:s0] =	ssyncadd.s32 $0xFFFFD800  }
0x46: {  	[spmem:s19] =	stream.linear.scatter [tilespmem:s31], [sflag:$0x8], $0x2800, $0x38;
	[tilespmem:$0x1E380] =	vst v63  }
0x47: {  	_ =	swait.ge [sflag:s0], $0x2800  }
0x48: {  	[sflag:s0] =	ssyncset.done $0x0  }
0x49: {  	s20 =	rddreg [dreg:$0x11];
	[sflag:s0] =	ssyncadd.s32 $0xFFFFD800  }
0x4a: {  	[spmem:s20] =	stream.linear.scatter [tilespmem:s31], [sflag:$0x8], $0x2800, $0x38;
	[tilespmem:$0x1E380] =	vst v63  }
0x4b: {  	_ =	swait.ge [sflag:s0], $0x2800  }
0x4c: {  	[sflag:s0] =	ssyncset.done $0x0  }
0x4d: {  	s24 =	smov.u32 s21;
	s21 =	rddreg [dreg:$0x12];
	[sflag:s0] =	ssyncadd.s32 $0xFFFFD800  }
0x4e: {  	[spmem:s21] =	stream.linear.scatter [tilespmem:s31], [sflag:$0x8], $0x2800, $0x38;
	[tilespmem:$0x1E380] =	vst v63  }
0x4f: {  	_ =	swait.ge [sflag:s0], $0x2800  }
0x50: {  	[sflag:s0] =	ssyncset.done $0x0  }
0x51: {  	s23 =	smov.u32 s22;
	s22 =	rddreg [dreg:$0x13];
	[sflag:s0] =	ssyncadd.s32 $0xFFFFD800  }
0x52: {  	[spmem:s22] =	stream.linear.scatter [tilespmem:s31], [sflag:$0x8], $0x2800, $0x38;
	[tilespmem:$0x1E380] =	vst v63  }
0x53: {  	_ =	swait.ge [sflag:s0], $0x2800  }
0x54: {  	[sflag:s0] =	ssyncset.done $0x0  }
0x55: {  	s18 =	rddreg [dreg:$0x14];
	[sflag:s0] =	ssyncadd.s32 $0xFFFFD800  }
0x56: {  	[spmem:s18] =	stream.linear.scatter [tilespmem:s31], [sflag:$0x8], $0x2800, $0x38;
	[tilespmem:$0x1E380] =	vst v63  }
0x57: {  	_ =	swait.ge [sflag:s0], $0x2800  }
0x58: {  	[sflag:s0] =	ssyncset.done $0x0  }
0x59: {  	s19 =	simm.s32 $0x1;
	[sflag:s0] =	ssyncadd.s32 $0xFFFFD800  }
0x5a: {  	_ =	swait.ge [sflag:s19], $0x2710  }
0x5b: {  	[sflag:s19] =	ssyncset.done $0x0  }
0x5c: {  	[sflag:s19] =	ssyncadd.s32 $0xFFFFD8F0  }
0x5d: {  	[bflag:$0x0] =	sbarrier.arrive $0xFFFF  }
0x5e: {  	s17 =	simm.s32 $0x0;
	s18 =	rddreg [dreg:$0x15]  }
0x5f: {  	[tilespmem:s8], [sflag:$0x2] =	stream.linear.gather [hbm4b:s18+s17], $0x50, $0x38;
	[tilespmem:$0x1E380] =	vst v63  }
0x60: {  	s20 =	rddreg [dreg:$0x16]  }
0x61: {  	[tilespmem:s9], [sflag:$0x2] =	stream.linear.gather [hbm4b:s20+s17], $0x50, $0x38;
	[tilespmem:$0x1E380] =	vst v63  }
0x62: {  	_ = 	snop  }
0x63: {  	[tilespmem:s31], [sflag:$0x2] =	stream.indirect.gather [hbm4b:s3+s10], $0x80, s17, s10, $0xb8;
	[tilespmem:$0x1E380] =	vst v63  }
0x64: {  	s21 =	rddreg [dreg:$0x17]  }
0x65: {  	[tilespmem:s11], [sflag:$0x3] =	stream.linear.gather [hbm4b:s21+s17], $0x50, $0x38;
	[tilespmem:$0x1E380] =	vst v63  }
0x66: {  	s22 =	rddreg [dreg:$0x18]  }
0x67: {  	[tilespmem:s12], [sflag:$0x3] =	stream.linear.gather [hbm4b:s22+s17], $0x50, $0x38;
	[tilespmem:$0x1E380] =	vst v63  }
0x68: {  	_ = 	snop  }
0x69: {  	[tilespmem:s13], [sflag:$0x3] =	stream.indirect.gather [hbm4b:s3+s10], $0x80, s10, s10, $0xb8;
	[tilespmem:$0x1E380] =	vst v63  }
.LBB2_4:
0x6a: {  	_ =	swait.ge [sflag:s14], $0x50  }
0x6b: {  	[sflag:s14] =	ssyncset.done $0x0  }
0x6c: {  	[sflag:s14] =	ssyncadd.s32 $0xFFFFFFB0  }
0x6d: {  	_ =	swait.ge [sflag:s14], $0x50  }
0x6e: {  	[sflag:s14] =	ssyncset.done $0x0  }
0x6f: {  	[sflag:s14] =	ssyncadd.s32 $0xFFFFFFB0  }
0x70: {  	_ =	swait.ge [sflag:s14], $0x2800  }
0x71: {  	[sflag:s14] =	ssyncset.done $0x0  }
0x72: {  	s18 =	simm.s32 $0x2784;
	[sflag:s14] =	ssyncadd.s32 $0xFFFFD800  }
0x73: {  	s19 =	simm.s32 $0x2D80;
	v1 =	vld.msk [tilespmem:s18+$0x3 ss:$0x0], $0xffff  }
0x74: {  	v2 =	vld [tilespmem:s19+$0x1F0]  }
0x75: {  	v3 =	vld.msk [tilespmem:s18+$0xFFFFFFFC ss:$0x0], $0xffff  }
0x76: {  	v4 =	vld [tilespmem:s19+$0xFFFFFE00]  }
0x77: {  	v5 =	vld [tilespmem:s19+$0xFFFFFE10]  }
0x78: {  	v6 =	vld [tilespmem:s19+$0xFFFFFE20]  }
0x79: {  	v7 =	vld [tilespmem:s19+$0xFFFFFE30]  }
0x7a: {  	v8 =	vld [tilespmem:s19+$0xFFFFFE40]  }
0x7b: {  	v9 =	vld [tilespmem:s19+$0xFFFFFE50]  }
0x7c: {  	v10 =	vld [tilespmem:s19+$0xFFFFFE60]  }
0x7d: {  	v11 =	vld.msk [tilespmem:s18+$0xFFFFFFFD ss:$0x0], $0xffff  }
0x7e: {  	v12 =	vld [tilespmem:s19+$0xFFFFFE80]  }
0x7f: {  	v13 =	vld [tilespmem:s19+$0xFFFFFE90]  }
0x80: {  	v15 =	vld [tilespmem:s19+$0xFFFFFEB0];
	v4 =	vmul.f32 v3, v4  }
0x81: {  	v16 =	vld [tilespmem:s19+$0xFFFFFEC0];
	v2 =	vmul.f32 v2, v1  }
0x82: {  	v14 =	vld [tilespmem:s19+$0xFFFFFEA0];
	v5 =	vmul.f32 v5, v3;
	[tilespmem:s19+$0xFFFFFE00] =	vst v4  }
0x83: {  	v55 =	vld [tilespmem:s19+$0xFFFFFED0];
	v6 =	vmul.f32 v6, v3;
	[tilespmem:s19+$0x1F0] =	vst v2  }
0x84: {  	v56 =	vld [tilespmem:s19+$0xFFFFFF40];
	v7 =	vmul.f32 v7, v3;
	[tilespmem:s19+$0xFFFFFE10] =	vst v5  }
0x85: {  	v59 =	vld [tilespmem:s19+$0xFFFFFF70];
	v57 =	vmul.f32 v15, v11;
	[tilespmem:s19+$0xFFFFFE20] =	vst v6  }
0x86: {  	v60 =	vld [tilespmem:s19+$0xFFFFFF80];
	v58 =	vmul.f32 v16, v11;
	[tilespmem:s19+$0xFFFFFE30] =	vst v7  }
0x87: {  	v4 =	vld [tilespmem:s19+$0xFFFFFE70];
	v2 =	vmul.f32 v11, v12;
	[tilespmem:s19+$0xFFFFFEB0] =	vst v57  }
0x88: {  	v5 =	vld [tilespmem:s19+$0xFFFFFEE0];
	v6 =	vmul.f32 v8, v3;
	[tilespmem:s19+$0xFFFFFEC0] =	vst v58  }
0x89: {  	v8 =	vld [tilespmem:s19+$0xFFFFFEF0];
	v7 =	vmul.f32 v9, v3;
	[tilespmem:s19+$0xFFFFFE80] =	vst v2  }
0x8a: {  	v9 =	vld [tilespmem:s19+$0xFFFFFF00];
	[tilespmem:s19+$0xFFFFFE40] =	vst v6;
	v6 =	vmul.f32 v10, v3  }
0x8b: {  	v12 =	vmul.f32 v55, v11;
	v2 =	vld.msk [tilespmem:s18+$0xFFFFFFFE ss:$0x0], $0xffff;
	[tilespmem:s19+$0xFFFFFE50] =	vst v7  }
0x8c: {  	v61 =	vld [tilespmem:s19+$0xFFFFFFD0];
	[tilespmem:s19+$0xFFFFFE60] =	vst v6;
	v6 =	vmul.f32 v13, v11  }
0x8d: {  	v10 =	vld [tilespmem:s19+$0xFFFFFF10];
	[tilespmem:s19+$0xFFFFFED0] =	vst v12;
	v3 =	vmul.f32 v4, v3  }
0x8e: {  	v62 =	vld.msk [tilespmem:s18+$0x0 ss:$0x0], $0xffff;
	v5 =	vmul.f32 v5, v11;
	[tilespmem:s19+$0xFFFFFE90] =	vst v6  }
0x8f: {  	v7 =	vld [tilespmem:s19+$0xFFFFFF30];
	v8 =	vmul.f32 v8, v11;
	[tilespmem:s19+$0xFFFFFE70] =	vst v3  }
0x90: {  	v4 =	vld [tilespmem:s19+$0xFFFFFF20];
	v6 =	vmul.f32 v2, v9;
	[tilespmem:s19+$0xFFFFFEE0] =	vst v5  }
0x91: {  	v3 =	vmul.f32 v14, v11;
	v9 =	vld [tilespmem:s19+$0xFFFFFF50];
	[tilespmem:s19+$0xFFFFFEF0] =	vst v8  }
0x92: {  	v5 =	vmul.f32 v10, v2;
	[tilespmem:s19+$0xFFFFFF00] =	vst v6;
	v6 =	vld.msk [tilespmem:s18+$0xFFFFFFFF ss:$0x0], $0xffff  }
0x93: {  	v13 =	vmul.f32 v56, v2;
	[tilespmem:s19+$0xFFFFFEA0] =	vst v3;
	v3 =	vld [tilespmem:s19+$0xFFFFFF60]  }
0x94: {  	v63 =	vld.msk [tilespmem:s18+$0x1 ss:$0x0], $0xffff;
	[tilespmem:s19+$0xFFFFFF10] =	vst v5;
	v5 =	vmul.f32 v7, v2  }
0x95: {  	v11 =	vld [tilespmem:s19+$0xFFFFFF90];
	[tilespmem:s19+$0xFFFFFF40] =	vst v13;
	v4 =	vmul.f32 v4, v2  }
0x96: {  	v10 =	vld [tilespmem:s19+$0xFFFFFFA0];
	[tilespmem:s19+$0xFFFFFF30] =	vst v5;
	v9 =	vmul.f32 v9, v2  }
0x97: {  	v8 =	vld [tilespmem:s19+$0xFFFFFFB0];
	[tilespmem:s19+$0xFFFFFF20] =	vst v4;
	v4 =	vmul.f32 v6, v60  }
0x98: {  	v5 =	vld [tilespmem:s19+$0xFFFFFFE0];
	v3 =	vmul.f32 v3, v2;
	[tilespmem:s19+$0xFFFFFF50] =	vst v9  }
0x99: {  	v7 =	vld [tilespmem:s19+$0xFFFFFFC0];
	v2 =	vmul.f32 v59, v2;
	[tilespmem:s19+$0xFFFFFF80] =	vst v4  }
0x9a: {  	v9 =	vld [tilespmem:s19+$0x0];
	v12 =	vmul.f32 v61, v6;
	[tilespmem:s19+$0xFFFFFF60] =	vst v3  }
0x9b: {  	v4 =	vld [tilespmem:s19+$0xFFFFFFF0];
	v3 =	vmul.f32 v11, v6;
	[tilespmem:s19+$0xFFFFFF70] =	vst v2  }
0x9c: {  	v11 =	vld [tilespmem:s19+$0x10];
	v2 =	vmul.f32 v10, v6;
	[tilespmem:s19+$0xFFFFFFD0] =	vst v12  }
0x9d: {  	v10 =	vld [tilespmem:s19+$0x20];
	v5 =	vmul.f32 v5, v6;
	[tilespmem:s19+$0xFFFFFF90] =	vst v3  }
0x9e: {  	v3 =	vmul.f32 v8, v6;
	v8 =	vld [tilespmem:s19+$0x30];
	[tilespmem:s19+$0xFFFFFFA0] =	vst v2  }
0x9f: {  	v2 =	vmul.f32 v7, v6;
	v7 =	vld [tilespmem:s19+$0x40];
	[tilespmem:s19+$0xFFFFFFE0] =	vst v5  }
0xa0: {  	[tilespmem:s19+$0xFFFFFFB0] =	vst v3;
	v3 =	vmul.f32 v62, v9;
	v9 =	vld [tilespmem:s19+$0x50]  }
0xa1: {  	[tilespmem:s19+$0xFFFFFFC0] =	vst v2;
	v2 =	vld [tilespmem:s19+$0x60];
	v5 =	vmul.f32 v11, v62  }
0xa2: {  	v11 =	vld.msk [tilespmem:s18+$0x2 ss:$0x0], $0xffff;
	[tilespmem:s19+$0x0] =	vst v3;
	v3 =	vmul.f32 v4, v6  }
0xa3: {  	v4 =	vld [tilespmem:s19+$0x70];
	[tilespmem:s19+$0x10] =	vst v5;
	v5 =	vmul.f32 v8, v62  }
0xa4: {  	v6 =	vld [tilespmem:s19+$0x80];
	[tilespmem:s19+$0xFFFFFFF0] =	vst v3;
	v3 =	vmul.f32 v10, v62  }
0xa5: {  	v10 =	vld [tilespmem:s19+$0x90];
	[tilespmem:s19+$0x30] =	vst v5;
	v5 =	vmul.f32 v9, v62  }
0xa6: {  	v8 =	vld [tilespmem:s19+$0xA0];
	v2 =	vmul.f32 v2, v62;
	[tilespmem:s19+$0x20] =	vst v3  }
0xa7: {  	v3 =	vmul.f32 v7, v62;
	v7 =	vld [tilespmem:s19+$0xB0];
	[tilespmem:s19+$0x50] =	vst v5  }
0xa8: {  	v9 =	vld [tilespmem:s19+$0xC0];
	v4 =	vmul.f32 v4, v62;
	[tilespmem:s19+$0x60] =	vst v2  }
0xa9: {  	[tilespmem:s19+$0x40] =	vst v3;
	v3 =	vmul.f32 v63, v6;
	v6 =	vld [tilespmem:s19+$0xD0]  }
0xaa: {  	v5 =	vld [tilespmem:s19+$0xE0];
	v2 =	vmul.f32 v10, v63;
	[tilespmem:s19+$0x70] =	vst v4  }
0xab: {  	v4 =	vmul.f32 v8, v63;
	v8 =	vld [tilespmem:s19+$0x100];
	[tilespmem:s19+$0x80] =	vst v3  }
0xac: {  	v3 =	vld [tilespmem:s19+$0xF0];
	[tilespmem:s19+$0x90] =	vst v2;
	v2 =	vmul.f32 v7, v63  }
0xad: {  	v7 =	vld [tilespmem:s19+$0x110];
	[tilespmem:s19+$0xA0] =	vst v4;
	v4 =	vmul.f32 v9, v63  }
0xae: {  	v9 =	vld [tilespmem:s19+$0x120];
	[tilespmem:s19+$0xB0] =	vst v2;
	v2 =	vmul.f32 v6, v63  }
0xaf: {  	v6 =	vld [tilespmem:s19+$0x130];
	[tilespmem:s19+$0xC0] =	vst v4;
	v4 =	vmul.f32 v5, v63  }
0xb0: {  	v5 =	vld [tilespmem:s19+$0x140];
	[tilespmem:s19+$0xD0] =	vst v2;
	v2 =	vmul.f32 v11, v8  }
0xb1: {  	v8 =	vld [tilespmem:s19+$0x150];
	v3 =	vmul.f32 v3, v63;
	[tilespmem:s19+$0xE0] =	vst v4  }
0xb2: {  	v10 =	vld [tilespmem:s19+$0x160];
	v4 =	vmul.f32 v7, v11;
	[tilespmem:s19+$0x100] =	vst v2  }
0xb3: {  	v7 =	vld [tilespmem:s19+$0x170];
	[tilespmem:s19+$0xF0] =	vst v3;
	v2 =	vmul.f32 v9, v11  }
0xb4: {  	[tilespmem:s19+$0x110] =	vst v4;
	v3 =	vmul.f32 v6, v11;
	v6 =	vld [tilespmem:s19+$0x180]  }
0xb5: {  	v9 =	vld [tilespmem:s19+$0x190];
	[tilespmem:s19+$0x120] =	vst v2;
	v2 =	vmul.f32 v5, v11  }
0xb6: {  	v4 =	vld [tilespmem:s19+$0x1A0];
	[tilespmem:s19+$0x130] =	vst v3;
	v5 =	vmul.f32 v8, v11  }
0xb7: {  	v8 =	vmul.f32 v10, v11;
	v3 =	vld [tilespmem:s19+$0x1B0];
	[tilespmem:s19+$0x140] =	vst v2  }
0xb8: {  	v7 =	vmul.f32 v7, v11;
	v2 =	vld [tilespmem:s19+$0x1C0];
	[tilespmem:s19+$0x150] =	vst v5  }
0xb9: {  	[tilespmem:s19+$0x160] =	vst v8;
	v5 =	vld [tilespmem:s19+$0x1D0];
	v8 =	vmul.f32 v1, v6  }
0xba: {  	s20 =	simm.s32 $0x278C;
	s21 =	simm.s32 $0x2D80;
	s18 =	simm.s32 $0x0;
	[tilespmem:s19+$0x170] =	vst v7;
	v7 =	vmul.f32 v9, v1;
	v6 =	vld [tilespmem:s19+$0x1E0]  }
.LBB2_5:
0xbb: {  	v9 =	vld.msk [tilespmem:s20+$0x3 ss:$0x0], $0xffff;
	s18 =	sadd.s32 $0x8, s18;
	[tilespmem:s19+$0x180] =	vst v8;
	v4 =	vmul.f32 v4, v1;
	s21 =	sadd.s32 $0x400, s21  }
0xbc: {  	v8 =	vld [tilespmem:s21+$0x1F0];
	p0 =	slt.u32 s18, $0x48;
	[tilespmem:s19+$0x190] =	vst v7;
	v3 =	vmul.f32 v3, v1  }
0xbd: {  	v7 =	vld.msk [tilespmem:s20+$0xFFFFFFFD ss:$0x0], $0xffff;
	[tilespmem:s19+$0x1A0] =	vst v4;
	v2 =	vmul.f32 v2, v1  }
0xbe: {  	v10 =	vld.msk [tilespmem:s20+$0xFFFFFFFE ss:$0x0], $0xffff;
	[tilespmem:s19+$0x1B0] =	vst v3;
	v3 =	vmul.f32 v5, v1  }
0xbf: {  	v5 =	vld.msk [tilespmem:s20+$0xFFFFFFFF ss:$0x0], $0xffff;
	[tilespmem:s19+$0x1C0] =	vst v2;
	v2 =	vmul.f32 v6, v1  }
0xc0: {  	v4 =	vld.msk [tilespmem:s20+$0x0 ss:$0x0], $0xffff;
	[tilespmem:s19+$0x1D0] =	vst v3  }
0xc1: {  	v1 =	vmov v9;
	v3 =	vld.msk [tilespmem:s20+$0x1 ss:$0x0], $0xffff;
	v6 =	vmul.f32 v8, v9;
	[tilespmem:s19+$0x1E0] =	vst v2;
	s19 =	smov.u32 s21  }
0xc2: {  	v2 =	vld.msk [tilespmem:s20+$0x2 ss:$0x0], $0xffff  }
0xc3: {  	v8 =	vld.msk [tilespmem:s20+$0xFFFFFFFC ss:$0x0], $0xffff;
	[tilespmem:s21+$0x1F0] =	vst v6  }
0xc4: {  	v6 =	vld [tilespmem:s21+$0xFFFFFE00]  }
0xc5: {  	v9 =	vld [tilespmem:s21+$0xFFFFFE10]  }
0xc6: {  	v11 =	vld [tilespmem:s21+$0xFFFFFE20]  }
0xc7: {  	v12 =	vld [tilespmem:s21+$0xFFFFFE30]  }
0xc8: {  	v13 =	vld [tilespmem:s21+$0xFFFFFE40]  }
0xc9: {  	v6 =	vmul.f32 v8, v6;
	v14 =	vld [tilespmem:s21+$0xFFFFFE50]  }
0xca: {  	v9 =	vmul.f32 v9, v8;
	v15 =	vld [tilespmem:s21+$0xFFFFFE60]  }
0xcb: {  	[tilespmem:s21+$0xFFFFFE00] =	vst v6;
	v6 =	vmul.f32 v11, v8;
	v11 =	vld [tilespmem:s21+$0xFFFFFE70]  }
0xcc: {  	[tilespmem:s21+$0xFFFFFE10] =	vst v9;
	v9 =	vmul.f32 v12, v8;
	v12 =	vld [tilespmem:s21+$0xFFFFFE80]  }
0xcd: {  	[tilespmem:s21+$0xFFFFFE20] =	vst v6;
	v6 =	vmul.f32 v13, v8;
	v13 =	vld [tilespmem:s21+$0xFFFFFE90]  }
0xce: {  	[tilespmem:s21+$0xFFFFFE30] =	vst v9;
	v9 =	vmul.f32 v14, v8;
	v14 =	vld [tilespmem:s21+$0xFFFFFEA0]  }
0xcf: {  	[tilespmem:s21+$0xFFFFFE40] =	vst v6;
	v6 =	vmul.f32 v15, v8;
	v15 =	vld [tilespmem:s21+$0xFFFFFEB0]  }
0xd0: {  	[tilespmem:s21+$0xFFFFFE50] =	vst v9;
	v8 =	vmul.f32 v11, v8;
	v9 =	vld [tilespmem:s21+$0xFFFFFEC0]  }
0xd1: {  	[tilespmem:s21+$0xFFFFFE60] =	vst v6;
	v6 =	vmul.f32 v7, v12;
	v11 =	vld [tilespmem:s21+$0xFFFFFED0]  }
0xd2: {  	[tilespmem:s21+$0xFFFFFE70] =	vst v8;
	v8 =	vmul.f32 v13, v7;
	v12 =	vld [tilespmem:s21+$0xFFFFFEE0]  }
0xd3: {  	[tilespmem:s21+$0xFFFFFE80] =	vst v6;
	v6 =	vmul.f32 v14, v7;
	v13 =	vld [tilespmem:s21+$0xFFFFFEF0]  }
0xd4: {  	[tilespmem:s21+$0xFFFFFE90] =	vst v8;
	v8 =	vmul.f32 v15, v7;
	v14 =	vld [tilespmem:s21+$0xFFFFFF00]  }
0xd5: {  	[tilespmem:s21+$0xFFFFFEA0] =	vst v6;
	v6 =	vmul.f32 v9, v7;
	v9 =	vld [tilespmem:s21+$0xFFFFFF10]  }
0xd6: {  	[tilespmem:s21+$0xFFFFFEB0] =	vst v8;
	v8 =	vmul.f32 v11, v7;
	v11 =	vld [tilespmem:s21+$0xFFFFFF20]  }
0xd7: {  	[tilespmem:s21+$0xFFFFFEC0] =	vst v6;
	v6 =	vmul.f32 v12, v7;
	v12 =	vld [tilespmem:s21+$0xFFFFFF30]  }
0xd8: {  	[tilespmem:s21+$0xFFFFFED0] =	vst v8;
	v7 =	vmul.f32 v13, v7;
	v8 =	vld [tilespmem:s21+$0xFFFFFF40]  }
0xd9: {  	[tilespmem:s21+$0xFFFFFEE0] =	vst v6;
	v6 =	vmul.f32 v10, v14;
	v13 =	vld [tilespmem:s21+$0xFFFFFF50]  }
0xda: {  	[tilespmem:s21+$0xFFFFFEF0] =	vst v7;
	v7 =	vmul.f32 v9, v10;
	v9 =	vld [tilespmem:s21+$0xFFFFFF60]  }
0xdb: {  	[tilespmem:s21+$0xFFFFFF00] =	vst v6;
	v6 =	vmul.f32 v11, v10;
	v11 =	vld [tilespmem:s21+$0xFFFFFF70]  }
0xdc: {  	[tilespmem:s21+$0xFFFFFF10] =	vst v7;
	v7 =	vmul.f32 v12, v10;
	v12 =	vld [tilespmem:s21+$0xFFFFFF80]  }
0xdd: {  	[tilespmem:s21+$0xFFFFFF20] =	vst v6;
	v6 =	vmul.f32 v8, v10;
	v8 =	vld [tilespmem:s21+$0xFFFFFF90]  }
0xde: {  	[tilespmem:s21+$0xFFFFFF30] =	vst v7;
	v7 =	vmul.f32 v13, v10;
	v13 =	vld [tilespmem:s21+$0xFFFFFFA0]  }
0xdf: {  	[tilespmem:s21+$0xFFFFFF40] =	vst v6;
	v6 =	vmul.f32 v9, v10;
	v9 =	vld [tilespmem:s21+$0xFFFFFFB0]  }
0xe0: {  	[tilespmem:s21+$0xFFFFFF50] =	vst v7;
	v7 =	vmul.f32 v11, v10;
	v10 =	vld [tilespmem:s21+$0xFFFFFFC0]  }
0xe1: {  	[tilespmem:s21+$0xFFFFFF60] =	vst v6;
	v6 =	vmul.f32 v5, v12;
	v11 =	vld [tilespmem:s21+$0xFFFFFFD0]  }
0xe2: {  	[tilespmem:s21+$0xFFFFFF70] =	vst v7;
	v7 =	vmul.f32 v8, v5;
	v8 =	vld [tilespmem:s21+$0xFFFFFFE0]  }
0xe3: {  	[tilespmem:s21+$0xFFFFFF80] =	vst v6;
	v6 =	vmul.f32 v13, v5;
	v12 =	vld [tilespmem:s21+$0xFFFFFFF0]  }
0xe4: {  	[tilespmem:s21+$0xFFFFFF90] =	vst v7;
	v7 =	vmul.f32 v9, v5;
	v9 =	vld [tilespmem:s21+$0x0]  }
0xe5: {  	[tilespmem:s21+$0xFFFFFFA0] =	vst v6;
	v6 =	vmul.f32 v10, v5;
	v10 =	vld [tilespmem:s21+$0x10]  }
0xe6: {  	[tilespmem:s21+$0xFFFFFFB0] =	vst v7;
	v7 =	vmul.f32 v11, v5;
	v11 =	vld [tilespmem:s21+$0x20]  }
0xe7: {  	[tilespmem:s21+$0xFFFFFFC0] =	vst v6;
	v6 =	vmul.f32 v8, v5;
	v8 =	vld [tilespmem:s21+$0x30]  }
0xe8: {  	[tilespmem:s21+$0xFFFFFFD0] =	vst v7;
	v5 =	vmul.f32 v12, v5;
	v7 =	vld [tilespmem:s21+$0x40]  }
0xe9: {  	[tilespmem:s21+$0xFFFFFFE0] =	vst v6;
	v6 =	vmul.f32 v4, v9;
	v9 =	vld [tilespmem:s21+$0x50]  }
0xea: {  	[tilespmem:s21+$0xFFFFFFF0] =	vst v5;
	v5 =	vmul.f32 v10, v4;
	v10 =	vld [tilespmem:s21+$0x60]  }
0xeb: {  	[tilespmem:s21+$0x0] =	vst v6;
	v6 =	vmul.f32 v11, v4;
	v11 =	vld [tilespmem:s21+$0x70]  }
0xec: {  	[tilespmem:s21+$0x10] =	vst v5;
	v5 =	vmul.f32 v8, v4;
	v8 =	vld [tilespmem:s21+$0x80]  }
0xed: {  	[tilespmem:s21+$0x20] =	vst v6;
	v6 =	vmul.f32 v7, v4;
	v7 =	vld [tilespmem:s21+$0x90]  }
0xee: {  	[tilespmem:s21+$0x30] =	vst v5;
	v5 =	vmul.f32 v9, v4;
	v9 =	vld [tilespmem:s21+$0xA0]  }
0xef: {  	[tilespmem:s21+$0x40] =	vst v6;
	v6 =	vmul.f32 v10, v4;
	v10 =	vld [tilespmem:s21+$0xB0]  }
0xf0: {  	[tilespmem:s21+$0x50] =	vst v5;
	v4 =	vmul.f32 v11, v4;
	v5 =	vld [tilespmem:s21+$0xC0]  }
0xf1: {  	[tilespmem:s21+$0x60] =	vst v6;
	v6 =	vmul.f32 v3, v8;
	v8 =	vld [tilespmem:s21+$0xD0]  }
0xf2: {  	[tilespmem:s21+$0x70] =	vst v4;
	v4 =	vmul.f32 v7, v3;
	v7 =	vld [tilespmem:s21+$0xE0]  }
0xf3: {  	[tilespmem:s21+$0x80] =	vst v6;
	v6 =	vmul.f32 v9, v3;
	v9 =	vld [tilespmem:s21+$0xF0]  }
0xf4: {  	[tilespmem:s21+$0x90] =	vst v4;
	v4 =	vmul.f32 v10, v3;
	v10 =	vld [tilespmem:s21+$0x100]  }
0xf5: {  	[tilespmem:s21+$0xA0] =	vst v6;
	v5 =	vmul.f32 v5, v3;
	v6 =	vld [tilespmem:s21+$0x110]  }
0xf6: {  	[tilespmem:s21+$0xB0] =	vst v4;
	v4 =	vmul.f32 v8, v3;
	v8 =	vld [tilespmem:s21+$0x120]  }
0xf7: {  	[tilespmem:s21+$0xC0] =	vst v5;
	v5 =	vmul.f32 v7, v3;
	v7 =	vld [tilespmem:s21+$0x130]  }
0xf8: {  	[tilespmem:s21+$0xD0] =	vst v4;
	v3 =	vmul.f32 v9, v3;
	v4 =	vld [tilespmem:s21+$0x140]  }
0xf9: {  	[tilespmem:s21+$0xE0] =	vst v5;
	v5 =	vmul.f32 v2, v10;
	v9 =	vld [tilespmem:s21+$0x150]  }
0xfa: {  	[tilespmem:s21+$0xF0] =	vst v3;
	v3 =	vmul.f32 v6, v2;
	v6 =	vld [tilespmem:s21+$0x160]  }
0xfb: {  	[tilespmem:s21+$0x100] =	vst v5;
	v5 =	vmul.f32 v8, v2;
	v8 =	vld [tilespmem:s21+$0x170]  }
0xfc: {  	[tilespmem:s21+$0x110] =	vst v3;
	v3 =	vmul.f32 v7, v2;
	v7 =	vld [tilespmem:s21+$0x180]  }
0xfd: {  	[tilespmem:s21+$0x120] =	vst v5;
	v5 =	vmul.f32 v4, v2;
	v10 =	vld [tilespmem:s21+$0x190]  }
.Ltmp1:
0xfe: {  	[tilespmem:s21+$0x130] =	vst v3;
	v9 =	vmul.f32 v9, v2;
	v4 =	vld [tilespmem:s21+$0x1A0];
	(pc) =	sbr.rel @p0 .LBB2_5-.Ltmp1, $4  }
0xff: {  	[tilespmem:s21+$0x140] =	vst v5;
	v5 =	vmul.f32 v6, v2;
	v3 =	vld [tilespmem:s21+$0x1B0]  }
0x100: {  	[tilespmem:s21+$0x150] =	vst v9;
	v6 =	vmul.f32 v8, v2;
	v2 =	vld [tilespmem:s21+$0x1C0]  }
0x101: {  	[tilespmem:s21+$0x160] =	vst v5;
	v8 =	vmul.f32 v1, v7;
	v5 =	vld [tilespmem:s21+$0x1D0]  }
0x102: {  	s20 =	sadd.s32 $0x8, s20;
	[tilespmem:s21+$0x170] =	vst v6;
	v7 =	vmul.f32 v10, v1;
	v6 =	vld [tilespmem:s21+$0x1E0]  }
0x103: {  	[tilespmem:s19+$0x180] =	vst v8;
	v4 =	vmul.f32 v4, v1  }
0x104: {  	[tilespmem:s19+$0x190] =	vst v7;
	v3 =	vmul.f32 v3, v1  }
0x105: {  	[tilespmem:s19+$0x1A0] =	vst v4;
	v2 =	vmul.f32 v2, v1  }
0x106: {  	[tilespmem:s19+$0x1B0] =	vst v3;
	v3 =	vmul.f32 v5, v1  }
0x107: {  	s18 =	smul.u32 $0xF0, s17;
	[tilespmem:s19+$0x1C0] =	vst v2;
	v1 =	vmul.f32 v6, v1  }
0x108: {  	p0 =	seq.s32 s17, $0x0;
	[tilespmem:s19+$0x1D0] =	vst v3  }
0x109: {  	s20 =	sadd.s32 $0xA0, s18;
	[tilespmem:s19+$0x1E0] =	vst v1;
	s19 =	simm.s32 @!p0 $0x7  }
0x10a: {  	s21 =	sadd.s32 s7, s20;
	_ =	swait.ge @!p0 [sflag:s19], $0x2800  }
0x10b: {  	s21 =	sshrl.u32 s21, $0x3;
	[sflag:s19] =	ssyncset.done @!p0 $0x0  }
0x10c: {  	s22 =	sadd.s32 s2, s21;
	[sflag:s19] =	ssyncadd.s32 @!p0 $0xFFFFD800  }
0x10d: {  	[tilespmem:s15], [sflag:$0x4] =	stream.linear.gather [hbm4b:s22+s6], $0x50, $0x38;
	[tilespmem:$0x1E380] =	vst v63  }
0x10e: {  	s21 =	sadd.s32 s1, s21  }
0x10f: {  	[tilespmem:s16], [sflag:$0x4] =	stream.linear.gather [hbm4b:s21+s6], $0x50, $0x38;
	[tilespmem:$0x1E380] =	vst v63  }
0x110: {  	_ = 	snop  }
0x111: {  	[tilespmem:s25], [sflag:$0x4] =	stream.indirect.gather [hbm4b:s3+s10], $0x80, s20, s10, $0xb8;
	[tilespmem:$0x1E380] =	vst v63  }
0x112: {  	_ = 	snop  }
0x113: {  	[spmem:s4] =	stream.indirect.scatter.add.f32 [tilespmem:s31], [sflag:$0x5], $0x80, s9, s10, $0xb8;
	[tilespmem:$0x1E380] =	vst v63  }
0x114: {  	_ =	swait.ge [sflag:s26], $0x50  }
0x115: {  	[sflag:s26] =	ssyncset.done $0x0  }
0x116: {  	[sflag:s26] =	ssyncadd.s32 $0xFFFFFFB0  }
0x117: {  	_ =	swait.ge [sflag:s26], $0x50  }
0x118: {  	[sflag:s26] =	ssyncset.done $0x0  }
0x119: {  	[sflag:s26] =	ssyncadd.s32 $0xFFFFFFB0  }
0x11a: {  	_ =	swait.ge [sflag:s26], $0x2800  }
0x11b: {  	[sflag:s26] =	ssyncset.done $0x0  }
0x11c: {  	s22 =	simm.s32 $0x2807;
	[sflag:s26] =	ssyncadd.s32 $0xFFFFD800  }
0x11d: {  	s19 =	simm.s32 $0x5770;
	v1 =	vld.msk [tilespmem:s22+$0x0 ss:$0x0], $0xffff  }
0x11e: {  	v2 =	vld [tilespmem:s19+$0x0]  }
0x11f: {  	v3 =	vld.msk [tilespmem:s22+$0xFFFFFFF9 ss:$0x0], $0xffff  }
0x120: {  	v4 =	vld [tilespmem:s19+$0xFFFFFC10]  }
0x121: {  	v5 =	vld [tilespmem:s19+$0xFFFFFC20]  }
0x122: {  	v6 =	vld [tilespmem:s19+$0xFFFFFC30]  }
0x123: {  	v7 =	vld [tilespmem:s19+$0xFFFFFC40]  }
0x124: {  	v8 =	vld [tilespmem:s19+$0xFFFFFC50]  }
0x125: {  	v9 =	vld [tilespmem:s19+$0xFFFFFC60]  }
0x126: {  	v10 =	vld [tilespmem:s19+$0xFFFFFC70]  }
0x127: {  	v11 =	vld.msk [tilespmem:s22+$0xFFFFFFFA ss:$0x0], $0xffff  }
0x128: {  	v12 =	vld [tilespmem:s19+$0xFFFFFC90]  }
0x129: {  	v13 =	vld [tilespmem:s19+$0xFFFFFCA0]  }
0x12a: {  	v15 =	vld [tilespmem:s19+$0xFFFFFCC0];
	v4 =	vmul.f32 v3, v4  }
0x12b: {  	v16 =	vld [tilespmem:s19+$0xFFFFFCD0];
	v2 =	vmul.f32 v2, v1  }
0x12c: {  	v14 =	vld [tilespmem:s19+$0xFFFFFCB0];
	v5 =	vmul.f32 v5, v3;
	[tilespmem:s19+$0xFFFFFC10] =	vst v4  }
0x12d: {  	v55 =	vld [tilespmem:s19+$0xFFFFFCE0];
	v6 =	vmul.f32 v6, v3;
	[tilespmem:s19+$0x0] =	vst v2  }
0x12e: {  	v56 =	vld [tilespmem:s19+$0xFFFFFD50];
	v7 =	vmul.f32 v7, v3;
	[tilespmem:s19+$0xFFFFFC20] =	vst v5  }
0x12f: {  	v59 =	vld [tilespmem:s19+$0xFFFFFD80];
	v57 =	vmul.f32 v15, v11;
	[tilespmem:s19+$0xFFFFFC30] =	vst v6  }
0x130: {  	v60 =	vld [tilespmem:s19+$0xFFFFFD90];
	v58 =	vmul.f32 v16, v11;
	[tilespmem:s19+$0xFFFFFC40] =	vst v7  }
0x131: {  	v4 =	vld [tilespmem:s19+$0xFFFFFC80];
	v2 =	vmul.f32 v11, v12;
	[tilespmem:s19+$0xFFFFFCC0] =	vst v57  }
0x132: {  	v5 =	vld [tilespmem:s19+$0xFFFFFCF0];
	v6 =	vmul.f32 v8, v3;
	[tilespmem:s19+$0xFFFFFCD0] =	vst v58  }
0x133: {  	v8 =	vld [tilespmem:s19+$0xFFFFFD00];
	v7 =	vmul.f32 v9, v3;
	[tilespmem:s19+$0xFFFFFC90] =	vst v2  }
0x134: {  	v9 =	vld [tilespmem:s19+$0xFFFFFD10];
	[tilespmem:s19+$0xFFFFFC50] =	vst v6;
	v6 =	vmul.f32 v10, v3  }
0x135: {  	v12 =	vmul.f32 v55, v11;
	v2 =	vld.msk [tilespmem:s22+$0xFFFFFFFB ss:$0x0], $0xffff;
	[tilespmem:s19+$0xFFFFFC60] =	vst v7  }
0x136: {  	v61 =	vld [tilespmem:s19+$0xFFFFFDE0];
	[tilespmem:s19+$0xFFFFFC70] =	vst v6;
	v6 =	vmul.f32 v13, v11  }
0x137: {  	v10 =	vld [tilespmem:s19+$0xFFFFFD20];
	[tilespmem:s19+$0xFFFFFCE0] =	vst v12;
	v3 =	vmul.f32 v4, v3  }
0x138: {  	v62 =	vld.msk [tilespmem:s22+$0xFFFFFFFD ss:$0x0], $0xffff;
	v5 =	vmul.f32 v5, v11;
	[tilespmem:s19+$0xFFFFFCA0] =	vst v6  }
0x139: {  	v7 =	vld [tilespmem:s19+$0xFFFFFD40];
	v8 =	vmul.f32 v8, v11;
	[tilespmem:s19+$0xFFFFFC80] =	vst v3  }
0x13a: {  	v4 =	vld [tilespmem:s19+$0xFFFFFD30];
	v6 =	vmul.f32 v2, v9;
	[tilespmem:s19+$0xFFFFFCF0] =	vst v5  }
0x13b: {  	v3 =	vmul.f32 v14, v11;
	v9 =	vld [tilespmem:s19+$0xFFFFFD60];
	[tilespmem:s19+$0xFFFFFD00] =	vst v8  }
0x13c: {  	v5 =	vmul.f32 v10, v2;
	[tilespmem:s19+$0xFFFFFD10] =	vst v6;
	v6 =	vld.msk [tilespmem:s22+$0xFFFFFFFC ss:$0x0], $0xffff  }
0x13d: {  	v13 =	vmul.f32 v56, v2;
	[tilespmem:s19+$0xFFFFFCB0] =	vst v3;
	v3 =	vld [tilespmem:s19+$0xFFFFFD70]  }
0x13e: {  	v63 =	vld.msk [tilespmem:s22+$0xFFFFFFFE ss:$0x0], $0xffff;
	[tilespmem:s19+$0xFFFFFD20] =	vst v5;
	v5 =	vmul.f32 v7, v2  }
0x13f: {  	v11 =	vld [tilespmem:s19+$0xFFFFFDA0];
	[tilespmem:s19+$0xFFFFFD50] =	vst v13;
	v4 =	vmul.f32 v4, v2  }
0x140: {  	v10 =	vld [tilespmem:s19+$0xFFFFFDB0];
	[tilespmem:s19+$0xFFFFFD40] =	vst v5;
	v9 =	vmul.f32 v9, v2  }
0x141: {  	v8 =	vld [tilespmem:s19+$0xFFFFFDC0];
	[tilespmem:s19+$0xFFFFFD30] =	vst v4;
	v4 =	vmul.f32 v6, v60  }
0x142: {  	v5 =	vld [tilespmem:s19+$0xFFFFFDF0];
	v3 =	vmul.f32 v3, v2;
	[tilespmem:s19+$0xFFFFFD60] =	vst v9  }
0x143: {  	v7 =	vld [tilespmem:s19+$0xFFFFFDD0];
	v2 =	vmul.f32 v59, v2;
	[tilespmem:s19+$0xFFFFFD90] =	vst v4  }
0x144: {  	v9 =	vld [tilespmem:s19+$0xFFFFFE10];
	v12 =	vmul.f32 v61, v6;
	[tilespmem:s19+$0xFFFFFD70] =	vst v3  }
0x145: {  	v4 =	vld [tilespmem:s19+$0xFFFFFE00];
	v3 =	vmul.f32 v11, v6;
	[tilespmem:s19+$0xFFFFFD80] =	vst v2  }
0x146: {  	v11 =	vld [tilespmem:s19+$0xFFFFFE20];
	v2 =	vmul.f32 v10, v6;
	[tilespmem:s19+$0xFFFFFDE0] =	vst v12  }
0x147: {  	v10 =	vld [tilespmem:s19+$0xFFFFFE30];
	v5 =	vmul.f32 v5, v6;
	[tilespmem:s19+$0xFFFFFDA0] =	vst v3  }
0x148: {  	v3 =	vmul.f32 v8, v6;
	v8 =	vld [tilespmem:s19+$0xFFFFFE40];
	[tilespmem:s19+$0xFFFFFDB0] =	vst v2  }
0x149: {  	v2 =	vmul.f32 v7, v6;
	v7 =	vld [tilespmem:s19+$0xFFFFFE50];
	[tilespmem:s19+$0xFFFFFDF0] =	vst v5  }
0x14a: {  	[tilespmem:s19+$0xFFFFFDC0] =	vst v3;
	v3 =	vmul.f32 v62, v9;
	v9 =	vld [tilespmem:s19+$0xFFFFFE60]  }
0x14b: {  	[tilespmem:s19+$0xFFFFFDD0] =	vst v2;
	v2 =	vld [tilespmem:s19+$0xFFFFFE70];
	v5 =	vmul.f32 v11, v62  }
0x14c: {  	v11 =	vld.msk [tilespmem:s22+$0xFFFFFFFF ss:$0x0], $0xffff;
	[tilespmem:s19+$0xFFFFFE10] =	vst v3;
	v3 =	vmul.f32 v4, v6  }
0x14d: {  	v4 =	vld [tilespmem:s19+$0xFFFFFE80];
	[tilespmem:s19+$0xFFFFFE20] =	vst v5;
	v5 =	vmul.f32 v8, v62  }
0x14e: {  	v6 =	vld [tilespmem:s19+$0xFFFFFE90];
	[tilespmem:s19+$0xFFFFFE00] =	vst v3;
	v3 =	vmul.f32 v10, v62  }
0x14f: {  	v10 =	vld [tilespmem:s19+$0xFFFFFEA0];
	[tilespmem:s19+$0xFFFFFE40] =	vst v5;
	v5 =	vmul.f32 v9, v62  }
0x150: {  	v8 =	vld [tilespmem:s19+$0xFFFFFEB0];
	v2 =	vmul.f32 v2, v62;
	[tilespmem:s19+$0xFFFFFE30] =	vst v3  }
0x151: {  	v3 =	vmul.f32 v7, v62;
	v7 =	vld [tilespmem:s19+$0xFFFFFEC0];
	[tilespmem:s19+$0xFFFFFE60] =	vst v5  }
0x152: {  	v9 =	vld [tilespmem:s19+$0xFFFFFED0];
	v4 =	vmul.f32 v4, v62;
	[tilespmem:s19+$0xFFFFFE70] =	vst v2  }
0x153: {  	[tilespmem:s19+$0xFFFFFE50] =	vst v3;
	v3 =	vmul.f32 v63, v6;
	v6 =	vld [tilespmem:s19+$0xFFFFFEE0]  }
0x154: {  	v5 =	vld [tilespmem:s19+$0xFFFFFEF0];
	v2 =	vmul.f32 v10, v63;
	[tilespmem:s19+$0xFFFFFE80] =	vst v4  }
0x155: {  	v4 =	vmul.f32 v8, v63;
	v8 =	vld [tilespmem:s19+$0xFFFFFF10];
	[tilespmem:s19+$0xFFFFFE90] =	vst v3  }
0x156: {  	v3 =	vld [tilespmem:s19+$0xFFFFFF00];
	[tilespmem:s19+$0xFFFFFEA0] =	vst v2;
	v2 =	vmul.f32 v7, v63  }
0x157: {  	v7 =	vld [tilespmem:s19+$0xFFFFFF20];
	[tilespmem:s19+$0xFFFFFEB0] =	vst v4;
	v4 =	vmul.f32 v9, v63  }
0x158: {  	v9 =	vld [tilespmem:s19+$0xFFFFFF30];
	[tilespmem:s19+$0xFFFFFEC0] =	vst v2;
	v2 =	vmul.f32 v6, v63  }
0x159: {  	v6 =	vld [tilespmem:s19+$0xFFFFFF40];
	[tilespmem:s19+$0xFFFFFED0] =	vst v4;
	v4 =	vmul.f32 v5, v63  }
0x15a: {  	v5 =	vld [tilespmem:s19+$0xFFFFFF50];
	[tilespmem:s19+$0xFFFFFEE0] =	vst v2;
	v2 =	vmul.f32 v11, v8  }
0x15b: {  	v8 =	vld [tilespmem:s19+$0xFFFFFF60];
	v3 =	vmul.f32 v3, v63;
	[tilespmem:s19+$0xFFFFFEF0] =	vst v4  }
0x15c: {  	v10 =	vld [tilespmem:s19+$0xFFFFFF70];
	v4 =	vmul.f32 v7, v11;
	[tilespmem:s19+$0xFFFFFF10] =	vst v2  }
0x15d: {  	v7 =	vld [tilespmem:s19+$0xFFFFFF80];
	[tilespmem:s19+$0xFFFFFF00] =	vst v3;
	v2 =	vmul.f32 v9, v11  }
0x15e: {  	[tilespmem:s19+$0xFFFFFF20] =	vst v4;
	v3 =	vmul.f32 v6, v11;
	v6 =	vld [tilespmem:s19+$0xFFFFFF90]  }
0x15f: {  	v9 =	vld [tilespmem:s19+$0xFFFFFFA0];
	[tilespmem:s19+$0xFFFFFF30] =	vst v2;
	v2 =	vmul.f32 v5, v11  }
0x160: {  	v4 =	vld [tilespmem:s19+$0xFFFFFFB0];
	[tilespmem:s19+$0xFFFFFF40] =	vst v3;
	v5 =	vmul.f32 v8, v11  }
0x161: {  	v8 =	vmul.f32 v10, v11;
	v3 =	vld [tilespmem:s19+$0xFFFFFFC0];
	[tilespmem:s19+$0xFFFFFF50] =	vst v2  }
0x162: {  	v7 =	vmul.f32 v7, v11;
	v2 =	vld [tilespmem:s19+$0xFFFFFFD0];
	[tilespmem:s19+$0xFFFFFF60] =	vst v5  }
0x163: {  	[tilespmem:s19+$0xFFFFFF70] =	vst v8;
	v5 =	vld [tilespmem:s19+$0xFFFFFFE0];
	v8 =	vmul.f32 v1, v6  }
0x164: {  	s21 =	simm.s32 $0x280F;
	s20 =	simm.s32 $0x0;
	s22 =	simm.s32 $0x5770;
	[tilespmem:s19+$0xFFFFFF80] =	vst v7;
	v7 =	vmul.f32 v9, v1;
	v6 =	vld [tilespmem:s19+$0xFFFFFFF0]  }
.LBB2_7:
0x165: {  	v9 =	vld.msk [tilespmem:s21+$0x0 ss:$0x0], $0xffff;
	s20 =	sadd.s32 $0x8, s20;
	[tilespmem:s19+$0xFFFFFF90] =	vst v8;
	v4 =	vmul.f32 v4, v1;
	s22 =	sadd.s32 $0x400, s22  }
0x166: {  	v8 =	vld [tilespmem:s22+$0x0];
	p0 =	slt.u32 s20, $0x48;
	[tilespmem:s19+$0xFFFFFFA0] =	vst v7;
	v3 =	vmul.f32 v3, v1  }
0x167: {  	v7 =	vld.msk [tilespmem:s21+$0xFFFFFFFA ss:$0x0], $0xffff;
	[tilespmem:s19+$0xFFFFFFB0] =	vst v4;
	v2 =	vmul.f32 v2, v1  }
0x168: {  	v10 =	vld.msk [tilespmem:s21+$0xFFFFFFFB ss:$0x0], $0xffff;
	[tilespmem:s19+$0xFFFFFFC0] =	vst v3;
	v3 =	vmul.f32 v5, v1  }
0x169: {  	v5 =	vld.msk [tilespmem:s21+$0xFFFFFFFC ss:$0x0], $0xffff;
	[tilespmem:s19+$0xFFFFFFD0] =	vst v2;
	v2 =	vmul.f32 v6, v1  }
0x16a: {  	v4 =	vld.msk [tilespmem:s21+$0xFFFFFFFD ss:$0x0], $0xffff;
	[tilespmem:s19+$0xFFFFFFE0] =	vst v3  }
0x16b: {  	v1 =	vmov v9;
	v3 =	vld.msk [tilespmem:s21+$0xFFFFFFFE ss:$0x0], $0xffff;
	v6 =	vmul.f32 v8, v9;
	[tilespmem:s19+$0xFFFFFFF0] =	vst v2;
	s19 =	smov.u32 s22  }
0x16c: {  	v2 =	vld.msk [tilespmem:s21+$0xFFFFFFFF ss:$0x0], $0xffff  }
0x16d: {  	v8 =	vld.msk [tilespmem:s21+$0xFFFFFFF9 ss:$0x0], $0xffff;
	[tilespmem:s22+$0x0] =	vst v6  }
0x16e: {  	v6 =	vld [tilespmem:s22+$0xFFFFFC10]  }
0x16f: {  	v9 =	vld [tilespmem:s22+$0xFFFFFC20]  }
0x170: {  	v11 =	vld [tilespmem:s22+$0xFFFFFC30]  }
0x171: {  	v12 =	vld [tilespmem:s22+$0xFFFFFC40]  }
0x172: {  	v13 =	vld [tilespmem:s22+$0xFFFFFC50]  }
0x173: {  	v6 =	vmul.f32 v8, v6;
	v14 =	vld [tilespmem:s22+$0xFFFFFC60]  }
0x174: {  	v9 =	vmul.f32 v9, v8;
	v15 =	vld [tilespmem:s22+$0xFFFFFC70]  }
0x175: {  	[tilespmem:s22+$0xFFFFFC10] =	vst v6;
	v6 =	vmul.f32 v11, v8;
	v11 =	vld [tilespmem:s22+$0xFFFFFC80]  }
0x176: {  	[tilespmem:s22+$0xFFFFFC20] =	vst v9;
	v9 =	vmul.f32 v12, v8;
	v12 =	vld [tilespmem:s22+$0xFFFFFC90]  }
0x177: {  	[tilespmem:s22+$0xFFFFFC30] =	vst v6;
	v6 =	vmul.f32 v13, v8;
	v13 =	vld [tilespmem:s22+$0xFFFFFCA0]  }
0x178: {  	[tilespmem:s22+$0xFFFFFC40] =	vst v9;
	v9 =	vmul.f32 v14, v8;
	v14 =	vld [tilespmem:s22+$0xFFFFFCB0]  }
0x179: {  	[tilespmem:s22+$0xFFFFFC50] =	vst v6;
	v6 =	vmul.f32 v15, v8;
	v15 =	vld [tilespmem:s22+$0xFFFFFCC0]  }
0x17a: {  	[tilespmem:s22+$0xFFFFFC60] =	vst v9;
	v8 =	vmul.f32 v11, v8;
	v9 =	vld [tilespmem:s22+$0xFFFFFCD0]  }
0x17b: {  	[tilespmem:s22+$0xFFFFFC70] =	vst v6;
	v6 =	vmul.f32 v7, v12;
	v11 =	vld [tilespmem:s22+$0xFFFFFCE0]  }
0x17c: {  	[tilespmem:s22+$0xFFFFFC80] =	vst v8;
	v8 =	vmul.f32 v13, v7;
	v12 =	vld [tilespmem:s22+$0xFFFFFCF0]  }
0x17d: {  	[tilespmem:s22+$0xFFFFFC90] =	vst v6;
	v6 =	vmul.f32 v14, v7;
	v13 =	vld [tilespmem:s22+$0xFFFFFD00]  }
0x17e: {  	[tilespmem:s22+$0xFFFFFCA0] =	vst v8;
	v8 =	vmul.f32 v15, v7;
	v14 =	vld [tilespmem:s22+$0xFFFFFD10]  }
0x17f: {  	[tilespmem:s22+$0xFFFFFCB0] =	vst v6;
	v6 =	vmul.f32 v9, v7;
	v9 =	vld [tilespmem:s22+$0xFFFFFD20]  }
0x180: {  	[tilespmem:s22+$0xFFFFFCC0] =	vst v8;
	v8 =	vmul.f32 v11, v7;
	v11 =	vld [tilespmem:s22+$0xFFFFFD30]  }
0x181: {  	[tilespmem:s22+$0xFFFFFCD0] =	vst v6;
	v6 =	vmul.f32 v12, v7;
	v12 =	vld [tilespmem:s22+$0xFFFFFD40]  }
0x182: {  	[tilespmem:s22+$0xFFFFFCE0] =	vst v8;
	v7 =	vmul.f32 v13, v7;
	v8 =	vld [tilespmem:s22+$0xFFFFFD50]  }
0x183: {  	[tilespmem:s22+$0xFFFFFCF0] =	vst v6;
	v6 =	vmul.f32 v10, v14;
	v13 =	vld [tilespmem:s22+$0xFFFFFD60]  }
0x184: {  	[tilespmem:s22+$0xFFFFFD00] =	vst v7;
	v7 =	vmul.f32 v9, v10;
	v9 =	vld [tilespmem:s22+$0xFFFFFD70]  }
0x185: {  	[tilespmem:s22+$0xFFFFFD10] =	vst v6;
	v6 =	vmul.f32 v11, v10;
	v11 =	vld [tilespmem:s22+$0xFFFFFD80]  }
0x186: {  	[tilespmem:s22+$0xFFFFFD20] =	vst v7;
	v7 =	vmul.f32 v12, v10;
	v12 =	vld [tilespmem:s22+$0xFFFFFD90]  }
0x187: {  	[tilespmem:s22+$0xFFFFFD30] =	vst v6;
	v6 =	vmul.f32 v8, v10;
	v8 =	vld [tilespmem:s22+$0xFFFFFDA0]  }
0x188: {  	[tilespmem:s22+$0xFFFFFD40] =	vst v7;
	v7 =	vmul.f32 v13, v10;
	v13 =	vld [tilespmem:s22+$0xFFFFFDB0]  }
0x189: {  	[tilespmem:s22+$0xFFFFFD50] =	vst v6;
	v6 =	vmul.f32 v9, v10;
	v9 =	vld [tilespmem:s22+$0xFFFFFDC0]  }
0x18a: {  	[tilespmem:s22+$0xFFFFFD60] =	vst v7;
	v7 =	vmul.f32 v11, v10;
	v10 =	vld [tilespmem:s22+$0xFFFFFDD0]  }
0x18b: {  	[tilespmem:s22+$0xFFFFFD70] =	vst v6;
	v6 =	vmul.f32 v5, v12;
	v11 =	vld [tilespmem:s22+$0xFFFFFDE0]  }
0x18c: {  	[tilespmem:s22+$0xFFFFFD80] =	vst v7;
	v7 =	vmul.f32 v8, v5;
	v8 =	vld [tilespmem:s22+$0xFFFFFDF0]  }
0x18d: {  	[tilespmem:s22+$0xFFFFFD90] =	vst v6;
	v6 =	vmul.f32 v13, v5;
	v12 =	vld [tilespmem:s22+$0xFFFFFE00]  }
0x18e: {  	[tilespmem:s22+$0xFFFFFDA0] =	vst v7;
	v7 =	vmul.f32 v9, v5;
	v9 =	vld [tilespmem:s22+$0xFFFFFE10]  }
0x18f: {  	[tilespmem:s22+$0xFFFFFDB0] =	vst v6;
	v6 =	vmul.f32 v10, v5;
	v10 =	vld [tilespmem:s22+$0xFFFFFE20]  }
0x190: {  	[tilespmem:s22+$0xFFFFFDC0] =	vst v7;
	v7 =	vmul.f32 v11, v5;
	v11 =	vld [tilespmem:s22+$0xFFFFFE30]  }
0x191: {  	[tilespmem:s22+$0xFFFFFDD0] =	vst v6;
	v6 =	vmul.f32 v8, v5;
	v8 =	vld [tilespmem:s22+$0xFFFFFE40]  }
0x192: {  	[tilespmem:s22+$0xFFFFFDE0] =	vst v7;
	v5 =	vmul.f32 v12, v5;
	v7 =	vld [tilespmem:s22+$0xFFFFFE50]  }
0x193: {  	[tilespmem:s22+$0xFFFFFDF0] =	vst v6;
	v6 =	vmul.f32 v4, v9;
	v9 =	vld [tilespmem:s22+$0xFFFFFE60]  }
0x194: {  	[tilespmem:s22+$0xFFFFFE00] =	vst v5;
	v5 =	vmul.f32 v10, v4;
	v10 =	vld [tilespmem:s22+$0xFFFFFE70]  }
0x195: {  	[tilespmem:s22+$0xFFFFFE10] =	vst v6;
	v6 =	vmul.f32 v11, v4;
	v11 =	vld [tilespmem:s22+$0xFFFFFE80]  }
0x196: {  	[tilespmem:s22+$0xFFFFFE20] =	vst v5;
	v5 =	vmul.f32 v8, v4;
	v8 =	vld [tilespmem:s22+$0xFFFFFE90]  }
0x197: {  	[tilespmem:s22+$0xFFFFFE30] =	vst v6;
	v6 =	vmul.f32 v7, v4;
	v7 =	vld [tilespmem:s22+$0xFFFFFEA0]  }
0x198: {  	[tilespmem:s22+$0xFFFFFE40] =	vst v5;
	v5 =	vmul.f32 v9, v4;
	v9 =	vld [tilespmem:s22+$0xFFFFFEB0]  }
0x199: {  	[tilespmem:s22+$0xFFFFFE50] =	vst v6;
	v6 =	vmul.f32 v10, v4;
	v10 =	vld [tilespmem:s22+$0xFFFFFEC0]  }
0x19a: {  	[tilespmem:s22+$0xFFFFFE60] =	vst v5;
	v4 =	vmul.f32 v11, v4;
	v5 =	vld [tilespmem:s22+$0xFFFFFED0]  }
0x19b: {  	[tilespmem:s22+$0xFFFFFE70] =	vst v6;
	v6 =	vmul.f32 v3, v8;
	v8 =	vld [tilespmem:s22+$0xFFFFFEE0]  }
0x19c: {  	[tilespmem:s22+$0xFFFFFE80] =	vst v4;
	v4 =	vmul.f32 v7, v3;
	v7 =	vld [tilespmem:s22+$0xFFFFFEF0]  }
0x19d: {  	[tilespmem:s22+$0xFFFFFE90] =	vst v6;
	v6 =	vmul.f32 v9, v3;
	v9 =	vld [tilespmem:s22+$0xFFFFFF00]  }
0x19e: {  	[tilespmem:s22+$0xFFFFFEA0] =	vst v4;
	v4 =	vmul.f32 v10, v3;
	v10 =	vld [tilespmem:s22+$0xFFFFFF10]  }
0x19f: {  	[tilespmem:s22+$0xFFFFFEB0] =	vst v6;
	v5 =	vmul.f32 v5, v3;
	v6 =	vld [tilespmem:s22+$0xFFFFFF20]  }
0x1a0: {  	[tilespmem:s22+$0xFFFFFEC0] =	vst v4;
	v4 =	vmul.f32 v8, v3;
	v8 =	vld [tilespmem:s22+$0xFFFFFF30]  }
0x1a1: {  	[tilespmem:s22+$0xFFFFFED0] =	vst v5;
	v5 =	vmul.f32 v7, v3;
	v7 =	vld [tilespmem:s22+$0xFFFFFF40]  }
0x1a2: {  	[tilespmem:s22+$0xFFFFFEE0] =	vst v4;
	v3 =	vmul.f32 v9, v3;
	v4 =	vld [tilespmem:s22+$0xFFFFFF50]  }
0x1a3: {  	[tilespmem:s22+$0xFFFFFEF0] =	vst v5;
	v5 =	vmul.f32 v2, v10;
	v9 =	vld [tilespmem:s22+$0xFFFFFF60]  }
0x1a4: {  	[tilespmem:s22+$0xFFFFFF00] =	vst v3;
	v3 =	vmul.f32 v6, v2;
	v6 =	vld [tilespmem:s22+$0xFFFFFF70]  }
0x1a5: {  	[tilespmem:s22+$0xFFFFFF10] =	vst v5;
	v5 =	vmul.f32 v8, v2;
	v8 =	vld [tilespmem:s22+$0xFFFFFF80]  }
0x1a6: {  	[tilespmem:s22+$0xFFFFFF20] =	vst v3;
	v3 =	vmul.f32 v7, v2;
	v7 =	vld [tilespmem:s22+$0xFFFFFF90]  }
0x1a7: {  	[tilespmem:s22+$0xFFFFFF30] =	vst v5;
	v5 =	vmul.f32 v4, v2;
	v10 =	vld [tilespmem:s22+$0xFFFFFFA0]  }
.Ltmp2:
0x1a8: {  	[tilespmem:s22+$0xFFFFFF40] =	vst v3;
	v9 =	vmul.f32 v9, v2;
	v4 =	vld [tilespmem:s22+$0xFFFFFFB0];
	(pc) =	sbr.rel @p0 .LBB2_7-.Ltmp2, $4  }
0x1a9: {  	[tilespmem:s22+$0xFFFFFF50] =	vst v5;
	v5 =	vmul.f32 v6, v2;
	v3 =	vld [tilespmem:s22+$0xFFFFFFC0]  }
0x1aa: {  	[tilespmem:s22+$0xFFFFFF60] =	vst v9;
	v6 =	vmul.f32 v8, v2;
	v2 =	vld [tilespmem:s22+$0xFFFFFFD0]  }
0x1ab: {  	[tilespmem:s22+$0xFFFFFF70] =	vst v5;
	v8 =	vmul.f32 v1, v7;
	v5 =	vld [tilespmem:s22+$0xFFFFFFE0]  }
0x1ac: {  	s21 =	sadd.s32 $0x8, s21;
	[tilespmem:s22+$0xFFFFFF80] =	vst v6;
	v7 =	vmul.f32 v10, v1;
	v6 =	vld [tilespmem:s22+$0xFFFFFFF0]  }
0x1ad: {  	[tilespmem:s19+$0xFFFFFF90] =	vst v8;
	v4 =	vmul.f32 v4, v1  }
0x1ae: {  	[tilespmem:s19+$0xFFFFFFA0] =	vst v7;
	v3 =	vmul.f32 v3, v1  }
0x1af: {  	[tilespmem:s19+$0xFFFFFFB0] =	vst v4;
	v2 =	vmul.f32 v2, v1  }
0x1b0: {  	[tilespmem:s19+$0xFFFFFFC0] =	vst v3;
	v3 =	vmul.f32 v5, v1  }
0x1b1: {  	[tilespmem:s19+$0xFFFFFFD0] =	vst v2;
	v1 =	vmul.f32 v6, v1  }
0x1b2: {  	[tilespmem:s19+$0xFFFFFFE0] =	vst v3  }
0x1b3: {  	s22 =	sadd.s32 $0xF0, s18;
	[tilespmem:s19+$0xFFFFFFF0] =	vst v1  }
0x1b4: {  	s20 =	sadd.s32 s7, s22;
	_ =	swait.ge [sflag:s28], $0x2800  }
0x1b5: {  	s20 =	sshrl.u32 s20, $0x3;
	[sflag:s28] =	ssyncset.done $0x0  }
0x1b6: {  	s21 =	sadd.s32 s2, s20;
	[sflag:s28] =	ssyncadd.s32 $0xFFFFD800  }
0x1b7: {  	[tilespmem:s8], [sflag:$0x2] =	stream.linear.gather [hbm4b:s21+s6], $0x50, $0x38;
	[tilespmem:$0x1E380] =	vst v63  }
0x1b8: {  	s20 =	sadd.s32 s1, s20  }
0x1b9: {  	[tilespmem:s9], [sflag:$0x2] =	stream.linear.gather [hbm4b:s20+s6], $0x50, $0x38;
	[tilespmem:$0x1E380] =	vst v63  }
0x1ba: {  	_ = 	snop  }
0x1bb: {  	[tilespmem:s31], [sflag:$0x2] =	stream.indirect.gather [hbm4b:s3+s10], $0x80, s22, s10, $0xb8;
	[tilespmem:$0x1E380] =	vst v63  }
0x1bc: {  	_ = 	snop  }
0x1bd: {  	[spmem:s4] =	stream.indirect.scatter.add.f32 [tilespmem:s13], [sflag:$0x6], $0x80, s12, s10, $0xb8;
	[tilespmem:$0x1E380] =	vst v63  }
0x1be: {  	_ =	swait.ge [sflag:s29], $0x50  }
0x1bf: {  	[sflag:s29] =	ssyncset.done $0x0  }
0x1c0: {  	[sflag:s29] =	ssyncadd.s32 $0xFFFFFFB0  }
0x1c1: {  	_ =	swait.ge [sflag:s29], $0x50  }
0x1c2: {  	[sflag:s29] =	ssyncset.done $0x0  }
0x1c3: {  	[sflag:s29] =	ssyncadd.s32 $0xFFFFFFB0  }
0x1c4: {  	_ =	swait.ge [sflag:s29], $0x2800  }
0x1c5: {  	[sflag:s29] =	ssyncset.done $0x0  }
0x1c6: {  	s22 =	simm.s32 $0x2887;
	[sflag:s29] =	ssyncadd.s32 $0xFFFFD800  }
0x1c7: {  	s19 =	simm.s32 $0x7F70;
	v1 =	vld.msk [tilespmem:s22+$0x0 ss:$0x0], $0xffff  }
0x1c8: {  	v2 =	vld [tilespmem:s19+$0x0]  }
0x1c9: {  	v3 =	vld.msk [tilespmem:s22+$0xFFFFFFF9 ss:$0x0], $0xffff  }
0x1ca: {  	v4 =	vld [tilespmem:s19+$0xFFFFFC10]  }
0x1cb: {  	v5 =	vld [tilespmem:s19+$0xFFFFFC20]  }
0x1cc: {  	v6 =	vld [tilespmem:s19+$0xFFFFFC30]  }
0x1cd: {  	v7 =	vld [tilespmem:s19+$0xFFFFFC40]  }
0x1ce: {  	v8 =	vld [tilespmem:s19+$0xFFFFFC50]  }
0x1cf: {  	v9 =	vld [tilespmem:s19+$0xFFFFFC60]  }
0x1d0: {  	v10 =	vld [tilespmem:s19+$0xFFFFFC70]  }
0x1d1: {  	v11 =	vld.msk [tilespmem:s22+$0xFFFFFFFA ss:$0x0], $0xffff  }
0x1d2: {  	v12 =	vld [tilespmem:s19+$0xFFFFFC90]  }
0x1d3: {  	v13 =	vld [tilespmem:s19+$0xFFFFFCA0]  }
0x1d4: {  	v15 =	vld [tilespmem:s19+$0xFFFFFCC0];
	v4 =	vmul.f32 v3, v4  }
0x1d5: {  	v16 =	vld [tilespmem:s19+$0xFFFFFCD0];
	v2 =	vmul.f32 v2, v1  }
0x1d6: {  	v14 =	vld [tilespmem:s19+$0xFFFFFCB0];
	v5 =	vmul.f32 v5, v3;
	[tilespmem:s19+$0xFFFFFC10] =	vst v4  }
0x1d7: {  	v55 =	vld [tilespmem:s19+$0xFFFFFCE0];
	v6 =	vmul.f32 v6, v3;
	[tilespmem:s19+$0x0] =	vst v2  }
0x1d8: {  	v56 =	vld [tilespmem:s19+$0xFFFFFD50];
	v7 =	vmul.f32 v7, v3;
	[tilespmem:s19+$0xFFFFFC20] =	vst v5  }
0x1d9: {  	v59 =	vld [tilespmem:s19+$0xFFFFFD80];
	v57 =	vmul.f32 v15, v11;
	[tilespmem:s19+$0xFFFFFC30] =	vst v6  }
0x1da: {  	v60 =	vld [tilespmem:s19+$0xFFFFFD90];
	v58 =	vmul.f32 v16, v11;
	[tilespmem:s19+$0xFFFFFC40] =	vst v7  }
0x1db: {  	v4 =	vld [tilespmem:s19+$0xFFFFFC80];
	v2 =	vmul.f32 v11, v12;
	[tilespmem:s19+$0xFFFFFCC0] =	vst v57  }
0x1dc: {  	v5 =	vld [tilespmem:s19+$0xFFFFFCF0];
	v6 =	vmul.f32 v8, v3;
	[tilespmem:s19+$0xFFFFFCD0] =	vst v58  }
0x1dd: {  	v8 =	vld [tilespmem:s19+$0xFFFFFD00];
	v7 =	vmul.f32 v9, v3;
	[tilespmem:s19+$0xFFFFFC90] =	vst v2  }
0x1de: {  	v9 =	vld [tilespmem:s19+$0xFFFFFD10];
	[tilespmem:s19+$0xFFFFFC50] =	vst v6;
	v6 =	vmul.f32 v10, v3  }
0x1df: {  	v12 =	vmul.f32 v55, v11;
	v2 =	vld.msk [tilespmem:s22+$0xFFFFFFFB ss:$0x0], $0xffff;
	[tilespmem:s19+$0xFFFFFC60] =	vst v7  }
0x1e0: {  	v61 =	vld [tilespmem:s19+$0xFFFFFDE0];
	[tilespmem:s19+$0xFFFFFC70] =	vst v6;
	v6 =	vmul.f32 v13, v11  }
0x1e1: {  	v10 =	vld [tilespmem:s19+$0xFFFFFD20];
	[tilespmem:s19+$0xFFFFFCE0] =	vst v12;
	v3 =	vmul.f32 v4, v3  }
0x1e2: {  	v62 =	vld.msk [tilespmem:s22+$0xFFFFFFFD ss:$0x0], $0xffff;
	v5 =	vmul.f32 v5, v11;
	[tilespmem:s19+$0xFFFFFCA0] =	vst v6  }
0x1e3: {  	v7 =	vld [tilespmem:s19+$0xFFFFFD40];
	v8 =	vmul.f32 v8, v11;
	[tilespmem:s19+$0xFFFFFC80] =	vst v3  }
0x1e4: {  	v4 =	vld [tilespmem:s19+$0xFFFFFD30];
	v6 =	vmul.f32 v2, v9;
	[tilespmem:s19+$0xFFFFFCF0] =	vst v5  }
0x1e5: {  	v3 =	vmul.f32 v14, v11;
	v9 =	vld [tilespmem:s19+$0xFFFFFD60];
	[tilespmem:s19+$0xFFFFFD00] =	vst v8  }
0x1e6: {  	v5 =	vmul.f32 v10, v2;
	[tilespmem:s19+$0xFFFFFD10] =	vst v6;
	v6 =	vld.msk [tilespmem:s22+$0xFFFFFFFC ss:$0x0], $0xffff  }
0x1e7: {  	v13 =	vmul.f32 v56, v2;
	[tilespmem:s19+$0xFFFFFCB0] =	vst v3;
	v3 =	vld [tilespmem:s19+$0xFFFFFD70]  }
0x1e8: {  	v63 =	vld.msk [tilespmem:s22+$0xFFFFFFFE ss:$0x0], $0xffff;
	[tilespmem:s19+$0xFFFFFD20] =	vst v5;
	v5 =	vmul.f32 v7, v2  }
0x1e9: {  	v11 =	vld [tilespmem:s19+$0xFFFFFDA0];
	[tilespmem:s19+$0xFFFFFD50] =	vst v13;
	v4 =	vmul.f32 v4, v2  }
0x1ea: {  	v10 =	vld [tilespmem:s19+$0xFFFFFDB0];
	[tilespmem:s19+$0xFFFFFD40] =	vst v5;
	v9 =	vmul.f32 v9, v2  }
0x1eb: {  	v8 =	vld [tilespmem:s19+$0xFFFFFDC0];
	[tilespmem:s19+$0xFFFFFD30] =	vst v4;
	v4 =	vmul.f32 v6, v60  }
0x1ec: {  	v5 =	vld [tilespmem:s19+$0xFFFFFDF0];
	v3 =	vmul.f32 v3, v2;
	[tilespmem:s19+$0xFFFFFD60] =	vst v9  }
0x1ed: {  	v7 =	vld [tilespmem:s19+$0xFFFFFDD0];
	v2 =	vmul.f32 v59, v2;
	[tilespmem:s19+$0xFFFFFD90] =	vst v4  }
0x1ee: {  	v9 =	vld [tilespmem:s19+$0xFFFFFE10];
	v12 =	vmul.f32 v61, v6;
	[tilespmem:s19+$0xFFFFFD70] =	vst v3  }
0x1ef: {  	v4 =	vld [tilespmem:s19+$0xFFFFFE00];
	v3 =	vmul.f32 v11, v6;
	[tilespmem:s19+$0xFFFFFD80] =	vst v2  }
0x1f0: {  	v11 =	vld [tilespmem:s19+$0xFFFFFE20];
	v2 =	vmul.f32 v10, v6;
	[tilespmem:s19+$0xFFFFFDE0] =	vst v12  }
0x1f1: {  	v10 =	vld [tilespmem:s19+$0xFFFFFE30];
	v5 =	vmul.f32 v5, v6;
	[tilespmem:s19+$0xFFFFFDA0] =	vst v3  }
0x1f2: {  	v3 =	vmul.f32 v8, v6;
	v8 =	vld [tilespmem:s19+$0xFFFFFE40];
	[tilespmem:s19+$0xFFFFFDB0] =	vst v2  }
0x1f3: {  	v2 =	vmul.f32 v7, v6;
	v7 =	vld [tilespmem:s19+$0xFFFFFE50];
	[tilespmem:s19+$0xFFFFFDF0] =	vst v5  }
0x1f4: {  	[tilespmem:s19+$0xFFFFFDC0] =	vst v3;
	v3 =	vmul.f32 v62, v9;
	v9 =	vld [tilespmem:s19+$0xFFFFFE60]  }
0x1f5: {  	[tilespmem:s19+$0xFFFFFDD0] =	vst v2;
	v2 =	vld [tilespmem:s19+$0xFFFFFE70];
	v5 =	vmul.f32 v11, v62  }
0x1f6: {  	v11 =	vld.msk [tilespmem:s22+$0xFFFFFFFF ss:$0x0], $0xffff;
	[tilespmem:s19+$0xFFFFFE10] =	vst v3;
	v3 =	vmul.f32 v4, v6  }
0x1f7: {  	v4 =	vld [tilespmem:s19+$0xFFFFFE80];
	[tilespmem:s19+$0xFFFFFE20] =	vst v5;
	v5 =	vmul.f32 v8, v62  }
0x1f8: {  	v6 =	vld [tilespmem:s19+$0xFFFFFE90];
	[tilespmem:s19+$0xFFFFFE00] =	vst v3;
	v3 =	vmul.f32 v10, v62  }
0x1f9: {  	v10 =	vld [tilespmem:s19+$0xFFFFFEA0];
	[tilespmem:s19+$0xFFFFFE40] =	vst v5;
	v5 =	vmul.f32 v9, v62  }
0x1fa: {  	v8 =	vld [tilespmem:s19+$0xFFFFFEB0];
	v2 =	vmul.f32 v2, v62;
	[tilespmem:s19+$0xFFFFFE30] =	vst v3  }
0x1fb: {  	v3 =	vmul.f32 v7, v62;
	v7 =	vld [tilespmem:s19+$0xFFFFFEC0];
	[tilespmem:s19+$0xFFFFFE60] =	vst v5  }
0x1fc: {  	v9 =	vld [tilespmem:s19+$0xFFFFFED0];
	v4 =	vmul.f32 v4, v62;
	[tilespmem:s19+$0xFFFFFE70] =	vst v2  }
0x1fd: {  	[tilespmem:s19+$0xFFFFFE50] =	vst v3;
	v3 =	vmul.f32 v63, v6;
	v6 =	vld [tilespmem:s19+$0xFFFFFEE0]  }
0x1fe: {  	v5 =	vld [tilespmem:s19+$0xFFFFFEF0];
	v2 =	vmul.f32 v10, v63;
	[tilespmem:s19+$0xFFFFFE80] =	vst v4  }
0x1ff: {  	v4 =	vmul.f32 v8, v63;
	v8 =	vld [tilespmem:s19+$0xFFFFFF10];
	[tilespmem:s19+$0xFFFFFE90] =	vst v3  }
0x200: {  	v3 =	vld [tilespmem:s19+$0xFFFFFF00];
	[tilespmem:s19+$0xFFFFFEA0] =	vst v2;
	v2 =	vmul.f32 v7, v63  }
0x201: {  	v7 =	vld [tilespmem:s19+$0xFFFFFF20];
	[tilespmem:s19+$0xFFFFFEB0] =	vst v4;
	v4 =	vmul.f32 v9, v63  }
0x202: {  	v9 =	vld [tilespmem:s19+$0xFFFFFF30];
	[tilespmem:s19+$0xFFFFFEC0] =	vst v2;
	v2 =	vmul.f32 v6, v63  }
0x203: {  	v6 =	vld [tilespmem:s19+$0xFFFFFF40];
	[tilespmem:s19+$0xFFFFFED0] =	vst v4;
	v4 =	vmul.f32 v5, v63  }
0x204: {  	v5 =	vld [tilespmem:s19+$0xFFFFFF50];
	[tilespmem:s19+$0xFFFFFEE0] =	vst v2;
	v2 =	vmul.f32 v11, v8  }
0x205: {  	v8 =	vld [tilespmem:s19+$0xFFFFFF60];
	v3 =	vmul.f32 v3, v63;
	[tilespmem:s19+$0xFFFFFEF0] =	vst v4  }
0x206: {  	v10 =	vld [tilespmem:s19+$0xFFFFFF70];
	v4 =	vmul.f32 v7, v11;
	[tilespmem:s19+$0xFFFFFF10] =	vst v2  }
0x207: {  	v7 =	vld [tilespmem:s19+$0xFFFFFF80];
	[tilespmem:s19+$0xFFFFFF00] =	vst v3;
	v2 =	vmul.f32 v9, v11  }
0x208: {  	[tilespmem:s19+$0xFFFFFF20] =	vst v4;
	v3 =	vmul.f32 v6, v11;
	v6 =	vld [tilespmem:s19+$0xFFFFFF90]  }
0x209: {  	v9 =	vld [tilespmem:s19+$0xFFFFFFA0];
	[tilespmem:s19+$0xFFFFFF30] =	vst v2;
	v2 =	vmul.f32 v5, v11  }
0x20a: {  	v4 =	vld [tilespmem:s19+$0xFFFFFFB0];
	[tilespmem:s19+$0xFFFFFF40] =	vst v3;
	v5 =	vmul.f32 v8, v11  }
0x20b: {  	v8 =	vmul.f32 v10, v11;
	v3 =	vld [tilespmem:s19+$0xFFFFFFC0];
	[tilespmem:s19+$0xFFFFFF50] =	vst v2  }
0x20c: {  	v7 =	vmul.f32 v7, v11;
	v2 =	vld [tilespmem:s19+$0xFFFFFFD0];
	[tilespmem:s19+$0xFFFFFF60] =	vst v5  }
0x20d: {  	[tilespmem:s19+$0xFFFFFF70] =	vst v8;
	v5 =	vld [tilespmem:s19+$0xFFFFFFE0];
	v8 =	vmul.f32 v1, v6  }
0x20e: {  	s21 =	simm.s32 $0x288F;
	s20 =	simm.s32 $0x0;
	s22 =	simm.s32 $0x7F70;
	[tilespmem:s19+$0xFFFFFF80] =	vst v7;
	v7 =	vmul.f32 v9, v1;
	v6 =	vld [tilespmem:s19+$0xFFFFFFF0]  }
.LBB2_9:
0x20f: {  	v9 =	vld.msk [tilespmem:s21+$0x0 ss:$0x0], $0xffff;
	s20 =	sadd.s32 $0x8, s20;
	[tilespmem:s19+$0xFFFFFF90] =	vst v8;
	v4 =	vmul.f32 v4, v1;
	s22 =	sadd.s32 $0x400, s22  }
0x210: {  	v8 =	vld [tilespmem:s22+$0x0];
	p0 =	slt.u32 s20, $0x48;
	[tilespmem:s19+$0xFFFFFFA0] =	vst v7;
	v3 =	vmul.f32 v3, v1  }
0x211: {  	v7 =	vld.msk [tilespmem:s21+$0xFFFFFFFA ss:$0x0], $0xffff;
	[tilespmem:s19+$0xFFFFFFB0] =	vst v4;
	v2 =	vmul.f32 v2, v1  }
0x212: {  	v10 =	vld.msk [tilespmem:s21+$0xFFFFFFFB ss:$0x0], $0xffff;
	[tilespmem:s19+$0xFFFFFFC0] =	vst v3;
	v3 =	vmul.f32 v5, v1  }
0x213: {  	v5 =	vld.msk [tilespmem:s21+$0xFFFFFFFC ss:$0x0], $0xffff;
	[tilespmem:s19+$0xFFFFFFD0] =	vst v2;
	v2 =	vmul.f32 v6, v1  }
0x214: {  	v4 =	vld.msk [tilespmem:s21+$0xFFFFFFFD ss:$0x0], $0xffff;
	[tilespmem:s19+$0xFFFFFFE0] =	vst v3  }
0x215: {  	v1 =	vmov v9;
	v3 =	vld.msk [tilespmem:s21+$0xFFFFFFFE ss:$0x0], $0xffff;
	v6 =	vmul.f32 v8, v9;
	[tilespmem:s19+$0xFFFFFFF0] =	vst v2;
	s19 =	smov.u32 s22  }
0x216: {  	v2 =	vld.msk [tilespmem:s21+$0xFFFFFFFF ss:$0x0], $0xffff  }
0x217: {  	v8 =	vld.msk [tilespmem:s21+$0xFFFFFFF9 ss:$0x0], $0xffff;
	[tilespmem:s22+$0x0] =	vst v6  }
0x218: {  	v6 =	vld [tilespmem:s22+$0xFFFFFC10]  }
0x219: {  	v9 =	vld [tilespmem:s22+$0xFFFFFC20]  }
0x21a: {  	v11 =	vld [tilespmem:s22+$0xFFFFFC30]  }
0x21b: {  	v12 =	vld [tilespmem:s22+$0xFFFFFC40]  }
0x21c: {  	v13 =	vld [tilespmem:s22+$0xFFFFFC50]  }
0x21d: {  	v6 =	vmul.f32 v8, v6;
	v14 =	vld [tilespmem:s22+$0xFFFFFC60]  }
0x21e: {  	v9 =	vmul.f32 v9, v8;
	v15 =	vld [tilespmem:s22+$0xFFFFFC70]  }
0x21f: {  	[tilespmem:s22+$0xFFFFFC10] =	vst v6;
	v6 =	vmul.f32 v11, v8;
	v11 =	vld [tilespmem:s22+$0xFFFFFC80]  }
0x220: {  	[tilespmem:s22+$0xFFFFFC20] =	vst v9;
	v9 =	vmul.f32 v12, v8;
	v12 =	vld [tilespmem:s22+$0xFFFFFC90]  }
0x221: {  	[tilespmem:s22+$0xFFFFFC30] =	vst v6;
	v6 =	vmul.f32 v13, v8;
	v13 =	vld [tilespmem:s22+$0xFFFFFCA0]  }
0x222: {  	[tilespmem:s22+$0xFFFFFC40] =	vst v9;
	v9 =	vmul.f32 v14, v8;
	v14 =	vld [tilespmem:s22+$0xFFFFFCB0]  }
0x223: {  	[tilespmem:s22+$0xFFFFFC50] =	vst v6;
	v6 =	vmul.f32 v15, v8;
	v15 =	vld [tilespmem:s22+$0xFFFFFCC0]  }
0x224: {  	[tilespmem:s22+$0xFFFFFC60] =	vst v9;
	v8 =	vmul.f32 v11, v8;
	v9 =	vld [tilespmem:s22+$0xFFFFFCD0]  }
0x225: {  	[tilespmem:s22+$0xFFFFFC70] =	vst v6;
	v6 =	vmul.f32 v7, v12;
	v11 =	vld [tilespmem:s22+$0xFFFFFCE0]  }
0x226: {  	[tilespmem:s22+$0xFFFFFC80] =	vst v8;
	v8 =	vmul.f32 v13, v7;
	v12 =	vld [tilespmem:s22+$0xFFFFFCF0]  }
0x227: {  	[tilespmem:s22+$0xFFFFFC90] =	vst v6;
	v6 =	vmul.f32 v14, v7;
	v13 =	vld [tilespmem:s22+$0xFFFFFD00]  }
0x228: {  	[tilespmem:s22+$0xFFFFFCA0] =	vst v8;
	v8 =	vmul.f32 v15, v7;
	v14 =	vld [tilespmem:s22+$0xFFFFFD10]  }
0x229: {  	[tilespmem:s22+$0xFFFFFCB0] =	vst v6;
	v6 =	vmul.f32 v9, v7;
	v9 =	vld [tilespmem:s22+$0xFFFFFD20]  }
0x22a: {  	[tilespmem:s22+$0xFFFFFCC0] =	vst v8;
	v8 =	vmul.f32 v11, v7;
	v11 =	vld [tilespmem:s22+$0xFFFFFD30]  }
0x22b: {  	[tilespmem:s22+$0xFFFFFCD0] =	vst v6;
	v6 =	vmul.f32 v12, v7;
	v12 =	vld [tilespmem:s22+$0xFFFFFD40]  }
0x22c: {  	[tilespmem:s22+$0xFFFFFCE0] =	vst v8;
	v7 =	vmul.f32 v13, v7;
	v8 =	vld [tilespmem:s22+$0xFFFFFD50]  }
0x22d: {  	[tilespmem:s22+$0xFFFFFCF0] =	vst v6;
	v6 =	vmul.f32 v10, v14;
	v13 =	vld [tilespmem:s22+$0xFFFFFD60]  }
0x22e: {  	[tilespmem:s22+$0xFFFFFD00] =	vst v7;
	v7 =	vmul.f32 v9, v10;
	v9 =	vld [tilespmem:s22+$0xFFFFFD70]  }
0x22f: {  	[tilespmem:s22+$0xFFFFFD10] =	vst v6;
	v6 =	vmul.f32 v11, v10;
	v11 =	vld [tilespmem:s22+$0xFFFFFD80]  }
0x230: {  	[tilespmem:s22+$0xFFFFFD20] =	vst v7;
	v7 =	vmul.f32 v12, v10;
	v12 =	vld [tilespmem:s22+$0xFFFFFD90]  }
0x231: {  	[tilespmem:s22+$0xFFFFFD30] =	vst v6;
	v6 =	vmul.f32 v8, v10;
	v8 =	vld [tilespmem:s22+$0xFFFFFDA0]  }
0x232: {  	[tilespmem:s22+$0xFFFFFD40] =	vst v7;
	v7 =	vmul.f32 v13, v10;
	v13 =	vld [tilespmem:s22+$0xFFFFFDB0]  }
0x233: {  	[tilespmem:s22+$0xFFFFFD50] =	vst v6;
	v6 =	vmul.f32 v9, v10;
	v9 =	vld [tilespmem:s22+$0xFFFFFDC0]  }
0x234: {  	[tilespmem:s22+$0xFFFFFD60] =	vst v7;
	v7 =	vmul.f32 v11, v10;
	v10 =	vld [tilespmem:s22+$0xFFFFFDD0]  }
0x235: {  	[tilespmem:s22+$0xFFFFFD70] =	vst v6;
	v6 =	vmul.f32 v5, v12;
	v11 =	vld [tilespmem:s22+$0xFFFFFDE0]  }
0x236: {  	[tilespmem:s22+$0xFFFFFD80] =	vst v7;
	v7 =	vmul.f32 v8, v5;
	v8 =	vld [tilespmem:s22+$0xFFFFFDF0]  }
0x237: {  	[tilespmem:s22+$0xFFFFFD90] =	vst v6;
	v6 =	vmul.f32 v13, v5;
	v12 =	vld [tilespmem:s22+$0xFFFFFE00]  }
0x238: {  	[tilespmem:s22+$0xFFFFFDA0] =	vst v7;
	v7 =	vmul.f32 v9, v5;
	v9 =	vld [tilespmem:s22+$0xFFFFFE10]  }
0x239: {  	[tilespmem:s22+$0xFFFFFDB0] =	vst v6;
	v6 =	vmul.f32 v10, v5;
	v10 =	vld [tilespmem:s22+$0xFFFFFE20]  }
0x23a: {  	[tilespmem:s22+$0xFFFFFDC0] =	vst v7;
	v7 =	vmul.f32 v11, v5;
	v11 =	vld [tilespmem:s22+$0xFFFFFE30]  }
0x23b: {  	[tilespmem:s22+$0xFFFFFDD0] =	vst v6;
	v6 =	vmul.f32 v8, v5;
	v8 =	vld [tilespmem:s22+$0xFFFFFE40]  }
0x23c: {  	[tilespmem:s22+$0xFFFFFDE0] =	vst v7;
	v5 =	vmul.f32 v12, v5;
	v7 =	vld [tilespmem:s22+$0xFFFFFE50]  }
0x23d: {  	[tilespmem:s22+$0xFFFFFDF0] =	vst v6;
	v6 =	vmul.f32 v4, v9;
	v9 =	vld [tilespmem:s22+$0xFFFFFE60]  }
0x23e: {  	[tilespmem:s22+$0xFFFFFE00] =	vst v5;
	v5 =	vmul.f32 v10, v4;
	v10 =	vld [tilespmem:s22+$0xFFFFFE70]  }
0x23f: {  	[tilespmem:s22+$0xFFFFFE10] =	vst v6;
	v6 =	vmul.f32 v11, v4;
	v11 =	vld [tilespmem:s22+$0xFFFFFE80]  }
0x240: {  	[tilespmem:s22+$0xFFFFFE20] =	vst v5;
	v5 =	vmul.f32 v8, v4;
	v8 =	vld [tilespmem:s22+$0xFFFFFE90]  }
0x241: {  	[tilespmem:s22+$0xFFFFFE30] =	vst v6;
	v6 =	vmul.f32 v7, v4;
	v7 =	vld [tilespmem:s22+$0xFFFFFEA0]  }
0x242: {  	[tilespmem:s22+$0xFFFFFE40] =	vst v5;
	v5 =	vmul.f32 v9, v4;
	v9 =	vld [tilespmem:s22+$0xFFFFFEB0]  }
0x243: {  	[tilespmem:s22+$0xFFFFFE50] =	vst v6;
	v6 =	vmul.f32 v10, v4;
	v10 =	vld [tilespmem:s22+$0xFFFFFEC0]  }
0x244: {  	[tilespmem:s22+$0xFFFFFE60] =	vst v5;
	v4 =	vmul.f32 v11, v4;
	v5 =	vld [tilespmem:s22+$0xFFFFFED0]  }
0x245: {  	[tilespmem:s22+$0xFFFFFE70] =	vst v6;
	v6 =	vmul.f32 v3, v8;
	v8 =	vld [tilespmem:s22+$0xFFFFFEE0]  }
0x246: {  	[tilespmem:s22+$0xFFFFFE80] =	vst v4;
	v4 =	vmul.f32 v7, v3;
	v7 =	vld [tilespmem:s22+$0xFFFFFEF0]  }
0x247: {  	[tilespmem:s22+$0xFFFFFE90] =	vst v6;
	v6 =	vmul.f32 v9, v3;
	v9 =	vld [tilespmem:s22+$0xFFFFFF00]  }
0x248: {  	[tilespmem:s22+$0xFFFFFEA0] =	vst v4;
	v4 =	vmul.f32 v10, v3;
	v10 =	vld [tilespmem:s22+$0xFFFFFF10]  }
0x249: {  	[tilespmem:s22+$0xFFFFFEB0] =	vst v6;
	v5 =	vmul.f32 v5, v3;
	v6 =	vld [tilespmem:s22+$0xFFFFFF20]  }
0x24a: {  	[tilespmem:s22+$0xFFFFFEC0] =	vst v4;
	v4 =	vmul.f32 v8, v3;
	v8 =	vld [tilespmem:s22+$0xFFFFFF30]  }
0x24b: {  	[tilespmem:s22+$0xFFFFFED0] =	vst v5;
	v5 =	vmul.f32 v7, v3;
	v7 =	vld [tilespmem:s22+$0xFFFFFF40]  }
0x24c: {  	[tilespmem:s22+$0xFFFFFEE0] =	vst v4;
	v3 =	vmul.f32 v9, v3;
	v4 =	vld [tilespmem:s22+$0xFFFFFF50]  }
0x24d: {  	[tilespmem:s22+$0xFFFFFEF0] =	vst v5;
	v5 =	vmul.f32 v2, v10;
	v9 =	vld [tilespmem:s22+$0xFFFFFF60]  }
0x24e: {  	[tilespmem:s22+$0xFFFFFF00] =	vst v3;
	v3 =	vmul.f32 v6, v2;
	v6 =	vld [tilespmem:s22+$0xFFFFFF70]  }
0x24f: {  	[tilespmem:s22+$0xFFFFFF10] =	vst v5;
	v5 =	vmul.f32 v8, v2;
	v8 =	vld [tilespmem:s22+$0xFFFFFF80]  }
0x250: {  	[tilespmem:s22+$0xFFFFFF20] =	vst v3;
	v3 =	vmul.f32 v7, v2;
	v7 =	vld [tilespmem:s22+$0xFFFFFF90]  }
0x251: {  	[tilespmem:s22+$0xFFFFFF30] =	vst v5;
	v5 =	vmul.f32 v4, v2;
	v10 =	vld [tilespmem:s22+$0xFFFFFFA0]  }
.Ltmp3:
0x252: {  	[tilespmem:s22+$0xFFFFFF40] =	vst v3;
	v9 =	vmul.f32 v9, v2;
	v4 =	vld [tilespmem:s22+$0xFFFFFFB0];
	(pc) =	sbr.rel @p0 .LBB2_9-.Ltmp3, $4  }
0x253: {  	[tilespmem:s22+$0xFFFFFF50] =	vst v5;
	v5 =	vmul.f32 v6, v2;
	v3 =	vld [tilespmem:s22+$0xFFFFFFC0]  }
0x254: {  	[tilespmem:s22+$0xFFFFFF60] =	vst v9;
	v6 =	vmul.f32 v8, v2;
	v2 =	vld [tilespmem:s22+$0xFFFFFFD0]  }
0x255: {  	[tilespmem:s22+$0xFFFFFF70] =	vst v5;
	v8 =	vmul.f32 v1, v7;
	v5 =	vld [tilespmem:s22+$0xFFFFFFE0]  }
0x256: {  	s21 =	sadd.s32 $0x8, s21;
	[tilespmem:s22+$0xFFFFFF80] =	vst v6;
	v7 =	vmul.f32 v10, v1;
	v6 =	vld [tilespmem:s22+$0xFFFFFFF0]  }
0x257: {  	[tilespmem:s19+$0xFFFFFF90] =	vst v8;
	v4 =	vmul.f32 v4, v1  }
0x258: {  	[tilespmem:s19+$0xFFFFFFA0] =	vst v7;
	v3 =	vmul.f32 v3, v1  }
0x259: {  	[tilespmem:s19+$0xFFFFFFB0] =	vst v4;
	v2 =	vmul.f32 v2, v1  }
0x25a: {  	[tilespmem:s19+$0xFFFFFFC0] =	vst v3;
	v3 =	vmul.f32 v5, v1  }
0x25b: {  	[tilespmem:s19+$0xFFFFFFD0] =	vst v2;
	v1 =	vmul.f32 v6, v1  }
0x25c: {  	[tilespmem:s19+$0xFFFFFFE0] =	vst v3  }
0x25d: {  	s18 =	sadd.s32 $0x140, s18;
	[tilespmem:s19+$0xFFFFFFF0] =	vst v1  }
0x25e: {  	s22 =	sadd.s32 s7, s18;
	_ =	swait.ge [sflag:s30], $0x2800  }
0x25f: {  	s19 =	sshrl.u32 s22, $0x3;
	[sflag:s30] =	ssyncset.done $0x0  }
0x260: {  	s17 =	sadd.s32 $0x1, s17;
	s20 =	sadd.s32 s2, s19;
	[sflag:s30] =	ssyncadd.s32 $0xFFFFD800  }
0x261: {  	[tilespmem:s11], [sflag:$0x3] =	stream.linear.gather [hbm4b:s20+s6], $0x50, $0x38;
	[tilespmem:$0x1E380] =	vst v63  }
0x262: {  	p0 =	sne.s32 s17, $0x29;
	s19 =	sadd.s32 s1, s19  }
0x263: {  	[tilespmem:s12], [sflag:$0x3] =	stream.linear.gather [hbm4b:s19+s6], $0x50, $0x38;
	[tilespmem:$0x1E380] =	vst v63  }
.Ltmp4:
0x264: {  	_ = 	snop;
	(pc) =	sbr.rel @p0 .LBB2_4-.Ltmp4, $4  }
0x265: {  	_ = 	snop  }
0x266: {  	[tilespmem:s13], [sflag:$0x3] =	stream.indirect.gather [hbm4b:s3+s10], $0x80, s18, s10, $0xb8;
	[tilespmem:$0x1E380] =	vst v63  }
0x267: {  	_ = 	snop  }
0x268: {  	[spmem:s4] =	stream.indirect.scatter.add.f32 [tilespmem:s25], [sflag:$0x7], $0x80, s16, s10, $0xb8;
	[tilespmem:$0x1E380] =	vst v63  }
0x269: {  	_ =	swait.ge [sflag:s14], $0x50  }
0x26a: {  	[sflag:s14] =	ssyncset.done $0x0  }
0x26b: {  	[sflag:s14] =	ssyncadd.s32 $0xFFFFFFB0  }
0x26c: {  	_ =	swait.ge [sflag:s14], $0x50  }
0x26d: {  	[sflag:s14] =	ssyncset.done $0x0  }
0x26e: {  	[sflag:s14] =	ssyncadd.s32 $0xFFFFFFB0  }
0x26f: {  	_ =	swait.ge [sflag:s14], $0x2800  }
0x270: {  	[sflag:s14] =	ssyncset.done $0x0  }
0x271: {  	s18 =	simm.s32 $0x2784;
	[sflag:s14] =	ssyncadd.s32 $0xFFFFD800  }
0x272: {  	s17 =	simm.s32 $0x2D80;
	v1 =	vld.msk [tilespmem:s18+$0x3 ss:$0x0], $0xffff  }
0x273: {  	v2 =	vld [tilespmem:s17+$0x1F0]  }
0x274: {  	v3 =	vld.msk [tilespmem:s18+$0xFFFFFFFC ss:$0x0], $0xffff  }
0x275: {  	v4 =	vld [tilespmem:s17+$0xFFFFFE00]  }
0x276: {  	v5 =	vld [tilespmem:s17+$0xFFFFFE10]  }
0x277: {  	v6 =	vld [tilespmem:s17+$0xFFFFFE20]  }
0x278: {  	v7 =	vld [tilespmem:s17+$0xFFFFFE30]  }
0x279: {  	v8 =	vld [tilespmem:s17+$0xFFFFFE40]  }
0x27a: {  	v9 =	vld [tilespmem:s17+$0xFFFFFE50]  }
0x27b: {  	v10 =	vld [tilespmem:s17+$0xFFFFFE60]  }
0x27c: {  	v11 =	vld.msk [tilespmem:s18+$0xFFFFFFFD ss:$0x0], $0xffff  }
0x27d: {  	v12 =	vld [tilespmem:s17+$0xFFFFFE80]  }
0x27e: {  	v13 =	vld [tilespmem:s17+$0xFFFFFE90]  }
0x27f: {  	v15 =	vld [tilespmem:s17+$0xFFFFFEB0];
	v4 =	vmul.f32 v3, v4  }
0x280: {  	v16 =	vld [tilespmem:s17+$0xFFFFFEC0];
	v2 =	vmul.f32 v2, v1  }
0x281: {  	v14 =	vld [tilespmem:s17+$0xFFFFFEA0];
	v5 =	vmul.f32 v5, v3;
	[tilespmem:s17+$0xFFFFFE00] =	vst v4  }
0x282: {  	v55 =	vld [tilespmem:s17+$0xFFFFFED0];
	v6 =	vmul.f32 v6, v3;
	[tilespmem:s17+$0x1F0] =	vst v2  }
0x283: {  	v56 =	vld [tilespmem:s17+$0xFFFFFF40];
	v7 =	vmul.f32 v7, v3;
	[tilespmem:s17+$0xFFFFFE10] =	vst v5  }
0x284: {  	v59 =	vld [tilespmem:s17+$0xFFFFFF70];
	v57 =	vmul.f32 v15, v11;
	[tilespmem:s17+$0xFFFFFE20] =	vst v6  }
0x285: {  	v60 =	vld [tilespmem:s17+$0xFFFFFF80];
	v58 =	vmul.f32 v16, v11;
	[tilespmem:s17+$0xFFFFFE30] =	vst v7  }
0x286: {  	v4 =	vld [tilespmem:s17+$0xFFFFFE70];
	v2 =	vmul.f32 v11, v12;
	[tilespmem:s17+$0xFFFFFEB0] =	vst v57  }
0x287: {  	v5 =	vld [tilespmem:s17+$0xFFFFFEE0];
	v6 =	vmul.f32 v8, v3;
	[tilespmem:s17+$0xFFFFFEC0] =	vst v58  }
0x288: {  	v8 =	vld [tilespmem:s17+$0xFFFFFEF0];
	v7 =	vmul.f32 v9, v3;
	[tilespmem:s17+$0xFFFFFE80] =	vst v2  }
0x289: {  	v9 =	vld [tilespmem:s17+$0xFFFFFF00];
	[tilespmem:s17+$0xFFFFFE40] =	vst v6;
	v6 =	vmul.f32 v10, v3  }
0x28a: {  	v12 =	vmul.f32 v55, v11;
	v2 =	vld.msk [tilespmem:s18+$0xFFFFFFFE ss:$0x0], $0xffff;
	[tilespmem:s17+$0xFFFFFE50] =	vst v7  }
0x28b: {  	v61 =	vld [tilespmem:s17+$0xFFFFFFD0];
	[tilespmem:s17+$0xFFFFFE60] =	vst v6;
	v6 =	vmul.f32 v13, v11  }
0x28c: {  	v10 =	vld [tilespmem:s17+$0xFFFFFF10];
	[tilespmem:s17+$0xFFFFFED0] =	vst v12;
	v3 =	vmul.f32 v4, v3  }
0x28d: {  	v62 =	vld.msk [tilespmem:s18+$0x0 ss:$0x0], $0xffff;
	v5 =	vmul.f32 v5, v11;
	[tilespmem:s17+$0xFFFFFE90] =	vst v6  }
0x28e: {  	v7 =	vld [tilespmem:s17+$0xFFFFFF30];
	v8 =	vmul.f32 v8, v11;
	[tilespmem:s17+$0xFFFFFE70] =	vst v3  }
0x28f: {  	v4 =	vld [tilespmem:s17+$0xFFFFFF20];
	v6 =	vmul.f32 v2, v9;
	[tilespmem:s17+$0xFFFFFEE0] =	vst v5  }
0x290: {  	v3 =	vmul.f32 v14, v11;
	v9 =	vld [tilespmem:s17+$0xFFFFFF50];
	[tilespmem:s17+$0xFFFFFEF0] =	vst v8  }
0x291: {  	v5 =	vmul.f32 v10, v2;
	[tilespmem:s17+$0xFFFFFF00] =	vst v6;
	v6 =	vld.msk [tilespmem:s18+$0xFFFFFFFF ss:$0x0], $0xffff  }
0x292: {  	v13 =	vmul.f32 v56, v2;
	[tilespmem:s17+$0xFFFFFEA0] =	vst v3;
	v3 =	vld [tilespmem:s17+$0xFFFFFF60]  }
0x293: {  	v63 =	vld.msk [tilespmem:s18+$0x1 ss:$0x0], $0xffff;
	[tilespmem:s17+$0xFFFFFF10] =	vst v5;
	v5 =	vmul.f32 v7, v2  }
0x294: {  	v11 =	vld [tilespmem:s17+$0xFFFFFF90];
	[tilespmem:s17+$0xFFFFFF40] =	vst v13;
	v4 =	vmul.f32 v4, v2  }
0x295: {  	v10 =	vld [tilespmem:s17+$0xFFFFFFA0];
	[tilespmem:s17+$0xFFFFFF30] =	vst v5;
	v9 =	vmul.f32 v9, v2  }
0x296: {  	v8 =	vld [tilespmem:s17+$0xFFFFFFB0];
	[tilespmem:s17+$0xFFFFFF20] =	vst v4;
	v4 =	vmul.f32 v6, v60  }
0x297: {  	v5 =	vld [tilespmem:s17+$0xFFFFFFE0];
	v3 =	vmul.f32 v3, v2;
	[tilespmem:s17+$0xFFFFFF50] =	vst v9  }
0x298: {  	v7 =	vld [tilespmem:s17+$0xFFFFFFC0];
	v2 =	vmul.f32 v59, v2;
	[tilespmem:s17+$0xFFFFFF80] =	vst v4  }
0x299: {  	v9 =	vld [tilespmem:s17+$0x0];
	v12 =	vmul.f32 v61, v6;
	[tilespmem:s17+$0xFFFFFF60] =	vst v3  }
0x29a: {  	v4 =	vld [tilespmem:s17+$0xFFFFFFF0];
	v3 =	vmul.f32 v11, v6;
	[tilespmem:s17+$0xFFFFFF70] =	vst v2  }
0x29b: {  	v11 =	vld [tilespmem:s17+$0x10];
	v2 =	vmul.f32 v10, v6;
	[tilespmem:s17+$0xFFFFFFD0] =	vst v12  }
0x29c: {  	v10 =	vld [tilespmem:s17+$0x20];
	v5 =	vmul.f32 v5, v6;
	[tilespmem:s17+$0xFFFFFF90] =	vst v3  }
0x29d: {  	v3 =	vmul.f32 v8, v6;
	v8 =	vld [tilespmem:s17+$0x30];
	[tilespmem:s17+$0xFFFFFFA0] =	vst v2  }
0x29e: {  	v2 =	vmul.f32 v7, v6;
	v7 =	vld [tilespmem:s17+$0x40];
	[tilespmem:s17+$0xFFFFFFE0] =	vst v5  }
0x29f: {  	[tilespmem:s17+$0xFFFFFFB0] =	vst v3;
	v3 =	vmul.f32 v62, v9;
	v9 =	vld [tilespmem:s17+$0x50]  }
0x2a0: {  	[tilespmem:s17+$0xFFFFFFC0] =	vst v2;
	v2 =	vld [tilespmem:s17+$0x60];
	v5 =	vmul.f32 v11, v62  }
0x2a1: {  	v11 =	vld.msk [tilespmem:s18+$0x2 ss:$0x0], $0xffff;
	[tilespmem:s17+$0x0] =	vst v3;
	v3 =	vmul.f32 v4, v6  }
0x2a2: {  	v4 =	vld [tilespmem:s17+$0x70];
	[tilespmem:s17+$0x10] =	vst v5;
	v5 =	vmul.f32 v8, v62  }
0x2a3: {  	v6 =	vld [tilespmem:s17+$0x80];
	[tilespmem:s17+$0xFFFFFFF0] =	vst v3;
	v3 =	vmul.f32 v10, v62  }
0x2a4: {  	v10 =	vld [tilespmem:s17+$0x90];
	[tilespmem:s17+$0x30] =	vst v5;
	v5 =	vmul.f32 v9, v62  }
0x2a5: {  	v8 =	vld [tilespmem:s17+$0xA0];
	v2 =	vmul.f32 v2, v62;
	[tilespmem:s17+$0x20] =	vst v3  }
0x2a6: {  	v3 =	vmul.f32 v7, v62;
	v7 =	vld [tilespmem:s17+$0xB0];
	[tilespmem:s17+$0x50] =	vst v5  }
0x2a7: {  	v9 =	vld [tilespmem:s17+$0xC0];
	v4 =	vmul.f32 v4, v62;
	[tilespmem:s17+$0x60] =	vst v2  }
0x2a8: {  	[tilespmem:s17+$0x40] =	vst v3;
	v3 =	vmul.f32 v63, v6;
	v6 =	vld [tilespmem:s17+$0xD0]  }
0x2a9: {  	v5 =	vld [tilespmem:s17+$0xE0];
	v2 =	vmul.f32 v10, v63;
	[tilespmem:s17+$0x70] =	vst v4  }
0x2aa: {  	v4 =	vmul.f32 v8, v63;
	v8 =	vld [tilespmem:s17+$0x100];
	[tilespmem:s17+$0x80] =	vst v3  }
0x2ab: {  	v3 =	vld [tilespmem:s17+$0xF0];
	[tilespmem:s17+$0x90] =	vst v2;
	v2 =	vmul.f32 v7, v63  }
0x2ac: {  	v7 =	vld [tilespmem:s17+$0x110];
	[tilespmem:s17+$0xA0] =	vst v4;
	v4 =	vmul.f32 v9, v63  }
0x2ad: {  	v9 =	vld [tilespmem:s17+$0x120];
	[tilespmem:s17+$0xB0] =	vst v2;
	v2 =	vmul.f32 v6, v63  }
0x2ae: {  	v6 =	vld [tilespmem:s17+$0x130];
	[tilespmem:s17+$0xC0] =	vst v4;
	v4 =	vmul.f32 v5, v63  }
0x2af: {  	v5 =	vld [tilespmem:s17+$0x140];
	[tilespmem:s17+$0xD0] =	vst v2;
	v2 =	vmul.f32 v11, v8  }
0x2b0: {  	v8 =	vld [tilespmem:s17+$0x150];
	v3 =	vmul.f32 v3, v63;
	[tilespmem:s17+$0xE0] =	vst v4  }
0x2b1: {  	v10 =	vld [tilespmem:s17+$0x160];
	v4 =	vmul.f32 v7, v11;
	[tilespmem:s17+$0x100] =	vst v2  }
0x2b2: {  	v7 =	vld [tilespmem:s17+$0x170];
	[tilespmem:s17+$0xF0] =	vst v3;
	v2 =	vmul.f32 v9, v11  }
0x2b3: {  	[tilespmem:s17+$0x110] =	vst v4;
	v3 =	vmul.f32 v6, v11;
	v6 =	vld [tilespmem:s17+$0x180]  }
0x2b4: {  	v9 =	vld [tilespmem:s17+$0x190];
	[tilespmem:s17+$0x120] =	vst v2;
	v2 =	vmul.f32 v5, v11  }
0x2b5: {  	v4 =	vld [tilespmem:s17+$0x1A0];
	[tilespmem:s17+$0x130] =	vst v3;
	v5 =	vmul.f32 v8, v11  }
0x2b6: {  	v8 =	vmul.f32 v10, v11;
	v3 =	vld [tilespmem:s17+$0x1B0];
	[tilespmem:s17+$0x140] =	vst v2  }
0x2b7: {  	v7 =	vmul.f32 v7, v11;
	v2 =	vld [tilespmem:s17+$0x1C0];
	[tilespmem:s17+$0x150] =	vst v5  }
0x2b8: {  	[tilespmem:s17+$0x160] =	vst v8;
	v5 =	vld [tilespmem:s17+$0x1D0];
	v8 =	vmul.f32 v1, v6  }
0x2b9: {  	s19 =	simm.s32 $0x278C;
	s20 =	simm.s32 $0x2D80;
	s18 =	simm.s32 $0x0;
	[tilespmem:s17+$0x170] =	vst v7;
	v7 =	vmul.f32 v9, v1;
	v6 =	vld [tilespmem:s17+$0x1E0]  }
.LBB2_12:
0x2ba: {  	v9 =	vld.msk [tilespmem:s19+$0x3 ss:$0x0], $0xffff;
	s18 =	sadd.s32 $0x8, s18;
	[tilespmem:s17+$0x180] =	vst v8;
	v4 =	vmul.f32 v4, v1;
	s20 =	sadd.s32 $0x400, s20  }
0x2bb: {  	v8 =	vld [tilespmem:s20+$0x1F0];
	p0 =	slt.u32 s18, $0x48;
	[tilespmem:s17+$0x190] =	vst v7;
	v3 =	vmul.f32 v3, v1  }
0x2bc: {  	v7 =	vld.msk [tilespmem:s19+$0xFFFFFFFD ss:$0x0], $0xffff;
	[tilespmem:s17+$0x1A0] =	vst v4;
	v2 =	vmul.f32 v2, v1  }
0x2bd: {  	v10 =	vld.msk [tilespmem:s19+$0xFFFFFFFE ss:$0x0], $0xffff;
	[tilespmem:s17+$0x1B0] =	vst v3;
	v3 =	vmul.f32 v5, v1  }
0x2be: {  	v5 =	vld.msk [tilespmem:s19+$0xFFFFFFFF ss:$0x0], $0xffff;
	[tilespmem:s17+$0x1C0] =	vst v2;
	v2 =	vmul.f32 v6, v1  }
0x2bf: {  	v4 =	vld.msk [tilespmem:s19+$0x0 ss:$0x0], $0xffff;
	[tilespmem:s17+$0x1D0] =	vst v3  }
0x2c0: {  	v1 =	vmov v9;
	v3 =	vld.msk [tilespmem:s19+$0x1 ss:$0x0], $0xffff;
	v6 =	vmul.f32 v8, v9;
	[tilespmem:s17+$0x1E0] =	vst v2;
	s17 =	smov.u32 s20  }
0x2c1: {  	v2 =	vld.msk [tilespmem:s19+$0x2 ss:$0x0], $0xffff  }
0x2c2: {  	v8 =	vld.msk [tilespmem:s19+$0xFFFFFFFC ss:$0x0], $0xffff;
	[tilespmem:s20+$0x1F0] =	vst v6  }
0x2c3: {  	v6 =	vld [tilespmem:s20+$0xFFFFFE00]  }
0x2c4: {  	v9 =	vld [tilespmem:s20+$0xFFFFFE10]  }
0x2c5: {  	v11 =	vld [tilespmem:s20+$0xFFFFFE20]  }
0x2c6: {  	v12 =	vld [tilespmem:s20+$0xFFFFFE30]  }
0x2c7: {  	v13 =	vld [tilespmem:s20+$0xFFFFFE40]  }
0x2c8: {  	v6 =	vmul.f32 v8, v6;
	v14 =	vld [tilespmem:s20+$0xFFFFFE50]  }
0x2c9: {  	v9 =	vmul.f32 v9, v8;
	v15 =	vld [tilespmem:s20+$0xFFFFFE60]  }
0x2ca: {  	[tilespmem:s20+$0xFFFFFE00] =	vst v6;
	v6 =	vmul.f32 v11, v8;
	v11 =	vld [tilespmem:s20+$0xFFFFFE70]  }
0x2cb: {  	[tilespmem:s20+$0xFFFFFE10] =	vst v9;
	v9 =	vmul.f32 v12, v8;
	v12 =	vld [tilespmem:s20+$0xFFFFFE80]  }
0x2cc: {  	[tilespmem:s20+$0xFFFFFE20] =	vst v6;
	v6 =	vmul.f32 v13, v8;
	v13 =	vld [tilespmem:s20+$0xFFFFFE90]  }
0x2cd: {  	[tilespmem:s20+$0xFFFFFE30] =	vst v9;
	v9 =	vmul.f32 v14, v8;
	v14 =	vld [tilespmem:s20+$0xFFFFFEA0]  }
0x2ce: {  	[tilespmem:s20+$0xFFFFFE40] =	vst v6;
	v6 =	vmul.f32 v15, v8;
	v15 =	vld [tilespmem:s20+$0xFFFFFEB0]  }
0x2cf: {  	[tilespmem:s20+$0xFFFFFE50] =	vst v9;
	v8 =	vmul.f32 v11, v8;
	v9 =	vld [tilespmem:s20+$0xFFFFFEC0]  }
0x2d0: {  	[tilespmem:s20+$0xFFFFFE60] =	vst v6;
	v6 =	vmul.f32 v7, v12;
	v11 =	vld [tilespmem:s20+$0xFFFFFED0]  }
0x2d1: {  	[tilespmem:s20+$0xFFFFFE70] =	vst v8;
	v8 =	vmul.f32 v13, v7;
	v12 =	vld [tilespmem:s20+$0xFFFFFEE0]  }
0x2d2: {  	[tilespmem:s20+$0xFFFFFE80] =	vst v6;
	v6 =	vmul.f32 v14, v7;
	v13 =	vld [tilespmem:s20+$0xFFFFFEF0]  }
0x2d3: {  	[tilespmem:s20+$0xFFFFFE90] =	vst v8;
	v8 =	vmul.f32 v15, v7;
	v14 =	vld [tilespmem:s20+$0xFFFFFF00]  }
0x2d4: {  	[tilespmem:s20+$0xFFFFFEA0] =	vst v6;
	v6 =	vmul.f32 v9, v7;
	v9 =	vld [tilespmem:s20+$0xFFFFFF10]  }
0x2d5: {  	[tilespmem:s20+$0xFFFFFEB0] =	vst v8;
	v8 =	vmul.f32 v11, v7;
	v11 =	vld [tilespmem:s20+$0xFFFFFF20]  }
0x2d6: {  	[tilespmem:s20+$0xFFFFFEC0] =	vst v6;
	v6 =	vmul.f32 v12, v7;
	v12 =	vld [tilespmem:s20+$0xFFFFFF30]  }
0x2d7: {  	[tilespmem:s20+$0xFFFFFED0] =	vst v8;
	v7 =	vmul.f32 v13, v7;
	v8 =	vld [tilespmem:s20+$0xFFFFFF40]  }
0x2d8: {  	[tilespmem:s20+$0xFFFFFEE0] =	vst v6;
	v6 =	vmul.f32 v10, v14;
	v13 =	vld [tilespmem:s20+$0xFFFFFF50]  }
0x2d9: {  	[tilespmem:s20+$0xFFFFFEF0] =	vst v7;
	v7 =	vmul.f32 v9, v10;
	v9 =	vld [tilespmem:s20+$0xFFFFFF60]  }
0x2da: {  	[tilespmem:s20+$0xFFFFFF00] =	vst v6;
	v6 =	vmul.f32 v11, v10;
	v11 =	vld [tilespmem:s20+$0xFFFFFF70]  }
0x2db: {  	[tilespmem:s20+$0xFFFFFF10] =	vst v7;
	v7 =	vmul.f32 v12, v10;
	v12 =	vld [tilespmem:s20+$0xFFFFFF80]  }
0x2dc: {  	[tilespmem:s20+$0xFFFFFF20] =	vst v6;
	v6 =	vmul.f32 v8, v10;
	v8 =	vld [tilespmem:s20+$0xFFFFFF90]  }
0x2dd: {  	[tilespmem:s20+$0xFFFFFF30] =	vst v7;
	v7 =	vmul.f32 v13, v10;
	v13 =	vld [tilespmem:s20+$0xFFFFFFA0]  }
0x2de: {  	[tilespmem:s20+$0xFFFFFF40] =	vst v6;
	v6 =	vmul.f32 v9, v10;
	v9 =	vld [tilespmem:s20+$0xFFFFFFB0]  }
0x2df: {  	[tilespmem:s20+$0xFFFFFF50] =	vst v7;
	v7 =	vmul.f32 v11, v10;
	v10 =	vld [tilespmem:s20+$0xFFFFFFC0]  }
0x2e0: {  	[tilespmem:s20+$0xFFFFFF60] =	vst v6;
	v6 =	vmul.f32 v5, v12;
	v11 =	vld [tilespmem:s20+$0xFFFFFFD0]  }
0x2e1: {  	[tilespmem:s20+$0xFFFFFF70] =	vst v7;
	v7 =	vmul.f32 v8, v5;
	v8 =	vld [tilespmem:s20+$0xFFFFFFE0]  }
0x2e2: {  	[tilespmem:s20+$0xFFFFFF80] =	vst v6;
	v6 =	vmul.f32 v13, v5;
	v12 =	vld [tilespmem:s20+$0xFFFFFFF0]  }
0x2e3: {  	[tilespmem:s20+$0xFFFFFF90] =	vst v7;
	v7 =	vmul.f32 v9, v5;
	v9 =	vld [tilespmem:s20+$0x0]  }
0x2e4: {  	[tilespmem:s20+$0xFFFFFFA0] =	vst v6;
	v6 =	vmul.f32 v10, v5;
	v10 =	vld [tilespmem:s20+$0x10]  }
0x2e5: {  	[tilespmem:s20+$0xFFFFFFB0] =	vst v7;
	v7 =	vmul.f32 v11, v5;
	v11 =	vld [tilespmem:s20+$0x20]  }
0x2e6: {  	[tilespmem:s20+$0xFFFFFFC0] =	vst v6;
	v6 =	vmul.f32 v8, v5;
	v8 =	vld [tilespmem:s20+$0x30]  }
0x2e7: {  	[tilespmem:s20+$0xFFFFFFD0] =	vst v7;
	v5 =	vmul.f32 v12, v5;
	v7 =	vld [tilespmem:s20+$0x40]  }
0x2e8: {  	[tilespmem:s20+$0xFFFFFFE0] =	vst v6;
	v6 =	vmul.f32 v4, v9;
	v9 =	vld [tilespmem:s20+$0x50]  }
0x2e9: {  	[tilespmem:s20+$0xFFFFFFF0] =	vst v5;
	v5 =	vmul.f32 v10, v4;
	v10 =	vld [tilespmem:s20+$0x60]  }
0x2ea: {  	[tilespmem:s20+$0x0] =	vst v6;
	v6 =	vmul.f32 v11, v4;
	v11 =	vld [tilespmem:s20+$0x70]  }
0x2eb: {  	[tilespmem:s20+$0x10] =	vst v5;
	v5 =	vmul.f32 v8, v4;
	v8 =	vld [tilespmem:s20+$0x80]  }
0x2ec: {  	[tilespmem:s20+$0x20] =	vst v6;
	v6 =	vmul.f32 v7, v4;
	v7 =	vld [tilespmem:s20+$0x90]  }
0x2ed: {  	[tilespmem:s20+$0x30] =	vst v5;
	v5 =	vmul.f32 v9, v4;
	v9 =	vld [tilespmem:s20+$0xA0]  }
0x2ee: {  	[tilespmem:s20+$0x40] =	vst v6;
	v6 =	vmul.f32 v10, v4;
	v10 =	vld [tilespmem:s20+$0xB0]  }
0x2ef: {  	[tilespmem:s20+$0x50] =	vst v5;
	v4 =	vmul.f32 v11, v4;
	v5 =	vld [tilespmem:s20+$0xC0]  }
0x2f0: {  	[tilespmem:s20+$0x60] =	vst v6;
	v6 =	vmul.f32 v3, v8;
	v8 =	vld [tilespmem:s20+$0xD0]  }
0x2f1: {  	[tilespmem:s20+$0x70] =	vst v4;
	v4 =	vmul.f32 v7, v3;
	v7 =	vld [tilespmem:s20+$0xE0]  }
0x2f2: {  	[tilespmem:s20+$0x80] =	vst v6;
	v6 =	vmul.f32 v9, v3;
	v9 =	vld [tilespmem:s20+$0xF0]  }
0x2f3: {  	[tilespmem:s20+$0x90] =	vst v4;
	v4 =	vmul.f32 v10, v3;
	v10 =	vld [tilespmem:s20+$0x100]  }
0x2f4: {  	[tilespmem:s20+$0xA0] =	vst v6;
	v5 =	vmul.f32 v5, v3;
	v6 =	vld [tilespmem:s20+$0x110]  }
0x2f5: {  	[tilespmem:s20+$0xB0] =	vst v4;
	v4 =	vmul.f32 v8, v3;
	v8 =	vld [tilespmem:s20+$0x120]  }
0x2f6: {  	[tilespmem:s20+$0xC0] =	vst v5;
	v5 =	vmul.f32 v7, v3;
	v7 =	vld [tilespmem:s20+$0x130]  }
0x2f7: {  	[tilespmem:s20+$0xD0] =	vst v4;
	v3 =	vmul.f32 v9, v3;
	v4 =	vld [tilespmem:s20+$0x140]  }
0x2f8: {  	[tilespmem:s20+$0xE0] =	vst v5;
	v5 =	vmul.f32 v2, v10;
	v9 =	vld [tilespmem:s20+$0x150]  }
0x2f9: {  	[tilespmem:s20+$0xF0] =	vst v3;
	v3 =	vmul.f32 v6, v2;
	v6 =	vld [tilespmem:s20+$0x160]  }
0x2fa: {  	[tilespmem:s20+$0x100] =	vst v5;
	v5 =	vmul.f32 v8, v2;
	v8 =	vld [tilespmem:s20+$0x170]  }
0x2fb: {  	[tilespmem:s20+$0x110] =	vst v3;
	v3 =	vmul.f32 v7, v2;
	v7 =	vld [tilespmem:s20+$0x180]  }
0x2fc: {  	[tilespmem:s20+$0x120] =	vst v5;
	v5 =	vmul.f32 v4, v2;
	v10 =	vld [tilespmem:s20+$0x190]  }
.Ltmp5:
0x2fd: {  	[tilespmem:s20+$0x130] =	vst v3;
	v9 =	vmul.f32 v9, v2;
	v4 =	vld [tilespmem:s20+$0x1A0];
	(pc) =	sbr.rel @p0 .LBB2_12-.Ltmp5, $4  }
0x2fe: {  	[tilespmem:s20+$0x140] =	vst v5;
	v5 =	vmul.f32 v6, v2;
	v3 =	vld [tilespmem:s20+$0x1B0]  }
0x2ff: {  	[tilespmem:s20+$0x150] =	vst v9;
	v6 =	vmul.f32 v8, v2;
	v2 =	vld [tilespmem:s20+$0x1C0]  }
0x300: {  	[tilespmem:s20+$0x160] =	vst v5;
	v8 =	vmul.f32 v1, v7;
	v5 =	vld [tilespmem:s20+$0x1D0]  }
0x301: {  	s19 =	sadd.s32 $0x8, s19;
	[tilespmem:s20+$0x170] =	vst v6;
	v7 =	vmul.f32 v10, v1;
	v6 =	vld [tilespmem:s20+$0x1E0]  }
0x302: {  	[tilespmem:s17+$0x180] =	vst v8;
	v4 =	vmul.f32 v4, v1  }
0x303: {  	[tilespmem:s17+$0x190] =	vst v7;
	v3 =	vmul.f32 v3, v1  }
0x304: {  	[tilespmem:s17+$0x1A0] =	vst v4;
	v2 =	vmul.f32 v2, v1  }
0x305: {  	[tilespmem:s17+$0x1B0] =	vst v3;
	v3 =	vmul.f32 v5, v1  }
0x306: {  	[tilespmem:s17+$0x1C0] =	vst v2;
	v1 =	vmul.f32 v6, v1  }
0x307: {  	[tilespmem:s17+$0x1D0] =	vst v3  }
0x308: {  	s22 =	simm.s32 $0x7;
	[tilespmem:s17+$0x1E0] =	vst v1  }
0x309: {  	_ =	swait.ge [sflag:s22], $0x2800  }
0x30a: {  	[sflag:s22] =	ssyncset.done $0x0  }
0x30b: {  	[sflag:s22] =	ssyncadd.s32 $0xFFFFD800  }
0x30c: {  	[spmem:s4] =	stream.indirect.scatter.add.f32 [tilespmem:s31], [sflag:$0x5], $0x80, s9, s10, $0xb8;
	[tilespmem:$0x1E380] =	vst v63  }
0x30d: {  	_ =	swait.ge [sflag:s26], $0x50  }
0x30e: {  	[sflag:s26] =	ssyncset.done $0x0  }
0x30f: {  	[sflag:s26] =	ssyncadd.s32 $0xFFFFFFB0  }
0x310: {  	_ =	swait.ge [sflag:s26], $0x50  }
0x311: {  	[sflag:s26] =	ssyncset.done $0x0  }
0x312: {  	[sflag:s26] =	ssyncadd.s32 $0xFFFFFFB0  }
0x313: {  	_ =	swait.ge [sflag:s26], $0x2800  }
0x314: {  	[sflag:s26] =	ssyncset.done $0x0  }
0x315: {  	s18 =	simm.s32 $0x2807;
	[sflag:s26] =	ssyncadd.s32 $0xFFFFD800  }
0x316: {  	s17 =	simm.s32 $0x5770;
	v1 =	vld.msk [tilespmem:s18+$0x0 ss:$0x0], $0xffff  }
0x317: {  	v2 =	vld [tilespmem:s17+$0x0]  }
0x318: {  	v3 =	vld.msk [tilespmem:s18+$0xFFFFFFF9 ss:$0x0], $0xffff  }
0x319: {  	v4 =	vld [tilespmem:s17+$0xFFFFFC10]  }
0x31a: {  	v5 =	vld [tilespmem:s17+$0xFFFFFC20]  }
0x31b: {  	v6 =	vld [tilespmem:s17+$0xFFFFFC30]  }
0x31c: {  	v7 =	vld [tilespmem:s17+$0xFFFFFC40]  }
0x31d: {  	v8 =	vld [tilespmem:s17+$0xFFFFFC50]  }
0x31e: {  	v9 =	vld [tilespmem:s17+$0xFFFFFC60]  }
0x31f: {  	v10 =	vld [tilespmem:s17+$0xFFFFFC70]  }
0x320: {  	v11 =	vld.msk [tilespmem:s18+$0xFFFFFFFA ss:$0x0], $0xffff  }
0x321: {  	v12 =	vld [tilespmem:s17+$0xFFFFFC90]  }
0x322: {  	v13 =	vld [tilespmem:s17+$0xFFFFFCA0]  }
0x323: {  	v15 =	vld [tilespmem:s17+$0xFFFFFCC0];
	v4 =	vmul.f32 v3, v4  }
0x324: {  	v16 =	vld [tilespmem:s17+$0xFFFFFCD0];
	v2 =	vmul.f32 v2, v1  }
0x325: {  	v14 =	vld [tilespmem:s17+$0xFFFFFCB0];
	v5 =	vmul.f32 v5, v3;
	[tilespmem:s17+$0xFFFFFC10] =	vst v4  }
0x326: {  	v55 =	vld [tilespmem:s17+$0xFFFFFCE0];
	v6 =	vmul.f32 v6, v3;
	[tilespmem:s17+$0x0] =	vst v2  }
0x327: {  	v56 =	vld [tilespmem:s17+$0xFFFFFD50];
	v7 =	vmul.f32 v7, v3;
	[tilespmem:s17+$0xFFFFFC20] =	vst v5  }
0x328: {  	v59 =	vld [tilespmem:s17+$0xFFFFFD80];
	v57 =	vmul.f32 v15, v11;
	[tilespmem:s17+$0xFFFFFC30] =	vst v6  }
0x329: {  	v60 =	vld [tilespmem:s17+$0xFFFFFD90];
	v58 =	vmul.f32 v16, v11;
	[tilespmem:s17+$0xFFFFFC40] =	vst v7  }
0x32a: {  	v4 =	vld [tilespmem:s17+$0xFFFFFC80];
	v2 =	vmul.f32 v11, v12;
	[tilespmem:s17+$0xFFFFFCC0] =	vst v57  }
0x32b: {  	v5 =	vld [tilespmem:s17+$0xFFFFFCF0];
	v6 =	vmul.f32 v8, v3;
	[tilespmem:s17+$0xFFFFFCD0] =	vst v58  }
0x32c: {  	v8 =	vld [tilespmem:s17+$0xFFFFFD00];
	v7 =	vmul.f32 v9, v3;
	[tilespmem:s17+$0xFFFFFC90] =	vst v2  }
0x32d: {  	v9 =	vld [tilespmem:s17+$0xFFFFFD10];
	[tilespmem:s17+$0xFFFFFC50] =	vst v6;
	v6 =	vmul.f32 v10, v3  }
0x32e: {  	v12 =	vmul.f32 v55, v11;
	v2 =	vld.msk [tilespmem:s18+$0xFFFFFFFB ss:$0x0], $0xffff;
	[tilespmem:s17+$0xFFFFFC60] =	vst v7  }
0x32f: {  	v61 =	vld [tilespmem:s17+$0xFFFFFDE0];
	[tilespmem:s17+$0xFFFFFC70] =	vst v6;
	v6 =	vmul.f32 v13, v11  }
0x330: {  	v10 =	vld [tilespmem:s17+$0xFFFFFD20];
	[tilespmem:s17+$0xFFFFFCE0] =	vst v12;
	v3 =	vmul.f32 v4, v3  }
0x331: {  	v62 =	vld.msk [tilespmem:s18+$0xFFFFFFFD ss:$0x0], $0xffff;
	v5 =	vmul.f32 v5, v11;
	[tilespmem:s17+$0xFFFFFCA0] =	vst v6  }
0x332: {  	v7 =	vld [tilespmem:s17+$0xFFFFFD40];
	v8 =	vmul.f32 v8, v11;
	[tilespmem:s17+$0xFFFFFC80] =	vst v3  }
0x333: {  	v4 =	vld [tilespmem:s17+$0xFFFFFD30];
	v6 =	vmul.f32 v2, v9;
	[tilespmem:s17+$0xFFFFFCF0] =	vst v5  }
0x334: {  	v3 =	vmul.f32 v14, v11;
	v9 =	vld [tilespmem:s17+$0xFFFFFD60];
	[tilespmem:s17+$0xFFFFFD00] =	vst v8  }
0x335: {  	v5 =	vmul.f32 v10, v2;
	[tilespmem:s17+$0xFFFFFD10] =	vst v6;
	v6 =	vld.msk [tilespmem:s18+$0xFFFFFFFC ss:$0x0], $0xffff  }
0x336: {  	v13 =	vmul.f32 v56, v2;
	[tilespmem:s17+$0xFFFFFCB0] =	vst v3;
	v3 =	vld [tilespmem:s17+$0xFFFFFD70]  }
0x337: {  	v63 =	vld.msk [tilespmem:s18+$0xFFFFFFFE ss:$0x0], $0xffff;
	[tilespmem:s17+$0xFFFFFD20] =	vst v5;
	v5 =	vmul.f32 v7, v2  }
0x338: {  	v11 =	vld [tilespmem:s17+$0xFFFFFDA0];
	[tilespmem:s17+$0xFFFFFD50] =	vst v13;
	v4 =	vmul.f32 v4, v2  }
0x339: {  	v10 =	vld [tilespmem:s17+$0xFFFFFDB0];
	[tilespmem:s17+$0xFFFFFD40] =	vst v5;
	v9 =	vmul.f32 v9, v2  }
0x33a: {  	v8 =	vld [tilespmem:s17+$0xFFFFFDC0];
	[tilespmem:s17+$0xFFFFFD30] =	vst v4;
	v4 =	vmul.f32 v6, v60  }
0x33b: {  	v5 =	vld [tilespmem:s17+$0xFFFFFDF0];
	v3 =	vmul.f32 v3, v2;
	[tilespmem:s17+$0xFFFFFD60] =	vst v9  }
0x33c: {  	v7 =	vld [tilespmem:s17+$0xFFFFFDD0];
	v2 =	vmul.f32 v59, v2;
	[tilespmem:s17+$0xFFFFFD90] =	vst v4  }
0x33d: {  	v9 =	vld [tilespmem:s17+$0xFFFFFE10];
	v12 =	vmul.f32 v61, v6;
	[tilespmem:s17+$0xFFFFFD70] =	vst v3  }
0x33e: {  	v4 =	vld [tilespmem:s17+$0xFFFFFE00];
	v3 =	vmul.f32 v11, v6;
	[tilespmem:s17+$0xFFFFFD80] =	vst v2  }
0x33f: {  	v11 =	vld [tilespmem:s17+$0xFFFFFE20];
	v2 =	vmul.f32 v10, v6;
	[tilespmem:s17+$0xFFFFFDE0] =	vst v12  }
0x340: {  	v10 =	vld [tilespmem:s17+$0xFFFFFE30];
	v5 =	vmul.f32 v5, v6;
	[tilespmem:s17+$0xFFFFFDA0] =	vst v3  }
0x341: {  	v3 =	vmul.f32 v8, v6;
	v8 =	vld [tilespmem:s17+$0xFFFFFE40];
	[tilespmem:s17+$0xFFFFFDB0] =	vst v2  }
0x342: {  	v2 =	vmul.f32 v7, v6;
	v7 =	vld [tilespmem:s17+$0xFFFFFE50];
	[tilespmem:s17+$0xFFFFFDF0] =	vst v5  }
0x343: {  	[tilespmem:s17+$0xFFFFFDC0] =	vst v3;
	v3 =	vmul.f32 v62, v9;
	v9 =	vld [tilespmem:s17+$0xFFFFFE60]  }
0x344: {  	[tilespmem:s17+$0xFFFFFDD0] =	vst v2;
	v2 =	vld [tilespmem:s17+$0xFFFFFE70];
	v5 =	vmul.f32 v11, v62  }
0x345: {  	v11 =	vld.msk [tilespmem:s18+$0xFFFFFFFF ss:$0x0], $0xffff;
	[tilespmem:s17+$0xFFFFFE10] =	vst v3;
	v3 =	vmul.f32 v4, v6  }
0x346: {  	v4 =	vld [tilespmem:s17+$0xFFFFFE80];
	[tilespmem:s17+$0xFFFFFE20] =	vst v5;
	v5 =	vmul.f32 v8, v62  }
0x347: {  	v6 =	vld [tilespmem:s17+$0xFFFFFE90];
	[tilespmem:s17+$0xFFFFFE00] =	vst v3;
	v3 =	vmul.f32 v10, v62  }
0x348: {  	v10 =	vld [tilespmem:s17+$0xFFFFFEA0];
	[tilespmem:s17+$0xFFFFFE40] =	vst v5;
	v5 =	vmul.f32 v9, v62  }
0x349: {  	v8 =	vld [tilespmem:s17+$0xFFFFFEB0];
	v2 =	vmul.f32 v2, v62;
	[tilespmem:s17+$0xFFFFFE30] =	vst v3  }
0x34a: {  	v3 =	vmul.f32 v7, v62;
	v7 =	vld [tilespmem:s17+$0xFFFFFEC0];
	[tilespmem:s17+$0xFFFFFE60] =	vst v5  }
0x34b: {  	v9 =	vld [tilespmem:s17+$0xFFFFFED0];
	v4 =	vmul.f32 v4, v62;
	[tilespmem:s17+$0xFFFFFE70] =	vst v2  }
0x34c: {  	[tilespmem:s17+$0xFFFFFE50] =	vst v3;
	v3 =	vmul.f32 v63, v6;
	v6 =	vld [tilespmem:s17+$0xFFFFFEE0]  }
0x34d: {  	v5 =	vld [tilespmem:s17+$0xFFFFFEF0];
	v2 =	vmul.f32 v10, v63;
	[tilespmem:s17+$0xFFFFFE80] =	vst v4  }
0x34e: {  	v4 =	vmul.f32 v8, v63;
	v8 =	vld [tilespmem:s17+$0xFFFFFF10];
	[tilespmem:s17+$0xFFFFFE90] =	vst v3  }
0x34f: {  	v3 =	vld [tilespmem:s17+$0xFFFFFF00];
	[tilespmem:s17+$0xFFFFFEA0] =	vst v2;
	v2 =	vmul.f32 v7, v63  }
0x350: {  	v7 =	vld [tilespmem:s17+$0xFFFFFF20];
	[tilespmem:s17+$0xFFFFFEB0] =	vst v4;
	v4 =	vmul.f32 v9, v63  }
0x351: {  	v9 =	vld [tilespmem:s17+$0xFFFFFF30];
	[tilespmem:s17+$0xFFFFFEC0] =	vst v2;
	v2 =	vmul.f32 v6, v63  }
0x352: {  	v6 =	vld [tilespmem:s17+$0xFFFFFF40];
	[tilespmem:s17+$0xFFFFFED0] =	vst v4;
	v4 =	vmul.f32 v5, v63  }
0x353: {  	v5 =	vld [tilespmem:s17+$0xFFFFFF50];
	[tilespmem:s17+$0xFFFFFEE0] =	vst v2;
	v2 =	vmul.f32 v11, v8  }
0x354: {  	v8 =	vld [tilespmem:s17+$0xFFFFFF60];
	v3 =	vmul.f32 v3, v63;
	[tilespmem:s17+$0xFFFFFEF0] =	vst v4  }
0x355: {  	v10 =	vld [tilespmem:s17+$0xFFFFFF70];
	v4 =	vmul.f32 v7, v11;
	[tilespmem:s17+$0xFFFFFF10] =	vst v2  }
0x356: {  	v7 =	vld [tilespmem:s17+$0xFFFFFF80];
	[tilespmem:s17+$0xFFFFFF00] =	vst v3;
	v2 =	vmul.f32 v9, v11  }
0x357: {  	[tilespmem:s17+$0xFFFFFF20] =	vst v4;
	v3 =	vmul.f32 v6, v11;
	v6 =	vld [tilespmem:s17+$0xFFFFFF90]  }
0x358: {  	v9 =	vld [tilespmem:s17+$0xFFFFFFA0];
	[tilespmem:s17+$0xFFFFFF30] =	vst v2;
	v2 =	vmul.f32 v5, v11  }
0x359: {  	v4 =	vld [tilespmem:s17+$0xFFFFFFB0];
	[tilespmem:s17+$0xFFFFFF40] =	vst v3;
	v5 =	vmul.f32 v8, v11  }
0x35a: {  	v8 =	vmul.f32 v10, v11;
	v3 =	vld [tilespmem:s17+$0xFFFFFFC0];
	[tilespmem:s17+$0xFFFFFF50] =	vst v2  }
0x35b: {  	v7 =	vmul.f32 v7, v11;
	v2 =	vld [tilespmem:s17+$0xFFFFFFD0];
	[tilespmem:s17+$0xFFFFFF60] =	vst v5  }
0x35c: {  	s19 =	simm.s32 $0x280F;
	s20 =	simm.s32 $0x5770;
	[tilespmem:s17+$0xFFFFFF70] =	vst v8;
	v5 =	vld [tilespmem:s17+$0xFFFFFFE0];
	v8 =	vmul.f32 v1, v6  }
0x35d: {  	s21 =	smov.u32 s24;
	s22 =	smov.u32 s23;
	s18 =	simm.s32 $0x0;
	[tilespmem:s17+$0xFFFFFF80] =	vst v7;
	v7 =	vmul.f32 v9, v1;
	v6 =	vld [tilespmem:s17+$0xFFFFFFF0]  }
.LBB2_14:
0x35e: {  	v9 =	vld.msk [tilespmem:s19+$0x0 ss:$0x0], $0xffff;
	s18 =	sadd.s32 $0x8, s18;
	[tilespmem:s17+$0xFFFFFF90] =	vst v8;
	v4 =	vmul.f32 v4, v1;
	s20 =	sadd.s32 $0x400, s20  }
0x35f: {  	v8 =	vld [tilespmem:s20+$0x0];
	p0 =	slt.u32 s18, $0x48;
	[tilespmem:s17+$0xFFFFFFA0] =	vst v7;
	v3 =	vmul.f32 v3, v1  }
0x360: {  	v7 =	vld.msk [tilespmem:s19+$0xFFFFFFFA ss:$0x0], $0xffff;
	[tilespmem:s17+$0xFFFFFFB0] =	vst v4;
	v2 =	vmul.f32 v2, v1  }
0x361: {  	v10 =	vld.msk [tilespmem:s19+$0xFFFFFFFB ss:$0x0], $0xffff;
	[tilespmem:s17+$0xFFFFFFC0] =	vst v3;
	v3 =	vmul.f32 v5, v1  }
0x362: {  	v5 =	vld.msk [tilespmem:s19+$0xFFFFFFFC ss:$0x0], $0xffff;
	[tilespmem:s17+$0xFFFFFFD0] =	vst v2;
	v2 =	vmul.f32 v6, v1  }
0x363: {  	v4 =	vld.msk [tilespmem:s19+$0xFFFFFFFD ss:$0x0], $0xffff;
	[tilespmem:s17+$0xFFFFFFE0] =	vst v3  }
0x364: {  	v1 =	vmov v9;
	v3 =	vld.msk [tilespmem:s19+$0xFFFFFFFE ss:$0x0], $0xffff;
	v6 =	vmul.f32 v8, v9;
	[tilespmem:s17+$0xFFFFFFF0] =	vst v2;
	s17 =	smov.u32 s20  }
0x365: {  	v2 =	vld.msk [tilespmem:s19+$0xFFFFFFFF ss:$0x0], $0xffff  }
0x366: {  	v8 =	vld.msk [tilespmem:s19+$0xFFFFFFF9 ss:$0x0], $0xffff;
	[tilespmem:s20+$0x0] =	vst v6  }
0x367: {  	v6 =	vld [tilespmem:s20+$0xFFFFFC10]  }
0x368: {  	v9 =	vld [tilespmem:s20+$0xFFFFFC20]  }
0x369: {  	v11 =	vld [tilespmem:s20+$0xFFFFFC30]  }
0x36a: {  	v12 =	vld [tilespmem:s20+$0xFFFFFC40]  }
0x36b: {  	v13 =	vld [tilespmem:s20+$0xFFFFFC50]  }
0x36c: {  	v6 =	vmul.f32 v8, v6;
	v14 =	vld [tilespmem:s20+$0xFFFFFC60]  }
0x36d: {  	v9 =	vmul.f32 v9, v8;
	v15 =	vld [tilespmem:s20+$0xFFFFFC70]  }
0x36e: {  	[tilespmem:s20+$0xFFFFFC10] =	vst v6;
	v6 =	vmul.f32 v11, v8;
	v11 =	vld [tilespmem:s20+$0xFFFFFC80]  }
0x36f: {  	[tilespmem:s20+$0xFFFFFC20] =	vst v9;
	v9 =	vmul.f32 v12, v8;
	v12 =	vld [tilespmem:s20+$0xFFFFFC90]  }
0x370: {  	[tilespmem:s20+$0xFFFFFC30] =	vst v6;
	v6 =	vmul.f32 v13, v8;
	v13 =	vld [tilespmem:s20+$0xFFFFFCA0]  }
0x371: {  	[tilespmem:s20+$0xFFFFFC40] =	vst v9;
	v9 =	vmul.f32 v14, v8;
	v14 =	vld [tilespmem:s20+$0xFFFFFCB0]  }
0x372: {  	[tilespmem:s20+$0xFFFFFC50] =	vst v6;
	v6 =	vmul.f32 v15, v8;
	v15 =	vld [tilespmem:s20+$0xFFFFFCC0]  }
0x373: {  	[tilespmem:s20+$0xFFFFFC60] =	vst v9;
	v8 =	vmul.f32 v11, v8;
	v9 =	vld [tilespmem:s20+$0xFFFFFCD0]  }
0x374: {  	[tilespmem:s20+$0xFFFFFC70] =	vst v6;
	v6 =	vmul.f32 v7, v12;
	v11 =	vld [tilespmem:s20+$0xFFFFFCE0]  }
0x375: {  	[tilespmem:s20+$0xFFFFFC80] =	vst v8;
	v8 =	vmul.f32 v13, v7;
	v12 =	vld [tilespmem:s20+$0xFFFFFCF0]  }
0x376: {  	[tilespmem:s20+$0xFFFFFC90] =	vst v6;
	v6 =	vmul.f32 v14, v7;
	v13 =	vld [tilespmem:s20+$0xFFFFFD00]  }
0x377: {  	[tilespmem:s20+$0xFFFFFCA0] =	vst v8;
	v8 =	vmul.f32 v15, v7;
	v14 =	vld [tilespmem:s20+$0xFFFFFD10]  }
0x378: {  	[tilespmem:s20+$0xFFFFFCB0] =	vst v6;
	v6 =	vmul.f32 v9, v7;
	v9 =	vld [tilespmem:s20+$0xFFFFFD20]  }
0x379: {  	[tilespmem:s20+$0xFFFFFCC0] =	vst v8;
	v8 =	vmul.f32 v11, v7;
	v11 =	vld [tilespmem:s20+$0xFFFFFD30]  }
0x37a: {  	[tilespmem:s20+$0xFFFFFCD0] =	vst v6;
	v6 =	vmul.f32 v12, v7;
	v12 =	vld [tilespmem:s20+$0xFFFFFD40]  }
0x37b: {  	[tilespmem:s20+$0xFFFFFCE0] =	vst v8;
	v7 =	vmul.f32 v13, v7;
	v8 =	vld [tilespmem:s20+$0xFFFFFD50]  }
0x37c: {  	[tilespmem:s20+$0xFFFFFCF0] =	vst v6;
	v6 =	vmul.f32 v10, v14;
	v13 =	vld [tilespmem:s20+$0xFFFFFD60]  }
0x37d: {  	[tilespmem:s20+$0xFFFFFD00] =	vst v7;
	v7 =	vmul.f32 v9, v10;
	v9 =	vld [tilespmem:s20+$0xFFFFFD70]  }
0x37e: {  	[tilespmem:s20+$0xFFFFFD10] =	vst v6;
	v6 =	vmul.f32 v11, v10;
	v11 =	vld [tilespmem:s20+$0xFFFFFD80]  }
0x37f: {  	[tilespmem:s20+$0xFFFFFD20] =	vst v7;
	v7 =	vmul.f32 v12, v10;
	v12 =	vld [tilespmem:s20+$0xFFFFFD90]  }
0x380: {  	[tilespmem:s20+$0xFFFFFD30] =	vst v6;
	v6 =	vmul.f32 v8, v10;
	v8 =	vld [tilespmem:s20+$0xFFFFFDA0]  }
0x381: {  	[tilespmem:s20+$0xFFFFFD40] =	vst v7;
	v7 =	vmul.f32 v13, v10;
	v13 =	vld [tilespmem:s20+$0xFFFFFDB0]  }
0x382: {  	[tilespmem:s20+$0xFFFFFD50] =	vst v6;
	v6 =	vmul.f32 v9, v10;
	v9 =	vld [tilespmem:s20+$0xFFFFFDC0]  }
0x383: {  	[tilespmem:s20+$0xFFFFFD60] =	vst v7;
	v7 =	vmul.f32 v11, v10;
	v10 =	vld [tilespmem:s20+$0xFFFFFDD0]  }
0x384: {  	[tilespmem:s20+$0xFFFFFD70] =	vst v6;
	v6 =	vmul.f32 v5, v12;
	v11 =	vld [tilespmem:s20+$0xFFFFFDE0]  }
0x385: {  	[tilespmem:s20+$0xFFFFFD80] =	vst v7;
	v7 =	vmul.f32 v8, v5;
	v8 =	vld [tilespmem:s20+$0xFFFFFDF0]  }
0x386: {  	[tilespmem:s20+$0xFFFFFD90] =	vst v6;
	v6 =	vmul.f32 v13, v5;
	v12 =	vld [tilespmem:s20+$0xFFFFFE00]  }
0x387: {  	[tilespmem:s20+$0xFFFFFDA0] =	vst v7;
	v7 =	vmul.f32 v9, v5;
	v9 =	vld [tilespmem:s20+$0xFFFFFE10]  }
0x388: {  	[tilespmem:s20+$0xFFFFFDB0] =	vst v6;
	v6 =	vmul.f32 v10, v5;
	v10 =	vld [tilespmem:s20+$0xFFFFFE20]  }
0x389: {  	[tilespmem:s20+$0xFFFFFDC0] =	vst v7;
	v7 =	vmul.f32 v11, v5;
	v11 =	vld [tilespmem:s20+$0xFFFFFE30]  }
0x38a: {  	[tilespmem:s20+$0xFFFFFDD0] =	vst v6;
	v6 =	vmul.f32 v8, v5;
	v8 =	vld [tilespmem:s20+$0xFFFFFE40]  }
0x38b: {  	[tilespmem:s20+$0xFFFFFDE0] =	vst v7;
	v5 =	vmul.f32 v12, v5;
	v7 =	vld [tilespmem:s20+$0xFFFFFE50]  }
0x38c: {  	[tilespmem:s20+$0xFFFFFDF0] =	vst v6;
	v6 =	vmul.f32 v4, v9;
	v9 =	vld [tilespmem:s20+$0xFFFFFE60]  }
0x38d: {  	[tilespmem:s20+$0xFFFFFE00] =	vst v5;
	v5 =	vmul.f32 v10, v4;
	v10 =	vld [tilespmem:s20+$0xFFFFFE70]  }
0x38e: {  	[tilespmem:s20+$0xFFFFFE10] =	vst v6;
	v6 =	vmul.f32 v11, v4;
	v11 =	vld [tilespmem:s20+$0xFFFFFE80]  }
0x38f: {  	[tilespmem:s20+$0xFFFFFE20] =	vst v5;
	v5 =	vmul.f32 v8, v4;
	v8 =	vld [tilespmem:s20+$0xFFFFFE90]  }
0x390: {  	[tilespmem:s20+$0xFFFFFE30] =	vst v6;
	v6 =	vmul.f32 v7, v4;
	v7 =	vld [tilespmem:s20+$0xFFFFFEA0]  }
0x391: {  	[tilespmem:s20+$0xFFFFFE40] =	vst v5;
	v5 =	vmul.f32 v9, v4;
	v9 =	vld [tilespmem:s20+$0xFFFFFEB0]  }
0x392: {  	[tilespmem:s20+$0xFFFFFE50] =	vst v6;
	v6 =	vmul.f32 v10, v4;
	v10 =	vld [tilespmem:s20+$0xFFFFFEC0]  }
0x393: {  	[tilespmem:s20+$0xFFFFFE60] =	vst v5;
	v4 =	vmul.f32 v11, v4;
	v5 =	vld [tilespmem:s20+$0xFFFFFED0]  }
0x394: {  	[tilespmem:s20+$0xFFFFFE70] =	vst v6;
	v6 =	vmul.f32 v3, v8;
	v8 =	vld [tilespmem:s20+$0xFFFFFEE0]  }
0x395: {  	[tilespmem:s20+$0xFFFFFE80] =	vst v4;
	v4 =	vmul.f32 v7, v3;
	v7 =	vld [tilespmem:s20+$0xFFFFFEF0]  }
0x396: {  	[tilespmem:s20+$0xFFFFFE90] =	vst v6;
	v6 =	vmul.f32 v9, v3;
	v9 =	vld [tilespmem:s20+$0xFFFFFF00]  }
0x397: {  	[tilespmem:s20+$0xFFFFFEA0] =	vst v4;
	v4 =	vmul.f32 v10, v3;
	v10 =	vld [tilespmem:s20+$0xFFFFFF10]  }
0x398: {  	[tilespmem:s20+$0xFFFFFEB0] =	vst v6;
	v5 =	vmul.f32 v5, v3;
	v6 =	vld [tilespmem:s20+$0xFFFFFF20]  }
0x399: {  	[tilespmem:s20+$0xFFFFFEC0] =	vst v4;
	v4 =	vmul.f32 v8, v3;
	v8 =	vld [tilespmem:s20+$0xFFFFFF30]  }
0x39a: {  	[tilespmem:s20+$0xFFFFFED0] =	vst v5;
	v5 =	vmul.f32 v7, v3;
	v7 =	vld [tilespmem:s20+$0xFFFFFF40]  }
0x39b: {  	[tilespmem:s20+$0xFFFFFEE0] =	vst v4;
	v3 =	vmul.f32 v9, v3;
	v4 =	vld [tilespmem:s20+$0xFFFFFF50]  }
0x39c: {  	[tilespmem:s20+$0xFFFFFEF0] =	vst v5;
	v5 =	vmul.f32 v2, v10;
	v9 =	vld [tilespmem:s20+$0xFFFFFF60]  }
0x39d: {  	[tilespmem:s20+$0xFFFFFF00] =	vst v3;
	v3 =	vmul.f32 v6, v2;
	v6 =	vld [tilespmem:s20+$0xFFFFFF70]  }
0x39e: {  	[tilespmem:s20+$0xFFFFFF10] =	vst v5;
	v5 =	vmul.f32 v8, v2;
	v8 =	vld [tilespmem:s20+$0xFFFFFF80]  }
0x39f: {  	[tilespmem:s20+$0xFFFFFF20] =	vst v3;
	v3 =	vmul.f32 v7, v2;
	v7 =	vld [tilespmem:s20+$0xFFFFFF90]  }
0x3a0: {  	[tilespmem:s20+$0xFFFFFF30] =	vst v5;
	v5 =	vmul.f32 v4, v2;
	v10 =	vld [tilespmem:s20+$0xFFFFFFA0]  }
.Ltmp6:
0x3a1: {  	[tilespmem:s20+$0xFFFFFF40] =	vst v3;
	v9 =	vmul.f32 v9, v2;
	v4 =	vld [tilespmem:s20+$0xFFFFFFB0];
	(pc) =	sbr.rel @p0 .LBB2_14-.Ltmp6, $4  }
0x3a2: {  	[tilespmem:s20+$0xFFFFFF50] =	vst v5;
	v5 =	vmul.f32 v6, v2;
	v3 =	vld [tilespmem:s20+$0xFFFFFFC0]  }
0x3a3: {  	[tilespmem:s20+$0xFFFFFF60] =	vst v9;
	v6 =	vmul.f32 v8, v2;
	v2 =	vld [tilespmem:s20+$0xFFFFFFD0]  }
0x3a4: {  	[tilespmem:s20+$0xFFFFFF70] =	vst v5;
	v8 =	vmul.f32 v1, v7;
	v5 =	vld [tilespmem:s20+$0xFFFFFFE0]  }
0x3a5: {  	s19 =	sadd.s32 $0x8, s19;
	[tilespmem:s20+$0xFFFFFF80] =	vst v6;
	v7 =	vmul.f32 v10, v1;
	v6 =	vld [tilespmem:s20+$0xFFFFFFF0]  }
0x3a6: {  	[tilespmem:s17+$0xFFFFFF90] =	vst v8;
	v4 =	vmul.f32 v4, v1  }
0x3a7: {  	[tilespmem:s17+$0xFFFFFFA0] =	vst v7;
	v3 =	vmul.f32 v3, v1  }
0x3a8: {  	[tilespmem:s17+$0xFFFFFFB0] =	vst v4;
	v2 =	vmul.f32 v2, v1  }
0x3a9: {  	[tilespmem:s17+$0xFFFFFFC0] =	vst v3;
	v3 =	vmul.f32 v5, v1  }
0x3aa: {  	[tilespmem:s17+$0xFFFFFFD0] =	vst v2;
	v1 =	vmul.f32 v6, v1  }
0x3ab: {  	[tilespmem:s17+$0xFFFFFFE0] =	vst v3  }
0x3ac: {  	[tilespmem:s17+$0xFFFFFFF0] =	vst v1  }
0x3ad: {  	_ =	swait.ge [sflag:s28], $0x2800  }
0x3ae: {  	[sflag:s28] =	ssyncset.done $0x0  }
0x3af: {  	[sflag:s28] =	ssyncadd.s32 $0xFFFFD800  }
0x3b0: {  	[spmem:s4] =	stream.indirect.scatter.add.f32 [tilespmem:s13], [sflag:$0x6], $0x80, s12, s10, $0xb8;
	[tilespmem:$0x1E380] =	vst v63  }
0x3b1: {  	_ =	swait.ge [sflag:s30], $0x2800  }
0x3b2: {  	[sflag:s30] =	ssyncset.done $0x0  }
0x3b3: {  	[sflag:s30] =	ssyncadd.s32 $0xFFFFD800  }
0x3b4: {  	s20 =	stileid.u32;
	[bflag:$0x0] =	sbarrier.arrive $0xFFFF  }
0x3b5: {  	s17 =	sshll.u32 s20, $0x6;
	s20 =	rddreg [dreg:$0xf]  }
0x3b6: {  	s17 =	sor.u32 $0x1C08, s17;
	s19 =	rddreg [dreg:$0x6];
	s18 =	sshrl.u32 s20, $0x3  }
0x3b7: {  	[hbm:s19], [sflag:s17] =	dma.local [spmem:s18], $0x500  }
0x3b8: {  	_ =	swait.ge [sflag:s0], $0x500  }
0x3b9: {  	[sflag:s0] =	ssyncset.done $0x0  }
0x3ba: {  	s23 =	sshrl.u32 s21, $0x3;
	s24 =	rddreg [dreg:$0x7];
	[sflag:s0] =	ssyncadd.s32 $0xFFFFFB00  }
0x3bb: {  	[hbm:s24], [sflag:s17] =	dma.local [spmem:s23], $0x500  }
0x3bc: {  	_ =	swait.ge [sflag:s0], $0x500  }
0x3bd: {  	[sflag:s0] =	ssyncset.done $0x0  }
0x3be: {  	s23 =	sshrl.u32 s22, $0x3;
	s24 =	rddreg [dreg:$0x8];
	[sflag:s0] =	ssyncadd.s32 $0xFFFFFB00  }
0x3bf: {  	[hbm:s24], [sflag:s17] =	dma.local [spmem:s23], $0x500  }
0x3c0: {  	_ =	swait.ge [sflag:s0], $0x500  }
0x3c1: {  	[sflag:s0] =	ssyncset.done $0x0;
	s23 =	rddreg [dreg:$0x10]  }
0x3c2: {  	s24 =	rddreg [dreg:$0x9];
	[sflag:s0] =	ssyncadd.s32 $0xFFFFFB00;
	s18 =	sshrl.u32 s23, $0x3  }
0x3c3: {  	[hbm:s24], [sflag:s17] =	dma.local [spmem:s18], $0x500  }
0x3c4: {  	_ =	swait.ge [sflag:s0], $0x500  }
0x3c5: {  	[sflag:s0] =	ssyncset.done $0x0;
	s23 =	rddreg [dreg:$0x11]  }
0x3c6: {  	s24 =	rddreg [dreg:$0xa];
	[sflag:s0] =	ssyncadd.s32 $0xFFFFFB00;
	s18 =	sshrl.u32 s23, $0x3  }
0x3c7: {  	[hbm:s24], [sflag:s17] =	dma.local [spmem:s18], $0x500  }
0x3c8: {  	_ =	swait.ge [sflag:s0], $0x500  }
0x3c9: {  	[sflag:s0] =	ssyncset.done $0x0;
	s23 =	rddreg [dreg:$0x12]  }
0x3ca: {  	s24 =	rddreg [dreg:$0xb];
	[sflag:s0] =	ssyncadd.s32 $0xFFFFFB00;
	s18 =	sshrl.u32 s23, $0x3  }
0x3cb: {  	[hbm:s24], [sflag:s17] =	dma.local [spmem:s18], $0x500  }
0x3cc: {  	_ =	swait.ge [sflag:s0], $0x500  }
0x3cd: {  	[sflag:s0] =	ssyncset.done $0x0;
	s23 =	rddreg [dreg:$0x13]  }
0x3ce: {  	s24 =	rddreg [dreg:$0xc];
	[sflag:s0] =	ssyncadd.s32 $0xFFFFFB00;
	s18 =	sshrl.u32 s23, $0x3  }
0x3cf: {  	[hbm:s24], [sflag:s17] =	dma.local [spmem:s18], $0x500  }
0x3d0: {  	_ =	swait.ge [sflag:s0], $0x500  }
0x3d1: {  	[sflag:s0] =	ssyncset.done $0x0;
	s19 =	rddreg [dreg:$0x14]  }
0x3d2: {  	s23 =	rddreg [dreg:$0xd];
	[sflag:s0] =	ssyncadd.s32 $0xFFFFFB00;
	s18 =	sshrl.u32 s19, $0x3  }
0x3d3: {  	[hbm:s23], [sflag:s17] =	dma.local [spmem:s18], $0x500  }
0x3d4: {  	_ =	swait.ge [sflag:s0], $0x500  }
0x3d5: {  	s5 =	sadd.s32 $0x1, s5;
	s24 =	rddreg [dreg:$0x19]  }
0x3d6: {  	p0 =	sne.s32 s5, s24  }
.Ltmp7:
0x3d7: {  	_ = 	snop;
	(pc) =	sbr.rel @p0 .LBB2_1-.Ltmp7, $3  }
0x3d8: {  	_ =	sdelay $0x1  }
0x3d9: {  	[sflag:s0] =	ssyncset.done $0x0  }
0x3da: {  	[sflag:s0] =	ssyncadd.s32 $0xFFFFFB00  }
0x3db: {  	_ =	sfence.sel $0x180000  }
0x3dc: {  	[bflag:$0x0] =	sbarrier.arrive $0xFFFF  }
0x3dd: {  	_ =	strace $0x90000047  }
0x3de: {  	s0 =	stileid.u32;
	[bflag:$0x2] =	sbarrier.arrive $0xFFFF  }
0x3df: {  	p0 =	sne.s32 s0, $0x0;
	s0 =	rddreg [dreg:$0x5]  }
0x3e0: {  	s0 =	sadd.s32 @!p0 $0x100000, s0  }
0x3e1: {  	[sflag:s0] =	ssyncadd.tile.s32 @!p0 $0x1;
	_ =	shalt  }
.Lfunc_end2:
_tile_overlayer_lowered:
.L_overlay_start_2:
0x3e2: {  	(tag) =	ssettag $0x2  }
0x3e3: {  	s0 =	rddreg [dreg:$0x0];
	s2 =	stileid.u32  }
0x3e4: {  	s1 =	rddreg [dreg:$0x1];
	p0 =	sne.s32 s2, $0x0  }
0x3e5: {  	s3 =	rddreg [dreg:$0x2];
	[bflag:$0x3] =	sbarrier.arrive $0xFFFF;
	s2 =	simm.s32 @!p0 $0x1C08  }
0x3e6: {  	[timem:s3], [sflag:s2] =	dma.local @!p0 [hbm:s0], s1  }
0x3e7: {  	s0 =	simm.s32 @!p0 $0x8  }
0x3e8: {  	_ =	swait.ge @!p0 [sflag:s0], s1  }
0x3e9: {  	s1 =	ssub.s32 @!p0 $0x0, s1;
	[sflag:s0] =	ssyncset.done @!p0 $0x0  }
0x3ea: {  	[sflag:s0] =	ssyncadd.s32 @!p0 s1  }
0x3eb: {  	[bflag:$0x3] =	sbarrier.arrive $0xFFFF  }
0x3ec: {  	_ =	shalt  }

</sc_bundles>
